<compile_context>
chip_gen: v7x
topology: tpu7x:2x2x1
jax: 0.10.2.dev20260603
libtpu: 0.0.44.dev20260713+nightly
codegen_flags: <defaults>
</compile_context>

<pallas_src>
import functools

import jax
import jax.numpy as jnp
from jax import lax
from jax.experimental import pallas as pl
from jax.experimental.pallas import tpu as pltpu
from jax.experimental.pallas import tpu_sc as plsc

B = 16384
F = 26
V = 100000
D = 16
N_NUM = 13

NC = 2
NS = 16
NW = NC * NS
RPW = B // NW
G = 128
NG = RPW // G
IG = G * F
LIN_ROWS = RPW * F // 128


def _sc_body(tab2, lin1, idxlin_h, s_out, q_out, lin_out,
             idxlin_v, ivx, pg, lin_v, s_buf, q_buf, sem):
    wid = lax.axis_index("s") * NC + lax.axis_index("c")
    base_row = wid * RPW

    pltpu.sync_copy(idxlin_h.at[wid], idxlin_v)

    iota_d = lax.iota(jnp.int32, 16) * G
    iota_f = lax.iota(jnp.int32, 16) * F

    def group_body(g, _):
        for f in range(F):
            for k in range(G // 16):
                p0 = (g * G + k * 16) * F + f
                pvec = iota_f + p0
                ivx[f, pl.ds(k * 16, 16)] = (
                    plsc.load_gather(idxlin_v, [pvec]) - f * V)

        def fire_fd(t, _c):
            f = t // D
            pltpu.async_copy(tab2.at[t].at[ivx.at[f]],
                             pg.at[pl.ds(t * G, G)], sem)
            return _c

        lax.fori_loop(0, F * D, fire_fd, None)

        def fire_lin(j, _c):
            pltpu.async_copy(lin1.at[idxlin_v.at[pl.ds((g * F + j) * 128, 128)]],
                             lin_v.at[pl.ds(j * 128, 128)], sem)
            return _c

        lax.fori_loop(0, F, fire_lin, None)

        def drain(j, _c):
            pltpu.make_async_copy(lin1.at[pl.ds(0, 128)],
                                  lin_v.at[pl.ds(0, 128)], sem).wait()
            return _c

        lax.fori_loop(0, F * D + F, drain, None)

        pltpu.sync_copy(lin_v, lin_out.at[pl.ds(wid * RPW * F + g * IG, IG)])

        def row_body(r, _c):
            row_vec = iota_d + r
            v = plsc.load_gather(pg, [row_vec])
            s = v
            q = v * v
            for f in range(1, F):
                v = plsc.load_gather(pg, [row_vec + (f * D * G)])
                s = s + v
                q = q + v * v
            s_buf[g * G + r, :] = s
            q_buf[g * G + r, :] = q
            return _c

        lax.fori_loop(0, G, row_body, None)
        return _

    lax.fori_loop(0, NG, group_body, None)

    pltpu.sync_copy(s_buf, s_out.at[pl.ds(base_row, RPW)])
    pltpu.sync_copy(q_buf, q_out.at[pl.ds(base_row, RPW)])


@functools.lru_cache(maxsize=1)
def _make_sc_gather():
    return pl.kernel(
        _sc_body,
        out_type=[
            jax.ShapeDtypeStruct((B, D), jnp.float32),
            jax.ShapeDtypeStruct((B, D), jnp.float32),
            jax.ShapeDtypeStruct((B * F,), jnp.float32),
        ],
        mesh=plsc.VectorSubcoreMesh(
            core_axis_name="c", subcore_axis_name="s",
            num_cores=NC, num_subcores=NS),
        scratch_types=[
            pltpu.VMEM((RPW * F,), jnp.int32),
            pltpu.VMEM((F, 128), jnp.int32),
            pltpu.VMEM((F * D * G,), jnp.float32),
            pltpu.VMEM((IG,), jnp.float32),
            pltpu.VMEM((RPW, D), jnp.float32),
            pltpu.VMEM((RPW, D), jnp.float32),
            pltpu.SemaphoreType.DMA,
        ],
        compiler_params=pltpu.CompilerParams(
            use_tc_tiling_on_sc=False, needs_layout_passes=False),
    )


BT = 2048


def _tc_body(x_ref, lin_ref, s_ref, q_ref, nv_ref, w_ref, c0_ref, o_ref):
    x = x_ref[:]
    nv = nv_ref[:]
    dn = (((1,), (0,)), ((), ()))
    hi = lax.Precision.HIGHEST
    n = lax.dot_general(x, nv, dn, precision=hi,
                        preferred_element_type=jnp.float32)
    sqn = lax.dot_general(x * x, nv * nv, dn, precision=hi,
                          preferred_element_type=jnp.float32)
    linw = lax.dot_general(x, w_ref[:], (((1,), (1,)), ((), ())),
                           precision=hi,
                           preferred_element_type=jnp.float32)
    stot = s_ref[:] + n
    t = stot * stot - q_ref[:] - sqn
    inter = 0.5 * jnp.sum(t, axis=1, keepdims=True)
    lin = jnp.sum(lin_ref[:], axis=1, keepdims=True) + linw + c0_ref[0, 0]
    o_ref[:] = lin + inter


def _tc_combine(x_numeric, lin_raw, s, q, num_vectors, W_num, c0):
    grid = (B // BT,)
    return pl.pallas_call(
        _tc_body,
        grid=grid,
        in_specs=[
            pl.BlockSpec((BT, N_NUM), lambda i: (i, 0)),
            pl.BlockSpec((BT, F), lambda i: (i, 0)),
            pl.BlockSpec((BT, D), lambda i: (i, 0)),
            pl.BlockSpec((BT, D), lambda i: (i, 0)),
            pl.BlockSpec((N_NUM, D), lambda i: (0, 0)),
            pl.BlockSpec((1, N_NUM), lambda i: (0, 0)),
            pl.BlockSpec((1, 1), lambda i: (0, 0), memory_space=pltpu.SMEM),
        ],
        out_specs=pl.BlockSpec((BT, 1), lambda i: (i, 0)),
        out_shape=jax.ShapeDtypeStruct((B, 1), jnp.float32),
    )(x_numeric, lin_raw, s, q, num_vectors, W_num, c0)


@jax.jit
def kernel(x_numeric, x_categorical, lin_tables, int_tables, W_num, b_num,
           num_vectors, bias):
    tab2 = jnp.swapaxes(int_tables, 1, 2).reshape(F * D, V)
    lin1 = lin_tables.reshape(F * V)
    offs = (jnp.arange(F, dtype=jnp.int32) * V)[None, :]
    idxlin = (x_categorical + offs).reshape(NW, RPW * F)

    s, q, lin_raw = _make_sc_gather()(tab2, lin1, idxlin)

    c0 = (bias + b_num).reshape(1, 1)
    out = _tc_combine(x_numeric, lin_raw.reshape(B, F), s, q,
                      num_vectors, W_num, c0)
    return out[:, 0]

# --- scband reference (transcript-rebuilt; emitter-appended) ---
"""Pipeline reference for scband-factorization-machine-3882650436639 (READ-ONLY COPY).

The authoritative reference and input builder live on the scoring server;
editing this copy changes nothing except your own understanding.
"""

import jax, jax.numpy as jnp
import numpy as np

B = 16384
F = 26
V = 100000
D = 16
N_NUM = 13


def setup_inputs(seed: int = 0) -> dict:
    key = jax.random.key(seed)
    ks = jax.random.split(key, 8)
    x_numeric = jax.random.normal(ks[0], (B, N_NUM), dtype=jnp.float32)
    x_categorical = jax.random.randint(ks[1], (B, F), 0, V, dtype=jnp.int32)
    lin_tables = jax.random.normal(ks[2], (F, V, 1), dtype=jnp.float32) * 0.01
    int_tables = jax.random.normal(ks[3], (F, V, D), dtype=jnp.float32) * 0.01
    W_num = jax.random.normal(ks[4], (1, N_NUM), dtype=jnp.float32) * 0.1
    b_num = jnp.zeros((1,), dtype=jnp.float32)
    num_vectors = jax.random.normal(ks[5], (N_NUM, D), dtype=jnp.float32)
    bias = jnp.zeros((1,), dtype=jnp.float32)
    return {
        'x_numeric': x_numeric,
        'x_categorical': x_categorical,
        'lin_tables': lin_tables,
        'int_tables': int_tables,
        'W_num': W_num,
        'b_num': b_num,
        'num_vectors': num_vectors,
        'bias': bias,
    }


def reference(x_numeric, x_categorical, lin_tables, int_tables, W_num, b_num, num_vectors, bias):
    n_fields = lin_tables.shape[0]
    # 1st-order (linear) terms: per-field scalar embedding lookups
    cat_lin = jnp.stack(
        [jnp.take(lin_tables[i], x_categorical[:, i], axis=0) for i in range(n_fields)],
        axis=1,
    )  # [B, F, 1]
    linear_terms = bias + jnp.sum(cat_lin.reshape(cat_lin.shape[0], -1), axis=1, keepdims=True)
    linear_terms = linear_terms + x_numeric @ W_num.T + b_num  # [B, 1]
    # 2nd-order interaction vectors: per-field D-dim embedding lookups
    cat_vecs = jnp.stack(
        [jnp.take(int_tables[i], x_categorical[:, i], axis=0) for i in range(n_fields)],
        axis=1,
    )  # [B, F, D]
    num_vecs = x_numeric[:, :, None] * num_vectors[None, :, :]  # [B, N_NUM, D]
    all_vecs = jnp.concatenate([cat_vecs, num_vecs], axis=1)  # [B, F+N_NUM, D]
    # dropout is identity in eval mode
    sum_of_squares = jnp.sum(all_vecs, axis=1) ** 2  # [B, D]
    square_of_sums = jnp.sum(all_vecs ** 2, axis=1)  # [B, D]
    interaction_terms = 0.5 * jnp.sum(sum_of_squares - square_of_sums, axis=1, keepdims=True)  # [B, 1]
    logits = linear_terms + interaction_terms
    return jnp.squeeze(logits, axis=1)

if __name__ == "__main__":
    import jax
    _d = setup_inputs()
    print(jax.jit(kernel)(*tuple(_d.values())))

</pallas_src>

<mosaic_0001>
#map = affine_map<(d0, d1) -> (0, 0)>
#map1 = affine_map<(d0, d1) -> (0)>
module attributes {stable_mosaic.version = 14 : i64} {
  func.func @_sc_body(%arg0: i32, %arg1: i32, %arg2: memref<416x100000xf32, #tpu.memory_space<hbm>>, %arg3: memref<2600000xf32, #tpu.memory_space<hbm>>, %arg4: memref<32x13312xi32, #tpu.memory_space<hbm>>, %arg5: memref<16384x16xf32, #tpu.memory_space<hbm>>, %arg6: memref<16384x16xf32, #tpu.memory_space<hbm>>, %arg7: memref<425984xf32, #tpu.memory_space<hbm>>, %arg8: memref<13312xi32, #tpu.memory_space<vmem>>, %arg9: memref<26x128xi32, #tpu.memory_space<vmem>>, %arg10: memref<53248xf32, #tpu.memory_space<vmem>>, %arg11: memref<3328xf32, #tpu.memory_space<vmem>>, %arg12: memref<512x16xf32, #tpu.memory_space<vmem>>, %arg13: memref<512x16xf32, #tpu.memory_space<vmem>>, %arg14: memref<!tpu.dma_semaphore, #tpu.memory_space<semaphore_mem>>) attributes {dimension_semantics = [#tpu.dimension_semantics<core_parallel>, #tpu.dimension_semantics<subcore_parallel>], iteration_bounds = array<i64: 2, 16>, scalar_prefetch = 0 : i64, scratch_operands = 7 : i64, tpu.core_type = #tpu.core_type<sc_vector_subcore>, window_params = [{transform_indices = #map}, {transform_indices = #map1}, {transform_indices = #map}, {transform_indices = #map}, {transform_indices = #map}, {transform_indices = #map1}]} {
    %mul3A = arith.constant 2 : i32
    %mul3A_0 = arith.muli %arg1, %mul3A : i32
    %add3A = arith.addi %mul3A_0, %arg0 : i32
    %mul3A_1 = arith.constant 512 : i32
    %mul3A_2 = arith.muli %add3A, %mul3A_1 : i32
    "tpu.region"() ({
      %run_scoped3A = tpu.sem_alloc : memref<!tpu.dma_semaphore, #tpu.memory_space<semaphore_mem>>
      %dma_start3A = arith.constant 0 : i32
      %dma_start3A_14 = tpu.memref_slice %arg4[%add3A, %dma_start3A] : memref<32x13312xi32, #tpu.memory_space<hbm>> -> memref<1x13312xi32, #tpu.memory_space<hbm>>
      %dma_start3A_15 = tpu.memref_squeeze %dma_start3A_14 : memref<1x13312xi32, #tpu.memory_space<hbm>> -> memref<13312xi32, #tpu.memory_space<hbm>>
      %dma_start3A_16 = arith.constant 0 : i32
      %dma_start3A_17 = tpu.memref_slice %arg4[%add3A, %dma_start3A_16] : memref<32x13312xi32, #tpu.memory_space<hbm>> -> memref<1x13312xi32, #tpu.memory_space<hbm>>
      %dma_start3A_18 = tpu.memref_squeeze %dma_start3A_17 : memref<1x13312xi32, #tpu.memory_space<hbm>> -> memref<13312xi32, #tpu.memory_space<hbm>>
      tpu.enqueue_dma source(%dma_start3A_18 : memref<13312xi32, #tpu.memory_space<hbm>>) target(%arg8 : memref<13312xi32, #tpu.memory_space<vmem>>) target_semaphore(%run_scoped3A : memref<!tpu.dma_semaphore, #tpu.memory_space<semaphore_mem>>)
      %dma_wait3A = arith.constant 0 : i32
      %dma_wait3A_19 = tpu.memref_slice %arg4[%add3A, %dma_wait3A] : memref<32x13312xi32, #tpu.memory_space<hbm>> -> memref<1x13312xi32, #tpu.memory_space<hbm>>
      %dma_wait3A_20 = tpu.memref_squeeze %dma_wait3A_19 : memref<1x13312xi32, #tpu.memory_space<hbm>> -> memref<13312xi32, #tpu.memory_space<hbm>>
      %dma_wait3A_21 = arith.constant 0 : i32
      %dma_wait3A_22 = tpu.memref_slice %arg4[%add3A, %dma_wait3A_21] : memref<32x13312xi32, #tpu.memory_space<hbm>> -> memref<1x13312xi32, #tpu.memory_space<hbm>>
      %dma_wait3A_23 = tpu.memref_squeeze %dma_wait3A_22 : memref<1x13312xi32, #tpu.memory_space<hbm>> -> memref<13312xi32, #tpu.memory_space<hbm>>
      tpu.wait_dma2 semaphore(%run_scoped3A : memref<!tpu.dma_semaphore, #tpu.memory_space<semaphore_mem>>) src(%dma_wait3A_23 : memref<13312xi32, #tpu.memory_space<hbm>>) dst(%arg8 : memref<13312xi32, #tpu.memory_space<vmem>>)
      tpu.yield
    }) : () -> ()
    %iota3A = tpu.iota {dimensions = array<i32: 0>} : vector<16xi32>
    %mul3A_3 = arith.constant 128 : i32
    %mul3A_4 = vector.broadcast %mul3A_3 : i32 to vector<16xi32>
    %mul3A_5 = arith.muli %iota3A, %mul3A_4 : vector<16xi32>
    %iota3A_6 = tpu.iota {dimensions = array<i32: 0>} : vector<16xi32>
    %mul3A_7 = arith.constant 26 : i32
    %mul3A_8 = vector.broadcast %mul3A_7 : i32 to vector<16xi32>
    %mul3A_9 = arith.muli %iota3A_6, %mul3A_8 : vector<16xi32>
    %scan3A = arith.constant 0 : i32
    %scan3A_10 = arith.constant 4 : i32
    %scan3A_11 = arith.addi %scan3A, %scan3A_10 : i32
    %scan3A_12 = arith.constant 1 : i32
    scf.for %scan3A_14 = %scan3A to %scan3A_11 step %scan3A_12  : i32 {
      %mul3A_15 = arith.constant 128 : i32
      %mul3A_16 = arith.muli %scan3A_14, %mul3A_15 : i32
      %add3A_17 = arith.constant 0 : i32
      %add3A_18 = arith.addi %mul3A_16, %add3A_17 : i32
      %mul3A_19 = arith.constant 26 : i32
      %mul3A_20 = arith.muli %add3A_18, %mul3A_19 : i32
      %add3A_21 = arith.constant 0 : i32
      %add3A_22 = arith.addi %mul3A_20, %add3A_21 : i32
      %add3A_23 = vector.broadcast %add3A_22 : i32 to vector<16xi32>
      %add3A_24 = arith.addi %mul3A_9, %add3A_23 : vector<16xi32>
      %gather3A = tpu.vector_load_idx %arg8[%add3A_24] : memref<13312xi32, #tpu.memory_space<vmem>>[vector<16xi32>], vector<16xi32>,
      %sub3A = arith.constant 0 : i32
      %sub3A_25 = vector.broadcast %sub3A : i32 to vector<16xi32>
      %sub3A_26 = arith.subi %gather3A, %sub3A_25 : vector<16xi32>
      %swap3A = arith.constant 0 : i32
      %swap3A_27 = arith.index_cast %swap3A : i32 to index
      %swap3A_28 = arith.constant 0 : index
      %swap3A_29 = tpu.vector_load %arg9[%swap3A_27, %swap3A_28] {strides = array<i32>} : memref<26x128xi32, #tpu.memory_space<vmem>>, vector<16xi32>,
      tpu.vector_store %arg9[%swap3A_27, %swap3A_28], %sub3A_26 {strides = array<i32>} : memref<26x128xi32, #tpu.memory_space<vmem>>, vector<16xi32>,
      %mul3A_30 = arith.constant 128 : i32
      %mul3A_31 = arith.muli %scan3A_14, %mul3A_30 : i32
      %add3A_32 = arith.constant 16 : i32
      %add3A_33 = arith.addi %mul3A_31, %add3A_32 : i32
      %mul3A_34 = arith.constant 26 : i32
      %mul3A_35 = arith.muli %add3A_33, %mul3A_34 : i32
      %add3A_36 = arith.constant 0 : i32
      %add3A_37 = arith.addi %mul3A_35, %add3A_36 : i32
      %add3A_38 = vector.broadcast %add3A_37 : i32 to vector<16xi32>
      %add3A_39 = arith.addi %mul3A_9, %add3A_38 : vector<16xi32>
      %gather3A_40 = tpu.vector_load_idx %arg8[%add3A_39] : memref<13312xi32, #tpu.memory_space<vmem>>[vector<16xi32>], vector<16xi32>,
      %sub3A_41 = arith.constant 0 : i32
      %sub3A_42 = vector.broadcast %sub3A_41 : i32 to vector<16xi32>
      %sub3A_43 = arith.subi %gather3A_40, %sub3A_42 : vector<16xi32>
      %swap3A_44 = arith.constant 0 : i32
      %swap3A_45 = arith.index_cast %swap3A_44 : i32 to index
      %swap3A_46 = arith.constant 16 : index
      %swap3A_47 = tpu.vector_load %arg9[%swap3A_45, %swap3A_46] {strides = array<i32>} : memref<26x128xi32, #tpu.memory_space<vmem>>, vector<16xi32>,
      tpu.vector_store %arg9[%swap3A_45, %swap3A_46], %sub3A_43 {strides = array<i32>} : memref<26x128xi32, #tpu.memory_space<vmem>>, vector<16xi32>,
      %mul3A_48 = arith.constant 128 : i32
      %mul3A_49 = arith.muli %scan3A_14, %mul3A_48 : i32
      %add3A_50 = arith.constant 32 : i32
      %add3A_51 = arith.addi %mul3A_49, %add3A_50 : i32
      %mul3A_52 = arith.constant 26 : i32
      %mul3A_53 = arith.muli %add3A_51, %mul3A_52 : i32
      %add3A_54 = arith.constant 0 : i32
      %add3A_55 = arith.addi %mul3A_53, %add3A_54 : i32
      %add3A_56 = vector.broadcast %add3A_55 : i32 to vector<16xi32>
      %add3A_57 = arith.addi %mul3A_9, %add3A_56 : vector<16xi32>
      %gather3A_58 = tpu.vector_load_idx %arg8[%add3A_57] : memref<13312xi32, #tpu.memory_space<vmem>>[vector<16xi32>], vector<16xi32>,
      %sub3A_59 = arith.constant 0 : i32
      %sub3A_60 = vector.broadcast %sub3A_59 : i32 to vector<16xi32>
      %sub3A_61 = arith.subi %gather3A_58, %sub3A_60 : vector<16xi32>
      %swap3A_62 = arith.constant 0 : i32
      %swap3A_63 = arith.index_cast %swap3A_62 : i32 to index
      %swap3A_64 = arith.constant 32 : index
      %swap3A_65 = tpu.vector_load %arg9[%swap3A_63, %swap3A_64] {strides = array<i32>} : memref<26x128xi32, #tpu.memory_space<vmem>>, vector<16xi32>,
      tpu.vector_store %arg9[%swap3A_63, %swap3A_64], %sub3A_61 {strides = array<i32>} : memref<26x128xi32, #tpu.memory_space<vmem>>, vector<16xi32>,
      %mul3A_66 = arith.constant 128 : i32
      %mul3A_67 = arith.muli %scan3A_14, %mul3A_66 : i32
      %add3A_68 = arith.constant 48 : i32
      %add3A_69 = arith.addi %mul3A_67, %add3A_68 : i32
      %mul3A_70 = arith.constant 26 : i32
      %mul3A_71 = arith.muli %add3A_69, %mul3A_70 : i32
      %add3A_72 = arith.constant 0 : i32
      %add3A_73 = arith.addi %mul3A_71, %add3A_72 : i32
      %add3A_74 = vector.broadcast %add3A_73 : i32 to vector<16xi32>
      %add3A_75 = arith.addi %mul3A_9, %add3A_74 : vector<16xi32>
      %gather3A_76 = tpu.vector_load_idx %arg8[%add3A_75] : memref<13312xi32, #tpu.memory_space<vmem>>[vector<16xi32>], vector<16xi32>,
      %sub3A_77 = arith.constant 0 : i32
      %sub3A_78 = vector.broadcast %sub3A_77 : i32 to vector<16xi32>
      %sub3A_79 = arith.subi %gather3A_76, %sub3A_78 : vector<16xi32>
      %swap3A_80 = arith.constant 0 : i32
      %swap3A_81 = arith.index_cast %swap3A_80 : i32 to index
      %swap3A_82 = arith.constant 48 : index
      %swap3A_83 = tpu.vector_load %arg9[%swap3A_81, %swap3A_82] {strides = array<i32>} : memref<26x128xi32, #tpu.memory_space<vmem>>, vector<16xi32>,
      tpu.vector_store %arg9[%swap3A_81, %swap3A_82], %sub3A_79 {strides = array<i32>} : memref<26x128xi32, #tpu.memory_space<vmem>>, vector<16xi32>,
      %mul3A_84 = arith.constant 128 : i32
      %mul3A_85 = arith.muli %scan3A_14, %mul3A_84 : i32
      %add3A_86 = arith.constant 64 : i32
      %add3A_87 = arith.addi %mul3A_85, %add3A_86 : i32
      %mul3A_88 = arith.constant 26 : i32
      %mul3A_89 = arith.muli %add3A_87, %mul3A_88 : i32
      %add3A_90 = arith.constant 0 : i32
      %add3A_91 = arith.addi %mul3A_89, %add3A_90 : i32
      %add3A_92 = vector.broadcast %add3A_91 : i32 to vector<16xi32>
      %add3A_93 = arith.addi %mul3A_9, %add3A_92 : vector<16xi32>
      %gather3A_94 = tpu.vector_load_idx %arg8[%add3A_93] : memref<13312xi32, #tpu.memory_space<vmem>>[vector<16xi32>], vector<16xi32>,
      %sub3A_95 = arith.constant 0 : i32
      %sub3A_96 = vector.broadcast %sub3A_95 : i32 to vector<16xi32>
      %sub3A_97 = arith.subi %gather3A_94, %sub3A_96 : vector<16xi32>
      %swap3A_98 = arith.constant 0 : i32
      %swap3A_99 = arith.index_cast %swap3A_98 : i32 to index
      %swap3A_100 = arith.constant 64 : index
      %swap3A_101 = tpu.vector_load %arg9[%swap3A_99, %swap3A_100] {strides = array<i32>} : memref<26x128xi32, #tpu.memory_space<vmem>>, vector<16xi32>,
      tpu.vector_store %arg9[%swap3A_99, %swap3A_100], %sub3A_97 {strides = array<i32>} : memref<26x128xi32, #tpu.memory_space<vmem>>, vector<16xi32>,
      %mul3A_102 = arith.constant 128 : i32
      %mul3A_103 = arith.muli %scan3A_14, %mul3A_102 : i32
      %add3A_104 = arith.constant 80 : i32
      %add3A_105 = arith.addi %mul3A_103, %add3A_104 : i32
      %mul3A_106 = arith.constant 26 : i32
      %mul3A_107 = arith.muli %add3A_105, %mul3A_106 : i32
      %add3A_108 = arith.constant 0 : i32
      %add3A_109 = arith.addi %mul3A_107, %add3A_108 : i32
      %add3A_110 = vector.broadcast %add3A_109 : i32 to vector<16xi32>
      %add3A_111 = arith.addi %mul3A_9, %add3A_110 : vector<16xi32>
      %gather3A_112 = tpu.vector_load_idx %arg8[%add3A_111] : memref<13312xi32, #tpu.memory_space<vmem>>[vector<16xi32>], vector<16xi32>,
      %sub3A_113 = arith.constant 0 : i32
      %sub3A_114 = vector.broadcast %sub3A_113 : i32 to vector<16xi32>
      %sub3A_115 = arith.subi %gather3A_112, %sub3A_114 : vector<16xi32>
      %swap3A_116 = arith.constant 0 : i32
      %swap3A_117 = arith.index_cast %swap3A_116 : i32 to index
      %swap3A_118 = arith.constant 80 : index
      %swap3A_119 = tpu.vector_load %arg9[%swap3A_117, %swap3A_118] {strides = array<i32>} : memref<26x128xi32, #tpu.memory_space<vmem>>, vector<16xi32>,
      tpu.vector_store %arg9[%swap3A_117, %swap3A_118], %sub3A_115 {strides = array<i32>} : memref<26x128xi32, #tpu.memory_space<vmem>>, vector<16xi32>,
      %mul3A_120 = arith.constant 128 : i32
      %mul3A_121 = arith.muli %scan3A_14, %mul3A_120 : i32
      %add3A_122 = arith.constant 96 : i32
      %add3A_123 = arith.addi %mul3A_121, %add3A_122 : i32
      %mul3A_124 = arith.constant 26 : i32
      %mul3A_125 = arith.muli %add3A_123, %mul3A_124 : i32
      %add3A_126 = arith.constant 0 : i32
      %add3A_127 = arith.addi %mul3A_125, %add3A_126 : i32
      %add3A_128 = vector.broadcast %add3A_127 : i32 to vector<16xi32>
      %add3A_129 = arith.addi %mul3A_9, %add3A_128 : vector<16xi32>
      %gather3A_130 = tpu.vector_load_idx %arg8[%add3A_129] : memref<13312xi32, #tpu.memory_space<vmem>>[vector<16xi32>], vector<16xi32>,
      %sub3A_131 = arith.constant 0 : i32
      %sub3A_132 = vector.broadcast %sub3A_131 : i32 to vector<16xi32>
      %sub3A_133 = arith.subi %gather3A_130, %sub3A_132 : vector<16xi32>
      %swap3A_134 = arith.constant 0 : i32
      %swap3A_135 = arith.index_cast %swap3A_134 : i32 to index
      %swap3A_136 = arith.constant 96 : index
      %swap3A_137 = tpu.vector_load %arg9[%swap3A_135, %swap3A_136] {strides = array<i32>} : memref<26x128xi32, #tpu.memory_space<vmem>>, vector<16xi32>,
      tpu.vector_store %arg9[%swap3A_135, %swap3A_136], %sub3A_133 {strides = array<i32>} : memref<26x128xi32, #tpu.memory_space<vmem>>, vector<16xi32>,
      %mul3A_138 = arith.constant 128 : i32
      %mul3A_139 = arith.muli %scan3A_14, %mul3A_138 : i32
      %add3A_140 = arith.constant 112 : i32
      %add3A_141 = arith.addi %mul3A_139, %add3A_140 : i32
      %mul3A_142 = arith.constant 26 : i32
      %mul3A_143 = arith.muli %add3A_141, %mul3A_142 : i32
      %add3A_144 = arith.constant 0 : i32
      %add3A_145 = arith.addi %mul3A_143, %add3A_144 : i32
      %add3A_146 = vector.broadcast %add3A_145 : i32 to vector<16xi32>
      %add3A_147 = arith.addi %mul3A_9, %add3A_146 : vector<16xi32>
      %gather3A_148 = tpu.vector_load_idx %arg8[%add3A_147] : memref<13312xi32, #tpu.memory_space<vmem>>[vector<16xi32>], vector<16xi32>,
      %sub3A_149 = arith.constant 0 : i32
      %sub3A_150 = vector.broadcast %sub3A_149 : i32 to vector<16xi32>
      %sub3A_151 = arith.subi %gather3A_148, %sub3A_150 : vector<16xi32>
      %swap3A_152 = arith.constant 0 : i32
      %swap3A_153 = arith.index_cast %swap3A_152 : i32 to index
      %swap3A_154 = arith.constant 112 : index
      %swap3A_155 = tpu.vector_load %arg9[%swap3A_153, %swap3A_154] {strides = array<i32>} : memref<26x128xi32, #tpu.memory_space<vmem>>, vector<16xi32>,
      tpu.vector_store %arg9[%swap3A_153, %swap3A_154], %sub3A_151 {strides = array<i32>} : memref<26x128xi32, #tpu.memory_space<vmem>>, vector<16xi32>,
      %mul3A_156 = arith.constant 128 : i32
      %mul3A_157 = arith.muli %scan3A_14, %mul3A_156 : i32
      %add3A_158 = arith.constant 0 : i32
      %add3A_159 = arith.addi %mul3A_157, %add3A_158 : i32
      %mul3A_160 = arith.constant 26 : i32
      %mul3A_161 = arith.muli %add3A_159, %mul3A_160 : i32
      %add3A_162 = arith.constant 1 : i32
      %add3A_163 = arith.addi %mul3A_161, %add3A_162 : i32
      %add3A_164 = vector.broadcast %add3A_163 : i32 to vector<16xi32>
      %add3A_165 = arith.addi %mul3A_9, %add3A_164 : vector<16xi32>
      %gather3A_166 = tpu.vector_load_idx %arg8[%add3A_165] : memref<13312xi32, #tpu.memory_space<vmem>>[vector<16xi32>], vector<16xi32>,
      %sub3A_167 = arith.constant 100000 : i32
      %sub3A_168 = vector.broadcast %sub3A_167 : i32 to vector<16xi32>
      %sub3A_169 = arith.subi %gather3A_166, %sub3A_168 : vector<16xi32>
      %swap3A_170 = arith.constant 1 : i32
      %swap3A_171 = arith.index_cast %swap3A_170 : i32 to index
      %swap3A_172 = arith.constant 0 : index
      %swap3A_173 = tpu.vector_load %arg9[%swap3A_171, %swap3A_172] {strides = array<i32>} : memref<26x128xi32, #tpu.memory_space<vmem>>, vector<16xi32>,
      tpu.vector_store %arg9[%swap3A_171, %swap3A_172], %sub3A_169 {strides = array<i32>} : memref<26x128xi32, #tpu.memory_space<vmem>>, vector<16xi32>,
      %mul3A_174 = arith.constant 128 : i32
      %mul3A_175 = arith.muli %scan3A_14, %mul3A_174 : i32
      %add3A_176 = arith.constant 16 : i32
      %add3A_177 = arith.addi %mul3A_175, %add3A_176 : i32
      %mul3A_178 = arith.constant 26 : i32
      %mul3A_179 = arith.muli %add3A_177, %mul3A_178 : i32
      %add3A_180 = arith.constant 1 : i32
      %add3A_181 = arith.addi %mul3A_179, %add3A_180 : i32
      %add3A_182 = vector.broadcast %add3A_181 : i32 to vector<16xi32>
      %add3A_183 = arith.addi %mul3A_9, %add3A_182 : vector<16xi32>
      %gather3A_184 = tpu.vector_load_idx %arg8[%add3A_183] : memref<13312xi32, #tpu.memory_space<vmem>>[vector<16xi32>], vector<16xi32>,
      %sub3A_185 = arith.constant 100000 : i32
      %sub3A_186 = vector.broadcast %sub3A_185 : i32 to vector<16xi32>
      %sub3A_187 = arith.subi %gather3A_184, %sub3A_186 : vector<16xi32>
      %swap3A_188 = arith.constant 1 : i32
      %swap3A_189 = arith.index_cast %swap3A_188 : i32 to index
      %swap3A_190 = arith.constant 16 : index
      %swap3A_191 = tpu.vector_load %arg9[%swap3A_189, %swap3A_190] {strides = array<i32>} : memref<26x128xi32, #tpu.memory_space<vmem>>, vector<16xi32>,
      tpu.vector_store %arg9[%swap3A_189, %swap3A_190], %sub3A_187 {strides = array<i32>} : memref<26x128xi32, #tpu.memory_space<vmem>>, vector<16xi32>,
      %mul3A_192 = arith.constant 128 : i32
      %mul3A_193 = arith.muli %scan3A_14, %mul3A_192 : i32
      %add3A_194 = arith.constant 32 : i32
      %add3A_195 = arith.addi %mul3A_193, %add3A_194 : i32
      %mul3A_196 = arith.constant 26 : i32
      %mul3A_197 = arith.muli %add3A_195, %mul3A_196 : i32
      %add3A_198 = arith.constant 1 : i32
      %add3A_199 = arith.addi %mul3A_197, %add3A_198 : i32
      %add3A_200 = vector.broadcast %add3A_199 : i32 to vector<16xi32>
      %add3A_201 = arith.addi %mul3A_9, %add3A_200 : vector<16xi32>
      %gather3A_202 = tpu.vector_load_idx %arg8[%add3A_201] : memref<13312xi32, #tpu.memory_space<vmem>>[vector<16xi32>], vector<16xi32>,
      %sub3A_203 = arith.constant 100000 : i32
      %sub3A_204 = vector.broadcast %sub3A_203 : i32 to vector<16xi32>
      %sub3A_205 = arith.subi %gather3A_202, %sub3A_204 : vector<16xi32>
      %swap3A_206 = arith.constant 1 : i32
      %swap3A_207 = arith.index_cast %swap3A_206 : i32 to index
      %swap3A_208 = arith.constant 32 : index
      %swap3A_209 = tpu.vector_load %arg9[%swap3A_207, %swap3A_208] {strides = array<i32>} : memref<26x128xi32, #tpu.memory_space<vmem>>, vector<16xi32>,
      tpu.vector_store %arg9[%swap3A_207, %swap3A_208], %sub3A_205 {strides = array<i32>} : memref<26x128xi32, #tpu.memory_space<vmem>>, vector<16xi32>,
      %mul3A_210 = arith.constant 128 : i32
      %mul3A_211 = arith.muli %scan3A_14, %mul3A_210 : i32
      %add3A_212 = arith.constant 48 : i32
      %add3A_213 = arith.addi %mul3A_211, %add3A_212 : i32
      %mul3A_214 = arith.constant 26 : i32
      %mul3A_215 = arith.muli %add3A_213, %mul3A_214 : i32
      %add3A_216 = arith.constant 1 : i32
      %add3A_217 = arith.addi %mul3A_215, %add3A_216 : i32
      %add3A_218 = vector.broadcast %add3A_217 : i32 to vector<16xi32>
      %add3A_219 = arith.addi %mul3A_9, %add3A_218 : vector<16xi32>
      %gather3A_220 = tpu.vector_load_idx %arg8[%add3A_219] : memref<13312xi32, #tpu.memory_space<vmem>>[vector<16xi32>], vector<16xi32>,
      %sub3A_221 = arith.constant 100000 : i32
      %sub3A_222 = vector.broadcast %sub3A_221 : i32 to vector<16xi32>
      %sub3A_223 = arith.subi %gather3A_220, %sub3A_222 : vector<16xi32>
      %swap3A_224 = arith.constant 1 : i32
      %swap3A_225 = arith.index_cast %swap3A_224 : i32 to index
      %swap3A_226 = arith.constant 48 : index
      %swap3A_227 = tpu.vector_load %arg9[%swap3A_225, %swap3A_226] {strides = array<i32>} : memref<26x128xi32, #tpu.memory_space<vmem>>, vector<16xi32>,
      tpu.vector_store %arg9[%swap3A_225, %swap3A_226], %sub3A_223 {strides = array<i32>} : memref<26x128xi32, #tpu.memory_space<vmem>>, vector<16xi32>,
      %mul3A_228 = arith.constant 128 : i32
      %mul3A_229 = arith.muli %scan3A_14, %mul3A_228 : i32
      %add3A_230 = arith.constant 64 : i32
      %add3A_231 = arith.addi %mul3A_229, %add3A_230 : i32
      %mul3A_232 = arith.constant 26 : i32
      %mul3A_233 = arith.muli %add3A_231, %mul3A_232 : i32
      %add3A_234 = arith.constant 1 : i32
      %add3A_235 = arith.addi %mul3A_233, %add3A_234 : i32
      %add3A_236 = vector.broadcast %add3A_235 : i32 to vector<16xi32>
      %add3A_237 = arith.addi %mul3A_9, %add3A_236 : vector<16xi32>
      %gather3A_238 = tpu.vector_load_idx %arg8[%add3A_237] : memref<13312xi32, #tpu.memory_space<vmem>>[vector<16xi32>], vector<16xi32>,
      %sub3A_239 = arith.constant 100000 : i32
      %sub3A_240 = vector.broadcast %sub3A_239 : i32 to vector<16xi32>
      %sub3A_241 = arith.subi %gather3A_238, %sub3A_240 : vector<16xi32>
      %swap3A_242 = arith.constant 1 : i32
      %swap3A_243 = arith.index_cast %swap3A_242 : i32 to index
      %swap3A_244 = arith.constant 64 : index
      %swap3A_245 = tpu.vector_load %arg9[%swap3A_243, %swap3A_244] {strides = array<i32>} : memref<26x128xi32, #tpu.memory_space<vmem>>, vector<16xi32>,
      tpu.vector_store %arg9[%swap3A_243, %swap3A_244], %sub3A_241 {strides = array<i32>} : memref<26x128xi32, #tpu.memory_space<vmem>>, vector<16xi32>,
      %mul3A_246 = arith.constant 128 : i32
      %mul3A_247 = arith.muli %scan3A_14, %mul3A_246 : i32
      %add3A_248 = arith.constant 80 : i32
      %add3A_249 = arith.addi %mul3A_247, %add3A_248 : i32
      %mul3A_250 = arith.constant 26 : i32
      %mul3A_251 = arith.muli %add3A_249, %mul3A_250 : i32
      %add3A_252 = arith.constant 1 : i32
      %add3A_253 = arith.addi %mul3A_251, %add3A_252 : i32
      %add3A_254 = vector.broadcast %add3A_253 : i32 to vector<16xi32>
      %add3A_255 = arith.addi %mul3A_9, %add3A_254 : vector<16xi32>
      %gather3A_256 = tpu.vector_load_idx %arg8[%add3A_255] : memref<13312xi32, #tpu.memory_space<vmem>>[vector<16xi32>], vector<16xi32>,
      %sub3A_257 = arith.constant 100000 : i32
      %sub3A_258 = vector.broadcast %sub3A_257 : i32 to vector<16xi32>
      %sub3A_259 = arith.subi %gather3A_256, %sub3A_258 : vector<16xi32>
      %swap3A_260 = arith.constant 1 : i32
      %swap3A_261 = arith.index_cast %swap3A_260 : i32 to index
      %swap3A_262 = arith.constant 80 : index
      %swap3A_263 = tpu.vector_load %arg9[%swap3A_261, %swap3A_262] {strides = array<i32>} : memref<26x128xi32, #tpu.memory_space<vmem>>, vector<16xi32>,
      tpu.vector_store %arg9[%swap3A_261, %swap3A_262], %sub3A_259 {strides = array<i32>} : memref<26x128xi32, #tpu.memory_space<vmem>>, vector<16xi32>,
      %mul3A_264 = arith.constant 128 : i32
      %mul3A_265 = arith.muli %scan3A_14, %mul3A_264 : i32
      %add3A_266 = arith.constant 96 : i32
      %add3A_267 = arith.addi %mul3A_265, %add3A_266 : i32
      %mul3A_268 = arith.constant 26 : i32
      %mul3A_269 = arith.muli %add3A_267, %mul3A_268 : i32
      %add3A_270 = arith.constant 1 : i32
      %add3A_271 = arith.addi %mul3A_269, %add3A_270 : i32
      %add3A_272 = vector.broadcast %add3A_271 : i32 to vector<16xi32>
      %add3A_273 = arith.addi %mul3A_9, %add3A_272 : vector<16xi32>
      %gather3A_274 = tpu.vector_load_idx %arg8[%add3A_273] : memref<13312xi32, #tpu.memory_space<vmem>>[vector<16xi32>], vector<16xi32>,
      %sub3A_275 = arith.constant 100000 : i32
      %sub3A_276 = vector.broadcast %sub3A_275 : i32 to vector<16xi32>
      %sub3A_277 = arith.subi %gather3A_274, %sub3A_276 : vector<16xi32>
      %swap3A_278 = arith.constant 1 : i32
      %swap3A_279 = arith.index_cast %swap3A_278 : i32 to index
      %swap3A_280 = arith.constant 96 : index
      %swap3A_281 = tpu.vector_load %arg9[%swap3A_279, %swap3A_280] {strides = array<i32>} : memref<26x128xi32, #tpu.memory_space<vmem>>, vector<16xi32>,
      tpu.vector_store %arg9[%swap3A_279, %swap3A_280], %sub3A_277 {strides = array<i32>} : memref<26x128xi32, #tpu.memory_space<vmem>>, vector<16xi32>,
      %mul3A_282 = arith.constant 128 : i32
      %mul3A_283 = arith.muli %scan3A_14, %mul3A_282 : i32
      %add3A_284 = arith.constant 112 : i32
      %add3A_285 = arith.addi %mul3A_283, %add3A_284 : i32
      %mul3A_286 = arith.constant 26 : i32
      %mul3A_287 = arith.muli %add3A_285, %mul3A_286 : i32
      %add3A_288 = arith.constant 1 : i32
      %add3A_289 = arith.addi %mul3A_287, %add3A_288 : i32
      %add3A_290 = vector.broadcast %add3A_289 : i32 to vector<16xi32>
      %add3A_291 = arith.addi %mul3A_9, %add3A_290 : vector<16xi32>
      %gather3A_292 = tpu.vector_load_idx %arg8[%add3A_291] : memref<13312xi32, #tpu.memory_space<vmem>>[vector<16xi32>], vector<16xi32>,
      %sub3A_293 = arith.constant 100000 : i32
      %sub3A_294 = vector.broadcast %sub3A_293 : i32 to vector<16xi32>
      %sub3A_295 = arith.subi %gather3A_292, %sub3A_294 : vector<16xi32>
      %swap3A_296 = arith.constant 1 : i32
      %swap3A_297 = arith.index_cast %swap3A_296 : i32 to index
      %swap3A_298 = arith.constant 112 : index
      %swap3A_299 = tpu.vector_load %arg9[%swap3A_297, %swap3A_298] {strides = array<i32>} : memref<26x128xi32, #tpu.memory_space<vmem>>, vector<16xi32>,
      tpu.vector_store %arg9[%swap3A_297, %swap3A_298], %sub3A_295 {strides = array<i32>} : memref<26x128xi32, #tpu.memory_space<vmem>>, vector<16xi32>,
      %mul3A_300 = arith.constant 128 : i32
      %mul3A_301 = arith.muli %scan3A_14, %mul3A_300 : i32
      %add3A_302 = arith.constant 0 : i32
      %add3A_303 = arith.addi %mul3A_301, %add3A_302 : i32
      %mul3A_304 = arith.constant 26 : i32
      %mul3A_305 = arith.muli %add3A_303, %mul3A_304 : i32
      %add3A_306 = arith.constant 2 : i32
      %add3A_307 = arith.addi %mul3A_305, %add3A_306 : i32
      %add3A_308 = vector.broadcast %add3A_307 : i32 to vector<16xi32>
      %add3A_309 = arith.addi %mul3A_9, %add3A_308 : vector<16xi32>
      %gather3A_310 = tpu.vector_load_idx %arg8[%add3A_309] : memref<13312xi32, #tpu.memory_space<vmem>>[vector<16xi32>], vector<16xi32>,
      %sub3A_311 = arith.constant 200000 : i32
      %sub3A_312 = vector.broadcast %sub3A_311 : i32 to vector<16xi32>
      %sub3A_313 = arith.subi %gather3A_310, %sub3A_312 : vector<16xi32>
      %swap3A_314 = arith.constant 2 : i32
      %swap3A_315 = arith.index_cast %swap3A_314 : i32 to index
      %swap3A_316 = arith.constant 0 : index
      %swap3A_317 = tpu.vector_load %arg9[%swap3A_315, %swap3A_316] {strides = array<i32>} : memref<26x128xi32, #tpu.memory_space<vmem>>, vector<16xi32>,
      tpu.vector_store %arg9[%swap3A_315, %swap3A_316], %sub3A_313 {strides = array<i32>} : memref<26x128xi32, #tpu.memory_space<vmem>>, vector<16xi32>,
      %mul3A_318 = arith.constant 128 : i32
      %mul3A_319 = arith.muli %scan3A_14, %mul3A_318 : i32
      %add3A_320 = arith.constant 16 : i32
      %add3A_321 = arith.addi %mul3A_319, %add3A_320 : i32
      %mul3A_322 = arith.constant 26 : i32
      %mul3A_323 = arith.muli %add3A_321, %mul3A_322 : i32
      %add3A_324 = arith.constant 2 : i32
      %add3A_325 = arith.addi %mul3A_323, %add3A_324 : i32
      %add3A_326 = vector.broadcast %add3A_325 : i32 to vector<16xi32>
      %add3A_327 = arith.addi %mul3A_9, %add3A_326 : vector<16xi32>
      %gather3A_328 = tpu.vector_load_idx %arg8[%add3A_327] : memref<13312xi32, #tpu.memory_space<vmem>>[vector<16xi32>], vector<16xi32>,
      %sub3A_329 = arith.constant 200000 : i32
      %sub3A_330 = vector.broadcast %sub3A_329 : i32 to vector<16xi32>
      %sub3A_331 = arith.subi %gather3A_328, %sub3A_330 : vector<16xi32>
      %swap3A_332 = arith.constant 2 : i32
      %swap3A_333 = arith.index_cast %swap3A_332 : i32 to index
      %swap3A_334 = arith.constant 16 : index
      %swap3A_335 = tpu.vector_load %arg9[%swap3A_333, %swap3A_334] {strides = array<i32>} : memref<26x128xi32, #tpu.memory_space<vmem>>, vector<16xi32>,
      tpu.vector_store %arg9[%swap3A_333, %swap3A_334], %sub3A_331 {strides = array<i32>} : memref<26x128xi32, #tpu.memory_space<vmem>>, vector<16xi32>,
      %mul3A_336 = arith.constant 128 : i32
      %mul3A_337 = arith.muli %scan3A_14, %mul3A_336 : i32
      %add3A_338 = arith.constant 32 : i32
      %add3A_339 = arith.addi %mul3A_337, %add3A_338 : i32
      %mul3A_340 = arith.constant 26 : i32
      %mul3A_341 = arith.muli %add3A_339, %mul3A_340 : i32
      %add3A_342 = arith.constant 2 : i32
      %add3A_343 = arith.addi %mul3A_341, %add3A_342 : i32
      %add3A_344 = vector.broadcast %add3A_343 : i32 to vector<16xi32>
      %add3A_345 = arith.addi %mul3A_9, %add3A_344 : vector<16xi32>
      %gather3A_346 = tpu.vector_load_idx %arg8[%add3A_345] : memref<13312xi32, #tpu.memory_space<vmem>>[vector<16xi32>], vector<16xi32>,
      %sub3A_347 = arith.constant 200000 : i32
      %sub3A_348 = vector.broadcast %sub3A_347 : i32 to vector<16xi32>
      %sub3A_349 = arith.subi %gather3A_346, %sub3A_348 : vector<16xi32>
      %swap3A_350 = arith.constant 2 : i32
      %swap3A_351 = arith.index_cast %swap3A_350 : i32 to index
      %swap3A_352 = arith.constant 32 : index
      %swap3A_353 = tpu.vector_load %arg9[%swap3A_351, %swap3A_352] {strides = array<i32>} : memref<26x128xi32, #tpu.memory_space<vmem>>, vector<16xi32>,
      tpu.vector_store %arg9[%swap3A_351, %swap3A_352], %sub3A_349 {strides = array<i32>} : memref<26x128xi32, #tpu.memory_space<vmem>>, vector<16xi32>,
      %mul3A_354 = arith.constant 128 : i32
      %mul3A_355 = arith.muli %scan3A_14, %mul3A_354 : i32
      %add3A_356 = arith.constant 48 : i32
      %add3A_357 = arith.addi %mul3A_355, %add3A_356 : i32
      %mul3A_358 = arith.constant 26 : i32
      %mul3A_359 = arith.muli %add3A_357, %mul3A_358 : i32
      %add3A_360 = arith.constant 2 : i32
      %add3A_361 = arith.addi %mul3A_359, %add3A_360 : i32
      %add3A_362 = vector.broadcast %add3A_361 : i32 to vector<16xi32>
      %add3A_363 = arith.addi %mul3A_9, %add3A_362 : vector<16xi32>
      %gather3A_364 = tpu.vector_load_idx %arg8[%add3A_363] : memref<13312xi32, #tpu.memory_space<vmem>>[vector<16xi32>], vector<16xi32>,
      %sub3A_365 = arith.constant 200000 : i32
      %sub3A_366 = vector.broadcast %sub3A_365 : i32 to vector<16xi32>
      %sub3A_367 = arith.subi %gather3A_364, %sub3A_366 : vector<16xi32>
      %swap3A_368 = arith.constant 2 : i32
      %swap3A_369 = arith.index_cast %swap3A_368 : i32 to index
      %swap3A_370 = arith.constant 48 : index
      %swap3A_371 = tpu.vector_load %arg9[%swap3A_369, %swap3A_370] {strides = array<i32>} : memref<26x128xi32, #tpu.memory_space<vmem>>, vector<16xi32>,
      tpu.vector_store %arg9[%swap3A_369, %swap3A_370], %sub3A_367 {strides = array<i32>} : memref<26x128xi32, #tpu.memory_space<vmem>>, vector<16xi32>,
      %mul3A_372 = arith.constant 128 : i32
      %mul3A_373 = arith.muli %scan3A_14, %mul3A_372 : i32
      %add3A_374 = arith.constant 64 : i32
      %add3A_375 = arith.addi %mul3A_373, %add3A_374 : i32
      %mul3A_376 = arith.constant 26 : i32
      %mul3A_377 = arith.muli %add3A_375, %mul3A_376 : i32
      %add3A_378 = arith.constant 2 : i32
      %add3A_379 = arith.addi %mul3A_377, %add3A_378 : i32
      %add3A_380 = vector.broadcast %add3A_379 : i32 to vector<16xi32>
      %add3A_381 = arith.addi %mul3A_9, %add3A_380 : vector<16xi32>
      %gather3A_382 = tpu.vector_load_idx %arg8[%add3A_381] : memref<13312xi32, #tpu.memory_space<vmem>>[vector<16xi32>], vector<16xi32>,
      %sub3A_383 = arith.constant 200000 : i32
      %sub3A_384 = vector.broadcast %sub3A_383 : i32 to vector<16xi32>
      %sub3A_385 = arith.subi %gather3A_382, %sub3A_384 : vector<16xi32>
      %swap3A_386 = arith.constant 2 : i32
      %swap3A_387 = arith.index_cast %swap3A_386 : i32 to index
      %swap3A_388 = arith.constant 64 : index
      %swap3A_389 = tpu.vector_load %arg9[%swap3A_387, %swap3A_388] {strides = array<i32>} : memref<26x128xi32, #tpu.memory_space<vmem>>, vector<16xi32>,
      tpu.vector_store %arg9[%swap3A_387, %swap3A_388], %sub3A_385 {strides = array<i32>} : memref<26x128xi32, #tpu.memory_space<vmem>>, vector<16xi32>,
      %mul3A_390 = arith.constant 128 : i32
      %mul3A_391 = arith.muli %scan3A_14, %mul3A_390 : i32
      %add3A_392 = arith.constant 80 : i32
      %add3A_393 = arith.addi %mul3A_391, %add3A_392 : i32
      %mul3A_394 = arith.constant 26 : i32
      %mul3A_395 = arith.muli %add3A_393, %mul3A_394 : i32
      %add3A_396 = arith.constant 2 : i32
      %add3A_397 = arith.addi %mul3A_395, %add3A_396 : i32
      %add3A_398 = vector.broadcast %add3A_397 : i32 to vector<16xi32>
      %add3A_399 = arith.addi %mul3A_9, %add3A_398 : vector<16xi32>
      %gather3A_400 = tpu.vector_load_idx %arg8[%add3A_399] : memref<13312xi32, #tpu.memory_space<vmem>>[vector<16xi32>], vector<16xi32>,
      %sub3A_401 = arith.constant 200000 : i32
      %sub3A_402 = vector.broadcast %sub3A_401 : i32 to vector<16xi32>
      %sub3A_403 = arith.subi %gather3A_400, %sub3A_402 : vector<16xi32>
      %swap3A_404 = arith.constant 2 : i32
      %swap3A_405 = arith.index_cast %swap3A_404 : i32 to index
      %swap3A_406 = arith.constant 80 : index
      %swap3A_407 = tpu.vector_load %arg9[%swap3A_405, %swap3A_406] {strides = array<i32>} : memref<26x128xi32, #tpu.memory_space<vmem>>, vector<16xi32>,
      tpu.vector_store %arg9[%swap3A_405, %swap3A_406], %sub3A_403 {strides = array<i32>} : memref<26x128xi32, #tpu.memory_space<vmem>>, vector<16xi32>,
      %mul3A_408 = arith.constant 128 : i32
      %mul3A_409 = arith.muli %scan3A_14, %mul3A_408 : i32
      %add3A_410 = arith.constant 96 : i32
      %add3A_411 = arith.addi %mul3A_409, %add3A_410 : i32
      %mul3A_412 = arith.constant 26 : i32
      %mul3A_413 = arith.muli %add3A_411, %mul3A_412 : i32
      %add3A_414 = arith.constant 2 : i32
      %add3A_415 = arith.addi %mul3A_413, %add3A_414 : i32
      %add3A_416 = vector.broadcast %add3A_415 : i32 to vector<16xi32>
      %add3A_417 = arith.addi %mul3A_9, %add3A_416 : vector<16xi32>
      %gather3A_418 = tpu.vector_load_idx %arg8[%add3A_417] : memref<13312xi32, #tpu.memory_space<vmem>>[vector<16xi32>], vector<16xi32>,
      %sub3A_419 = arith.constant 200000 : i32
      %sub3A_420 = vector.broadcast %sub3A_419 : i32 to vector<16xi32>
      %sub3A_421 = arith.subi %gather3A_418, %sub3A_420 : vector<16xi32>
      %swap3A_422 = arith.constant 2 : i32
      %swap3A_423 = arith.index_cast %swap3A_422 : i32 to index
      %swap3A_424 = arith.constant 96 : index
      %swap3A_425 = tpu.vector_load %arg9[%swap3A_423, %swap3A_424] {strides = array<i32>} : memref<26x128xi32, #tpu.memory_space<vmem>>, vector<16xi32>,
      tpu.vector_store %arg9[%swap3A_423, %swap3A_424], %sub3A_421 {strides = array<i32>} : memref<26x128xi32, #tpu.memory_space<vmem>>, vector<16xi32>,
      %mul3A_426 = arith.constant 128 : i32
      %mul3A_427 = arith.muli %scan3A_14, %mul3A_426 : i32
      %add3A_428 = arith.constant 112 : i32
      %add3A_429 = arith.addi %mul3A_427, %add3A_428 : i32
      %mul3A_430 = arith.constant 26 : i32
      %mul3A_431 = arith.muli %add3A_429, %mul3A_430 : i32
      %add3A_432 = arith.constant 2 : i32
      %add3A_433 = arith.addi %mul3A_431, %add3A_432 : i32
      %add3A_434 = vector.broadcast %add3A_433 : i32 to vector<16xi32>
      %add3A_435 = arith.addi %mul3A_9, %add3A_434 : vector<16xi32>
      %gather3A_436 = tpu.vector_load_idx %arg8[%add3A_435] : memref<13312xi32, #tpu.memory_space<vmem>>[vector<16xi32>], vector<16xi32>,
      %sub3A_437 = arith.constant 200000 : i32
      %sub3A_438 = vector.broadcast %sub3A_437 : i32 to vector<16xi32>
      %sub3A_439 = arith.subi %gather3A_436, %sub3A_438 : vector<16xi32>
      %swap3A_440 = arith.constant 2 : i32
      %swap3A_441 = arith.index_cast %swap3A_440 : i32 to index
      %swap3A_442 = arith.constant 112 : index
      %swap3A_443 = tpu.vector_load %arg9[%swap3A_441, %swap3A_442] {strides = array<i32>} : memref<26x128xi32, #tpu.memory_space<vmem>>, vector<16xi32>,
      tpu.vector_store %arg9[%swap3A_441, %swap3A_442], %sub3A_439 {strides = array<i32>} : memref<26x128xi32, #tpu.memory_space<vmem>>, vector<16xi32>,
      %mul3A_444 = arith.constant 128 : i32
      %mul3A_445 = arith.muli %scan3A_14, %mul3A_444 : i32
      %add3A_446 = arith.constant 0 : i32
      %add3A_447 = arith.addi %mul3A_445, %add3A_446 : i32
      %mul3A_448 = arith.constant 26 : i32
      %mul3A_449 = arith.muli %add3A_447, %mul3A_448 : i32
      %add3A_450 = arith.constant 3 : i32
      %add3A_451 = arith.addi %mul3A_449, %add3A_450 : i32
      %add3A_452 = vector.broadcast %add3A_451 : i32 to vector<16xi32>
      %add3A_453 = arith.addi %mul3A_9, %add3A_452 : vector<16xi32>
      %gather3A_454 = tpu.vector_load_idx %arg8[%add3A_453] : memref<13312xi32, #tpu.memory_space<vmem>>[vector<16xi32>], vector<16xi32>,
      %sub3A_455 = arith.constant 300000 : i32
      %sub3A_456 = vector.broadcast %sub3A_455 : i32 to vector<16xi32>
      %sub3A_457 = arith.subi %gather3A_454, %sub3A_456 : vector<16xi32>
      %swap3A_458 = arith.constant 3 : i32
      %swap3A_459 = arith.index_cast %swap3A_458 : i32 to index
      %swap3A_460 = arith.constant 0 : index
      %swap3A_461 = tpu.vector_load %arg9[%swap3A_459, %swap3A_460] {strides = array<i32>} : memref<26x128xi32, #tpu.memory_space<vmem>>, vector<16xi32>,
      tpu.vector_store %arg9[%swap3A_459, %swap3A_460], %sub3A_457 {strides = array<i32>} : memref<26x128xi32, #tpu.memory_space<vmem>>, vector<16xi32>,
      %mul3A_462 = arith.constant 128 : i32
      %mul3A_463 = arith.muli %scan3A_14, %mul3A_462 : i32
      %add3A_464 = arith.constant 16 : i32
      %add3A_465 = arith.addi %mul3A_463, %add3A_464 : i32
      %mul3A_466 = arith.constant 26 : i32
      %mul3A_467 = arith.muli %add3A_465, %mul3A_466 : i32
      %add3A_468 = arith.constant 3 : i32
      %add3A_469 = arith.addi %mul3A_467, %add3A_468 : i32
      %add3A_470 = vector.broadcast %add3A_469 : i32 to vector<16xi32>
      %add3A_471 = arith.addi %mul3A_9, %add3A_470 : vector<16xi32>
      %gather3A_472 = tpu.vector_load_idx %arg8[%add3A_471] : memref<13312xi32, #tpu.memory_space<vmem>>[vector<16xi32>], vector<16xi32>,
      %sub3A_473 = arith.constant 300000 : i32
      %sub3A_474 = vector.broadcast %sub3A_473 : i32 to vector<16xi32>
      %sub3A_475 = arith.subi %gather3A_472, %sub3A_474 : vector<16xi32>
      %swap3A_476 = arith.constant 3 : i32
      %swap3A_477 = arith.index_cast %swap3A_476 : i32 to index
      %swap3A_478 = arith.constant 16 : index
      %swap3A_479 = tpu.vector_load %arg9[%swap3A_477, %swap3A_478] {strides = array<i32>} : memref<26x128xi32, #tpu.memory_space<vmem>>, vector<16xi32>,
      tpu.vector_store %arg9[%swap3A_477, %swap3A_478], %sub3A_475 {strides = array<i32>} : memref<26x128xi32, #tpu.memory_space<vmem>>, vector<16xi32>,
      %mul3A_480 = arith.constant 128 : i32
      %mul3A_481 = arith.muli %scan3A_14, %mul3A_480 : i32
      %add3A_482 = arith.constant 32 : i32
      %add3A_483 = arith.addi %mul3A_481, %add3A_482 : i32
      %mul3A_484 = arith.constant 26 : i32
      %mul3A_485 = arith.muli %add3A_483, %mul3A_484 : i32
      %add3A_486 = arith.constant 3 : i32
      %add3A_487 = arith.addi %mul3A_485, %add3A_486 : i32
      %add3A_488 = vector.broadcast %add3A_487 : i32 to vector<16xi32>
      %add3A_489 = arith.addi %mul3A_9, %add3A_488 : vector<16xi32>
      %gather3A_490 = tpu.vector_load_idx %arg8[%add3A_489] : memref<13312xi32, #tpu.memory_space<vmem>>[vector<16xi32>], vector<16xi32>,
      %sub3A_491 = arith.constant 300000 : i32
      %sub3A_492 = vector.broadcast %sub3A_491 : i32 to vector<16xi32>
      %sub3A_493 = arith.subi %gather3A_490, %sub3A_492 : vector<16xi32>
      %swap3A_494 = arith.constant 3 : i32
      %swap3A_495 = arith.index_cast %swap3A_494 : i32 to index
      %swap3A_496 = arith.constant 32 : index
      %swap3A_497 = tpu.vector_load %arg9[%swap3A_495, %swap3A_496] {strides = array<i32>} : memref<26x128xi32, #tpu.memory_space<vmem>>, vector<16xi32>,
      tpu.vector_store %arg9[%swap3A_495, %swap3A_496], %sub3A_493 {strides = array<i32>} : memref<26x128xi32, #tpu.memory_space<vmem>>, vector<16xi32>,
      %mul3A_498 = arith.constant 128 : i32
      %mul3A_499 = arith.muli %scan3A_14, %mul3A_498 : i32
      %add3A_500 = arith.constant 48 : i32
      %add3A_501 = arith.addi %mul3A_499, %add3A_500 : i32
      %mul3A_502 = arith.constant 26 : i32
      %mul3A_503 = arith.muli %add3A_501, %mul3A_502 : i32
      %add3A_504 = arith.constant 3 : i32
      %add3A_505 = arith.addi %mul3A_503, %add3A_504 : i32
      %add3A_506 = vector.broadcast %add3A_505 : i32 to vector<16xi32>
      %add3A_507 = arith.addi %mul3A_9, %add3A_506 : vector<16xi32>
      %gather3A_508 = tpu.vector_load_idx %arg8[%add3A_507] : memref<13312xi32, #tpu.memory_space<vmem>>[vector<16xi32>], vector<16xi32>,
      %sub3A_509 = arith.constant 300000 : i32
      %sub3A_510 = vector.broadcast %sub3A_509 : i32 to vector<16xi32>
      %sub3A_511 = arith.subi %gather3A_508, %sub3A_510 : vector<16xi32>
      %swap3A_512 = arith.constant 3 : i32
      %swap3A_513 = arith.index_cast %swap3A_512 : i32 to index
      %swap3A_514 = arith.constant 48 : index
      %swap3A_515 = tpu.vector_load %arg9[%swap3A_513, %swap3A_514] {strides = array<i32>} : memref<26x128xi32, #tpu.memory_space<vmem>>, vector<16xi32>,
      tpu.vector_store %arg9[%swap3A_513, %swap3A_514], %sub3A_511 {strides = array<i32>} : memref<26x128xi32, #tpu.memory_space<vmem>>, vector<16xi32>,
      %mul3A_516 = arith.constant 128 : i32
      %mul3A_517 = arith.muli %scan3A_14, %mul3A_516 : i32
      %add3A_518 = arith.constant 64 : i32
      %add3A_519 = arith.addi %mul3A_517, %add3A_518 : i32
      %mul3A_520 = arith.constant 26 : i32
      %mul3A_521 = arith.muli %add3A_519, %mul3A_520 : i32
      %add3A_522 = arith.constant 3 : i32
      %add3A_523 = arith.addi %mul3A_521, %add3A_522 : i32
      %add3A_524 = vector.broadcast %add3A_523 : i32 to vector<16xi32>
      %add3A_525 = arith.addi %mul3A_9, %add3A_524 : vector<16xi32>
      %gather3A_526 = tpu.vector_load_idx %arg8[%add3A_525] : memref<13312xi32, #tpu.memory_space<vmem>>[vector<16xi32>], vector<16xi32>,
      %sub3A_527 = arith.constant 300000 : i32
      %sub3A_528 = vector.broadcast %sub3A_527 : i32 to vector<16xi32>
      %sub3A_529 = arith.subi %gather3A_526, %sub3A_528 : vector<16xi32>
      %swap3A_530 = arith.constant 3 : i32
      %swap3A_531 = arith.index_cast %swap3A_530 : i32 to index
      %swap3A_532 = arith.constant 64 : index
      %swap3A_533 = tpu.vector_load %arg9[%swap3A_531, %swap3A_532] {strides = array<i32>} : memref<26x128xi32, #tpu.memory_space<vmem>>, vector<16xi32>,
      tpu.vector_store %arg9[%swap3A_531, %swap3A_532], %sub3A_529 {strides = array<i32>} : memref<26x128xi32, #tpu.memory_space<vmem>>, vector<16xi32>,
      %mul3A_534 = arith.constant 128 : i32
      %mul3A_535 = arith.muli %scan3A_14, %mul3A_534 : i32
      %add3A_536 = arith.constant 80 : i32
      %add3A_537 = arith.addi %mul3A_535, %add3A_536 : i32
      %mul3A_538 = arith.constant 26 : i32
      %mul3A_539 = arith.muli %add3A_537, %mul3A_538 : i32
      %add3A_540 = arith.constant 3 : i32
      %add3A_541 = arith.addi %mul3A_539, %add3A_540 : i32
      %add3A_542 = vector.broadcast %add3A_541 : i32 to vector<16xi32>
      %add3A_543 = arith.addi %mul3A_9, %add3A_542 : vector<16xi32>
      %gather3A_544 = tpu.vector_load_idx %arg8[%add3A_543] : memref<13312xi32, #tpu.memory_space<vmem>>[vector<16xi32>], vector<16xi32>,
      %sub3A_545 = arith.constant 300000 : i32
      %sub3A_546 = vector.broadcast %sub3A_545 : i32 to vector<16xi32>
      %sub3A_547 = arith.subi %gather3A_544, %sub3A_546 : vector<16xi32>
      %swap3A_548 = arith.constant 3 : i32
      %swap3A_549 = arith.index_cast %swap3A_548 : i32 to index
      %swap3A_550 = arith.constant 80 : index
      %swap3A_551 = tpu.vector_load %arg9[%swap3A_549, %swap3A_550] {strides = array<i32>} : memref<26x128xi32, #tpu.memory_space<vmem>>, vector<16xi32>,
      tpu.vector_store %arg9[%swap3A_549, %swap3A_550], %sub3A_547 {strides = array<i32>} : memref<26x128xi32, #tpu.memory_space<vmem>>, vector<16xi32>,
      %mul3A_552 = arith.constant 128 : i32
      %mul3A_553 = arith.muli %scan3A_14, %mul3A_552 : i32
      %add3A_554 = arith.constant 96 : i32
      %add3A_555 = arith.addi %mul3A_553, %add3A_554 : i32
      %mul3A_556 = arith.constant 26 : i32
      %mul3A_557 = arith.muli %add3A_555, %mul3A_556 : i32
      %add3A_558 = arith.constant 3 : i32
      %add3A_559 = arith.addi %mul3A_557, %add3A_558 : i32
      %add3A_560 = vector.broadcast %add3A_559 : i32 to vector<16xi32>
      %add3A_561 = arith.addi %mul3A_9, %add3A_560 : vector<16xi32>
      %gather3A_562 = tpu.vector_load_idx %arg8[%add3A_561] : memref<13312xi32, #tpu.memory_space<vmem>>[vector<16xi32>], vector<16xi32>,
      %sub3A_563 = arith.constant 300000 : i32
      %sub3A_564 = vector.broadcast %sub3A_563 : i32 to vector<16xi32>
      %sub3A_565 = arith.subi %gather3A_562, %sub3A_564 : vector<16xi32>
      %swap3A_566 = arith.constant 3 : i32
      %swap3A_567 = arith.index_cast %swap3A_566 : i32 to index
      %swap3A_568 = arith.constant 96 : index
      %swap3A_569 = tpu.vector_load %arg9[%swap3A_567, %swap3A_568] {strides = array<i32>} : memref<26x128xi32, #tpu.memory_space<vmem>>, vector<16xi32>,
      tpu.vector_store %arg9[%swap3A_567, %swap3A_568], %sub3A_565 {strides = array<i32>} : memref<26x128xi32, #tpu.memory_space<vmem>>, vector<16xi32>,
      %mul3A_570 = arith.constant 128 : i32
      %mul3A_571 = arith.muli %scan3A_14, %mul3A_570 : i32
      %add3A_572 = arith.constant 112 : i32
      %add3A_573 = arith.addi %mul3A_571, %add3A_572 : i32
      %mul3A_574 = arith.constant 26 : i32
      %mul3A_575 = arith.muli %add3A_573, %mul3A_574 : i32
      %add3A_576 = arith.constant 3 : i32
      %add3A_577 = arith.addi %mul3A_575, %add3A_576 : i32
      %add3A_578 = vector.broadcast %add3A_577 : i32 to vector<16xi32>
      %add3A_579 = arith.addi %mul3A_9, %add3A_578 : vector<16xi32>
      %gather3A_580 = tpu.vector_load_idx %arg8[%add3A_579] : memref<13312xi32, #tpu.memory_space<vmem>>[vector<16xi32>], vector<16xi32>,
      %sub3A_581 = arith.constant 300000 : i32
      %sub3A_582 = vector.broadcast %sub3A_581 : i32 to vector<16xi32>
      %sub3A_583 = arith.subi %gather3A_580, %sub3A_582 : vector<16xi32>
      %swap3A_584 = arith.constant 3 : i32
      %swap3A_585 = arith.index_cast %swap3A_584 : i32 to index
      %swap3A_586 = arith.constant 112 : index
      %swap3A_587 = tpu.vector_load %arg9[%swap3A_585, %swap3A_586] {strides = array<i32>} : memref<26x128xi32, #tpu.memory_space<vmem>>, vector<16xi32>,
      tpu.vector_store %arg9[%swap3A_585, %swap3A_586], %sub3A_583 {strides = array<i32>} : memref<26x128xi32, #tpu.memory_space<vmem>>, vector<16xi32>,
      %mul3A_588 = arith.constant 128 : i32
      %mul3A_589 = arith.muli %scan3A_14, %mul3A_588 : i32
      %add3A_590 = arith.constant 0 : i32
      %add3A_591 = arith.addi %mul3A_589, %add3A_590 : i32
      %mul3A_592 = arith.constant 26 : i32
      %mul3A_593 = arith.muli %add3A_591, %mul3A_592 : i32
      %add3A_594 = arith.constant 4 : i32
      %add3A_595 = arith.addi %mul3A_593, %add3A_594 : i32
      %add3A_596 = vector.broadcast %add3A_595 : i32 to vector<16xi32>
      %add3A_597 = arith.addi %mul3A_9, %add3A_596 : vector<16xi32>
      %gather3A_598 = tpu.vector_load_idx %arg8[%add3A_597] : memref<13312xi32, #tpu.memory_space<vmem>>[vector<16xi32>], vector<16xi32>,
      %sub3A_599 = arith.constant 400000 : i32
      %sub3A_600 = vector.broadcast %sub3A_599 : i32 to vector<16xi32>
      %sub3A_601 = arith.subi %gather3A_598, %sub3A_600 : vector<16xi32>
      %swap3A_602 = arith.constant 4 : i32
      %swap3A_603 = arith.index_cast %swap3A_602 : i32 to index
      %swap3A_604 = arith.constant 0 : index
      %swap3A_605 = tpu.vector_load %arg9[%swap3A_603, %swap3A_604] {strides = array<i32>} : memref<26x128xi32, #tpu.memory_space<vmem>>, vector<16xi32>,
      tpu.vector_store %arg9[%swap3A_603, %swap3A_604], %sub3A_601 {strides = array<i32>} : memref<26x128xi32, #tpu.memory_space<vmem>>, vector<16xi32>,
      %mul3A_606 = arith.constant 128 : i32
      %mul3A_607 = arith.muli %scan3A_14, %mul3A_606 : i32
      %add3A_608 = arith.constant 16 : i32
      %add3A_609 = arith.addi %mul3A_607, %add3A_608 : i32
      %mul3A_610 = arith.constant 26 : i32
      %mul3A_611 = arith.muli %add3A_609, %mul3A_610 : i32
      %add3A_612 = arith.constant 4 : i32
      %add3A_613 = arith.addi %mul3A_611, %add3A_612 : i32
      %add3A_614 = vector.broadcast %add3A_613 : i32 to vector<16xi32>
      %add3A_615 = arith.addi %mul3A_9, %add3A_614 : vector<16xi32>
      %gather3A_616 = tpu.vector_load_idx %arg8[%add3A_615] : memref<13312xi32, #tpu.memory_space<vmem>>[vector<16xi32>], vector<16xi32>,
      %sub3A_617 = arith.constant 400000 : i32
      %sub3A_618 = vector.broadcast %sub3A_617 : i32 to vector<16xi32>
      %sub3A_619 = arith.subi %gather3A_616, %sub3A_618 : vector<16xi32>
      %swap3A_620 = arith.constant 4 : i32
      %swap3A_621 = arith.index_cast %swap3A_620 : i32 to index
      %swap3A_622 = arith.constant 16 : index
      %swap3A_623 = tpu.vector_load %arg9[%swap3A_621, %swap3A_622] {strides = array<i32>} : memref<26x128xi32, #tpu.memory_space<vmem>>, vector<16xi32>,
      tpu.vector_store %arg9[%swap3A_621, %swap3A_622], %sub3A_619 {strides = array<i32>} : memref<26x128xi32, #tpu.memory_space<vmem>>, vector<16xi32>,
      %mul3A_624 = arith.constant 128 : i32
      %mul3A_625 = arith.muli %scan3A_14, %mul3A_624 : i32
      %add3A_626 = arith.constant 32 : i32
      %add3A_627 = arith.addi %mul3A_625, %add3A_626 : i32
      %mul3A_628 = arith.constant 26 : i32
      %mul3A_629 = arith.muli %add3A_627, %mul3A_628 : i32
      %add3A_630 = arith.constant 4 : i32
      %add3A_631 = arith.addi %mul3A_629, %add3A_630 : i32
      %add3A_632 = vector.broadcast %add3A_631 : i32 to vector<16xi32>
      %add3A_633 = arith.addi %mul3A_9, %add3A_632 : vector<16xi32>
      %gather3A_634 = tpu.vector_load_idx %arg8[%add3A_633] : memref<13312xi32, #tpu.memory_space<vmem>>[vector<16xi32>], vector<16xi32>,
      %sub3A_635 = arith.constant 400000 : i32
      %sub3A_636 = vector.broadcast %sub3A_635 : i32 to vector<16xi32>
      %sub3A_637 = arith.subi %gather3A_634, %sub3A_636 : vector<16xi32>
      %swap3A_638 = arith.constant 4 : i32
      %swap3A_639 = arith.index_cast %swap3A_638 : i32 to index
      %swap3A_640 = arith.constant 32 : index
      %swap3A_641 = tpu.vector_load %arg9[%swap3A_639, %swap3A_640] {strides = array<i32>} : memref<26x128xi32, #tpu.memory_space<vmem>>, vector<16xi32>,
      tpu.vector_store %arg9[%swap3A_639, %swap3A_640], %sub3A_637 {strides = array<i32>} : memref<26x128xi32, #tpu.memory_space<vmem>>, vector<16xi32>,
      %mul3A_642 = arith.constant 128 : i32
      %mul3A_643 = arith.muli %scan3A_14, %mul3A_642 : i32
      %add3A_644 = arith.constant 48 : i32
      %add3A_645 = arith.addi %mul3A_643, %add3A_644 : i32
      %mul3A_646 = arith.constant 26 : i32
      %mul3A_647 = arith.muli %add3A_645, %mul3A_646 : i32
      %add3A_648 = arith.constant 4 : i32
      %add3A_649 = arith.addi %mul3A_647, %add3A_648 : i32
      %add3A_650 = vector.broadcast %add3A_649 : i32 to vector<16xi32>
      %add3A_651 = arith.addi %mul3A_9, %add3A_650 : vector<16xi32>
      %gather3A_652 = tpu.vector_load_idx %arg8[%add3A_651] : memref<13312xi32, #tpu.memory_space<vmem>>[vector<16xi32>], vector<16xi32>,
      %sub3A_653 = arith.constant 400000 : i32
      %sub3A_654 = vector.broadcast %sub3A_653 : i32 to vector<16xi32>
      %sub3A_655 = arith.subi %gather3A_652, %sub3A_654 : vector<16xi32>
      %swap3A_656 = arith.constant 4 : i32
      %swap3A_657 = arith.index_cast %swap3A_656 : i32 to index
      %swap3A_658 = arith.constant 48 : index
      %swap3A_659 = tpu.vector_load %arg9[%swap3A_657, %swap3A_658] {strides = array<i32>} : memref<26x128xi32, #tpu.memory_space<vmem>>, vector<16xi32>,
      tpu.vector_store %arg9[%swap3A_657, %swap3A_658], %sub3A_655 {strides = array<i32>} : memref<26x128xi32, #tpu.memory_space<vmem>>, vector<16xi32>,
      %mul3A_660 = arith.constant 128 : i32
      %mul3A_661 = arith.muli %scan3A_14, %mul3A_660 : i32
      %add3A_662 = arith.constant 64 : i32
      %add3A_663 = arith.addi %mul3A_661, %add3A_662 : i32
      %mul3A_664 = arith.constant 26 : i32
      %mul3A_665 = arith.muli %add3A_663, %mul3A_664 : i32
      %add3A_666 = arith.constant 4 : i32
      %add3A_667 = arith.addi %mul3A_665, %add3A_666 : i32
      %add3A_668 = vector.broadcast %add3A_667 : i32 to vector<16xi32>
      %add3A_669 = arith.addi %mul3A_9, %add3A_668 : vector<16xi32>
      %gather3A_670 = tpu.vector_load_idx %arg8[%add3A_669] : memref<13312xi32, #tpu.memory_space<vmem>>[vector<16xi32>], vector<16xi32>,
      %sub3A_671 = arith.constant 400000 : i32
      %sub3A_672 = vector.broadcast %sub3A_671 : i32 to vector<16xi32>
      %sub3A_673 = arith.subi %gather3A_670, %sub3A_672 : vector<16xi32>
      %swap3A_674 = arith.constant 4 : i32
      %swap3A_675 = arith.index_cast %swap3A_674 : i32 to index
      %swap3A_676 = arith.constant 64 : index
      %swap3A_677 = tpu.vector_load %arg9[%swap3A_675, %swap3A_676] {strides = array<i32>} : memref<26x128xi32, #tpu.memory_space<vmem>>, vector<16xi32>,
      tpu.vector_store %arg9[%swap3A_675, %swap3A_676], %sub3A_673 {strides = array<i32>} : memref<26x128xi32, #tpu.memory_space<vmem>>, vector<16xi32>,
      %mul3A_678 = arith.constant 128 : i32
      %mul3A_679 = arith.muli %scan3A_14, %mul3A_678 : i32
      %add3A_680 = arith.constant 80 : i32
      %add3A_681 = arith.addi %mul3A_679, %add3A_680 : i32
      %mul3A_682 = arith.constant 26 : i32
      %mul3A_683 = arith.muli %add3A_681, %mul3A_682 : i32
      %add3A_684 = arith.constant 4 : i32
      %add3A_685 = arith.addi %mul3A_683, %add3A_684 : i32
      %add3A_686 = vector.broadcast %add3A_685 : i32 to vector<16xi32>
      %add3A_687 = arith.addi %mul3A_9, %add3A_686 : vector<16xi32>
      %gather3A_688 = tpu.vector_load_idx %arg8[%add3A_687] : memref<13312xi32, #tpu.memory_space<vmem>>[vector<16xi32>], vector<16xi32>,
      %sub3A_689 = arith.constant 400000 : i32
      %sub3A_690 = vector.broadcast %sub3A_689 : i32 to vector<16xi32>
      %sub3A_691 = arith.subi %gather3A_688, %sub3A_690 : vector<16xi32>
      %swap3A_692 = arith.constant 4 : i32
      %swap3A_693 = arith.index_cast %swap3A_692 : i32 to index
      %swap3A_694 = arith.constant 80 : index
      %swap3A_695 = tpu.vector_load %arg9[%swap3A_693, %swap3A_694] {strides = array<i32>} : memref<26x128xi32, #tpu.memory_space<vmem>>, vector<16xi32>,
      tpu.vector_store %arg9[%swap3A_693, %swap3A_694], %sub3A_691 {strides = array<i32>} : memref<26x128xi32, #tpu.memory_space<vmem>>, vector<16xi32>,
      %mul3A_696 = arith.constant 128 : i32
      %mul3A_697 = arith.muli %scan3A_14, %mul3A_696 : i32
      %add3A_698 = arith.constant 96 : i32
      %add3A_699 = arith.addi %mul3A_697, %add3A_698 : i32
      %mul3A_700 = arith.constant 26 : i32
      %mul3A_701 = arith.muli %add3A_699, %mul3A_700 : i32
      %add3A_702 = arith.constant 4 : i32
      %add3A_703 = arith.addi %mul3A_701, %add3A_702 : i32
      %add3A_704 = vector.broadcast %add3A_703 : i32 to vector<16xi32>
      %add3A_705 = arith.addi %mul3A_9, %add3A_704 : vector<16xi32>
      %gather3A_706 = tpu.vector_load_idx %arg8[%add3A_705] : memref<13312xi32, #tpu.memory_space<vmem>>[vector<16xi32>], vector<16xi32>,
      %sub3A_707 = arith.constant 400000 : i32
      %sub3A_708 = vector.broadcast %sub3A_707 : i32 to vector<16xi32>
      %sub3A_709 = arith.subi %gather3A_706, %sub3A_708 : vector<16xi32>
      %swap3A_710 = arith.constant 4 : i32
      %swap3A_711 = arith.index_cast %swap3A_710 : i32 to index
      %swap3A_712 = arith.constant 96 : index
      %swap3A_713 = tpu.vector_load %arg9[%swap3A_711, %swap3A_712] {strides = array<i32>} : memref<26x128xi32, #tpu.memory_space<vmem>>, vector<16xi32>,
      tpu.vector_store %arg9[%swap3A_711, %swap3A_712], %sub3A_709 {strides = array<i32>} : memref<26x128xi32, #tpu.memory_space<vmem>>, vector<16xi32>,
      %mul3A_714 = arith.constant 128 : i32
      %mul3A_715 = arith.muli %scan3A_14, %mul3A_714 : i32
      %add3A_716 = arith.constant 112 : i32
      %add3A_717 = arith.addi %mul3A_715, %add3A_716 : i32
      %mul3A_718 = arith.constant 26 : i32
      %mul3A_719 = arith.muli %add3A_717, %mul3A_718 : i32
      %add3A_720 = arith.constant 4 : i32
      %add3A_721 = arith.addi %mul3A_719, %add3A_720 : i32
      %add3A_722 = vector.broadcast %add3A_721 : i32 to vector<16xi32>
      %add3A_723 = arith.addi %mul3A_9, %add3A_722 : vector<16xi32>
      %gather3A_724 = tpu.vector_load_idx %arg8[%add3A_723] : memref<13312xi32, #tpu.memory_space<vmem>>[vector<16xi32>], vector<16xi32>,
      %sub3A_725 = arith.constant 400000 : i32
      %sub3A_726 = vector.broadcast %sub3A_725 : i32 to vector<16xi32>
      %sub3A_727 = arith.subi %gather3A_724, %sub3A_726 : vector<16xi32>
      %swap3A_728 = arith.constant 4 : i32
      %swap3A_729 = arith.index_cast %swap3A_728 : i32 to index
      %swap3A_730 = arith.constant 112 : index
      %swap3A_731 = tpu.vector_load %arg9[%swap3A_729, %swap3A_730] {strides = array<i32>} : memref<26x128xi32, #tpu.memory_space<vmem>>, vector<16xi32>,
      tpu.vector_store %arg9[%swap3A_729, %swap3A_730], %sub3A_727 {strides = array<i32>} : memref<26x128xi32, #tpu.memory_space<vmem>>, vector<16xi32>,
      %mul3A_732 = arith.constant 128 : i32
      %mul3A_733 = arith.muli %scan3A_14, %mul3A_732 : i32
      %add3A_734 = arith.constant 0 : i32
      %add3A_735 = arith.addi %mul3A_733, %add3A_734 : i32
      %mul3A_736 = arith.constant 26 : i32
      %mul3A_737 = arith.muli %add3A_735, %mul3A_736 : i32
      %add3A_738 = arith.constant 5 : i32
      %add3A_739 = arith.addi %mul3A_737, %add3A_738 : i32
      %add3A_740 = vector.broadcast %add3A_739 : i32 to vector<16xi32>
      %add3A_741 = arith.addi %mul3A_9, %add3A_740 : vector<16xi32>
      %gather3A_742 = tpu.vector_load_idx %arg8[%add3A_741] : memref<13312xi32, #tpu.memory_space<vmem>>[vector<16xi32>], vector<16xi32>,
      %sub3A_743 = arith.constant 500000 : i32
      %sub3A_744 = vector.broadcast %sub3A_743 : i32 to vector<16xi32>
      %sub3A_745 = arith.subi %gather3A_742, %sub3A_744 : vector<16xi32>
      %swap3A_746 = arith.constant 5 : i32
      %swap3A_747 = arith.index_cast %swap3A_746 : i32 to index
      %swap3A_748 = arith.constant 0 : index
      %swap3A_749 = tpu.vector_load %arg9[%swap3A_747, %swap3A_748] {strides = array<i32>} : memref<26x128xi32, #tpu.memory_space<vmem>>, vector<16xi32>,
      tpu.vector_store %arg9[%swap3A_747, %swap3A_748], %sub3A_745 {strides = array<i32>} : memref<26x128xi32, #tpu.memory_space<vmem>>, vector<16xi32>,
      %mul3A_750 = arith.constant 128 : i32
      %mul3A_751 = arith.muli %scan3A_14, %mul3A_750 : i32
      %add3A_752 = arith.constant 16 : i32
      %add3A_753 = arith.addi %mul3A_751, %add3A_752 : i32
      %mul3A_754 = arith.constant 26 : i32
      %mul3A_755 = arith.muli %add3A_753, %mul3A_754 : i32
      %add3A_756 = arith.constant 5 : i32
      %add3A_757 = arith.addi %mul3A_755, %add3A_756 : i32
      %add3A_758 = vector.broadcast %add3A_757 : i32 to vector<16xi32>
      %add3A_759 = arith.addi %mul3A_9, %add3A_758 : vector<16xi32>
      %gather3A_760 = tpu.vector_load_idx %arg8[%add3A_759] : memref<13312xi32, #tpu.memory_space<vmem>>[vector<16xi32>], vector<16xi32>,
      %sub3A_761 = arith.constant 500000 : i32
      %sub3A_762 = vector.broadcast %sub3A_761 : i32 to vector<16xi32>
      %sub3A_763 = arith.subi %gather3A_760, %sub3A_762 : vector<16xi32>
      %swap3A_764 = arith.constant 5 : i32
      %swap3A_765 = arith.index_cast %swap3A_764 : i32 to index
      %swap3A_766 = arith.constant 16 : index
      %swap3A_767 = tpu.vector_load %arg9[%swap3A_765, %swap3A_766] {strides = array<i32>} : memref<26x128xi32, #tpu.memory_space<vmem>>, vector<16xi32>,
      tpu.vector_store %arg9[%swap3A_765, %swap3A_766], %sub3A_763 {strides = array<i32>} : memref<26x128xi32, #tpu.memory_space<vmem>>, vector<16xi32>,
      %mul3A_768 = arith.constant 128 : i32
      %mul3A_769 = arith.muli %scan3A_14, %mul3A_768 : i32
      %add3A_770 = arith.constant 32 : i32
      %add3A_771 = arith.addi %mul3A_769, %add3A_770 : i32
      %mul3A_772 = arith.constant 26 : i32
      %mul3A_773 = arith.muli %add3A_771, %mul3A_772 : i32
      %add3A_774 = arith.constant 5 : i32
      %add3A_775 = arith.addi %mul3A_773, %add3A_774 : i32
      %add3A_776 = vector.broadcast %add3A_775 : i32 to vector<16xi32>
      %add3A_777 = arith.addi %mul3A_9, %add3A_776 : vector<16xi32>
      %gather3A_778 = tpu.vector_load_idx %arg8[%add3A_777] : memref<13312xi32, #tpu.memory_space<vmem>>[vector<16xi32>], vector<16xi32>,
      %sub3A_779 = arith.constant 500000 : i32
      %sub3A_780 = vector.broadcast %sub3A_779 : i32 to vector<16xi32>
      %sub3A_781 = arith.subi %gather3A_778, %sub3A_780 : vector<16xi32>
      %swap3A_782 = arith.constant 5 : i32
      %swap3A_783 = arith.index_cast %swap3A_782 : i32 to index
      %swap3A_784 = arith.constant 32 : index
      %swap3A_785 = tpu.vector_load %arg9[%swap3A_783, %swap3A_784] {strides = array<i32>} : memref<26x128xi32, #tpu.memory_space<vmem>>, vector<16xi32>,
      tpu.vector_store %arg9[%swap3A_783, %swap3A_784], %sub3A_781 {strides = array<i32>} : memref<26x128xi32, #tpu.memory_space<vmem>>, vector<16xi32>,
      %mul3A_786 = arith.constant 128 : i32
      %mul3A_787 = arith.muli %scan3A_14, %mul3A_786 : i32
      %add3A_788 = arith.constant 48 : i32
      %add3A_789 = arith.addi %mul3A_787, %add3A_788 : i32
      %mul3A_790 = arith.constant 26 : i32
      %mul3A_791 = arith.muli %add3A_789, %mul3A_790 : i32
      %add3A_792 = arith.constant 5 : i32
      %add3A_793 = arith.addi %mul3A_791, %add3A_792 : i32
      %add3A_794 = vector.broadcast %add3A_793 : i32 to vector<16xi32>
      %add3A_795 = arith.addi %mul3A_9, %add3A_794 : vector<16xi32>
      %gather3A_796 = tpu.vector_load_idx %arg8[%add3A_795] : memref<13312xi32, #tpu.memory_space<vmem>>[vector<16xi32>], vector<16xi32>,
      %sub3A_797 = arith.constant 500000 : i32
      %sub3A_798 = vector.broadcast %sub3A_797 : i32 to vector<16xi32>
      %sub3A_799 = arith.subi %gather3A_796, %sub3A_798 : vector<16xi32>
      %swap3A_800 = arith.constant 5 : i32
      %swap3A_801 = arith.index_cast %swap3A_800 : i32 to index
      %swap3A_802 = arith.constant 48 : index
      %swap3A_803 = tpu.vector_load %arg9[%swap3A_801, %swap3A_802] {strides = array<i32>} : memref<26x128xi32, #tpu.memory_space<vmem>>, vector<16xi32>,
      tpu.vector_store %arg9[%swap3A_801, %swap3A_802], %sub3A_799 {strides = array<i32>} : memref<26x128xi32, #tpu.memory_space<vmem>>, vector<16xi32>,
      %mul3A_804 = arith.constant 128 : i32
      %mul3A_805 = arith.muli %scan3A_14, %mul3A_804 : i32
      %add3A_806 = arith.constant 64 : i32
      %add3A_807 = arith.addi %mul3A_805, %add3A_806 : i32
      %mul3A_808 = arith.constant 26 : i32
      %mul3A_809 = arith.muli %add3A_807, %mul3A_808 : i32
      %add3A_810 = arith.constant 5 : i32
      %add3A_811 = arith.addi %mul3A_809, %add3A_810 : i32
      %add3A_812 = vector.broadcast %add3A_811 : i32 to vector<16xi32>
      %add3A_813 = arith.addi %mul3A_9, %add3A_812 : vector<16xi32>
      %gather3A_814 = tpu.vector_load_idx %arg8[%add3A_813] : memref<13312xi32, #tpu.memory_space<vmem>>[vector<16xi32>], vector<16xi32>,
      %sub3A_815 = arith.constant 500000 : i32
      %sub3A_816 = vector.broadcast %sub3A_815 : i32 to vector<16xi32>
      %sub3A_817 = arith.subi %gather3A_814, %sub3A_816 : vector<16xi32>
      %swap3A_818 = arith.constant 5 : i32
      %swap3A_819 = arith.index_cast %swap3A_818 : i32 to index
      %swap3A_820 = arith.constant 64 : index
      %swap3A_821 = tpu.vector_load %arg9[%swap3A_819, %swap3A_820] {strides = array<i32>} : memref<26x128xi32, #tpu.memory_space<vmem>>, vector<16xi32>,
      tpu.vector_store %arg9[%swap3A_819, %swap3A_820], %sub3A_817 {strides = array<i32>} : memref<26x128xi32, #tpu.memory_space<vmem>>, vector<16xi32>,
      %mul3A_822 = arith.constant 128 : i32
      %mul3A_823 = arith.muli %scan3A_14, %mul3A_822 : i32
      %add3A_824 = arith.constant 80 : i32
      %add3A_825 = arith.addi %mul3A_823, %add3A_824 : i32
      %mul3A_826 = arith.constant 26 : i32
      %mul3A_827 = arith.muli %add3A_825, %mul3A_826 : i32
      %add3A_828 = arith.constant 5 : i32
      %add3A_829 = arith.addi %mul3A_827, %add3A_828 : i32
      %add3A_830 = vector.broadcast %add3A_829 : i32 to vector<16xi32>
      %add3A_831 = arith.addi %mul3A_9, %add3A_830 : vector<16xi32>
      %gather3A_832 = tpu.vector_load_idx %arg8[%add3A_831] : memref<13312xi32, #tpu.memory_space<vmem>>[vector<16xi32>], vector<16xi32>,
      %sub3A_833 = arith.constant 500000 : i32
      %sub3A_834 = vector.broadcast %sub3A_833 : i32 to vector<16xi32>
      %sub3A_835 = arith.subi %gather3A_832, %sub3A_834 : vector<16xi32>
      %swap3A_836 = arith.constant 5 : i32
      %swap3A_837 = arith.index_cast %swap3A_836 : i32 to index
      %swap3A_838 = arith.constant 80 : index
      %swap3A_839 = tpu.vector_load %arg9[%swap3A_837, %swap3A_838] {strides = array<i32>} : memref<26x128xi32, #tpu.memory_space<vmem>>, vector<16xi32>,
      tpu.vector_store %arg9[%swap3A_837, %swap3A_838], %sub3A_835 {strides = array<i32>} : memref<26x128xi32, #tpu.memory_space<vmem>>, vector<16xi32>,
      %mul3A_840 = arith.constant 128 : i32
      %mul3A_841 = arith.muli %scan3A_14, %mul3A_840 : i32
      %add3A_842 = arith.constant 96 : i32
      %add3A_843 = arith.addi %mul3A_841, %add3A_842 : i32
      %mul3A_844 = arith.constant 26 : i32
      %mul3A_845 = arith.muli %add3A_843, %mul3A_844 : i32
      %add3A_846 = arith.constant 5 : i32
      %add3A_847 = arith.addi %mul3A_845, %add3A_846 : i32
      %add3A_848 = vector.broadcast %add3A_847 : i32 to vector<16xi32>
      %add3A_849 = arith.addi %mul3A_9, %add3A_848 : vector<16xi32>
      %gather3A_850 = tpu.vector_load_idx %arg8[%add3A_849] : memref<13312xi32, #tpu.memory_space<vmem>>[vector<16xi32>], vector<16xi32>,
      %sub3A_851 = arith.constant 500000 : i32
      %sub3A_852 = vector.broadcast %sub3A_851 : i32 to vector<16xi32>
      %sub3A_853 = arith.subi %gather3A_850, %sub3A_852 : vector<16xi32>
      %swap3A_854 = arith.constant 5 : i32
      %swap3A_855 = arith.index_cast %swap3A_854 : i32 to index
      %swap3A_856 = arith.constant 96 : index
      %swap3A_857 = tpu.vector_load %arg9[%swap3A_855, %swap3A_856] {strides = array<i32>} : memref<26x128xi32, #tpu.memory_space<vmem>>, vector<16xi32>,
      tpu.vector_store %arg9[%swap3A_855, %swap3A_856], %sub3A_853 {strides = array<i32>} : memref<26x128xi32, #tpu.memory_space<vmem>>, vector<16xi32>,
      %mul3A_858 = arith.constant 128 : i32
      %mul3A_859 = arith.muli %scan3A_14, %mul3A_858 : i32
      %add3A_860 = arith.constant 112 : i32
      %add3A_861 = arith.addi %mul3A_859, %add3A_860 : i32
      %mul3A_862 = arith.constant 26 : i32
      %mul3A_863 = arith.muli %add3A_861, %mul3A_862 : i32
      %add3A_864 = arith.constant 5 : i32
      %add3A_865 = arith.addi %mul3A_863, %add3A_864 : i32
      %add3A_866 = vector.broadcast %add3A_865 : i32 to vector<16xi32>
      %add3A_867 = arith.addi %mul3A_9, %add3A_866 : vector<16xi32>
      %gather3A_868 = tpu.vector_load_idx %arg8[%add3A_867] : memref<13312xi32, #tpu.memory_space<vmem>>[vector<16xi32>], vector<16xi32>,
      %sub3A_869 = arith.constant 500000 : i32
      %sub3A_870 = vector.broadcast %sub3A_869 : i32 to vector<16xi32>
      %sub3A_871 = arith.subi %gather3A_868, %sub3A_870 : vector<16xi32>
      %swap3A_872 = arith.constant 5 : i32
      %swap3A_873 = arith.index_cast %swap3A_872 : i32 to index
      %swap3A_874 = arith.constant 112 : index
      %swap3A_875 = tpu.vector_load %arg9[%swap3A_873, %swap3A_874] {strides = array<i32>} : memref<26x128xi32, #tpu.memory_space<vmem>>, vector<16xi32>,
      tpu.vector_store %arg9[%swap3A_873, %swap3A_874], %sub3A_871 {strides = array<i32>} : memref<26x128xi32, #tpu.memory_space<vmem>>, vector<16xi32>,
      %mul3A_876 = arith.constant 128 : i32
      %mul3A_877 = arith.muli %scan3A_14, %mul3A_876 : i32
      %add3A_878 = arith.constant 0 : i32
      %add3A_879 = arith.addi %mul3A_877, %add3A_878 : i32
      %mul3A_880 = arith.constant 26 : i32
      %mul3A_881 = arith.muli %add3A_879, %mul3A_880 : i32
      %add3A_882 = arith.constant 6 : i32
      %add3A_883 = arith.addi %mul3A_881, %add3A_882 : i32
      %add3A_884 = vector.broadcast %add3A_883 : i32 to vector<16xi32>
      %add3A_885 = arith.addi %mul3A_9, %add3A_884 : vector<16xi32>
      %gather3A_886 = tpu.vector_load_idx %arg8[%add3A_885] : memref<13312xi32, #tpu.memory_space<vmem>>[vector<16xi32>], vector<16xi32>,
      %sub3A_887 = arith.constant 600000 : i32
      %sub3A_888 = vector.broadcast %sub3A_887 : i32 to vector<16xi32>
      %sub3A_889 = arith.subi %gather3A_886, %sub3A_888 : vector<16xi32>
      %swap3A_890 = arith.constant 6 : i32
      %swap3A_891 = arith.index_cast %swap3A_890 : i32 to index
      %swap3A_892 = arith.constant 0 : index
      %swap3A_893 = tpu.vector_load %arg9[%swap3A_891, %swap3A_892] {strides = array<i32>} : memref<26x128xi32, #tpu.memory_space<vmem>>, vector<16xi32>,
      tpu.vector_store %arg9[%swap3A_891, %swap3A_892], %sub3A_889 {strides = array<i32>} : memref<26x128xi32, #tpu.memory_space<vmem>>, vector<16xi32>,
      %mul3A_894 = arith.constant 128 : i32
      %mul3A_895 = arith.muli %scan3A_14, %mul3A_894 : i32
      %add3A_896 = arith.constant 16 : i32
      %add3A_897 = arith.addi %mul3A_895, %add3A_896 : i32
      %mul3A_898 = arith.constant 26 : i32
      %mul3A_899 = arith.muli %add3A_897, %mul3A_898 : i32
      %add3A_900 = arith.constant 6 : i32
      %add3A_901 = arith.addi %mul3A_899, %add3A_900 : i32
      %add3A_902 = vector.broadcast %add3A_901 : i32 to vector<16xi32>
      %add3A_903 = arith.addi %mul3A_9, %add3A_902 : vector<16xi32>
      %gather3A_904 = tpu.vector_load_idx %arg8[%add3A_903] : memref<13312xi32, #tpu.memory_space<vmem>>[vector<16xi32>], vector<16xi32>,
      %sub3A_905 = arith.constant 600000 : i32
      %sub3A_906 = vector.broadcast %sub3A_905 : i32 to vector<16xi32>
      %sub3A_907 = arith.subi %gather3A_904, %sub3A_906 : vector<16xi32>
      %swap3A_908 = arith.constant 6 : i32
      %swap3A_909 = arith.index_cast %swap3A_908 : i32 to index
      %swap3A_910 = arith.constant 16 : index
      %swap3A_911 = tpu.vector_load %arg9[%swap3A_909, %swap3A_910] {strides = array<i32>} : memref<26x128xi32, #tpu.memory_space<vmem>>, vector<16xi32>,
      tpu.vector_store %arg9[%swap3A_909, %swap3A_910], %sub3A_907 {strides = array<i32>} : memref<26x128xi32, #tpu.memory_space<vmem>>, vector<16xi32>,
      %mul3A_912 = arith.constant 128 : i32
      %mul3A_913 = arith.muli %scan3A_14, %mul3A_912 : i32
      %add3A_914 = arith.constant 32 : i32
      %add3A_915 = arith.addi %mul3A_913, %add3A_914 : i32
      %mul3A_916 = arith.constant 26 : i32
      %mul3A_917 = arith.muli %add3A_915, %mul3A_916 : i32
      %add3A_918 = arith.constant 6 : i32
      %add3A_919 = arith.addi %mul3A_917, %add3A_918 : i32
      %add3A_920 = vector.broadcast %add3A_919 : i32 to vector<16xi32>
      %add3A_921 = arith.addi %mul3A_9, %add3A_920 : vector<16xi32>
      %gather3A_922 = tpu.vector_load_idx %arg8[%add3A_921] : memref<13312xi32, #tpu.memory_space<vmem>>[vector<16xi32>], vector<16xi32>,
      %sub3A_923 = arith.constant 600000 : i32
      %sub3A_924 = vector.broadcast %sub3A_923 : i32 to vector<16xi32>
      %sub3A_925 = arith.subi %gather3A_922, %sub3A_924 : vector<16xi32>
      %swap3A_926 = arith.constant 6 : i32
      %swap3A_927 = arith.index_cast %swap3A_926 : i32 to index
      %swap3A_928 = arith.constant 32 : index
      %swap3A_929 = tpu.vector_load %arg9[%swap3A_927, %swap3A_928] {strides = array<i32>} : memref<26x128xi32, #tpu.memory_space<vmem>>, vector<16xi32>,
      tpu.vector_store %arg9[%swap3A_927, %swap3A_928], %sub3A_925 {strides = array<i32>} : memref<26x128xi32, #tpu.memory_space<vmem>>, vector<16xi32>,
      %mul3A_930 = arith.constant 128 : i32
      %mul3A_931 = arith.muli %scan3A_14, %mul3A_930 : i32
      %add3A_932 = arith.constant 48 : i32
      %add3A_933 = arith.addi %mul3A_931, %add3A_932 : i32
      %mul3A_934 = arith.constant 26 : i32
      %mul3A_935 = arith.muli %add3A_933, %mul3A_934 : i32
      %add3A_936 = arith.constant 6 : i32
      %add3A_937 = arith.addi %mul3A_935, %add3A_936 : i32
      %add3A_938 = vector.broadcast %add3A_937 : i32 to vector<16xi32>
      %add3A_939 = arith.addi %mul3A_9, %add3A_938 : vector<16xi32>
      %gather3A_940 = tpu.vector_load_idx %arg8[%add3A_939] : memref<13312xi32, #tpu.memory_space<vmem>>[vector<16xi32>], vector<16xi32>,
      %sub3A_941 = arith.constant 600000 : i32
      %sub3A_942 = vector.broadcast %sub3A_941 : i32 to vector<16xi32>
      %sub3A_943 = arith.subi %gather3A_940, %sub3A_942 : vector<16xi32>
      %swap3A_944 = arith.constant 6 : i32
      %swap3A_945 = arith.index_cast %swap3A_944 : i32 to index
      %swap3A_946 = arith.constant 48 : index
      %swap3A_947 = tpu.vector_load %arg9[%swap3A_945, %swap3A_946] {strides = array<i32>} : memref<26x128xi32, #tpu.memory_space<vmem>>, vector<16xi32>,
      tpu.vector_store %arg9[%swap3A_945, %swap3A_946], %sub3A_943 {strides = array<i32>} : memref<26x128xi32, #tpu.memory_space<vmem>>, vector<16xi32>,
      %mul3A_948 = arith.constant 128 : i32
      %mul3A_949 = arith.muli %scan3A_14, %mul3A_948 : i32
      %add3A_950 = arith.constant 64 : i32
      %add3A_951 = arith.addi %mul3A_949, %add3A_950 : i32
      %mul3A_952 = arith.constant 26 : i32
      %mul3A_953 = arith.muli %add3A_951, %mul3A_952 : i32
      %add3A_954 = arith.constant 6 : i32
      %add3A_955 = arith.addi %mul3A_953, %add3A_954 : i32
      %add3A_956 = vector.broadcast %add3A_955 : i32 to vector<16xi32>
      %add3A_957 = arith.addi %mul3A_9, %add3A_956 : vector<16xi32>
      %gather3A_958 = tpu.vector_load_idx %arg8[%add3A_957] : memref<13312xi32, #tpu.memory_space<vmem>>[vector<16xi32>], vector<16xi32>,
      %sub3A_959 = arith.constant 600000 : i32
      %sub3A_960 = vector.broadcast %sub3A_959 : i32 to vector<16xi32>
      %sub3A_961 = arith.subi %gather3A_958, %sub3A_960 : vector<16xi32>
      %swap3A_962 = arith.constant 6 : i32
      %swap3A_963 = arith.index_cast %swap3A_962 : i32 to index
      %swap3A_964 = arith.constant 64 : index
      %swap3A_965 = tpu.vector_load %arg9[%swap3A_963, %swap3A_964] {strides = array<i32>} : memref<26x128xi32, #tpu.memory_space<vmem>>, vector<16xi32>,
      tpu.vector_store %arg9[%swap3A_963, %swap3A_964], %sub3A_961 {strides = array<i32>} : memref<26x128xi32, #tpu.memory_space<vmem>>, vector<16xi32>,
      %mul3A_966 = arith.constant 128 : i32
      %mul3A_967 = arith.muli %scan3A_14, %mul3A_966 : i32
      %add3A_968 = arith.constant 80 : i32
      %add3A_969 = arith.addi %mul3A_967, %add3A_968 : i32
      %mul3A_970 = arith.constant 26 : i32
      %mul3A_971 = arith.muli %add3A_969, %mul3A_970 : i32
      %add3A_972 = arith.constant 6 : i32
      %add3A_973 = arith.addi %mul3A_971, %add3A_972 : i32
      %add3A_974 = vector.broadcast %add3A_973 : i32 to vector<16xi32>
      %add3A_975 = arith.addi %mul3A_9, %add3A_974 : vector<16xi32>
      %gather3A_976 = tpu.vector_load_idx %arg8[%add3A_975] : memref<13312xi32, #tpu.memory_space<vmem>>[vector<16xi32>], vector<16xi32>,
      %sub3A_977 = arith.constant 600000 : i32
      %sub3A_978 = vector.broadcast %sub3A_977 : i32 to vector<16xi32>
      %sub3A_979 = arith.subi %gather3A_976, %sub3A_978 : vector<16xi32>
      %swap3A_980 = arith.constant 6 : i32
      %swap3A_981 = arith.index_cast %swap3A_980 : i32 to index
      %swap3A_982 = arith.constant 80 : index
      %swap3A_983 = tpu.vector_load %arg9[%swap3A_981, %swap3A_982] {strides = array<i32>} : memref<26x128xi32, #tpu.memory_space<vmem>>, vector<16xi32>,
      tpu.vector_store %arg9[%swap3A_981, %swap3A_982], %sub3A_979 {strides = array<i32>} : memref<26x128xi32, #tpu.memory_space<vmem>>, vector<16xi32>,
      %mul3A_984 = arith.constant 128 : i32
      %mul3A_985 = arith.muli %scan3A_14, %mul3A_984 : i32
      %add3A_986 = arith.constant 96 : i32
      %add3A_987 = arith.addi %mul3A_985, %add3A_986 : i32
      %mul3A_988 = arith.constant 26 : i32
      %mul3A_989 = arith.muli %add3A_987, %mul3A_988 : i32
      %add3A_990 = arith.constant 6 : i32
      %add3A_991 = arith.addi %mul3A_989, %add3A_990 : i32
      %add3A_992 = vector.broadcast %add3A_991 : i32 to vector<16xi32>
      %add3A_993 = arith.addi %mul3A_9, %add3A_992 : vector<16xi32>
      %gather3A_994 = tpu.vector_load_idx %arg8[%add3A_993] : memref<13312xi32, #tpu.memory_space<vmem>>[vector<16xi32>], vector<16xi32>,
      %sub3A_995 = arith.constant 600000 : i32
      %sub3A_996 = vector.broadcast %sub3A_995 : i32 to vector<16xi32>
      %sub3A_997 = arith.subi %gather3A_994, %sub3A_996 : vector<16xi32>
      %swap3A_998 = arith.constant 6 : i32
      %swap3A_999 = arith.index_cast %swap3A_998 : i32 to index
      %swap3A_1000 = arith.constant 96 : index
      %swap3A_1001 = tpu.vector_load %arg9[%swap3A_999, %swap3A_1000] {strides = array<i32>} : memref<26x128xi32, #tpu.memory_space<vmem>>, vector<16xi32>,
      tpu.vector_store %arg9[%swap3A_999, %swap3A_1000], %sub3A_997 {strides = array<i32>} : memref<26x128xi32, #tpu.memory_space<vmem>>, vector<16xi32>,
      %mul3A_1002 = arith.constant 128 : i32
      %mul3A_1003 = arith.muli %scan3A_14, %mul3A_1002 : i32
      %add3A_1004 = arith.constant 112 : i32
      %add3A_1005 = arith.addi %mul3A_1003, %add3A_1004 : i32
      %mul3A_1006 = arith.constant 26 : i32
      %mul3A_1007 = arith.muli %add3A_1005, %mul3A_1006 : i32
      %add3A_1008 = arith.constant 6 : i32
      %add3A_1009 = arith.addi %mul3A_1007, %add3A_1008 : i32
      %add3A_1010 = vector.broadcast %add3A_1009 : i32 to vector<16xi32>
      %add3A_1011 = arith.addi %mul3A_9, %add3A_1010 : vector<16xi32>
      %gather3A_1012 = tpu.vector_load_idx %arg8[%add3A_1011] : memref<13312xi32, #tpu.memory_space<vmem>>[vector<16xi32>], vector<16xi32>,
      %sub3A_1013 = arith.constant 600000 : i32
      %sub3A_1014 = vector.broadcast %sub3A_1013 : i32 to vector<16xi32>
      %sub3A_1015 = arith.subi %gather3A_1012, %sub3A_1014 : vector<16xi32>
      %swap3A_1016 = arith.constant 6 : i32
      %swap3A_1017 = arith.index_cast %swap3A_1016 : i32 to index
      %swap3A_1018 = arith.constant 112 : index
      %swap3A_1019 = tpu.vector_load %arg9[%swap3A_1017, %swap3A_1018] {strides = array<i32>} : memref<26x128xi32, #tpu.memory_space<vmem>>, vector<16xi32>,
      tpu.vector_store %arg9[%swap3A_1017, %swap3A_1018], %sub3A_1015 {strides = array<i32>} : memref<26x128xi32, #tpu.memory_space<vmem>>, vector<16xi32>,
      %mul3A_1020 = arith.constant 128 : i32
      %mul3A_1021 = arith.muli %scan3A_14, %mul3A_1020 : i32
      %add3A_1022 = arith.constant 0 : i32
      %add3A_1023 = arith.addi %mul3A_1021, %add3A_1022 : i32
      %mul3A_1024 = arith.constant 26 : i32
      %mul3A_1025 = arith.muli %add3A_1023, %mul3A_1024 : i32
      %add3A_1026 = arith.constant 7 : i32
      %add3A_1027 = arith.addi %mul3A_1025, %add3A_1026 : i32
      %add3A_1028 = vector.broadcast %add3A_1027 : i32 to vector<16xi32>
      %add3A_1029 = arith.addi %mul3A_9, %add3A_1028 : vector<16xi32>
      %gather3A_1030 = tpu.vector_load_idx %arg8[%add3A_1029] : memref<13312xi32, #tpu.memory_space<vmem>>[vector<16xi32>], vector<16xi32>,
      %sub3A_1031 = arith.constant 700000 : i32
      %sub3A_1032 = vector.broadcast %sub3A_1031 : i32 to vector<16xi32>
      %sub3A_1033 = arith.subi %gather3A_1030, %sub3A_1032 : vector<16xi32>
      %swap3A_1034 = arith.constant 7 : i32
      %swap3A_1035 = arith.index_cast %swap3A_1034 : i32 to index
      %swap3A_1036 = arith.constant 0 : index
      %swap3A_1037 = tpu.vector_load %arg9[%swap3A_1035, %swap3A_1036] {strides = array<i32>} : memref<26x128xi32, #tpu.memory_space<vmem>>, vector<16xi32>,
      tpu.vector_store %arg9[%swap3A_1035, %swap3A_1036], %sub3A_1033 {strides = array<i32>} : memref<26x128xi32, #tpu.memory_space<vmem>>, vector<16xi32>,
      %mul3A_1038 = arith.constant 128 : i32
      %mul3A_1039 = arith.muli %scan3A_14, %mul3A_1038 : i32
      %add3A_1040 = arith.constant 16 : i32
      %add3A_1041 = arith.addi %mul3A_1039, %add3A_1040 : i32
      %mul3A_1042 = arith.constant 26 : i32
      %mul3A_1043 = arith.muli %add3A_1041, %mul3A_1042 : i32
      %add3A_1044 = arith.constant 7 : i32
      %add3A_1045 = arith.addi %mul3A_1043, %add3A_1044 : i32
      %add3A_1046 = vector.broadcast %add3A_1045 : i32 to vector<16xi32>
      %add3A_1047 = arith.addi %mul3A_9, %add3A_1046 : vector<16xi32>
      %gather3A_1048 = tpu.vector_load_idx %arg8[%add3A_1047] : memref<13312xi32, #tpu.memory_space<vmem>>[vector<16xi32>], vector<16xi32>,
      %sub3A_1049 = arith.constant 700000 : i32
      %sub3A_1050 = vector.broadcast %sub3A_1049 : i32 to vector<16xi32>
      %sub3A_1051 = arith.subi %gather3A_1048, %sub3A_1050 : vector<16xi32>
      %swap3A_1052 = arith.constant 7 : i32
      %swap3A_1053 = arith.index_cast %swap3A_1052 : i32 to index
      %swap3A_1054 = arith.constant 16 : index
      %swap3A_1055 = tpu.vector_load %arg9[%swap3A_1053, %swap3A_1054] {strides = array<i32>} : memref<26x128xi32, #tpu.memory_space<vmem>>, vector<16xi32>,
      tpu.vector_store %arg9[%swap3A_1053, %swap3A_1054], %sub3A_1051 {strides = array<i32>} : memref<26x128xi32, #tpu.memory_space<vmem>>, vector<16xi32>,
      %mul3A_1056 = arith.constant 128 : i32
      %mul3A_1057 = arith.muli %scan3A_14, %mul3A_1056 : i32
      %add3A_1058 = arith.constant 32 : i32
      %add3A_1059 = arith.addi %mul3A_1057, %add3A_1058 : i32
      %mul3A_1060 = arith.constant 26 : i32
      %mul3A_1061 = arith.muli %add3A_1059, %mul3A_1060 : i32
      %add3A_1062 = arith.constant 7 : i32
      %add3A_1063 = arith.addi %mul3A_1061, %add3A_1062 : i32
      %add3A_1064 = vector.broadcast %add3A_1063 : i32 to vector<16xi32>
      %add3A_1065 = arith.addi %mul3A_9, %add3A_1064 : vector<16xi32>
      %gather3A_1066 = tpu.vector_load_idx %arg8[%add3A_1065] : memref<13312xi32, #tpu.memory_space<vmem>>[vector<16xi32>], vector<16xi32>,
      %sub3A_1067 = arith.constant 700000 : i32
      %sub3A_1068 = vector.broadcast %sub3A_1067 : i32 to vector<16xi32>
      %sub3A_1069 = arith.subi %gather3A_1066, %sub3A_1068 : vector<16xi32>
      %swap3A_1070 = arith.constant 7 : i32
      %swap3A_1071 = arith.index_cast %swap3A_1070 : i32 to index
      %swap3A_1072 = arith.constant 32 : index
      %swap3A_1073 = tpu.vector_load %arg9[%swap3A_1071, %swap3A_1072] {strides = array<i32>} : memref<26x128xi32, #tpu.memory_space<vmem>>, vector<16xi32>,
      tpu.vector_store %arg9[%swap3A_1071, %swap3A_1072], %sub3A_1069 {strides = array<i32>} : memref<26x128xi32, #tpu.memory_space<vmem>>, vector<16xi32>,
      %mul3A_1074 = arith.constant 128 : i32
      %mul3A_1075 = arith.muli %scan3A_14, %mul3A_1074 : i32
      %add3A_1076 = arith.constant 48 : i32
      %add3A_1077 = arith.addi %mul3A_1075, %add3A_1076 : i32
      %mul3A_1078 = arith.constant 26 : i32
      %mul3A_1079 = arith.muli %add3A_1077, %mul3A_1078 : i32
      %add3A_1080 = arith.constant 7 : i32
      %add3A_1081 = arith.addi %mul3A_1079, %add3A_1080 : i32
      %add3A_1082 = vector.broadcast %add3A_1081 : i32 to vector<16xi32>
      %add3A_1083 = arith.addi %mul3A_9, %add3A_1082 : vector<16xi32>
      %gather3A_1084 = tpu.vector_load_idx %arg8[%add3A_1083] : memref<13312xi32, #tpu.memory_space<vmem>>[vector<16xi32>], vector<16xi32>,
      %sub3A_1085 = arith.constant 700000 : i32
      %sub3A_1086 = vector.broadcast %sub3A_1085 : i32 to vector<16xi32>
      %sub3A_1087 = arith.subi %gather3A_1084, %sub3A_1086 : vector<16xi32>
      %swap3A_1088 = arith.constant 7 : i32
      %swap3A_1089 = arith.index_cast %swap3A_1088 : i32 to index
      %swap3A_1090 = arith.constant 48 : index
      %swap3A_1091 = tpu.vector_load %arg9[%swap3A_1089, %swap3A_1090] {strides = array<i32>} : memref<26x128xi32, #tpu.memory_space<vmem>>, vector<16xi32>,
      tpu.vector_store %arg9[%swap3A_1089, %swap3A_1090], %sub3A_1087 {strides = array<i32>} : memref<26x128xi32, #tpu.memory_space<vmem>>, vector<16xi32>,
      %mul3A_1092 = arith.constant 128 : i32
      %mul3A_1093 = arith.muli %scan3A_14, %mul3A_1092 : i32
      %add3A_1094 = arith.constant 64 : i32
      %add3A_1095 = arith.addi %mul3A_1093, %add3A_1094 : i32
      %mul3A_1096 = arith.constant 26 : i32
      %mul3A_1097 = arith.muli %add3A_1095, %mul3A_1096 : i32
      %add3A_1098 = arith.constant 7 : i32
      %add3A_1099 = arith.addi %mul3A_1097, %add3A_1098 : i32
      %add3A_1100 = vector.broadcast %add3A_1099 : i32 to vector<16xi32>
      %add3A_1101 = arith.addi %mul3A_9, %add3A_1100 : vector<16xi32>
      %gather3A_1102 = tpu.vector_load_idx %arg8[%add3A_1101] : memref<13312xi32, #tpu.memory_space<vmem>>[vector<16xi32>], vector<16xi32>,
      %sub3A_1103 = arith.constant 700000 : i32
      %sub3A_1104 = vector.broadcast %sub3A_1103 : i32 to vector<16xi32>
      %sub3A_1105 = arith.subi %gather3A_1102, %sub3A_1104 : vector<16xi32>
      %swap3A_1106 = arith.constant 7 : i32
      %swap3A_1107 = arith.index_cast %swap3A_1106 : i32 to index
      %swap3A_1108 = arith.constant 64 : index
      %swap3A_1109 = tpu.vector_load %arg9[%swap3A_1107, %swap3A_1108] {strides = array<i32>} : memref<26x128xi32, #tpu.memory_space<vmem>>, vector<16xi32>,
      tpu.vector_store %arg9[%swap3A_1107, %swap3A_1108], %sub3A_1105 {strides = array<i32>} : memref<26x128xi32, #tpu.memory_space<vmem>>, vector<16xi32>,
      %mul3A_1110 = arith.constant 128 : i32
      %mul3A_1111 = arith.muli %scan3A_14, %mul3A_1110 : i32
      %add3A_1112 = arith.constant 80 : i32
      %add3A_1113 = arith.addi %mul3A_1111, %add3A_1112 : i32
      %mul3A_1114 = arith.constant 26 : i32
      %mul3A_1115 = arith.muli %add3A_1113, %mul3A_1114 : i32
      %add3A_1116 = arith.constant 7 : i32
      %add3A_1117 = arith.addi %mul3A_1115, %add3A_1116 : i32
      %add3A_1118 = vector.broadcast %add3A_1117 : i32 to vector<16xi32>
      %add3A_1119 = arith.addi %mul3A_9, %add3A_1118 : vector<16xi32>
      %gather3A_1120 = tpu.vector_load_idx %arg8[%add3A_1119] : memref<13312xi32, #tpu.memory_space<vmem>>[vector<16xi32>], vector<16xi32>,
      %sub3A_1121 = arith.constant 700000 : i32
      %sub3A_1122 = vector.broadcast %sub3A_1121 : i32 to vector<16xi32>
      %sub3A_1123 = arith.subi %gather3A_1120, %sub3A_1122 : vector<16xi32>
      %swap3A_1124 = arith.constant 7 : i32
      %swap3A_1125 = arith.index_cast %swap3A_1124 : i32 to index
      %swap3A_1126 = arith.constant 80 : index
      %swap3A_1127 = tpu.vector_load %arg9[%swap3A_1125, %swap3A_1126] {strides = array<i32>} : memref<26x128xi32, #tpu.memory_space<vmem>>, vector<16xi32>,
      tpu.vector_store %arg9[%swap3A_1125, %swap3A_1126], %sub3A_1123 {strides = array<i32>} : memref<26x128xi32, #tpu.memory_space<vmem>>, vector<16xi32>,
      %mul3A_1128 = arith.constant 128 : i32
      %mul3A_1129 = arith.muli %scan3A_14, %mul3A_1128 : i32
      %add3A_1130 = arith.constant 96 : i32
      %add3A_1131 = arith.addi %mul3A_1129, %add3A_1130 : i32
      %mul3A_1132 = arith.constant 26 : i32
      %mul3A_1133 = arith.muli %add3A_1131, %mul3A_1132 : i32
      %add3A_1134 = arith.constant 7 : i32
      %add3A_1135 = arith.addi %mul3A_1133, %add3A_1134 : i32
      %add3A_1136 = vector.broadcast %add3A_1135 : i32 to vector<16xi32>
      %add3A_1137 = arith.addi %mul3A_9, %add3A_1136 : vector<16xi32>
      %gather3A_1138 = tpu.vector_load_idx %arg8[%add3A_1137] : memref<13312xi32, #tpu.memory_space<vmem>>[vector<16xi32>], vector<16xi32>,
      %sub3A_1139 = arith.constant 700000 : i32
      %sub3A_1140 = vector.broadcast %sub3A_1139 : i32 to vector<16xi32>
      %sub3A_1141 = arith.subi %gather3A_1138, %sub3A_1140 : vector<16xi32>
      %swap3A_1142 = arith.constant 7 : i32
      %swap3A_1143 = arith.index_cast %swap3A_1142 : i32 to index
      %swap3A_1144 = arith.constant 96 : index
      %swap3A_1145 = tpu.vector_load %arg9[%swap3A_1143, %swap3A_1144] {strides = array<i32>} : memref<26x128xi32, #tpu.memory_space<vmem>>, vector<16xi32>,
      tpu.vector_store %arg9[%swap3A_1143, %swap3A_1144], %sub3A_1141 {strides = array<i32>} : memref<26x128xi32, #tpu.memory_space<vmem>>, vector<16xi32>,
      %mul3A_1146 = arith.constant 128 : i32
      %mul3A_1147 = arith.muli %scan3A_14, %mul3A_1146 : i32
      %add3A_1148 = arith.constant 112 : i32
      %add3A_1149 = arith.addi %mul3A_1147, %add3A_1148 : i32
      %mul3A_1150 = arith.constant 26 : i32
      %mul3A_1151 = arith.muli %add3A_1149, %mul3A_1150 : i32
      %add3A_1152 = arith.constant 7 : i32
      %add3A_1153 = arith.addi %mul3A_1151, %add3A_1152 : i32
      %add3A_1154 = vector.broadcast %add3A_1153 : i32 to vector<16xi32>
      %add3A_1155 = arith.addi %mul3A_9, %add3A_1154 : vector<16xi32>
      %gather3A_1156 = tpu.vector_load_idx %arg8[%add3A_1155] : memref<13312xi32, #tpu.memory_space<vmem>>[vector<16xi32>], vector<16xi32>,
      %sub3A_1157 = arith.constant 700000 : i32
      %sub3A_1158 = vector.broadcast %sub3A_1157 : i32 to vector<16xi32>
      %sub3A_1159 = arith.subi %gather3A_1156, %sub3A_1158 : vector<16xi32>
      %swap3A_1160 = arith.constant 7 : i32
      %swap3A_1161 = arith.index_cast %swap3A_1160 : i32 to index
      %swap3A_1162 = arith.constant 112 : index
      %swap3A_1163 = tpu.vector_load %arg9[%swap3A_1161, %swap3A_1162] {strides = array<i32>} : memref<26x128xi32, #tpu.memory_space<vmem>>, vector<16xi32>,
      tpu.vector_store %arg9[%swap3A_1161, %swap3A_1162], %sub3A_1159 {strides = array<i32>} : memref<26x128xi32, #tpu.memory_space<vmem>>, vector<16xi32>,
      %mul3A_1164 = arith.constant 128 : i32
      %mul3A_1165 = arith.muli %scan3A_14, %mul3A_1164 : i32
      %add3A_1166 = arith.constant 0 : i32
      %add3A_1167 = arith.addi %mul3A_1165, %add3A_1166 : i32
      %mul3A_1168 = arith.constant 26 : i32
      %mul3A_1169 = arith.muli %add3A_1167, %mul3A_1168 : i32
      %add3A_1170 = arith.constant 8 : i32
      %add3A_1171 = arith.addi %mul3A_1169, %add3A_1170 : i32
      %add3A_1172 = vector.broadcast %add3A_1171 : i32 to vector<16xi32>
      %add3A_1173 = arith.addi %mul3A_9, %add3A_1172 : vector<16xi32>
      %gather3A_1174 = tpu.vector_load_idx %arg8[%add3A_1173] : memref<13312xi32, #tpu.memory_space<vmem>>[vector<16xi32>], vector<16xi32>,
      %sub3A_1175 = arith.constant 800000 : i32
      %sub3A_1176 = vector.broadcast %sub3A_1175 : i32 to vector<16xi32>
      %sub3A_1177 = arith.subi %gather3A_1174, %sub3A_1176 : vector<16xi32>
      %swap3A_1178 = arith.constant 8 : i32
      %swap3A_1179 = arith.index_cast %swap3A_1178 : i32 to index
      %swap3A_1180 = arith.constant 0 : index
      %swap3A_1181 = tpu.vector_load %arg9[%swap3A_1179, %swap3A_1180] {strides = array<i32>} : memref<26x128xi32, #tpu.memory_space<vmem>>, vector<16xi32>,
      tpu.vector_store %arg9[%swap3A_1179, %swap3A_1180], %sub3A_1177 {strides = array<i32>} : memref<26x128xi32, #tpu.memory_space<vmem>>, vector<16xi32>,
      %mul3A_1182 = arith.constant 128 : i32
      %mul3A_1183 = arith.muli %scan3A_14, %mul3A_1182 : i32
      %add3A_1184 = arith.constant 16 : i32
      %add3A_1185 = arith.addi %mul3A_1183, %add3A_1184 : i32
      %mul3A_1186 = arith.constant 26 : i32
      %mul3A_1187 = arith.muli %add3A_1185, %mul3A_1186 : i32
      %add3A_1188 = arith.constant 8 : i32
      %add3A_1189 = arith.addi %mul3A_1187, %add3A_1188 : i32
      %add3A_1190 = vector.broadcast %add3A_1189 : i32 to vector<16xi32>
      %add3A_1191 = arith.addi %mul3A_9, %add3A_1190 : vector<16xi32>
      %gather3A_1192 = tpu.vector_load_idx %arg8[%add3A_1191] : memref<13312xi32, #tpu.memory_space<vmem>>[vector<16xi32>], vector<16xi32>,
      %sub3A_1193 = arith.constant 800000 : i32
      %sub3A_1194 = vector.broadcast %sub3A_1193 : i32 to vector<16xi32>
      %sub3A_1195 = arith.subi %gather3A_1192, %sub3A_1194 : vector<16xi32>
      %swap3A_1196 = arith.constant 8 : i32
      %swap3A_1197 = arith.index_cast %swap3A_1196 : i32 to index
      %swap3A_1198 = arith.constant 16 : index
      %swap3A_1199 = tpu.vector_load %arg9[%swap3A_1197, %swap3A_1198] {strides = array<i32>} : memref<26x128xi32, #tpu.memory_space<vmem>>, vector<16xi32>,
      tpu.vector_store %arg9[%swap3A_1197, %swap3A_1198], %sub3A_1195 {strides = array<i32>} : memref<26x128xi32, #tpu.memory_space<vmem>>, vector<16xi32>,
      %mul3A_1200 = arith.constant 128 : i32
      %mul3A_1201 = arith.muli %scan3A_14, %mul3A_1200 : i32
      %add3A_1202 = arith.constant 32 : i32
      %add3A_1203 = arith.addi %mul3A_1201, %add3A_1202 : i32
      %mul3A_1204 = arith.constant 26 : i32
      %mul3A_1205 = arith.muli %add3A_1203, %mul3A_1204 : i32
      %add3A_1206 = arith.constant 8 : i32
      %add3A_1207 = arith.addi %mul3A_1205, %add3A_1206 : i32
      %add3A_1208 = vector.broadcast %add3A_1207 : i32 to vector<16xi32>
      %add3A_1209 = arith.addi %mul3A_9, %add3A_1208 : vector<16xi32>
      %gather3A_1210 = tpu.vector_load_idx %arg8[%add3A_1209] : memref<13312xi32, #tpu.memory_space<vmem>>[vector<16xi32>], vector<16xi32>,
      %sub3A_1211 = arith.constant 800000 : i32
      %sub3A_1212 = vector.broadcast %sub3A_1211 : i32 to vector<16xi32>
      %sub3A_1213 = arith.subi %gather3A_1210, %sub3A_1212 : vector<16xi32>
      %swap3A_1214 = arith.constant 8 : i32
      %swap3A_1215 = arith.index_cast %swap3A_1214 : i32 to index
      %swap3A_1216 = arith.constant 32 : index
      %swap3A_1217 = tpu.vector_load %arg9[%swap3A_1215, %swap3A_1216] {strides = array<i32>} : memref<26x128xi32, #tpu.memory_space<vmem>>, vector<16xi32>,
      tpu.vector_store %arg9[%swap3A_1215, %swap3A_1216], %sub3A_1213 {strides = array<i32>} : memref<26x128xi32, #tpu.memory_space<vmem>>, vector<16xi32>,
      %mul3A_1218 = arith.constant 128 : i32
      %mul3A_1219 = arith.muli %scan3A_14, %mul3A_1218 : i32
      %add3A_1220 = arith.constant 48 : i32
      %add3A_1221 = arith.addi %mul3A_1219, %add3A_1220 : i32
      %mul3A_1222 = arith.constant 26 : i32
      %mul3A_1223 = arith.muli %add3A_1221, %mul3A_1222 : i32
      %add3A_1224 = arith.constant 8 : i32
      %add3A_1225 = arith.addi %mul3A_1223, %add3A_1224 : i32
      %add3A_1226 = vector.broadcast %add3A_1225 : i32 to vector<16xi32>
      %add3A_1227 = arith.addi %mul3A_9, %add3A_1226 : vector<16xi32>
      %gather3A_1228 = tpu.vector_load_idx %arg8[%add3A_1227] : memref<13312xi32, #tpu.memory_space<vmem>>[vector<16xi32>], vector<16xi32>,
      %sub3A_1229 = arith.constant 800000 : i32
      %sub3A_1230 = vector.broadcast %sub3A_1229 : i32 to vector<16xi32>
      %sub3A_1231 = arith.subi %gather3A_1228, %sub3A_1230 : vector<16xi32>
      %swap3A_1232 = arith.constant 8 : i32
      %swap3A_1233 = arith.index_cast %swap3A_1232 : i32 to index
      %swap3A_1234 = arith.constant 48 : index
      %swap3A_1235 = tpu.vector_load %arg9[%swap3A_1233, %swap3A_1234] {strides = array<i32>} : memref<26x128xi32, #tpu.memory_space<vmem>>, vector<16xi32>,
      tpu.vector_store %arg9[%swap3A_1233, %swap3A_1234], %sub3A_1231 {strides = array<i32>} : memref<26x128xi32, #tpu.memory_space<vmem>>, vector<16xi32>,
      %mul3A_1236 = arith.constant 128 : i32
      %mul3A_1237 = arith.muli %scan3A_14, %mul3A_1236 : i32
      %add3A_1238 = arith.constant 64 : i32
      %add3A_1239 = arith.addi %mul3A_1237, %add3A_1238 : i32
      %mul3A_1240 = arith.constant 26 : i32
      %mul3A_1241 = arith.muli %add3A_1239, %mul3A_1240 : i32
      %add3A_1242 = arith.constant 8 : i32
      %add3A_1243 = arith.addi %mul3A_1241, %add3A_1242 : i32
      %add3A_1244 = vector.broadcast %add3A_1243 : i32 to vector<16xi32>
      %add3A_1245 = arith.addi %mul3A_9, %add3A_1244 : vector<16xi32>
      %gather3A_1246 = tpu.vector_load_idx %arg8[%add3A_1245] : memref<13312xi32, #tpu.memory_space<vmem>>[vector<16xi32>], vector<16xi32>,
      %sub3A_1247 = arith.constant 800000 : i32
      %sub3A_1248 = vector.broadcast %sub3A_1247 : i32 to vector<16xi32>
      %sub3A_1249 = arith.subi %gather3A_1246, %sub3A_1248 : vector<16xi32>
      %swap3A_1250 = arith.constant 8 : i32
      %swap3A_1251 = arith.index_cast %swap3A_1250 : i32 to index
      %swap3A_1252 = arith.constant 64 : index
      %swap3A_1253 = tpu.vector_load %arg9[%swap3A_1251, %swap3A_1252] {strides = array<i32>} : memref<26x128xi32, #tpu.memory_space<vmem>>, vector<16xi32>,
      tpu.vector_store %arg9[%swap3A_1251, %swap3A_1252], %sub3A_1249 {strides = array<i32>} : memref<26x128xi32, #tpu.memory_space<vmem>>, vector<16xi32>,
      %mul3A_1254 = arith.constant 128 : i32
      %mul3A_1255 = arith.muli %scan3A_14, %mul3A_1254 : i32
      %add3A_1256 = arith.constant 80 : i32
      %add3A_1257 = arith.addi %mul3A_1255, %add3A_1256 : i32
      %mul3A_1258 = arith.constant 26 : i32
      %mul3A_1259 = arith.muli %add3A_1257, %mul3A_1258 : i32
      %add3A_1260 = arith.constant 8 : i32
      %add3A_1261 = arith.addi %mul3A_1259, %add3A_1260 : i32
      %add3A_1262 = vector.broadcast %add3A_1261 : i32 to vector<16xi32>
      %add3A_1263 = arith.addi %mul3A_9, %add3A_1262 : vector<16xi32>
      %gather3A_1264 = tpu.vector_load_idx %arg8[%add3A_1263] : memref<13312xi32, #tpu.memory_space<vmem>>[vector<16xi32>], vector<16xi32>,
      %sub3A_1265 = arith.constant 800000 : i32
      %sub3A_1266 = vector.broadcast %sub3A_1265 : i32 to vector<16xi32>
      %sub3A_1267 = arith.subi %gather3A_1264, %sub3A_1266 : vector<16xi32>
      %swap3A_1268 = arith.constant 8 : i32
      %swap3A_1269 = arith.index_cast %swap3A_1268 : i32 to index
      %swap3A_1270 = arith.constant 80 : index
      %swap3A_1271 = tpu.vector_load %arg9[%swap3A_1269, %swap3A_1270] {strides = array<i32>} : memref<26x128xi32, #tpu.memory_space<vmem>>, vector<16xi32>,
      tpu.vector_store %arg9[%swap3A_1269, %swap3A_1270], %sub3A_1267 {strides = array<i32>} : memref<26x128xi32, #tpu.memory_space<vmem>>, vector<16xi32>,
      %mul3A_1272 = arith.constant 128 : i32
      %mul3A_1273 = arith.muli %scan3A_14, %mul3A_1272 : i32
      %add3A_1274 = arith.constant 96 : i32
      %add3A_1275 = arith.addi %mul3A_1273, %add3A_1274 : i32
      %mul3A_1276 = arith.constant 26 : i32
      %mul3A_1277 = arith.muli %add3A_1275, %mul3A_1276 : i32
      %add3A_1278 = arith.constant 8 : i32
      %add3A_1279 = arith.addi %mul3A_1277, %add3A_1278 : i32
      %add3A_1280 = vector.broadcast %add3A_1279 : i32 to vector<16xi32>
      %add3A_1281 = arith.addi %mul3A_9, %add3A_1280 : vector<16xi32>
      %gather3A_1282 = tpu.vector_load_idx %arg8[%add3A_1281] : memref<13312xi32, #tpu.memory_space<vmem>>[vector<16xi32>], vector<16xi32>,
      %sub3A_1283 = arith.constant 800000 : i32
      %sub3A_1284 = vector.broadcast %sub3A_1283 : i32 to vector<16xi32>
      %sub3A_1285 = arith.subi %gather3A_1282, %sub3A_1284 : vector<16xi32>
      %swap3A_1286 = arith.constant 8 : i32
      %swap3A_1287 = arith.index_cast %swap3A_1286 : i32 to index
      %swap3A_1288 = arith.constant 96 : index
      %swap3A_1289 = tpu.vector_load %arg9[%swap3A_1287, %swap3A_1288] {strides = array<i32>} : memref<26x128xi32, #tpu.memory_space<vmem>>, vector<16xi32>,
      tpu.vector_store %arg9[%swap3A_1287, %swap3A_1288], %sub3A_1285 {strides = array<i32>} : memref<26x128xi32, #tpu.memory_space<vmem>>, vector<16xi32>,
      %mul3A_1290 = arith.constant 128 : i32
      %mul3A_1291 = arith.muli %scan3A_14, %mul3A_1290 : i32
      %add3A_1292 = arith.constant 112 : i32
      %add3A_1293 = arith.addi %mul3A_1291, %add3A_1292 : i32
      %mul3A_1294 = arith.constant 26 : i32
      %mul3A_1295 = arith.muli %add3A_1293, %mul3A_1294 : i32
      %add3A_1296 = arith.constant 8 : i32
      %add3A_1297 = arith.addi %mul3A_1295, %add3A_1296 : i32
      %add3A_1298 = vector.broadcast %add3A_1297 : i32 to vector<16xi32>
      %add3A_1299 = arith.addi %mul3A_9, %add3A_1298 : vector<16xi32>
      %gather3A_1300 = tpu.vector_load_idx %arg8[%add3A_1299] : memref<13312xi32, #tpu.memory_space<vmem>>[vector<16xi32>], vector<16xi32>,
      %sub3A_1301 = arith.constant 800000 : i32
      %sub3A_1302 = vector.broadcast %sub3A_1301 : i32 to vector<16xi32>
      %sub3A_1303 = arith.subi %gather3A_1300, %sub3A_1302 : vector<16xi32>
      %swap3A_1304 = arith.constant 8 : i32
      %swap3A_1305 = arith.index_cast %swap3A_1304 : i32 to index
      %swap3A_1306 = arith.constant 112 : index
      %swap3A_1307 = tpu.vector_load %arg9[%swap3A_1305, %swap3A_1306] {strides = array<i32>} : memref<26x128xi32, #tpu.memory_space<vmem>>, vector<16xi32>,
      tpu.vector_store %arg9[%swap3A_1305, %swap3A_1306], %sub3A_1303 {strides = array<i32>} : memref<26x128xi32, #tpu.memory_space<vmem>>, vector<16xi32>,
      %mul3A_1308 = arith.constant 128 : i32
      %mul3A_1309 = arith.muli %scan3A_14, %mul3A_1308 : i32
      %add3A_1310 = arith.constant 0 : i32
      %add3A_1311 = arith.addi %mul3A_1309, %add3A_1310 : i32
      %mul3A_1312 = arith.constant 26 : i32
      %mul3A_1313 = arith.muli %add3A_1311, %mul3A_1312 : i32
      %add3A_1314 = arith.constant 9 : i32
      %add3A_1315 = arith.addi %mul3A_1313, %add3A_1314 : i32
      %add3A_1316 = vector.broadcast %add3A_1315 : i32 to vector<16xi32>
      %add3A_1317 = arith.addi %mul3A_9, %add3A_1316 : vector<16xi32>
      %gather3A_1318 = tpu.vector_load_idx %arg8[%add3A_1317] : memref<13312xi32, #tpu.memory_space<vmem>>[vector<16xi32>], vector<16xi32>,
      %sub3A_1319 = arith.constant 900000 : i32
      %sub3A_1320 = vector.broadcast %sub3A_1319 : i32 to vector<16xi32>
      %sub3A_1321 = arith.subi %gather3A_1318, %sub3A_1320 : vector<16xi32>
      %swap3A_1322 = arith.constant 9 : i32
      %swap3A_1323 = arith.index_cast %swap3A_1322 : i32 to index
      %swap3A_1324 = arith.constant 0 : index
      %swap3A_1325 = tpu.vector_load %arg9[%swap3A_1323, %swap3A_1324] {strides = array<i32>} : memref<26x128xi32, #tpu.memory_space<vmem>>, vector<16xi32>,
      tpu.vector_store %arg9[%swap3A_1323, %swap3A_1324], %sub3A_1321 {strides = array<i32>} : memref<26x128xi32, #tpu.memory_space<vmem>>, vector<16xi32>,
      %mul3A_1326 = arith.constant 128 : i32
      %mul3A_1327 = arith.muli %scan3A_14, %mul3A_1326 : i32
      %add3A_1328 = arith.constant 16 : i32
      %add3A_1329 = arith.addi %mul3A_1327, %add3A_1328 : i32
      %mul3A_1330 = arith.constant 26 : i32
      %mul3A_1331 = arith.muli %add3A_1329, %mul3A_1330 : i32
      %add3A_1332 = arith.constant 9 : i32
      %add3A_1333 = arith.addi %mul3A_1331, %add3A_1332 : i32
      %add3A_1334 = vector.broadcast %add3A_1333 : i32 to vector<16xi32>
      %add3A_1335 = arith.addi %mul3A_9, %add3A_1334 : vector<16xi32>
      %gather3A_1336 = tpu.vector_load_idx %arg8[%add3A_1335] : memref<13312xi32, #tpu.memory_space<vmem>>[vector<16xi32>], vector<16xi32>,
      %sub3A_1337 = arith.constant 900000 : i32
      %sub3A_1338 = vector.broadcast %sub3A_1337 : i32 to vector<16xi32>
      %sub3A_1339 = arith.subi %gather3A_1336, %sub3A_1338 : vector<16xi32>
      %swap3A_1340 = arith.constant 9 : i32
      %swap3A_1341 = arith.index_cast %swap3A_1340 : i32 to index
      %swap3A_1342 = arith.constant 16 : index
      %swap3A_1343 = tpu.vector_load %arg9[%swap3A_1341, %swap3A_1342] {strides = array<i32>} : memref<26x128xi32, #tpu.memory_space<vmem>>, vector<16xi32>,
      tpu.vector_store %arg9[%swap3A_1341, %swap3A_1342], %sub3A_1339 {strides = array<i32>} : memref<26x128xi32, #tpu.memory_space<vmem>>, vector<16xi32>,
      %mul3A_1344 = arith.constant 128 : i32
      %mul3A_1345 = arith.muli %scan3A_14, %mul3A_1344 : i32
      %add3A_1346 = arith.constant 32 : i32
      %add3A_1347 = arith.addi %mul3A_1345, %add3A_1346 : i32
      %mul3A_1348 = arith.constant 26 : i32
      %mul3A_1349 = arith.muli %add3A_1347, %mul3A_1348 : i32
      %add3A_1350 = arith.constant 9 : i32
      %add3A_1351 = arith.addi %mul3A_1349, %add3A_1350 : i32
      %add3A_1352 = vector.broadcast %add3A_1351 : i32 to vector<16xi32>
      %add3A_1353 = arith.addi %mul3A_9, %add3A_1352 : vector<16xi32>
      %gather3A_1354 = tpu.vector_load_idx %arg8[%add3A_1353] : memref<13312xi32, #tpu.memory_space<vmem>>[vector<16xi32>], vector<16xi32>,
      %sub3A_1355 = arith.constant 900000 : i32
      %sub3A_1356 = vector.broadcast %sub3A_1355 : i32 to vector<16xi32>
      %sub3A_1357 = arith.subi %gather3A_1354, %sub3A_1356 : vector<16xi32>
      %swap3A_1358 = arith.constant 9 : i32
      %swap3A_1359 = arith.index_cast %swap3A_1358 : i32 to index
      %swap3A_1360 = arith.constant 32 : index
      %swap3A_1361 = tpu.vector_load %arg9[%swap3A_1359, %swap3A_1360] {strides = array<i32>} : memref<26x128xi32, #tpu.memory_space<vmem>>, vector<16xi32>,
      tpu.vector_store %arg9[%swap3A_1359, %swap3A_1360], %sub3A_1357 {strides = array<i32>} : memref<26x128xi32, #tpu.memory_space<vmem>>, vector<16xi32>,
      %mul3A_1362 = arith.constant 128 : i32
      %mul3A_1363 = arith.muli %scan3A_14, %mul3A_1362 : i32
      %add3A_1364 = arith.constant 48 : i32
      %add3A_1365 = arith.addi %mul3A_1363, %add3A_1364 : i32
      %mul3A_1366 = arith.constant 26 : i32
      %mul3A_1367 = arith.muli %add3A_1365, %mul3A_1366 : i32
      %add3A_1368 = arith.constant 9 : i32
      %add3A_1369 = arith.addi %mul3A_1367, %add3A_1368 : i32
      %add3A_1370 = vector.broadcast %add3A_1369 : i32 to vector<16xi32>
      %add3A_1371 = arith.addi %mul3A_9, %add3A_1370 : vector<16xi32>
      %gather3A_1372 = tpu.vector_load_idx %arg8[%add3A_1371] : memref<13312xi32, #tpu.memory_space<vmem>>[vector<16xi32>], vector<16xi32>,
      %sub3A_1373 = arith.constant 900000 : i32
      %sub3A_1374 = vector.broadcast %sub3A_1373 : i32 to vector<16xi32>
      %sub3A_1375 = arith.subi %gather3A_1372, %sub3A_1374 : vector<16xi32>
      %swap3A_1376 = arith.constant 9 : i32
      %swap3A_1377 = arith.index_cast %swap3A_1376 : i32 to index
      %swap3A_1378 = arith.constant 48 : index
      %swap3A_1379 = tpu.vector_load %arg9[%swap3A_1377, %swap3A_1378] {strides = array<i32>} : memref<26x128xi32, #tpu.memory_space<vmem>>, vector<16xi32>,
      tpu.vector_store %arg9[%swap3A_1377, %swap3A_1378], %sub3A_1375 {strides = array<i32>} : memref<26x128xi32, #tpu.memory_space<vmem>>, vector<16xi32>,
      %mul3A_1380 = arith.constant 128 : i32
      %mul3A_1381 = arith.muli %scan3A_14, %mul3A_1380 : i32
      %add3A_1382 = arith.constant 64 : i32
      %add3A_1383 = arith.addi %mul3A_1381, %add3A_1382 : i32
      %mul3A_1384 = arith.constant 26 : i32
      %mul3A_1385 = arith.muli %add3A_1383, %mul3A_1384 : i32
      %add3A_1386 = arith.constant 9 : i32
      %add3A_1387 = arith.addi %mul3A_1385, %add3A_1386 : i32
      %add3A_1388 = vector.broadcast %add3A_1387 : i32 to vector<16xi32>
      %add3A_1389 = arith.addi %mul3A_9, %add3A_1388 : vector<16xi32>
      %gather3A_1390 = tpu.vector_load_idx %arg8[%add3A_1389] : memref<13312xi32, #tpu.memory_space<vmem>>[vector<16xi32>], vector<16xi32>,
      %sub3A_1391 = arith.constant 900000 : i32
      %sub3A_1392 = vector.broadcast %sub3A_1391 : i32 to vector<16xi32>
      %sub3A_1393 = arith.subi %gather3A_1390, %sub3A_1392 : vector<16xi32>
      %swap3A_1394 = arith.constant 9 : i32
      %swap3A_1395 = arith.index_cast %swap3A_1394 : i32 to index
      %swap3A_1396 = arith.constant 64 : index
      %swap3A_1397 = tpu.vector_load %arg9[%swap3A_1395, %swap3A_1396] {strides = array<i32>} : memref<26x128xi32, #tpu.memory_space<vmem>>, vector<16xi32>,
      tpu.vector_store %arg9[%swap3A_1395, %swap3A_1396], %sub3A_1393 {strides = array<i32>} : memref<26x128xi32, #tpu.memory_space<vmem>>, vector<16xi32>,
      %mul3A_1398 = arith.constant 128 : i32
      %mul3A_1399 = arith.muli %scan3A_14, %mul3A_1398 : i32
      %add3A_1400 = arith.constant 80 : i32
      %add3A_1401 = arith.addi %mul3A_1399, %add3A_1400 : i32
      %mul3A_1402 = arith.constant 26 : i32
      %mul3A_1403 = arith.muli %add3A_1401, %mul3A_1402 : i32
      %add3A_1404 = arith.constant 9 : i32
      %add3A_1405 = arith.addi %mul3A_1403, %add3A_1404 : i32
      %add3A_1406 = vector.broadcast %add3A_1405 : i32 to vector<16xi32>
      %add3A_1407 = arith.addi %mul3A_9, %add3A_1406 : vector<16xi32>
      %gather3A_1408 = tpu.vector_load_idx %arg8[%add3A_1407] : memref<13312xi32, #tpu.memory_space<vmem>>[vector<16xi32>], vector<16xi32>,
      %sub3A_1409 = arith.constant 900000 : i32
      %sub3A_1410 = vector.broadcast %sub3A_1409 : i32 to vector<16xi32>
      %sub3A_1411 = arith.subi %gather3A_1408, %sub3A_1410 : vector<16xi32>
      %swap3A_1412 = arith.constant 9 : i32
      %swap3A_1413 = arith.index_cast %swap3A_1412 : i32 to index
      %swap3A_1414 = arith.constant 80 : index
      %swap3A_1415 = tpu.vector_load %arg9[%swap3A_1413, %swap3A_1414] {strides = array<i32>} : memref<26x128xi32, #tpu.memory_space<vmem>>, vector<16xi32>,
      tpu.vector_store %arg9[%swap3A_1413, %swap3A_1414], %sub3A_1411 {strides = array<i32>} : memref<26x128xi32, #tpu.memory_space<vmem>>, vector<16xi32>,
      %mul3A_1416 = arith.constant 128 : i32
      %mul3A_1417 = arith.muli %scan3A_14, %mul3A_1416 : i32
      %add3A_1418 = arith.constant 96 : i32
      %add3A_1419 = arith.addi %mul3A_1417, %add3A_1418 : i32
      %mul3A_1420 = arith.constant 26 : i32
      %mul3A_1421 = arith.muli %add3A_1419, %mul3A_1420 : i32
      %add3A_1422 = arith.constant 9 : i32
      %add3A_1423 = arith.addi %mul3A_1421, %add3A_1422 : i32
      %add3A_1424 = vector.broadcast %add3A_1423 : i32 to vector<16xi32>
      %add3A_1425 = arith.addi %mul3A_9, %add3A_1424 : vector<16xi32>
      %gather3A_1426 = tpu.vector_load_idx %arg8[%add3A_1425] : memref<13312xi32, #tpu.memory_space<vmem>>[vector<16xi32>], vector<16xi32>,
      %sub3A_1427 = arith.constant 900000 : i32
      %sub3A_1428 = vector.broadcast %sub3A_1427 : i32 to vector<16xi32>
      %sub3A_1429 = arith.subi %gather3A_1426, %sub3A_1428 : vector<16xi32>
      %swap3A_1430 = arith.constant 9 : i32
      %swap3A_1431 = arith.index_cast %swap3A_1430 : i32 to index
      %swap3A_1432 = arith.constant 96 : index
      %swap3A_1433 = tpu.vector_load %arg9[%swap3A_1431, %swap3A_1432] {strides = array<i32>} : memref<26x128xi32, #tpu.memory_space<vmem>>, vector<16xi32>,
      tpu.vector_store %arg9[%swap3A_1431, %swap3A_1432], %sub3A_1429 {strides = array<i32>} : memref<26x128xi32, #tpu.memory_space<vmem>>, vector<16xi32>,
      %mul3A_1434 = arith.constant 128 : i32
      %mul3A_1435 = arith.muli %scan3A_14, %mul3A_1434 : i32
      %add3A_1436 = arith.constant 112 : i32
      %add3A_1437 = arith.addi %mul3A_1435, %add3A_1436 : i32
      %mul3A_1438 = arith.constant 26 : i32
      %mul3A_1439 = arith.muli %add3A_1437, %mul3A_1438 : i32
      %add3A_1440 = arith.constant 9 : i32
      %add3A_1441 = arith.addi %mul3A_1439, %add3A_1440 : i32
      %add3A_1442 = vector.broadcast %add3A_1441 : i32 to vector<16xi32>
      %add3A_1443 = arith.addi %mul3A_9, %add3A_1442 : vector<16xi32>
      %gather3A_1444 = tpu.vector_load_idx %arg8[%add3A_1443] : memref<13312xi32, #tpu.memory_space<vmem>>[vector<16xi32>], vector<16xi32>,
      %sub3A_1445 = arith.constant 900000 : i32
      %sub3A_1446 = vector.broadcast %sub3A_1445 : i32 to vector<16xi32>
      %sub3A_1447 = arith.subi %gather3A_1444, %sub3A_1446 : vector<16xi32>
      %swap3A_1448 = arith.constant 9 : i32
      %swap3A_1449 = arith.index_cast %swap3A_1448 : i32 to index
      %swap3A_1450 = arith.constant 112 : index
      %swap3A_1451 = tpu.vector_load %arg9[%swap3A_1449, %swap3A_1450] {strides = array<i32>} : memref<26x128xi32, #tpu.memory_space<vmem>>, vector<16xi32>,
      tpu.vector_store %arg9[%swap3A_1449, %swap3A_1450], %sub3A_1447 {strides = array<i32>} : memref<26x128xi32, #tpu.memory_space<vmem>>, vector<16xi32>,
      %mul3A_1452 = arith.constant 128 : i32
      %mul3A_1453 = arith.muli %scan3A_14, %mul3A_1452 : i32
      %add3A_1454 = arith.constant 0 : i32
      %add3A_1455 = arith.addi %mul3A_1453, %add3A_1454 : i32
      %mul3A_1456 = arith.constant 26 : i32
      %mul3A_1457 = arith.muli %add3A_1455, %mul3A_1456 : i32
      %add3A_1458 = arith.constant 10 : i32
      %add3A_1459 = arith.addi %mul3A_1457, %add3A_1458 : i32
      %add3A_1460 = vector.broadcast %add3A_1459 : i32 to vector<16xi32>
      %add3A_1461 = arith.addi %mul3A_9, %add3A_1460 : vector<16xi32>
      %gather3A_1462 = tpu.vector_load_idx %arg8[%add3A_1461] : memref<13312xi32, #tpu.memory_space<vmem>>[vector<16xi32>], vector<16xi32>,
      %sub3A_1463 = arith.constant 1000000 : i32
      %sub3A_1464 = vector.broadcast %sub3A_1463 : i32 to vector<16xi32>
      %sub3A_1465 = arith.subi %gather3A_1462, %sub3A_1464 : vector<16xi32>
      %swap3A_1466 = arith.constant 10 : i32
      %swap3A_1467 = arith.index_cast %swap3A_1466 : i32 to index
      %swap3A_1468 = arith.constant 0 : index
      %swap3A_1469 = tpu.vector_load %arg9[%swap3A_1467, %swap3A_1468] {strides = array<i32>} : memref<26x128xi32, #tpu.memory_space<vmem>>, vector<16xi32>,
      tpu.vector_store %arg9[%swap3A_1467, %swap3A_1468], %sub3A_1465 {strides = array<i32>} : memref<26x128xi32, #tpu.memory_space<vmem>>, vector<16xi32>,
      %mul3A_1470 = arith.constant 128 : i32
      %mul3A_1471 = arith.muli %scan3A_14, %mul3A_1470 : i32
      %add3A_1472 = arith.constant 16 : i32
      %add3A_1473 = arith.addi %mul3A_1471, %add3A_1472 : i32
      %mul3A_1474 = arith.constant 26 : i32
      %mul3A_1475 = arith.muli %add3A_1473, %mul3A_1474 : i32
      %add3A_1476 = arith.constant 10 : i32
      %add3A_1477 = arith.addi %mul3A_1475, %add3A_1476 : i32
      %add3A_1478 = vector.broadcast %add3A_1477 : i32 to vector<16xi32>
      %add3A_1479 = arith.addi %mul3A_9, %add3A_1478 : vector<16xi32>
      %gather3A_1480 = tpu.vector_load_idx %arg8[%add3A_1479] : memref<13312xi32, #tpu.memory_space<vmem>>[vector<16xi32>], vector<16xi32>,
      %sub3A_1481 = arith.constant 1000000 : i32
      %sub3A_1482 = vector.broadcast %sub3A_1481 : i32 to vector<16xi32>
      %sub3A_1483 = arith.subi %gather3A_1480, %sub3A_1482 : vector<16xi32>
      %swap3A_1484 = arith.constant 10 : i32
      %swap3A_1485 = arith.index_cast %swap3A_1484 : i32 to index
      %swap3A_1486 = arith.constant 16 : index
      %swap3A_1487 = tpu.vector_load %arg9[%swap3A_1485, %swap3A_1486] {strides = array<i32>} : memref<26x128xi32, #tpu.memory_space<vmem>>, vector<16xi32>,
      tpu.vector_store %arg9[%swap3A_1485, %swap3A_1486], %sub3A_1483 {strides = array<i32>} : memref<26x128xi32, #tpu.memory_space<vmem>>, vector<16xi32>,
      %mul3A_1488 = arith.constant 128 : i32
      %mul3A_1489 = arith.muli %scan3A_14, %mul3A_1488 : i32
      %add3A_1490 = arith.constant 32 : i32
      %add3A_1491 = arith.addi %mul3A_1489, %add3A_1490 : i32
      %mul3A_1492 = arith.constant 26 : i32
      %mul3A_1493 = arith.muli %add3A_1491, %mul3A_1492 : i32
      %add3A_1494 = arith.constant 10 : i32
      %add3A_1495 = arith.addi %mul3A_1493, %add3A_1494 : i32
      %add3A_1496 = vector.broadcast %add3A_1495 : i32 to vector<16xi32>
      %add3A_1497 = arith.addi %mul3A_9, %add3A_1496 : vector<16xi32>
      %gather3A_1498 = tpu.vector_load_idx %arg8[%add3A_1497] : memref<13312xi32, #tpu.memory_space<vmem>>[vector<16xi32>], vector<16xi32>,
      %sub3A_1499 = arith.constant 1000000 : i32
      %sub3A_1500 = vector.broadcast %sub3A_1499 : i32 to vector<16xi32>
      %sub3A_1501 = arith.subi %gather3A_1498, %sub3A_1500 : vector<16xi32>
      %swap3A_1502 = arith.constant 10 : i32
      %swap3A_1503 = arith.index_cast %swap3A_1502 : i32 to index
      %swap3A_1504 = arith.constant 32 : index
      %swap3A_1505 = tpu.vector_load %arg9[%swap3A_1503, %swap3A_1504] {strides = array<i32>} : memref<26x128xi32, #tpu.memory_space<vmem>>, vector<16xi32>,
      tpu.vector_store %arg9[%swap3A_1503, %swap3A_1504], %sub3A_1501 {strides = array<i32>} : memref<26x128xi32, #tpu.memory_space<vmem>>, vector<16xi32>,
      %mul3A_1506 = arith.constant 128 : i32
      %mul3A_1507 = arith.muli %scan3A_14, %mul3A_1506 : i32
      %add3A_1508 = arith.constant 48 : i32
      %add3A_1509 = arith.addi %mul3A_1507, %add3A_1508 : i32
      %mul3A_1510 = arith.constant 26 : i32
      %mul3A_1511 = arith.muli %add3A_1509, %mul3A_1510 : i32
      %add3A_1512 = arith.constant 10 : i32
      %add3A_1513 = arith.addi %mul3A_1511, %add3A_1512 : i32
      %add3A_1514 = vector.broadcast %add3A_1513 : i32 to vector<16xi32>
      %add3A_1515 = arith.addi %mul3A_9, %add3A_1514 : vector<16xi32>
      %gather3A_1516 = tpu.vector_load_idx %arg8[%add3A_1515] : memref<13312xi32, #tpu.memory_space<vmem>>[vector<16xi32>], vector<16xi32>,
      %sub3A_1517 = arith.constant 1000000 : i32
      %sub3A_1518 = vector.broadcast %sub3A_1517 : i32 to vector<16xi32>
      %sub3A_1519 = arith.subi %gather3A_1516, %sub3A_1518 : vector<16xi32>
      %swap3A_1520 = arith.constant 10 : i32
      %swap3A_1521 = arith.index_cast %swap3A_1520 : i32 to index
      %swap3A_1522 = arith.constant 48 : index
      %swap3A_1523 = tpu.vector_load %arg9[%swap3A_1521, %swap3A_1522] {strides = array<i32>} : memref<26x128xi32, #tpu.memory_space<vmem>>, vector<16xi32>,
      tpu.vector_store %arg9[%swap3A_1521, %swap3A_1522], %sub3A_1519 {strides = array<i32>} : memref<26x128xi32, #tpu.memory_space<vmem>>, vector<16xi32>,
      %mul3A_1524 = arith.constant 128 : i32
      %mul3A_1525 = arith.muli %scan3A_14, %mul3A_1524 : i32
      %add3A_1526 = arith.constant 64 : i32
      %add3A_1527 = arith.addi %mul3A_1525, %add3A_1526 : i32
      %mul3A_1528 = arith.constant 26 : i32
      %mul3A_1529 = arith.muli %add3A_1527, %mul3A_1528 : i32
      %add3A_1530 = arith.constant 10 : i32
      %add3A_1531 = arith.addi %mul3A_1529, %add3A_1530 : i32
      %add3A_1532 = vector.broadcast %add3A_1531 : i32 to vector<16xi32>
      %add3A_1533 = arith.addi %mul3A_9, %add3A_1532 : vector<16xi32>
      %gather3A_1534 = tpu.vector_load_idx %arg8[%add3A_1533] : memref<13312xi32, #tpu.memory_space<vmem>>[vector<16xi32>], vector<16xi32>,
      %sub3A_1535 = arith.constant 1000000 : i32
      %sub3A_1536 = vector.broadcast %sub3A_1535 : i32 to vector<16xi32>
      %sub3A_1537 = arith.subi %gather3A_1534, %sub3A_1536 : vector<16xi32>
      %swap3A_1538 = arith.constant 10 : i32
      %swap3A_1539 = arith.index_cast %swap3A_1538 : i32 to index
      %swap3A_1540 = arith.constant 64 : index
      %swap3A_1541 = tpu.vector_load %arg9[%swap3A_1539, %swap3A_1540] {strides = array<i32>} : memref<26x128xi32, #tpu.memory_space<vmem>>, vector<16xi32>,
      tpu.vector_store %arg9[%swap3A_1539, %swap3A_1540], %sub3A_1537 {strides = array<i32>} : memref<26x128xi32, #tpu.memory_space<vmem>>, vector<16xi32>,
      %mul3A_1542 = arith.constant 128 : i32
      %mul3A_1543 = arith.muli %scan3A_14, %mul3A_1542 : i32
      %add3A_1544 = arith.constant 80 : i32
      %add3A_1545 = arith.addi %mul3A_1543, %add3A_1544 : i32
      %mul3A_1546 = arith.constant 26 : i32
      %mul3A_1547 = arith.muli %add3A_1545, %mul3A_1546 : i32
      %add3A_1548 = arith.constant 10 : i32
      %add3A_1549 = arith.addi %mul3A_1547, %add3A_1548 : i32
      %add3A_1550 = vector.broadcast %add3A_1549 : i32 to vector<16xi32>
      %add3A_1551 = arith.addi %mul3A_9, %add3A_1550 : vector<16xi32>
      %gather3A_1552 = tpu.vector_load_idx %arg8[%add3A_1551] : memref<13312xi32, #tpu.memory_space<vmem>>[vector<16xi32>], vector<16xi32>,
      %sub3A_1553 = arith.constant 1000000 : i32
      %sub3A_1554 = vector.broadcast %sub3A_1553 : i32 to vector<16xi32>
      %sub3A_1555 = arith.subi %gather3A_1552, %sub3A_1554 : vector<16xi32>
      %swap3A_1556 = arith.constant 10 : i32
      %swap3A_1557 = arith.index_cast %swap3A_1556 : i32 to index
      %swap3A_1558 = arith.constant 80 : index
      %swap3A_1559 = tpu.vector_load %arg9[%swap3A_1557, %swap3A_1558] {strides = array<i32>} : memref<26x128xi32, #tpu.memory_space<vmem>>, vector<16xi32>,
      tpu.vector_store %arg9[%swap3A_1557, %swap3A_1558], %sub3A_1555 {strides = array<i32>} : memref<26x128xi32, #tpu.memory_space<vmem>>, vector<16xi32>,
      %mul3A_1560 = arith.constant 128 : i32
      %mul3A_1561 = arith.muli %scan3A_14, %mul3A_1560 : i32
      %add3A_1562 = arith.constant 96 : i32
      %add3A_1563 = arith.addi %mul3A_1561, %add3A_1562 : i32
      %mul3A_1564 = arith.constant 26 : i32
      %mul3A_1565 = arith.muli %add3A_1563, %mul3A_1564 : i32
      %add3A_1566 = arith.constant 10 : i32
      %add3A_1567 = arith.addi %mul3A_1565, %add3A_1566 : i32
      %add3A_1568 = vector.broadcast %add3A_1567 : i32 to vector<16xi32>
      %add3A_1569 = arith.addi %mul3A_9, %add3A_1568 : vector<16xi32>
      %gather3A_1570 = tpu.vector_load_idx %arg8[%add3A_1569] : memref<13312xi32, #tpu.memory_space<vmem>>[vector<16xi32>], vector<16xi32>,
      %sub3A_1571 = arith.constant 1000000 : i32
      %sub3A_1572 = vector.broadcast %sub3A_1571 : i32 to vector<16xi32>
      %sub3A_1573 = arith.subi %gather3A_1570, %sub3A_1572 : vector<16xi32>
      %swap3A_1574 = arith.constant 10 : i32
      %swap3A_1575 = arith.index_cast %swap3A_1574 : i32 to index
      %swap3A_1576 = arith.constant 96 : index
      %swap3A_1577 = tpu.vector_load %arg9[%swap3A_1575, %swap3A_1576] {strides = array<i32>} : memref<26x128xi32, #tpu.memory_space<vmem>>, vector<16xi32>,
      tpu.vector_store %arg9[%swap3A_1575, %swap3A_1576], %sub3A_1573 {strides = array<i32>} : memref<26x128xi32, #tpu.memory_space<vmem>>, vector<16xi32>,
      %mul3A_1578 = arith.constant 128 : i32
      %mul3A_1579 = arith.muli %scan3A_14, %mul3A_1578 : i32
      %add3A_1580 = arith.constant 112 : i32
      %add3A_1581 = arith.addi %mul3A_1579, %add3A_1580 : i32
      %mul3A_1582 = arith.constant 26 : i32
      %mul3A_1583 = arith.muli %add3A_1581, %mul3A_1582 : i32
      %add3A_1584 = arith.constant 10 : i32
      %add3A_1585 = arith.addi %mul3A_1583, %add3A_1584 : i32
      %add3A_1586 = vector.broadcast %add3A_1585 : i32 to vector<16xi32>
      %add3A_1587 = arith.addi %mul3A_9, %add3A_1586 : vector<16xi32>
      %gather3A_1588 = tpu.vector_load_idx %arg8[%add3A_1587] : memref<13312xi32, #tpu.memory_space<vmem>>[vector<16xi32>], vector<16xi32>,
      %sub3A_1589 = arith.constant 1000000 : i32
      %sub3A_1590 = vector.broadcast %sub3A_1589 : i32 to vector<16xi32>
      %sub3A_1591 = arith.subi %gather3A_1588, %sub3A_1590 : vector<16xi32>
      %swap3A_1592 = arith.constant 10 : i32
      %swap3A_1593 = arith.index_cast %swap3A_1592 : i32 to index
      %swap3A_1594 = arith.constant 112 : index
      %swap3A_1595 = tpu.vector_load %arg9[%swap3A_1593, %swap3A_1594] {strides = array<i32>} : memref<26x128xi32, #tpu.memory_space<vmem>>, vector<16xi32>,
      tpu.vector_store %arg9[%swap3A_1593, %swap3A_1594], %sub3A_1591 {strides = array<i32>} : memref<26x128xi32, #tpu.memory_space<vmem>>, vector<16xi32>,
      %mul3A_1596 = arith.constant 128 : i32
      %mul3A_1597 = arith.muli %scan3A_14, %mul3A_1596 : i32
      %add3A_1598 = arith.constant 0 : i32
      %add3A_1599 = arith.addi %mul3A_1597, %add3A_1598 : i32
      %mul3A_1600 = arith.constant 26 : i32
      %mul3A_1601 = arith.muli %add3A_1599, %mul3A_1600 : i32
      %add3A_1602 = arith.constant 11 : i32
      %add3A_1603 = arith.addi %mul3A_1601, %add3A_1602 : i32
      %add3A_1604 = vector.broadcast %add3A_1603 : i32 to vector<16xi32>
      %add3A_1605 = arith.addi %mul3A_9, %add3A_1604 : vector<16xi32>
      %gather3A_1606 = tpu.vector_load_idx %arg8[%add3A_1605] : memref<13312xi32, #tpu.memory_space<vmem>>[vector<16xi32>], vector<16xi32>,
      %sub3A_1607 = arith.constant 1100000 : i32
      %sub3A_1608 = vector.broadcast %sub3A_1607 : i32 to vector<16xi32>
      %sub3A_1609 = arith.subi %gather3A_1606, %sub3A_1608 : vector<16xi32>
      %swap3A_1610 = arith.constant 11 : i32
      %swap3A_1611 = arith.index_cast %swap3A_1610 : i32 to index
      %swap3A_1612 = arith.constant 0 : index
      %swap3A_1613 = tpu.vector_load %arg9[%swap3A_1611, %swap3A_1612] {strides = array<i32>} : memref<26x128xi32, #tpu.memory_space<vmem>>, vector<16xi32>,
      tpu.vector_store %arg9[%swap3A_1611, %swap3A_1612], %sub3A_1609 {strides = array<i32>} : memref<26x128xi32, #tpu.memory_space<vmem>>, vector<16xi32>,
      %mul3A_1614 = arith.constant 128 : i32
      %mul3A_1615 = arith.muli %scan3A_14, %mul3A_1614 : i32
      %add3A_1616 = arith.constant 16 : i32
      %add3A_1617 = arith.addi %mul3A_1615, %add3A_1616 : i32
      %mul3A_1618 = arith.constant 26 : i32
      %mul3A_1619 = arith.muli %add3A_1617, %mul3A_1618 : i32
      %add3A_1620 = arith.constant 11 : i32
      %add3A_1621 = arith.addi %mul3A_1619, %add3A_1620 : i32
      %add3A_1622 = vector.broadcast %add3A_1621 : i32 to vector<16xi32>
      %add3A_1623 = arith.addi %mul3A_9, %add3A_1622 : vector<16xi32>
      %gather3A_1624 = tpu.vector_load_idx %arg8[%add3A_1623] : memref<13312xi32, #tpu.memory_space<vmem>>[vector<16xi32>], vector<16xi32>,
      %sub3A_1625 = arith.constant 1100000 : i32
      %sub3A_1626 = vector.broadcast %sub3A_1625 : i32 to vector<16xi32>
      %sub3A_1627 = arith.subi %gather3A_1624, %sub3A_1626 : vector<16xi32>
      %swap3A_1628 = arith.constant 11 : i32
      %swap3A_1629 = arith.index_cast %swap3A_1628 : i32 to index
      %swap3A_1630 = arith.constant 16 : index
      %swap3A_1631 = tpu.vector_load %arg9[%swap3A_1629, %swap3A_1630] {strides = array<i32>} : memref<26x128xi32, #tpu.memory_space<vmem>>, vector<16xi32>,
      tpu.vector_store %arg9[%swap3A_1629, %swap3A_1630], %sub3A_1627 {strides = array<i32>} : memref<26x128xi32, #tpu.memory_space<vmem>>, vector<16xi32>,
      %mul3A_1632 = arith.constant 128 : i32
      %mul3A_1633 = arith.muli %scan3A_14, %mul3A_1632 : i32
      %add3A_1634 = arith.constant 32 : i32
      %add3A_1635 = arith.addi %mul3A_1633, %add3A_1634 : i32
      %mul3A_1636 = arith.constant 26 : i32
      %mul3A_1637 = arith.muli %add3A_1635, %mul3A_1636 : i32
      %add3A_1638 = arith.constant 11 : i32
      %add3A_1639 = arith.addi %mul3A_1637, %add3A_1638 : i32
      %add3A_1640 = vector.broadcast %add3A_1639 : i32 to vector<16xi32>
      %add3A_1641 = arith.addi %mul3A_9, %add3A_1640 : vector<16xi32>
      %gather3A_1642 = tpu.vector_load_idx %arg8[%add3A_1641] : memref<13312xi32, #tpu.memory_space<vmem>>[vector<16xi32>], vector<16xi32>,
      %sub3A_1643 = arith.constant 1100000 : i32
      %sub3A_1644 = vector.broadcast %sub3A_1643 : i32 to vector<16xi32>
      %sub3A_1645 = arith.subi %gather3A_1642, %sub3A_1644 : vector<16xi32>
      %swap3A_1646 = arith.constant 11 : i32
      %swap3A_1647 = arith.index_cast %swap3A_1646 : i32 to index
      %swap3A_1648 = arith.constant 32 : index
      %swap3A_1649 = tpu.vector_load %arg9[%swap3A_1647, %swap3A_1648] {strides = array<i32>} : memref<26x128xi32, #tpu.memory_space<vmem>>, vector<16xi32>,
      tpu.vector_store %arg9[%swap3A_1647, %swap3A_1648], %sub3A_1645 {strides = array<i32>} : memref<26x128xi32, #tpu.memory_space<vmem>>, vector<16xi32>,
      %mul3A_1650 = arith.constant 128 : i32
      %mul3A_1651 = arith.muli %scan3A_14, %mul3A_1650 : i32
      %add3A_1652 = arith.constant 48 : i32
      %add3A_1653 = arith.addi %mul3A_1651, %add3A_1652 : i32
      %mul3A_1654 = arith.constant 26 : i32
      %mul3A_1655 = arith.muli %add3A_1653, %mul3A_1654 : i32
      %add3A_1656 = arith.constant 11 : i32
      %add3A_1657 = arith.addi %mul3A_1655, %add3A_1656 : i32
      %add3A_1658 = vector.broadcast %add3A_1657 : i32 to vector<16xi32>
      %add3A_1659 = arith.addi %mul3A_9, %add3A_1658 : vector<16xi32>
      %gather3A_1660 = tpu.vector_load_idx %arg8[%add3A_1659] : memref<13312xi32, #tpu.memory_space<vmem>>[vector<16xi32>], vector<16xi32>,
      %sub3A_1661 = arith.constant 1100000 : i32
      %sub3A_1662 = vector.broadcast %sub3A_1661 : i32 to vector<16xi32>
      %sub3A_1663 = arith.subi %gather3A_1660, %sub3A_1662 : vector<16xi32>
      %swap3A_1664 = arith.constant 11 : i32
      %swap3A_1665 = arith.index_cast %swap3A_1664 : i32 to index
      %swap3A_1666 = arith.constant 48 : index
      %swap3A_1667 = tpu.vector_load %arg9[%swap3A_1665, %swap3A_1666] {strides = array<i32>} : memref<26x128xi32, #tpu.memory_space<vmem>>, vector<16xi32>,
      tpu.vector_store %arg9[%swap3A_1665, %swap3A_1666], %sub3A_1663 {strides = array<i32>} : memref<26x128xi32, #tpu.memory_space<vmem>>, vector<16xi32>,
      %mul3A_1668 = arith.constant 128 : i32
      %mul3A_1669 = arith.muli %scan3A_14, %mul3A_1668 : i32
      %add3A_1670 = arith.constant 64 : i32
      %add3A_1671 = arith.addi %mul3A_1669, %add3A_1670 : i32
      %mul3A_1672 = arith.constant 26 : i32
      %mul3A_1673 = arith.muli %add3A_1671, %mul3A_1672 : i32
      %add3A_1674 = arith.constant 11 : i32
      %add3A_1675 = arith.addi %mul3A_1673, %add3A_1674 : i32
      %add3A_1676 = vector.broadcast %add3A_1675 : i32 to vector<16xi32>
      %add3A_1677 = arith.addi %mul3A_9, %add3A_1676 : vector<16xi32>
      %gather3A_1678 = tpu.vector_load_idx %arg8[%add3A_1677] : memref<13312xi32, #tpu.memory_space<vmem>>[vector<16xi32>], vector<16xi32>,
      %sub3A_1679 = arith.constant 1100000 : i32
      %sub3A_1680 = vector.broadcast %sub3A_1679 : i32 to vector<16xi32>
      %sub3A_1681 = arith.subi %gather3A_1678, %sub3A_1680 : vector<16xi32>
      %swap3A_1682 = arith.constant 11 : i32
      %swap3A_1683 = arith.index_cast %swap3A_1682 : i32 to index
      %swap3A_1684 = arith.constant 64 : index
      %swap3A_1685 = tpu.vector_load %arg9[%swap3A_1683, %swap3A_1684] {strides = array<i32>} : memref<26x128xi32, #tpu.memory_space<vmem>>, vector<16xi32>,
      tpu.vector_store %arg9[%swap3A_1683, %swap3A_1684], %sub3A_1681 {strides = array<i32>} : memref<26x128xi32, #tpu.memory_space<vmem>>, vector<16xi32>,
      %mul3A_1686 = arith.constant 128 : i32
      %mul3A_1687 = arith.muli %scan3A_14, %mul3A_1686 : i32
      %add3A_1688 = arith.constant 80 : i32
      %add3A_1689 = arith.addi %mul3A_1687, %add3A_1688 : i32
      %mul3A_1690 = arith.constant 26 : i32
      %mul3A_1691 = arith.muli %add3A_1689, %mul3A_1690 : i32
      %add3A_1692 = arith.constant 11 : i32
      %add3A_1693 = arith.addi %mul3A_1691, %add3A_1692 : i32
      %add3A_1694 = vector.broadcast %add3A_1693 : i32 to vector<16xi32>
      %add3A_1695 = arith.addi %mul3A_9, %add3A_1694 : vector<16xi32>
      %gather3A_1696 = tpu.vector_load_idx %arg8[%add3A_1695] : memref<13312xi32, #tpu.memory_space<vmem>>[vector<16xi32>], vector<16xi32>,
      %sub3A_1697 = arith.constant 1100000 : i32
      %sub3A_1698 = vector.broadcast %sub3A_1697 : i32 to vector<16xi32>
      %sub3A_1699 = arith.subi %gather3A_1696, %sub3A_1698 : vector<16xi32>
      %swap3A_1700 = arith.constant 11 : i32
      %swap3A_1701 = arith.index_cast %swap3A_1700 : i32 to index
      %swap3A_1702 = arith.constant 80 : index
      %swap3A_1703 = tpu.vector_load %arg9[%swap3A_1701, %swap3A_1702] {strides = array<i32>} : memref<26x128xi32, #tpu.memory_space<vmem>>, vector<16xi32>,
      tpu.vector_store %arg9[%swap3A_1701, %swap3A_1702], %sub3A_1699 {strides = array<i32>} : memref<26x128xi32, #tpu.memory_space<vmem>>, vector<16xi32>,
      %mul3A_1704 = arith.constant 128 : i32
      %mul3A_1705 = arith.muli %scan3A_14, %mul3A_1704 : i32
      %add3A_1706 = arith.constant 96 : i32
      %add3A_1707 = arith.addi %mul3A_1705, %add3A_1706 : i32
      %mul3A_1708 = arith.constant 26 : i32
      %mul3A_1709 = arith.muli %add3A_1707, %mul3A_1708 : i32
      %add3A_1710 = arith.constant 11 : i32
      %add3A_1711 = arith.addi %mul3A_1709, %add3A_1710 : i32
      %add3A_1712 = vector.broadcast %add3A_1711 : i32 to vector<16xi32>
      %add3A_1713 = arith.addi %mul3A_9, %add3A_1712 : vector<16xi32>
      %gather3A_1714 = tpu.vector_load_idx %arg8[%add3A_1713] : memref<13312xi32, #tpu.memory_space<vmem>>[vector<16xi32>], vector<16xi32>,
      %sub3A_1715 = arith.constant 1100000 : i32
      %sub3A_1716 = vector.broadcast %sub3A_1715 : i32 to vector<16xi32>
      %sub3A_1717 = arith.subi %gather3A_1714, %sub3A_1716 : vector<16xi32>
      %swap3A_1718 = arith.constant 11 : i32
      %swap3A_1719 = arith.index_cast %swap3A_1718 : i32 to index
      %swap3A_1720 = arith.constant 96 : index
      %swap3A_1721 = tpu.vector_load %arg9[%swap3A_1719, %swap3A_1720] {strides = array<i32>} : memref<26x128xi32, #tpu.memory_space<vmem>>, vector<16xi32>,
      tpu.vector_store %arg9[%swap3A_1719, %swap3A_1720], %sub3A_1717 {strides = array<i32>} : memref<26x128xi32, #tpu.memory_space<vmem>>, vector<16xi32>,
      %mul3A_1722 = arith.constant 128 : i32
      %mul3A_1723 = arith.muli %scan3A_14, %mul3A_1722 : i32
      %add3A_1724 = arith.constant 112 : i32
      %add3A_1725 = arith.addi %mul3A_1723, %add3A_1724 : i32
      %mul3A_1726 = arith.constant 26 : i32
      %mul3A_1727 = arith.muli %add3A_1725, %mul3A_1726 : i32
      %add3A_1728 = arith.constant 11 : i32
      %add3A_1729 = arith.addi %mul3A_1727, %add3A_1728 : i32
      %add3A_1730 = vector.broadcast %add3A_1729 : i32 to vector<16xi32>
      %add3A_1731 = arith.addi %mul3A_9, %add3A_1730 : vector<16xi32>
      %gather3A_1732 = tpu.vector_load_idx %arg8[%add3A_1731] : memref<13312xi32, #tpu.memory_space<vmem>>[vector<16xi32>], vector<16xi32>,
      %sub3A_1733 = arith.constant 1100000 : i32
      %sub3A_1734 = vector.broadcast %sub3A_1733 : i32 to vector<16xi32>
      %sub3A_1735 = arith.subi %gather3A_1732, %sub3A_1734 : vector<16xi32>
      %swap3A_1736 = arith.constant 11 : i32
      %swap3A_1737 = arith.index_cast %swap3A_1736 : i32 to index
      %swap3A_1738 = arith.constant 112 : index
      %swap3A_1739 = tpu.vector_load %arg9[%swap3A_1737, %swap3A_1738] {strides = array<i32>} : memref<26x128xi32, #tpu.memory_space<vmem>>, vector<16xi32>,
      tpu.vector_store %arg9[%swap3A_1737, %swap3A_1738], %sub3A_1735 {strides = array<i32>} : memref<26x128xi32, #tpu.memory_space<vmem>>, vector<16xi32>,
      %mul3A_1740 = arith.constant 128 : i32
      %mul3A_1741 = arith.muli %scan3A_14, %mul3A_1740 : i32
      %add3A_1742 = arith.constant 0 : i32
      %add3A_1743 = arith.addi %mul3A_1741, %add3A_1742 : i32
      %mul3A_1744 = arith.constant 26 : i32
      %mul3A_1745 = arith.muli %add3A_1743, %mul3A_1744 : i32
      %add3A_1746 = arith.constant 12 : i32
      %add3A_1747 = arith.addi %mul3A_1745, %add3A_1746 : i32
      %add3A_1748 = vector.broadcast %add3A_1747 : i32 to vector<16xi32>
      %add3A_1749 = arith.addi %mul3A_9, %add3A_1748 : vector<16xi32>
      %gather3A_1750 = tpu.vector_load_idx %arg8[%add3A_1749] : memref<13312xi32, #tpu.memory_space<vmem>>[vector<16xi32>], vector<16xi32>,
      %sub3A_1751 = arith.constant 1200000 : i32
      %sub3A_1752 = vector.broadcast %sub3A_1751 : i32 to vector<16xi32>
      %sub3A_1753 = arith.subi %gather3A_1750, %sub3A_1752 : vector<16xi32>
      %swap3A_1754 = arith.constant 12 : i32
      %swap3A_1755 = arith.index_cast %swap3A_1754 : i32 to index
      %swap3A_1756 = arith.constant 0 : index
      %swap3A_1757 = tpu.vector_load %arg9[%swap3A_1755, %swap3A_1756] {strides = array<i32>} : memref<26x128xi32, #tpu.memory_space<vmem>>, vector<16xi32>,
      tpu.vector_store %arg9[%swap3A_1755, %swap3A_1756], %sub3A_1753 {strides = array<i32>} : memref<26x128xi32, #tpu.memory_space<vmem>>, vector<16xi32>,
      %mul3A_1758 = arith.constant 128 : i32
      %mul3A_1759 = arith.muli %scan3A_14, %mul3A_1758 : i32
      %add3A_1760 = arith.constant 16 : i32
      %add3A_1761 = arith.addi %mul3A_1759, %add3A_1760 : i32
      %mul3A_1762 = arith.constant 26 : i32
      %mul3A_1763 = arith.muli %add3A_1761, %mul3A_1762 : i32
      %add3A_1764 = arith.constant 12 : i32
      %add3A_1765 = arith.addi %mul3A_1763, %add3A_1764 : i32
      %add3A_1766 = vector.broadcast %add3A_1765 : i32 to vector<16xi32>
      %add3A_1767 = arith.addi %mul3A_9, %add3A_1766 : vector<16xi32>
      %gather3A_1768 = tpu.vector_load_idx %arg8[%add3A_1767] : memref<13312xi32, #tpu.memory_space<vmem>>[vector<16xi32>], vector<16xi32>,
      %sub3A_1769 = arith.constant 1200000 : i32
      %sub3A_1770 = vector.broadcast %sub3A_1769 : i32 to vector<16xi32>
      %sub3A_1771 = arith.subi %gather3A_1768, %sub3A_1770 : vector<16xi32>
      %swap3A_1772 = arith.constant 12 : i32
      %swap3A_1773 = arith.index_cast %swap3A_1772 : i32 to index
      %swap3A_1774 = arith.constant 16 : index
      %swap3A_1775 = tpu.vector_load %arg9[%swap3A_1773, %swap3A_1774] {strides = array<i32>} : memref<26x128xi32, #tpu.memory_space<vmem>>, vector<16xi32>,
      tpu.vector_store %arg9[%swap3A_1773, %swap3A_1774], %sub3A_1771 {strides = array<i32>} : memref<26x128xi32, #tpu.memory_space<vmem>>, vector<16xi32>,
      %mul3A_1776 = arith.constant 128 : i32
      %mul3A_1777 = arith.muli %scan3A_14, %mul3A_1776 : i32
      %add3A_1778 = arith.constant 32 : i32
      %add3A_1779 = arith.addi %mul3A_1777, %add3A_1778 : i32
      %mul3A_1780 = arith.constant 26 : i32
      %mul3A_1781 = arith.muli %add3A_1779, %mul3A_1780 : i32
      %add3A_1782 = arith.constant 12 : i32
      %add3A_1783 = arith.addi %mul3A_1781, %add3A_1782 : i32
      %add3A_1784 = vector.broadcast %add3A_1783 : i32 to vector<16xi32>
      %add3A_1785 = arith.addi %mul3A_9, %add3A_1784 : vector<16xi32>
      %gather3A_1786 = tpu.vector_load_idx %arg8[%add3A_1785] : memref<13312xi32, #tpu.memory_space<vmem>>[vector<16xi32>], vector<16xi32>,
      %sub3A_1787 = arith.constant 1200000 : i32
      %sub3A_1788 = vector.broadcast %sub3A_1787 : i32 to vector<16xi32>
      %sub3A_1789 = arith.subi %gather3A_1786, %sub3A_1788 : vector<16xi32>
      %swap3A_1790 = arith.constant 12 : i32
      %swap3A_1791 = arith.index_cast %swap3A_1790 : i32 to index
      %swap3A_1792 = arith.constant 32 : index
      %swap3A_1793 = tpu.vector_load %arg9[%swap3A_1791, %swap3A_1792] {strides = array<i32>} : memref<26x128xi32, #tpu.memory_space<vmem>>, vector<16xi32>,
      tpu.vector_store %arg9[%swap3A_1791, %swap3A_1792], %sub3A_1789 {strides = array<i32>} : memref<26x128xi32, #tpu.memory_space<vmem>>, vector<16xi32>,
      %mul3A_1794 = arith.constant 128 : i32
      %mul3A_1795 = arith.muli %scan3A_14, %mul3A_1794 : i32
      %add3A_1796 = arith.constant 48 : i32
      %add3A_1797 = arith.addi %mul3A_1795, %add3A_1796 : i32
      %mul3A_1798 = arith.constant 26 : i32
      %mul3A_1799 = arith.muli %add3A_1797, %mul3A_1798 : i32
      %add3A_1800 = arith.constant 12 : i32
      %add3A_1801 = arith.addi %mul3A_1799, %add3A_1800 : i32
      %add3A_1802 = vector.broadcast %add3A_1801 : i32 to vector<16xi32>
      %add3A_1803 = arith.addi %mul3A_9, %add3A_1802 : vector<16xi32>
      %gather3A_1804 = tpu.vector_load_idx %arg8[%add3A_1803] : memref<13312xi32, #tpu.memory_space<vmem>>[vector<16xi32>], vector<16xi32>,
      %sub3A_1805 = arith.constant 1200000 : i32
      %sub3A_1806 = vector.broadcast %sub3A_1805 : i32 to vector<16xi32>
      %sub3A_1807 = arith.subi %gather3A_1804, %sub3A_1806 : vector<16xi32>
      %swap3A_1808 = arith.constant 12 : i32
      %swap3A_1809 = arith.index_cast %swap3A_1808 : i32 to index
      %swap3A_1810 = arith.constant 48 : index
      %swap3A_1811 = tpu.vector_load %arg9[%swap3A_1809, %swap3A_1810] {strides = array<i32>} : memref<26x128xi32, #tpu.memory_space<vmem>>, vector<16xi32>,
      tpu.vector_store %arg9[%swap3A_1809, %swap3A_1810], %sub3A_1807 {strides = array<i32>} : memref<26x128xi32, #tpu.memory_space<vmem>>, vector<16xi32>,
      %mul3A_1812 = arith.constant 128 : i32
      %mul3A_1813 = arith.muli %scan3A_14, %mul3A_1812 : i32
      %add3A_1814 = arith.constant 64 : i32
      %add3A_1815 = arith.addi %mul3A_1813, %add3A_1814 : i32
      %mul3A_1816 = arith.constant 26 : i32
      %mul3A_1817 = arith.muli %add3A_1815, %mul3A_1816 : i32
      %add3A_1818 = arith.constant 12 : i32
      %add3A_1819 = arith.addi %mul3A_1817, %add3A_1818 : i32
      %add3A_1820 = vector.broadcast %add3A_1819 : i32 to vector<16xi32>
      %add3A_1821 = arith.addi %mul3A_9, %add3A_1820 : vector<16xi32>
      %gather3A_1822 = tpu.vector_load_idx %arg8[%add3A_1821] : memref<13312xi32, #tpu.memory_space<vmem>>[vector<16xi32>], vector<16xi32>,
      %sub3A_1823 = arith.constant 1200000 : i32
      %sub3A_1824 = vector.broadcast %sub3A_1823 : i32 to vector<16xi32>
      %sub3A_1825 = arith.subi %gather3A_1822, %sub3A_1824 : vector<16xi32>
      %swap3A_1826 = arith.constant 12 : i32
      %swap3A_1827 = arith.index_cast %swap3A_1826 : i32 to index
      %swap3A_1828 = arith.constant 64 : index
      %swap3A_1829 = tpu.vector_load %arg9[%swap3A_1827, %swap3A_1828] {strides = array<i32>} : memref<26x128xi32, #tpu.memory_space<vmem>>, vector<16xi32>,
      tpu.vector_store %arg9[%swap3A_1827, %swap3A_1828], %sub3A_1825 {strides = array<i32>} : memref<26x128xi32, #tpu.memory_space<vmem>>, vector<16xi32>,
      %mul3A_1830 = arith.constant 128 : i32
      %mul3A_1831 = arith.muli %scan3A_14, %mul3A_1830 : i32
      %add3A_1832 = arith.constant 80 : i32
      %add3A_1833 = arith.addi %mul3A_1831, %add3A_1832 : i32
      %mul3A_1834 = arith.constant 26 : i32
      %mul3A_1835 = arith.muli %add3A_1833, %mul3A_1834 : i32
      %add3A_1836 = arith.constant 12 : i32
      %add3A_1837 = arith.addi %mul3A_1835, %add3A_1836 : i32
      %add3A_1838 = vector.broadcast %add3A_1837 : i32 to vector<16xi32>
      %add3A_1839 = arith.addi %mul3A_9, %add3A_1838 : vector<16xi32>
      %gather3A_1840 = tpu.vector_load_idx %arg8[%add3A_1839] : memref<13312xi32, #tpu.memory_space<vmem>>[vector<16xi32>], vector<16xi32>,
      %sub3A_1841 = arith.constant 1200000 : i32
      %sub3A_1842 = vector.broadcast %sub3A_1841 : i32 to vector<16xi32>
      %sub3A_1843 = arith.subi %gather3A_1840, %sub3A_1842 : vector<16xi32>
      %swap3A_1844 = arith.constant 12 : i32
      %swap3A_1845 = arith.index_cast %swap3A_1844 : i32 to index
      %swap3A_1846 = arith.constant 80 : index
      %swap3A_1847 = tpu.vector_load %arg9[%swap3A_1845, %swap3A_1846] {strides = array<i32>} : memref<26x128xi32, #tpu.memory_space<vmem>>, vector<16xi32>,
      tpu.vector_store %arg9[%swap3A_1845, %swap3A_1846], %sub3A_1843 {strides = array<i32>} : memref<26x128xi32, #tpu.memory_space<vmem>>, vector<16xi32>,
      %mul3A_1848 = arith.constant 128 : i32
      %mul3A_1849 = arith.muli %scan3A_14, %mul3A_1848 : i32
      %add3A_1850 = arith.constant 96 : i32
      %add3A_1851 = arith.addi %mul3A_1849, %add3A_1850 : i32
      %mul3A_1852 = arith.constant 26 : i32
      %mul3A_1853 = arith.muli %add3A_1851, %mul3A_1852 : i32
      %add3A_1854 = arith.constant 12 : i32
      %add3A_1855 = arith.addi %mul3A_1853, %add3A_1854 : i32
      %add3A_1856 = vector.broadcast %add3A_1855 : i32 to vector<16xi32>
      %add3A_1857 = arith.addi %mul3A_9, %add3A_1856 : vector<16xi32>
      %gather3A_1858 = tpu.vector_load_idx %arg8[%add3A_1857] : memref<13312xi32, #tpu.memory_space<vmem>>[vector<16xi32>], vector<16xi32>,
      %sub3A_1859 = arith.constant 1200000 : i32
      %sub3A_1860 = vector.broadcast %sub3A_1859 : i32 to vector<16xi32>
      %sub3A_1861 = arith.subi %gather3A_1858, %sub3A_1860 : vector<16xi32>
      %swap3A_1862 = arith.constant 12 : i32
      %swap3A_1863 = arith.index_cast %swap3A_1862 : i32 to index
      %swap3A_1864 = arith.constant 96 : index
      %swap3A_1865 = tpu.vector_load %arg9[%swap3A_1863, %swap3A_1864] {strides = array<i32>} : memref<26x128xi32, #tpu.memory_space<vmem>>, vector<16xi32>,
      tpu.vector_store %arg9[%swap3A_1863, %swap3A_1864], %sub3A_1861 {strides = array<i32>} : memref<26x128xi32, #tpu.memory_space<vmem>>, vector<16xi32>,
      %mul3A_1866 = arith.constant 128 : i32
      %mul3A_1867 = arith.muli %scan3A_14, %mul3A_1866 : i32
      %add3A_1868 = arith.constant 112 : i32
      %add3A_1869 = arith.addi %mul3A_1867, %add3A_1868 : i32
      %mul3A_1870 = arith.constant 26 : i32
      %mul3A_1871 = arith.muli %add3A_1869, %mul3A_1870 : i32
      %add3A_1872 = arith.constant 12 : i32
      %add3A_1873 = arith.addi %mul3A_1871, %add3A_1872 : i32
      %add3A_1874 = vector.broadcast %add3A_1873 : i32 to vector<16xi32>
      %add3A_1875 = arith.addi %mul3A_9, %add3A_1874 : vector<16xi32>
      %gather3A_1876 = tpu.vector_load_idx %arg8[%add3A_1875] : memref<13312xi32, #tpu.memory_space<vmem>>[vector<16xi32>], vector<16xi32>,
      %sub3A_1877 = arith.constant 1200000 : i32
      %sub3A_1878 = vector.broadcast %sub3A_1877 : i32 to vector<16xi32>
      %sub3A_1879 = arith.subi %gather3A_1876, %sub3A_1878 : vector<16xi32>
      %swap3A_1880 = arith.constant 12 : i32
      %swap3A_1881 = arith.index_cast %swap3A_1880 : i32 to index
      %swap3A_1882 = arith.constant 112 : index
      %swap3A_1883 = tpu.vector_load %arg9[%swap3A_1881, %swap3A_1882] {strides = array<i32>} : memref<26x128xi32, #tpu.memory_space<vmem>>, vector<16xi32>,
      tpu.vector_store %arg9[%swap3A_1881, %swap3A_1882], %sub3A_1879 {strides = array<i32>} : memref<26x128xi32, #tpu.memory_space<vmem>>, vector<16xi32>,
      %mul3A_1884 = arith.constant 128 : i32
      %mul3A_1885 = arith.muli %scan3A_14, %mul3A_1884 : i32
      %add3A_1886 = arith.constant 0 : i32
      %add3A_1887 = arith.addi %mul3A_1885, %add3A_1886 : i32
      %mul3A_1888 = arith.constant 26 : i32
      %mul3A_1889 = arith.muli %add3A_1887, %mul3A_1888 : i32
      %add3A_1890 = arith.constant 13 : i32
      %add3A_1891 = arith.addi %mul3A_1889, %add3A_1890 : i32
      %add3A_1892 = vector.broadcast %add3A_1891 : i32 to vector<16xi32>
      %add3A_1893 = arith.addi %mul3A_9, %add3A_1892 : vector<16xi32>
      %gather3A_1894 = tpu.vector_load_idx %arg8[%add3A_1893] : memref<13312xi32, #tpu.memory_space<vmem>>[vector<16xi32>], vector<16xi32>,
      %sub3A_1895 = arith.constant 1300000 : i32
      %sub3A_1896 = vector.broadcast %sub3A_1895 : i32 to vector<16xi32>
      %sub3A_1897 = arith.subi %gather3A_1894, %sub3A_1896 : vector<16xi32>
      %swap3A_1898 = arith.constant 13 : i32
      %swap3A_1899 = arith.index_cast %swap3A_1898 : i32 to index
      %swap3A_1900 = arith.constant 0 : index
      %swap3A_1901 = tpu.vector_load %arg9[%swap3A_1899, %swap3A_1900] {strides = array<i32>} : memref<26x128xi32, #tpu.memory_space<vmem>>, vector<16xi32>,
      tpu.vector_store %arg9[%swap3A_1899, %swap3A_1900], %sub3A_1897 {strides = array<i32>} : memref<26x128xi32, #tpu.memory_space<vmem>>, vector<16xi32>,
      %mul3A_1902 = arith.constant 128 : i32
      %mul3A_1903 = arith.muli %scan3A_14, %mul3A_1902 : i32
      %add3A_1904 = arith.constant 16 : i32
      %add3A_1905 = arith.addi %mul3A_1903, %add3A_1904 : i32
      %mul3A_1906 = arith.constant 26 : i32
      %mul3A_1907 = arith.muli %add3A_1905, %mul3A_1906 : i32
      %add3A_1908 = arith.constant 13 : i32
      %add3A_1909 = arith.addi %mul3A_1907, %add3A_1908 : i32
      %add3A_1910 = vector.broadcast %add3A_1909 : i32 to vector<16xi32>
      %add3A_1911 = arith.addi %mul3A_9, %add3A_1910 : vector<16xi32>
      %gather3A_1912 = tpu.vector_load_idx %arg8[%add3A_1911] : memref<13312xi32, #tpu.memory_space<vmem>>[vector<16xi32>], vector<16xi32>,
      %sub3A_1913 = arith.constant 1300000 : i32
      %sub3A_1914 = vector.broadcast %sub3A_1913 : i32 to vector<16xi32>
      %sub3A_1915 = arith.subi %gather3A_1912, %sub3A_1914 : vector<16xi32>
      %swap3A_1916 = arith.constant 13 : i32
      %swap3A_1917 = arith.index_cast %swap3A_1916 : i32 to index
      %swap3A_1918 = arith.constant 16 : index
      %swap3A_1919 = tpu.vector_load %arg9[%swap3A_1917, %swap3A_1918] {strides = array<i32>} : memref<26x128xi32, #tpu.memory_space<vmem>>, vector<16xi32>,
      tpu.vector_store %arg9[%swap3A_1917, %swap3A_1918], %sub3A_1915 {strides = array<i32>} : memref<26x128xi32, #tpu.memory_space<vmem>>, vector<16xi32>,
      %mul3A_1920 = arith.constant 128 : i32
      %mul3A_1921 = arith.muli %scan3A_14, %mul3A_1920 : i32
      %add3A_1922 = arith.constant 32 : i32
      %add3A_1923 = arith.addi %mul3A_1921, %add3A_1922 : i32
      %mul3A_1924 = arith.constant 26 : i32
      %mul3A_1925 = arith.muli %add3A_1923, %mul3A_1924 : i32
      %add3A_1926 = arith.constant 13 : i32
      %add3A_1927 = arith.addi %mul3A_1925, %add3A_1926 : i32
      %add3A_1928 = vector.broadcast %add3A_1927 : i32 to vector<16xi32>
      %add3A_1929 = arith.addi %mul3A_9, %add3A_1928 : vector<16xi32>
      %gather3A_1930 = tpu.vector_load_idx %arg8[%add3A_1929] : memref<13312xi32, #tpu.memory_space<vmem>>[vector<16xi32>], vector<16xi32>,
      %sub3A_1931 = arith.constant 1300000 : i32
      %sub3A_1932 = vector.broadcast %sub3A_1931 : i32 to vector<16xi32>
      %sub3A_1933 = arith.subi %gather3A_1930, %sub3A_1932 : vector<16xi32>
      %swap3A_1934 = arith.constant 13 : i32
      %swap3A_1935 = arith.index_cast %swap3A_1934 : i32 to index
      %swap3A_1936 = arith.constant 32 : index
      %swap3A_1937 = tpu.vector_load %arg9[%swap3A_1935, %swap3A_1936] {strides = array<i32>} : memref<26x128xi32, #tpu.memory_space<vmem>>, vector<16xi32>,
      tpu.vector_store %arg9[%swap3A_1935, %swap3A_1936], %sub3A_1933 {strides = array<i32>} : memref<26x128xi32, #tpu.memory_space<vmem>>, vector<16xi32>,
      %mul3A_1938 = arith.constant 128 : i32
      %mul3A_1939 = arith.muli %scan3A_14, %mul3A_1938 : i32
      %add3A_1940 = arith.constant 48 : i32
      %add3A_1941 = arith.addi %mul3A_1939, %add3A_1940 : i32
      %mul3A_1942 = arith.constant 26 : i32
      %mul3A_1943 = arith.muli %add3A_1941, %mul3A_1942 : i32
      %add3A_1944 = arith.constant 13 : i32
      %add3A_1945 = arith.addi %mul3A_1943, %add3A_1944 : i32
      %add3A_1946 = vector.broadcast %add3A_1945 : i32 to vector<16xi32>
      %add3A_1947 = arith.addi %mul3A_9, %add3A_1946 : vector<16xi32>
      %gather3A_1948 = tpu.vector_load_idx %arg8[%add3A_1947] : memref<13312xi32, #tpu.memory_space<vmem>>[vector<16xi32>], vector<16xi32>,
      %sub3A_1949 = arith.constant 1300000 : i32
      %sub3A_1950 = vector.broadcast %sub3A_1949 : i32 to vector<16xi32>
      %sub3A_1951 = arith.subi %gather3A_1948, %sub3A_1950 : vector<16xi32>
      %swap3A_1952 = arith.constant 13 : i32
      %swap3A_1953 = arith.index_cast %swap3A_1952 : i32 to index
      %swap3A_1954 = arith.constant 48 : index
      %swap3A_1955 = tpu.vector_load %arg9[%swap3A_1953, %swap3A_1954] {strides = array<i32>} : memref<26x128xi32, #tpu.memory_space<vmem>>, vector<16xi32>,
      tpu.vector_store %arg9[%swap3A_1953, %swap3A_1954], %sub3A_1951 {strides = array<i32>} : memref<26x128xi32, #tpu.memory_space<vmem>>, vector<16xi32>,
      %mul3A_1956 = arith.constant 128 : i32
      %mul3A_1957 = arith.muli %scan3A_14, %mul3A_1956 : i32
      %add3A_1958 = arith.constant 64 : i32
      %add3A_1959 = arith.addi %mul3A_1957, %add3A_1958 : i32
      %mul3A_1960 = arith.constant 26 : i32
      %mul3A_1961 = arith.muli %add3A_1959, %mul3A_1960 : i32
      %add3A_1962 = arith.constant 13 : i32
      %add3A_1963 = arith.addi %mul3A_1961, %add3A_1962 : i32
      %add3A_1964 = vector.broadcast %add3A_1963 : i32 to vector<16xi32>
      %add3A_1965 = arith.addi %mul3A_9, %add3A_1964 : vector<16xi32>
      %gather3A_1966 = tpu.vector_load_idx %arg8[%add3A_1965] : memref<13312xi32, #tpu.memory_space<vmem>>[vector<16xi32>], vector<16xi32>,
      %sub3A_1967 = arith.constant 1300000 : i32
      %sub3A_1968 = vector.broadcast %sub3A_1967 : i32 to vector<16xi32>
      %sub3A_1969 = arith.subi %gather3A_1966, %sub3A_1968 : vector<16xi32>
      %swap3A_1970 = arith.constant 13 : i32
      %swap3A_1971 = arith.index_cast %swap3A_1970 : i32 to index
      %swap3A_1972 = arith.constant 64 : index
      %swap3A_1973 = tpu.vector_load %arg9[%swap3A_1971, %swap3A_1972] {strides = array<i32>} : memref<26x128xi32, #tpu.memory_space<vmem>>, vector<16xi32>,
      tpu.vector_store %arg9[%swap3A_1971, %swap3A_1972], %sub3A_1969 {strides = array<i32>} : memref<26x128xi32, #tpu.memory_space<vmem>>, vector<16xi32>,
      %mul3A_1974 = arith.constant 128 : i32
      %mul3A_1975 = arith.muli %scan3A_14, %mul3A_1974 : i32
      %add3A_1976 = arith.constant 80 : i32
      %add3A_1977 = arith.addi %mul3A_1975, %add3A_1976 : i32
      %mul3A_1978 = arith.constant 26 : i32
      %mul3A_1979 = arith.muli %add3A_1977, %mul3A_1978 : i32
      %add3A_1980 = arith.constant 13 : i32
      %add3A_1981 = arith.addi %mul3A_1979, %add3A_1980 : i32
      %add3A_1982 = vector.broadcast %add3A_1981 : i32 to vector<16xi32>
      %add3A_1983 = arith.addi %mul3A_9, %add3A_1982 : vector<16xi32>
      %gather3A_1984 = tpu.vector_load_idx %arg8[%add3A_1983] : memref<13312xi32, #tpu.memory_space<vmem>>[vector<16xi32>], vector<16xi32>,
      %sub3A_1985 = arith.constant 1300000 : i32
      %sub3A_1986 = vector.broadcast %sub3A_1985 : i32 to vector<16xi32>
      %sub3A_1987 = arith.subi %gather3A_1984, %sub3A_1986 : vector<16xi32>
      %swap3A_1988 = arith.constant 13 : i32
      %swap3A_1989 = arith.index_cast %swap3A_1988 : i32 to index
      %swap3A_1990 = arith.constant 80 : index
      %swap3A_1991 = tpu.vector_load %arg9[%swap3A_1989, %swap3A_1990] {strides = array<i32>} : memref<26x128xi32, #tpu.memory_space<vmem>>, vector<16xi32>,
      tpu.vector_store %arg9[%swap3A_1989, %swap3A_1990], %sub3A_1987 {strides = array<i32>} : memref<26x128xi32, #tpu.memory_space<vmem>>, vector<16xi32>,
      %mul3A_1992 = arith.constant 128 : i32
      %mul3A_1993 = arith.muli %scan3A_14, %mul3A_1992 : i32
      %add3A_1994 = arith.constant 96 : i32
      %add3A_1995 = arith.addi %mul3A_1993, %add3A_1994 : i32
      %mul3A_1996 = arith.constant 26 : i32
      %mul3A_1997 = arith.muli %add3A_1995, %mul3A_1996 : i32
      %add3A_1998 = arith.constant 13 : i32
      %add3A_1999 = arith.addi %mul3A_1997, %add3A_1998 : i32
      %add3A_2000 = vector.broadcast %add3A_1999 : i32 to vector<16xi32>
      %add3A_2001 = arith.addi %mul3A_9, %add3A_2000 : vector<16xi32>
      %gather3A_2002 = tpu.vector_load_idx %arg8[%add3A_2001] : memref<13312xi32, #tpu.memory_space<vmem>>[vector<16xi32>], vector<16xi32>,
      %sub3A_2003 = arith.constant 1300000 : i32
      %sub3A_2004 = vector.broadcast %sub3A_2003 : i32 to vector<16xi32>
      %sub3A_2005 = arith.subi %gather3A_2002, %sub3A_2004 : vector<16xi32>
      %swap3A_2006 = arith.constant 13 : i32
      %swap3A_2007 = arith.index_cast %swap3A_2006 : i32 to index
      %swap3A_2008 = arith.constant 96 : index
      %swap3A_2009 = tpu.vector_load %arg9[%swap3A_2007, %swap3A_2008] {strides = array<i32>} : memref<26x128xi32, #tpu.memory_space<vmem>>, vector<16xi32>,
      tpu.vector_store %arg9[%swap3A_2007, %swap3A_2008], %sub3A_2005 {strides = array<i32>} : memref<26x128xi32, #tpu.memory_space<vmem>>, vector<16xi32>,
      %mul3A_2010 = arith.constant 128 : i32
      %mul3A_2011 = arith.muli %scan3A_14, %mul3A_2010 : i32
      %add3A_2012 = arith.constant 112 : i32
      %add3A_2013 = arith.addi %mul3A_2011, %add3A_2012 : i32
      %mul3A_2014 = arith.constant 26 : i32
      %mul3A_2015 = arith.muli %add3A_2013, %mul3A_2014 : i32
      %add3A_2016 = arith.constant 13 : i32
      %add3A_2017 = arith.addi %mul3A_2015, %add3A_2016 : i32
      %add3A_2018 = vector.broadcast %add3A_2017 : i32 to vector<16xi32>
      %add3A_2019 = arith.addi %mul3A_9, %add3A_2018 : vector<16xi32>
      %gather3A_2020 = tpu.vector_load_idx %arg8[%add3A_2019] : memref<13312xi32, #tpu.memory_space<vmem>>[vector<16xi32>], vector<16xi32>,
      %sub3A_2021 = arith.constant 1300000 : i32
      %sub3A_2022 = vector.broadcast %sub3A_2021 : i32 to vector<16xi32>
      %sub3A_2023 = arith.subi %gather3A_2020, %sub3A_2022 : vector<16xi32>
      %swap3A_2024 = arith.constant 13 : i32
      %swap3A_2025 = arith.index_cast %swap3A_2024 : i32 to index
      %swap3A_2026 = arith.constant 112 : index
      %swap3A_2027 = tpu.vector_load %arg9[%swap3A_2025, %swap3A_2026] {strides = array<i32>} : memref<26x128xi32, #tpu.memory_space<vmem>>, vector<16xi32>,
      tpu.vector_store %arg9[%swap3A_2025, %swap3A_2026], %sub3A_2023 {strides = array<i32>} : memref<26x128xi32, #tpu.memory_space<vmem>>, vector<16xi32>,
      %mul3A_2028 = arith.constant 128 : i32
      %mul3A_2029 = arith.muli %scan3A_14, %mul3A_2028 : i32
      %add3A_2030 = arith.constant 0 : i32
      %add3A_2031 = arith.addi %mul3A_2029, %add3A_2030 : i32
      %mul3A_2032 = arith.constant 26 : i32
      %mul3A_2033 = arith.muli %add3A_2031, %mul3A_2032 : i32
      %add3A_2034 = arith.constant 14 : i32
      %add3A_2035 = arith.addi %mul3A_2033, %add3A_2034 : i32
      %add3A_2036 = vector.broadcast %add3A_2035 : i32 to vector<16xi32>
      %add3A_2037 = arith.addi %mul3A_9, %add3A_2036 : vector<16xi32>
      %gather3A_2038 = tpu.vector_load_idx %arg8[%add3A_2037] : memref<13312xi32, #tpu.memory_space<vmem>>[vector<16xi32>], vector<16xi32>,
      %sub3A_2039 = arith.constant 1400000 : i32
      %sub3A_2040 = vector.broadcast %sub3A_2039 : i32 to vector<16xi32>
      %sub3A_2041 = arith.subi %gather3A_2038, %sub3A_2040 : vector<16xi32>
      %swap3A_2042 = arith.constant 14 : i32
      %swap3A_2043 = arith.index_cast %swap3A_2042 : i32 to index
      %swap3A_2044 = arith.constant 0 : index
      %swap3A_2045 = tpu.vector_load %arg9[%swap3A_2043, %swap3A_2044] {strides = array<i32>} : memref<26x128xi32, #tpu.memory_space<vmem>>, vector<16xi32>,
      tpu.vector_store %arg9[%swap3A_2043, %swap3A_2044], %sub3A_2041 {strides = array<i32>} : memref<26x128xi32, #tpu.memory_space<vmem>>, vector<16xi32>,
      %mul3A_2046 = arith.constant 128 : i32
      %mul3A_2047 = arith.muli %scan3A_14, %mul3A_2046 : i32
      %add3A_2048 = arith.constant 16 : i32
      %add3A_2049 = arith.addi %mul3A_2047, %add3A_2048 : i32
      %mul3A_2050 = arith.constant 26 : i32
      %mul3A_2051 = arith.muli %add3A_2049, %mul3A_2050 : i32
      %add3A_2052 = arith.constant 14 : i32
      %add3A_2053 = arith.addi %mul3A_2051, %add3A_2052 : i32
      %add3A_2054 = vector.broadcast %add3A_2053 : i32 to vector<16xi32>
      %add3A_2055 = arith.addi %mul3A_9, %add3A_2054 : vector<16xi32>
      %gather3A_2056 = tpu.vector_load_idx %arg8[%add3A_2055] : memref<13312xi32, #tpu.memory_space<vmem>>[vector<16xi32>], vector<16xi32>,
      %sub3A_2057 = arith.constant 1400000 : i32
      %sub3A_2058 = vector.broadcast %sub3A_2057 : i32 to vector<16xi32>
      %sub3A_2059 = arith.subi %gather3A_2056, %sub3A_2058 : vector<16xi32>
      %swap3A_2060 = arith.constant 14 : i32
      %swap3A_2061 = arith.index_cast %swap3A_2060 : i32 to index
      %swap3A_2062 = arith.constant 16 : index
      %swap3A_2063 = tpu.vector_load %arg9[%swap3A_2061, %swap3A_2062] {strides = array<i32>} : memref<26x128xi32, #tpu.memory_space<vmem>>, vector<16xi32>,
      tpu.vector_store %arg9[%swap3A_2061, %swap3A_2062], %sub3A_2059 {strides = array<i32>} : memref<26x128xi32, #tpu.memory_space<vmem>>, vector<16xi32>,
      %mul3A_2064 = arith.constant 128 : i32
      %mul3A_2065 = arith.muli %scan3A_14, %mul3A_2064 : i32
      %add3A_2066 = arith.constant 32 : i32
      %add3A_2067 = arith.addi %mul3A_2065, %add3A_2066 : i32
      %mul3A_2068 = arith.constant 26 : i32
      %mul3A_2069 = arith.muli %add3A_2067, %mul3A_2068 : i32
      %add3A_2070 = arith.constant 14 : i32
      %add3A_2071 = arith.addi %mul3A_2069, %add3A_2070 : i32
      %add3A_2072 = vector.broadcast %add3A_2071 : i32 to vector<16xi32>
      %add3A_2073 = arith.addi %mul3A_9, %add3A_2072 : vector<16xi32>
      %gather3A_2074 = tpu.vector_load_idx %arg8[%add3A_2073] : memref<13312xi32, #tpu.memory_space<vmem>>[vector<16xi32>], vector<16xi32>,
      %sub3A_2075 = arith.constant 1400000 : i32
      %sub3A_2076 = vector.broadcast %sub3A_2075 : i32 to vector<16xi32>
      %sub3A_2077 = arith.subi %gather3A_2074, %sub3A_2076 : vector<16xi32>
      %swap3A_2078 = arith.constant 14 : i32
      %swap3A_2079 = arith.index_cast %swap3A_2078 : i32 to index
      %swap3A_2080 = arith.constant 32 : index
      %swap3A_2081 = tpu.vector_load %arg9[%swap3A_2079, %swap3A_2080] {strides = array<i32>} : memref<26x128xi32, #tpu.memory_space<vmem>>, vector<16xi32>,
      tpu.vector_store %arg9[%swap3A_2079, %swap3A_2080], %sub3A_2077 {strides = array<i32>} : memref<26x128xi32, #tpu.memory_space<vmem>>, vector<16xi32>,
      %mul3A_2082 = arith.constant 128 : i32
      %mul3A_2083 = arith.muli %scan3A_14, %mul3A_2082 : i32
      %add3A_2084 = arith.constant 48 : i32
      %add3A_2085 = arith.addi %mul3A_2083, %add3A_2084 : i32
      %mul3A_2086 = arith.constant 26 : i32
      %mul3A_2087 = arith.muli %add3A_2085, %mul3A_2086 : i32
      %add3A_2088 = arith.constant 14 : i32
      %add3A_2089 = arith.addi %mul3A_2087, %add3A_2088 : i32
      %add3A_2090 = vector.broadcast %add3A_2089 : i32 to vector<16xi32>
      %add3A_2091 = arith.addi %mul3A_9, %add3A_2090 : vector<16xi32>
      %gather3A_2092 = tpu.vector_load_idx %arg8[%add3A_2091] : memref<13312xi32, #tpu.memory_space<vmem>>[vector<16xi32>], vector<16xi32>,
      %sub3A_2093 = arith.constant 1400000 : i32
      %sub3A_2094 = vector.broadcast %sub3A_2093 : i32 to vector<16xi32>
      %sub3A_2095 = arith.subi %gather3A_2092, %sub3A_2094 : vector<16xi32>
      %swap3A_2096 = arith.constant 14 : i32
      %swap3A_2097 = arith.index_cast %swap3A_2096 : i32 to index
      %swap3A_2098 = arith.constant 48 : index
      %swap3A_2099 = tpu.vector_load %arg9[%swap3A_2097, %swap3A_2098] {strides = array<i32>} : memref<26x128xi32, #tpu.memory_space<vmem>>, vector<16xi32>,
      tpu.vector_store %arg9[%swap3A_2097, %swap3A_2098], %sub3A_2095 {strides = array<i32>} : memref<26x128xi32, #tpu.memory_space<vmem>>, vector<16xi32>,
      %mul3A_2100 = arith.constant 128 : i32
      %mul3A_2101 = arith.muli %scan3A_14, %mul3A_2100 : i32
      %add3A_2102 = arith.constant 64 : i32
      %add3A_2103 = arith.addi %mul3A_2101, %add3A_2102 : i32
      %mul3A_2104 = arith.constant 26 : i32
      %mul3A_2105 = arith.muli %add3A_2103, %mul3A_2104 : i32
      %add3A_2106 = arith.constant 14 : i32
      %add3A_2107 = arith.addi %mul3A_2105, %add3A_2106 : i32
      %add3A_2108 = vector.broadcast %add3A_2107 : i32 to vector<16xi32>
      %add3A_2109 = arith.addi %mul3A_9, %add3A_2108 : vector<16xi32>
      %gather3A_2110 = tpu.vector_load_idx %arg8[%add3A_2109] : memref<13312xi32, #tpu.memory_space<vmem>>[vector<16xi32>], vector<16xi32>,
      %sub3A_2111 = arith.constant 1400000 : i32
      %sub3A_2112 = vector.broadcast %sub3A_2111 : i32 to vector<16xi32>
      %sub3A_2113 = arith.subi %gather3A_2110, %sub3A_2112 : vector<16xi32>
      %swap3A_2114 = arith.constant 14 : i32
      %swap3A_2115 = arith.index_cast %swap3A_2114 : i32 to index
      %swap3A_2116 = arith.constant 64 : index
      %swap3A_2117 = tpu.vector_load %arg9[%swap3A_2115, %swap3A_2116] {strides = array<i32>} : memref<26x128xi32, #tpu.memory_space<vmem>>, vector<16xi32>,
      tpu.vector_store %arg9[%swap3A_2115, %swap3A_2116], %sub3A_2113 {strides = array<i32>} : memref<26x128xi32, #tpu.memory_space<vmem>>, vector<16xi32>,
      %mul3A_2118 = arith.constant 128 : i32
      %mul3A_2119 = arith.muli %scan3A_14, %mul3A_2118 : i32
      %add3A_2120 = arith.constant 80 : i32
      %add3A_2121 = arith.addi %mul3A_2119, %add3A_2120 : i32
      %mul3A_2122 = arith.constant 26 : i32
      %mul3A_2123 = arith.muli %add3A_2121, %mul3A_2122 : i32
      %add3A_2124 = arith.constant 14 : i32
      %add3A_2125 = arith.addi %mul3A_2123, %add3A_2124 : i32
      %add3A_2126 = vector.broadcast %add3A_2125 : i32 to vector<16xi32>
      %add3A_2127 = arith.addi %mul3A_9, %add3A_2126 : vector<16xi32>
      %gather3A_2128 = tpu.vector_load_idx %arg8[%add3A_2127] : memref<13312xi32, #tpu.memory_space<vmem>>[vector<16xi32>], vector<16xi32>,
      %sub3A_2129 = arith.constant 1400000 : i32
      %sub3A_2130 = vector.broadcast %sub3A_2129 : i32 to vector<16xi32>
      %sub3A_2131 = arith.subi %gather3A_2128, %sub3A_2130 : vector<16xi32>
      %swap3A_2132 = arith.constant 14 : i32
      %swap3A_2133 = arith.index_cast %swap3A_2132 : i32 to index
      %swap3A_2134 = arith.constant 80 : index
      %swap3A_2135 = tpu.vector_load %arg9[%swap3A_2133, %swap3A_2134] {strides = array<i32>} : memref<26x128xi32, #tpu.memory_space<vmem>>, vector<16xi32>,
      tpu.vector_store %arg9[%swap3A_2133, %swap3A_2134], %sub3A_2131 {strides = array<i32>} : memref<26x128xi32, #tpu.memory_space<vmem>>, vector<16xi32>,
      %mul3A_2136 = arith.constant 128 : i32
      %mul3A_2137 = arith.muli %scan3A_14, %mul3A_2136 : i32
      %add3A_2138 = arith.constant 96 : i32
      %add3A_2139 = arith.addi %mul3A_2137, %add3A_2138 : i32
      %mul3A_2140 = arith.constant 26 : i32
      %mul3A_2141 = arith.muli %add3A_2139, %mul3A_2140 : i32
      %add3A_2142 = arith.constant 14 : i32
      %add3A_2143 = arith.addi %mul3A_2141, %add3A_2142 : i32
      %add3A_2144 = vector.broadcast %add3A_2143 : i32 to vector<16xi32>
      %add3A_2145 = arith.addi %mul3A_9, %add3A_2144 : vector<16xi32>
      %gather3A_2146 = tpu.vector_load_idx %arg8[%add3A_2145] : memref<13312xi32, #tpu.memory_space<vmem>>[vector<16xi32>], vector<16xi32>,
      %sub3A_2147 = arith.constant 1400000 : i32
      %sub3A_2148 = vector.broadcast %sub3A_2147 : i32 to vector<16xi32>
      %sub3A_2149 = arith.subi %gather3A_2146, %sub3A_2148 : vector<16xi32>
      %swap3A_2150 = arith.constant 14 : i32
      %swap3A_2151 = arith.index_cast %swap3A_2150 : i32 to index
      %swap3A_2152 = arith.constant 96 : index
      %swap3A_2153 = tpu.vector_load %arg9[%swap3A_2151, %swap3A_2152] {strides = array<i32>} : memref<26x128xi32, #tpu.memory_space<vmem>>, vector<16xi32>,
      tpu.vector_store %arg9[%swap3A_2151, %swap3A_2152], %sub3A_2149 {strides = array<i32>} : memref<26x128xi32, #tpu.memory_space<vmem>>, vector<16xi32>,
      %mul3A_2154 = arith.constant 128 : i32
      %mul3A_2155 = arith.muli %scan3A_14, %mul3A_2154 : i32
      %add3A_2156 = arith.constant 112 : i32
      %add3A_2157 = arith.addi %mul3A_2155, %add3A_2156 : i32
      %mul3A_2158 = arith.constant 26 : i32
      %mul3A_2159 = arith.muli %add3A_2157, %mul3A_2158 : i32
      %add3A_2160 = arith.constant 14 : i32
      %add3A_2161 = arith.addi %mul3A_2159, %add3A_2160 : i32
      %add3A_2162 = vector.broadcast %add3A_2161 : i32 to vector<16xi32>
      %add3A_2163 = arith.addi %mul3A_9, %add3A_2162 : vector<16xi32>
      %gather3A_2164 = tpu.vector_load_idx %arg8[%add3A_2163] : memref<13312xi32, #tpu.memory_space<vmem>>[vector<16xi32>], vector<16xi32>,
      %sub3A_2165 = arith.constant 1400000 : i32
      %sub3A_2166 = vector.broadcast %sub3A_2165 : i32 to vector<16xi32>
      %sub3A_2167 = arith.subi %gather3A_2164, %sub3A_2166 : vector<16xi32>
      %swap3A_2168 = arith.constant 14 : i32
      %swap3A_2169 = arith.index_cast %swap3A_2168 : i32 to index
      %swap3A_2170 = arith.constant 112 : index
      %swap3A_2171 = tpu.vector_load %arg9[%swap3A_2169, %swap3A_2170] {strides = array<i32>} : memref<26x128xi32, #tpu.memory_space<vmem>>, vector<16xi32>,
      tpu.vector_store %arg9[%swap3A_2169, %swap3A_2170], %sub3A_2167 {strides = array<i32>} : memref<26x128xi32, #tpu.memory_space<vmem>>, vector<16xi32>,
      %mul3A_2172 = arith.constant 128 : i32
      %mul3A_2173 = arith.muli %scan3A_14, %mul3A_2172 : i32
      %add3A_2174 = arith.constant 0 : i32
      %add3A_2175 = arith.addi %mul3A_2173, %add3A_2174 : i32
      %mul3A_2176 = arith.constant 26 : i32
      %mul3A_2177 = arith.muli %add3A_2175, %mul3A_2176 : i32
      %add3A_2178 = arith.constant 15 : i32
      %add3A_2179 = arith.addi %mul3A_2177, %add3A_2178 : i32
      %add3A_2180 = vector.broadcast %add3A_2179 : i32 to vector<16xi32>
      %add3A_2181 = arith.addi %mul3A_9, %add3A_2180 : vector<16xi32>
      %gather3A_2182 = tpu.vector_load_idx %arg8[%add3A_2181] : memref<13312xi32, #tpu.memory_space<vmem>>[vector<16xi32>], vector<16xi32>,
      %sub3A_2183 = arith.constant 1500000 : i32
      %sub3A_2184 = vector.broadcast %sub3A_2183 : i32 to vector<16xi32>
      %sub3A_2185 = arith.subi %gather3A_2182, %sub3A_2184 : vector<16xi32>
      %swap3A_2186 = arith.constant 15 : i32
      %swap3A_2187 = arith.index_cast %swap3A_2186 : i32 to index
      %swap3A_2188 = arith.constant 0 : index
      %swap3A_2189 = tpu.vector_load %arg9[%swap3A_2187, %swap3A_2188] {strides = array<i32>} : memref<26x128xi32, #tpu.memory_space<vmem>>, vector<16xi32>,
      tpu.vector_store %arg9[%swap3A_2187, %swap3A_2188], %sub3A_2185 {strides = array<i32>} : memref<26x128xi32, #tpu.memory_space<vmem>>, vector<16xi32>,
      %mul3A_2190 = arith.constant 128 : i32
      %mul3A_2191 = arith.muli %scan3A_14, %mul3A_2190 : i32
      %add3A_2192 = arith.constant 16 : i32
      %add3A_2193 = arith.addi %mul3A_2191, %add3A_2192 : i32
      %mul3A_2194 = arith.constant 26 : i32
      %mul3A_2195 = arith.muli %add3A_2193, %mul3A_2194 : i32
      %add3A_2196 = arith.constant 15 : i32
      %add3A_2197 = arith.addi %mul3A_2195, %add3A_2196 : i32
      %add3A_2198 = vector.broadcast %add3A_2197 : i32 to vector<16xi32>
      %add3A_2199 = arith.addi %mul3A_9, %add3A_2198 : vector<16xi32>
      %gather3A_2200 = tpu.vector_load_idx %arg8[%add3A_2199] : memref<13312xi32, #tpu.memory_space<vmem>>[vector<16xi32>], vector<16xi32>,
      %sub3A_2201 = arith.constant 1500000 : i32
      %sub3A_2202 = vector.broadcast %sub3A_2201 : i32 to vector<16xi32>
      %sub3A_2203 = arith.subi %gather3A_2200, %sub3A_2202 : vector<16xi32>
      %swap3A_2204 = arith.constant 15 : i32
      %swap3A_2205 = arith.index_cast %swap3A_2204 : i32 to index
      %swap3A_2206 = arith.constant 16 : index
      %swap3A_2207 = tpu.vector_load %arg9[%swap3A_2205, %swap3A_2206] {strides = array<i32>} : memref<26x128xi32, #tpu.memory_space<vmem>>, vector<16xi32>,
      tpu.vector_store %arg9[%swap3A_2205, %swap3A_2206], %sub3A_2203 {strides = array<i32>} : memref<26x128xi32, #tpu.memory_space<vmem>>, vector<16xi32>,
      %mul3A_2208 = arith.constant 128 : i32
      %mul3A_2209 = arith.muli %scan3A_14, %mul3A_2208 : i32
      %add3A_2210 = arith.constant 32 : i32
      %add3A_2211 = arith.addi %mul3A_2209, %add3A_2210 : i32
      %mul3A_2212 = arith.constant 26 : i32
      %mul3A_2213 = arith.muli %add3A_2211, %mul3A_2212 : i32
      %add3A_2214 = arith.constant 15 : i32
      %add3A_2215 = arith.addi %mul3A_2213, %add3A_2214 : i32
      %add3A_2216 = vector.broadcast %add3A_2215 : i32 to vector<16xi32>
      %add3A_2217 = arith.addi %mul3A_9, %add3A_2216 : vector<16xi32>
      %gather3A_2218 = tpu.vector_load_idx %arg8[%add3A_2217] : memref<13312xi32, #tpu.memory_space<vmem>>[vector<16xi32>], vector<16xi32>,
      %sub3A_2219 = arith.constant 1500000 : i32
      %sub3A_2220 = vector.broadcast %sub3A_2219 : i32 to vector<16xi32>
      %sub3A_2221 = arith.subi %gather3A_2218, %sub3A_2220 : vector<16xi32>
      %swap3A_2222 = arith.constant 15 : i32
      %swap3A_2223 = arith.index_cast %swap3A_2222 : i32 to index
      %swap3A_2224 = arith.constant 32 : index
      %swap3A_2225 = tpu.vector_load %arg9[%swap3A_2223, %swap3A_2224] {strides = array<i32>} : memref<26x128xi32, #tpu.memory_space<vmem>>, vector<16xi32>,
      tpu.vector_store %arg9[%swap3A_2223, %swap3A_2224], %sub3A_2221 {strides = array<i32>} : memref<26x128xi32, #tpu.memory_space<vmem>>, vector<16xi32>,
      %mul3A_2226 = arith.constant 128 : i32
      %mul3A_2227 = arith.muli %scan3A_14, %mul3A_2226 : i32
      %add3A_2228 = arith.constant 48 : i32
      %add3A_2229 = arith.addi %mul3A_2227, %add3A_2228 : i32
      %mul3A_2230 = arith.constant 26 : i32
      %mul3A_2231 = arith.muli %add3A_2229, %mul3A_2230 : i32
      %add3A_2232 = arith.constant 15 : i32
      %add3A_2233 = arith.addi %mul3A_2231, %add3A_2232 : i32
      %add3A_2234 = vector.broadcast %add3A_2233 : i32 to vector<16xi32>
      %add3A_2235 = arith.addi %mul3A_9, %add3A_2234 : vector<16xi32>
      %gather3A_2236 = tpu.vector_load_idx %arg8[%add3A_2235] : memref<13312xi32, #tpu.memory_space<vmem>>[vector<16xi32>], vector<16xi32>,
      %sub3A_2237 = arith.constant 1500000 : i32
      %sub3A_2238 = vector.broadcast %sub3A_2237 : i32 to vector<16xi32>
      %sub3A_2239 = arith.subi %gather3A_2236, %sub3A_2238 : vector<16xi32>
      %swap3A_2240 = arith.constant 15 : i32
      %swap3A_2241 = arith.index_cast %swap3A_2240 : i32 to index
      %swap3A_2242 = arith.constant 48 : index
      %swap3A_2243 = tpu.vector_load %arg9[%swap3A_2241, %swap3A_2242] {strides = array<i32>} : memref<26x128xi32, #tpu.memory_space<vmem>>, vector<16xi32>,
      tpu.vector_store %arg9[%swap3A_2241, %swap3A_2242], %sub3A_2239 {strides = array<i32>} : memref<26x128xi32, #tpu.memory_space<vmem>>, vector<16xi32>,
      %mul3A_2244 = arith.constant 128 : i32
      %mul3A_2245 = arith.muli %scan3A_14, %mul3A_2244 : i32
      %add3A_2246 = arith.constant 64 : i32
      %add3A_2247 = arith.addi %mul3A_2245, %add3A_2246 : i32
      %mul3A_2248 = arith.constant 26 : i32
      %mul3A_2249 = arith.muli %add3A_2247, %mul3A_2248 : i32
      %add3A_2250 = arith.constant 15 : i32
      %add3A_2251 = arith.addi %mul3A_2249, %add3A_2250 : i32
      %add3A_2252 = vector.broadcast %add3A_2251 : i32 to vector<16xi32>
      %add3A_2253 = arith.addi %mul3A_9, %add3A_2252 : vector<16xi32>
      %gather3A_2254 = tpu.vector_load_idx %arg8[%add3A_2253] : memref<13312xi32, #tpu.memory_space<vmem>>[vector<16xi32>], vector<16xi32>,
      %sub3A_2255 = arith.constant 1500000 : i32
      %sub3A_2256 = vector.broadcast %sub3A_2255 : i32 to vector<16xi32>
      %sub3A_2257 = arith.subi %gather3A_2254, %sub3A_2256 : vector<16xi32>
      %swap3A_2258 = arith.constant 15 : i32
      %swap3A_2259 = arith.index_cast %swap3A_2258 : i32 to index
      %swap3A_2260 = arith.constant 64 : index
      %swap3A_2261 = tpu.vector_load %arg9[%swap3A_2259, %swap3A_2260] {strides = array<i32>} : memref<26x128xi32, #tpu.memory_space<vmem>>, vector<16xi32>,
      tpu.vector_store %arg9[%swap3A_2259, %swap3A_2260], %sub3A_2257 {strides = array<i32>} : memref<26x128xi32, #tpu.memory_space<vmem>>, vector<16xi32>,
      %mul3A_2262 = arith.constant 128 : i32
      %mul3A_2263 = arith.muli %scan3A_14, %mul3A_2262 : i32
      %add3A_2264 = arith.constant 80 : i32
      %add3A_2265 = arith.addi %mul3A_2263, %add3A_2264 : i32
      %mul3A_2266 = arith.constant 26 : i32
      %mul3A_2267 = arith.muli %add3A_2265, %mul3A_2266 : i32
      %add3A_2268 = arith.constant 15 : i32
      %add3A_2269 = arith.addi %mul3A_2267, %add3A_2268 : i32
      %add3A_2270 = vector.broadcast %add3A_2269 : i32 to vector<16xi32>
      %add3A_2271 = arith.addi %mul3A_9, %add3A_2270 : vector<16xi32>
      %gather3A_2272 = tpu.vector_load_idx %arg8[%add3A_2271] : memref<13312xi32, #tpu.memory_space<vmem>>[vector<16xi32>], vector<16xi32>,
      %sub3A_2273 = arith.constant 1500000 : i32
      %sub3A_2274 = vector.broadcast %sub3A_2273 : i32 to vector<16xi32>
      %sub3A_2275 = arith.subi %gather3A_2272, %sub3A_2274 : vector<16xi32>
      %swap3A_2276 = arith.constant 15 : i32
      %swap3A_2277 = arith.index_cast %swap3A_2276 : i32 to index
      %swap3A_2278 = arith.constant 80 : index
      %swap3A_2279 = tpu.vector_load %arg9[%swap3A_2277, %swap3A_2278] {strides = array<i32>} : memref<26x128xi32, #tpu.memory_space<vmem>>, vector<16xi32>,
      tpu.vector_store %arg9[%swap3A_2277, %swap3A_2278], %sub3A_2275 {strides = array<i32>} : memref<26x128xi32, #tpu.memory_space<vmem>>, vector<16xi32>,
      %mul3A_2280 = arith.constant 128 : i32
      %mul3A_2281 = arith.muli %scan3A_14, %mul3A_2280 : i32
      %add3A_2282 = arith.constant 96 : i32
      %add3A_2283 = arith.addi %mul3A_2281, %add3A_2282 : i32
      %mul3A_2284 = arith.constant 26 : i32
      %mul3A_2285 = arith.muli %add3A_2283, %mul3A_2284 : i32
      %add3A_2286 = arith.constant 15 : i32
      %add3A_2287 = arith.addi %mul3A_2285, %add3A_2286 : i32
      %add3A_2288 = vector.broadcast %add3A_2287 : i32 to vector<16xi32>
      %add3A_2289 = arith.addi %mul3A_9, %add3A_2288 : vector<16xi32>
      %gather3A_2290 = tpu.vector_load_idx %arg8[%add3A_2289] : memref<13312xi32, #tpu.memory_space<vmem>>[vector<16xi32>], vector<16xi32>,
      %sub3A_2291 = arith.constant 1500000 : i32
      %sub3A_2292 = vector.broadcast %sub3A_2291 : i32 to vector<16xi32>
      %sub3A_2293 = arith.subi %gather3A_2290, %sub3A_2292 : vector<16xi32>
      %swap3A_2294 = arith.constant 15 : i32
      %swap3A_2295 = arith.index_cast %swap3A_2294 : i32 to index
      %swap3A_2296 = arith.constant 96 : index
      %swap3A_2297 = tpu.vector_load %arg9[%swap3A_2295, %swap3A_2296] {strides = array<i32>} : memref<26x128xi32, #tpu.memory_space<vmem>>, vector<16xi32>,
      tpu.vector_store %arg9[%swap3A_2295, %swap3A_2296], %sub3A_2293 {strides = array<i32>} : memref<26x128xi32, #tpu.memory_space<vmem>>, vector<16xi32>,
      %mul3A_2298 = arith.constant 128 : i32
      %mul3A_2299 = arith.muli %scan3A_14, %mul3A_2298 : i32
      %add3A_2300 = arith.constant 112 : i32
      %add3A_2301 = arith.addi %mul3A_2299, %add3A_2300 : i32
      %mul3A_2302 = arith.constant 26 : i32
      %mul3A_2303 = arith.muli %add3A_2301, %mul3A_2302 : i32
      %add3A_2304 = arith.constant 15 : i32
      %add3A_2305 = arith.addi %mul3A_2303, %add3A_2304 : i32
      %add3A_2306 = vector.broadcast %add3A_2305 : i32 to vector<16xi32>
      %add3A_2307 = arith.addi %mul3A_9, %add3A_2306 : vector<16xi32>
      %gather3A_2308 = tpu.vector_load_idx %arg8[%add3A_2307] : memref<13312xi32, #tpu.memory_space<vmem>>[vector<16xi32>], vector<16xi32>,
      %sub3A_2309 = arith.constant 1500000 : i32
      %sub3A_2310 = vector.broadcast %sub3A_2309 : i32 to vector<16xi32>
      %sub3A_2311 = arith.subi %gather3A_2308, %sub3A_2310 : vector<16xi32>
      %swap3A_2312 = arith.constant 15 : i32
      %swap3A_2313 = arith.index_cast %swap3A_2312 : i32 to index
      %swap3A_2314 = arith.constant 112 : index
      %swap3A_2315 = tpu.vector_load %arg9[%swap3A_2313, %swap3A_2314] {strides = array<i32>} : memref<26x128xi32, #tpu.memory_space<vmem>>, vector<16xi32>,
      tpu.vector_store %arg9[%swap3A_2313, %swap3A_2314], %sub3A_2311 {strides = array<i32>} : memref<26x128xi32, #tpu.memory_space<vmem>>, vector<16xi32>,
      %mul3A_2316 = arith.constant 128 : i32
      %mul3A_2317 = arith.muli %scan3A_14, %mul3A_2316 : i32
      %add3A_2318 = arith.constant 0 : i32
      %add3A_2319 = arith.addi %mul3A_2317, %add3A_2318 : i32
      %mul3A_2320 = arith.constant 26 : i32
      %mul3A_2321 = arith.muli %add3A_2319, %mul3A_2320 : i32
      %add3A_2322 = arith.constant 16 : i32
      %add3A_2323 = arith.addi %mul3A_2321, %add3A_2322 : i32
      %add3A_2324 = vector.broadcast %add3A_2323 : i32 to vector<16xi32>
      %add3A_2325 = arith.addi %mul3A_9, %add3A_2324 : vector<16xi32>
      %gather3A_2326 = tpu.vector_load_idx %arg8[%add3A_2325] : memref<13312xi32, #tpu.memory_space<vmem>>[vector<16xi32>], vector<16xi32>,
      %sub3A_2327 = arith.constant 1600000 : i32
      %sub3A_2328 = vector.broadcast %sub3A_2327 : i32 to vector<16xi32>
      %sub3A_2329 = arith.subi %gather3A_2326, %sub3A_2328 : vector<16xi32>
      %swap3A_2330 = arith.constant 16 : i32
      %swap3A_2331 = arith.index_cast %swap3A_2330 : i32 to index
      %swap3A_2332 = arith.constant 0 : index
      %swap3A_2333 = tpu.vector_load %arg9[%swap3A_2331, %swap3A_2332] {strides = array<i32>} : memref<26x128xi32, #tpu.memory_space<vmem>>, vector<16xi32>,
      tpu.vector_store %arg9[%swap3A_2331, %swap3A_2332], %sub3A_2329 {strides = array<i32>} : memref<26x128xi32, #tpu.memory_space<vmem>>, vector<16xi32>,
      %mul3A_2334 = arith.constant 128 : i32
      %mul3A_2335 = arith.muli %scan3A_14, %mul3A_2334 : i32
      %add3A_2336 = arith.constant 16 : i32
      %add3A_2337 = arith.addi %mul3A_2335, %add3A_2336 : i32
      %mul3A_2338 = arith.constant 26 : i32
      %mul3A_2339 = arith.muli %add3A_2337, %mul3A_2338 : i32
      %add3A_2340 = arith.constant 16 : i32
      %add3A_2341 = arith.addi %mul3A_2339, %add3A_2340 : i32
      %add3A_2342 = vector.broadcast %add3A_2341 : i32 to vector<16xi32>
      %add3A_2343 = arith.addi %mul3A_9, %add3A_2342 : vector<16xi32>
      %gather3A_2344 = tpu.vector_load_idx %arg8[%add3A_2343] : memref<13312xi32, #tpu.memory_space<vmem>>[vector<16xi32>], vector<16xi32>,
      %sub3A_2345 = arith.constant 1600000 : i32
      %sub3A_2346 = vector.broadcast %sub3A_2345 : i32 to vector<16xi32>
      %sub3A_2347 = arith.subi %gather3A_2344, %sub3A_2346 : vector<16xi32>
      %swap3A_2348 = arith.constant 16 : i32
      %swap3A_2349 = arith.index_cast %swap3A_2348 : i32 to index
      %swap3A_2350 = arith.constant 16 : index
      %swap3A_2351 = tpu.vector_load %arg9[%swap3A_2349, %swap3A_2350] {strides = array<i32>} : memref<26x128xi32, #tpu.memory_space<vmem>>, vector<16xi32>,
      tpu.vector_store %arg9[%swap3A_2349, %swap3A_2350], %sub3A_2347 {strides = array<i32>} : memref<26x128xi32, #tpu.memory_space<vmem>>, vector<16xi32>,
      %mul3A_2352 = arith.constant 128 : i32
      %mul3A_2353 = arith.muli %scan3A_14, %mul3A_2352 : i32
      %add3A_2354 = arith.constant 32 : i32
      %add3A_2355 = arith.addi %mul3A_2353, %add3A_2354 : i32
      %mul3A_2356 = arith.constant 26 : i32
      %mul3A_2357 = arith.muli %add3A_2355, %mul3A_2356 : i32
      %add3A_2358 = arith.constant 16 : i32
      %add3A_2359 = arith.addi %mul3A_2357, %add3A_2358 : i32
      %add3A_2360 = vector.broadcast %add3A_2359 : i32 to vector<16xi32>
      %add3A_2361 = arith.addi %mul3A_9, %add3A_2360 : vector<16xi32>
      %gather3A_2362 = tpu.vector_load_idx %arg8[%add3A_2361] : memref<13312xi32, #tpu.memory_space<vmem>>[vector<16xi32>], vector<16xi32>,
      %sub3A_2363 = arith.constant 1600000 : i32
      %sub3A_2364 = vector.broadcast %sub3A_2363 : i32 to vector<16xi32>
      %sub3A_2365 = arith.subi %gather3A_2362, %sub3A_2364 : vector<16xi32>
      %swap3A_2366 = arith.constant 16 : i32
      %swap3A_2367 = arith.index_cast %swap3A_2366 : i32 to index
      %swap3A_2368 = arith.constant 32 : index
      %swap3A_2369 = tpu.vector_load %arg9[%swap3A_2367, %swap3A_2368] {strides = array<i32>} : memref<26x128xi32, #tpu.memory_space<vmem>>, vector<16xi32>,
      tpu.vector_store %arg9[%swap3A_2367, %swap3A_2368], %sub3A_2365 {strides = array<i32>} : memref<26x128xi32, #tpu.memory_space<vmem>>, vector<16xi32>,
      %mul3A_2370 = arith.constant 128 : i32
      %mul3A_2371 = arith.muli %scan3A_14, %mul3A_2370 : i32
      %add3A_2372 = arith.constant 48 : i32
      %add3A_2373 = arith.addi %mul3A_2371, %add3A_2372 : i32
      %mul3A_2374 = arith.constant 26 : i32
      %mul3A_2375 = arith.muli %add3A_2373, %mul3A_2374 : i32
      %add3A_2376 = arith.constant 16 : i32
      %add3A_2377 = arith.addi %mul3A_2375, %add3A_2376 : i32
      %add3A_2378 = vector.broadcast %add3A_2377 : i32 to vector<16xi32>
      %add3A_2379 = arith.addi %mul3A_9, %add3A_2378 : vector<16xi32>
      %gather3A_2380 = tpu.vector_load_idx %arg8[%add3A_2379] : memref<13312xi32, #tpu.memory_space<vmem>>[vector<16xi32>], vector<16xi32>,
      %sub3A_2381 = arith.constant 1600000 : i32
      %sub3A_2382 = vector.broadcast %sub3A_2381 : i32 to vector<16xi32>
      %sub3A_2383 = arith.subi %gather3A_2380, %sub3A_2382 : vector<16xi32>
      %swap3A_2384 = arith.constant 16 : i32
      %swap3A_2385 = arith.index_cast %swap3A_2384 : i32 to index
      %swap3A_2386 = arith.constant 48 : index
      %swap3A_2387 = tpu.vector_load %arg9[%swap3A_2385, %swap3A_2386] {strides = array<i32>} : memref<26x128xi32, #tpu.memory_space<vmem>>, vector<16xi32>,
      tpu.vector_store %arg9[%swap3A_2385, %swap3A_2386], %sub3A_2383 {strides = array<i32>} : memref<26x128xi32, #tpu.memory_space<vmem>>, vector<16xi32>,
      %mul3A_2388 = arith.constant 128 : i32
      %mul3A_2389 = arith.muli %scan3A_14, %mul3A_2388 : i32
      %add3A_2390 = arith.constant 64 : i32
      %add3A_2391 = arith.addi %mul3A_2389, %add3A_2390 : i32
      %mul3A_2392 = arith.constant 26 : i32
      %mul3A_2393 = arith.muli %add3A_2391, %mul3A_2392 : i32
      %add3A_2394 = arith.constant 16 : i32
      %add3A_2395 = arith.addi %mul3A_2393, %add3A_2394 : i32
      %add3A_2396 = vector.broadcast %add3A_2395 : i32 to vector<16xi32>
      %add3A_2397 = arith.addi %mul3A_9, %add3A_2396 : vector<16xi32>
      %gather3A_2398 = tpu.vector_load_idx %arg8[%add3A_2397] : memref<13312xi32, #tpu.memory_space<vmem>>[vector<16xi32>], vector<16xi32>,
      %sub3A_2399 = arith.constant 1600000 : i32
      %sub3A_2400 = vector.broadcast %sub3A_2399 : i32 to vector<16xi32>
      %sub3A_2401 = arith.subi %gather3A_2398, %sub3A_2400 : vector<16xi32>
      %swap3A_2402 = arith.constant 16 : i32
      %swap3A_2403 = arith.index_cast %swap3A_2402 : i32 to index
      %swap3A_2404 = arith.constant 64 : index
      %swap3A_2405 = tpu.vector_load %arg9[%swap3A_2403, %swap3A_2404] {strides = array<i32>} : memref<26x128xi32, #tpu.memory_space<vmem>>, vector<16xi32>,
      tpu.vector_store %arg9[%swap3A_2403, %swap3A_2404], %sub3A_2401 {strides = array<i32>} : memref<26x128xi32, #tpu.memory_space<vmem>>, vector<16xi32>,
      %mul3A_2406 = arith.constant 128 : i32
      %mul3A_2407 = arith.muli %scan3A_14, %mul3A_2406 : i32
      %add3A_2408 = arith.constant 80 : i32
      %add3A_2409 = arith.addi %mul3A_2407, %add3A_2408 : i32
      %mul3A_2410 = arith.constant 26 : i32
      %mul3A_2411 = arith.muli %add3A_2409, %mul3A_2410 : i32
      %add3A_2412 = arith.constant 16 : i32
      %add3A_2413 = arith.addi %mul3A_2411, %add3A_2412 : i32
      %add3A_2414 = vector.broadcast %add3A_2413 : i32 to vector<16xi32>
      %add3A_2415 = arith.addi %mul3A_9, %add3A_2414 : vector<16xi32>
      %gather3A_2416 = tpu.vector_load_idx %arg8[%add3A_2415] : memref<13312xi32, #tpu.memory_space<vmem>>[vector<16xi32>], vector<16xi32>,
      %sub3A_2417 = arith.constant 1600000 : i32
      %sub3A_2418 = vector.broadcast %sub3A_2417 : i32 to vector<16xi32>
      %sub3A_2419 = arith.subi %gather3A_2416, %sub3A_2418 : vector<16xi32>
      %swap3A_2420 = arith.constant 16 : i32
      %swap3A_2421 = arith.index_cast %swap3A_2420 : i32 to index
      %swap3A_2422 = arith.constant 80 : index
      %swap3A_2423 = tpu.vector_load %arg9[%swap3A_2421, %swap3A_2422] {strides = array<i32>} : memref<26x128xi32, #tpu.memory_space<vmem>>, vector<16xi32>,
      tpu.vector_store %arg9[%swap3A_2421, %swap3A_2422], %sub3A_2419 {strides = array<i32>} : memref<26x128xi32, #tpu.memory_space<vmem>>, vector<16xi32>,
      %mul3A_2424 = arith.constant 128 : i32
      %mul3A_2425 = arith.muli %scan3A_14, %mul3A_2424 : i32
      %add3A_2426 = arith.constant 96 : i32
      %add3A_2427 = arith.addi %mul3A_2425, %add3A_2426 : i32
      %mul3A_2428 = arith.constant 26 : i32
      %mul3A_2429 = arith.muli %add3A_2427, %mul3A_2428 : i32
      %add3A_2430 = arith.constant 16 : i32
      %add3A_2431 = arith.addi %mul3A_2429, %add3A_2430 : i32
      %add3A_2432 = vector.broadcast %add3A_2431 : i32 to vector<16xi32>
      %add3A_2433 = arith.addi %mul3A_9, %add3A_2432 : vector<16xi32>
      %gather3A_2434 = tpu.vector_load_idx %arg8[%add3A_2433] : memref<13312xi32, #tpu.memory_space<vmem>>[vector<16xi32>], vector<16xi32>,
      %sub3A_2435 = arith.constant 1600000 : i32
      %sub3A_2436 = vector.broadcast %sub3A_2435 : i32 to vector<16xi32>
      %sub3A_2437 = arith.subi %gather3A_2434, %sub3A_2436 : vector<16xi32>
      %swap3A_2438 = arith.constant 16 : i32
      %swap3A_2439 = arith.index_cast %swap3A_2438 : i32 to index
      %swap3A_2440 = arith.constant 96 : index
      %swap3A_2441 = tpu.vector_load %arg9[%swap3A_2439, %swap3A_2440] {strides = array<i32>} : memref<26x128xi32, #tpu.memory_space<vmem>>, vector<16xi32>,
      tpu.vector_store %arg9[%swap3A_2439, %swap3A_2440], %sub3A_2437 {strides = array<i32>} : memref<26x128xi32, #tpu.memory_space<vmem>>, vector<16xi32>,
      %mul3A_2442 = arith.constant 128 : i32
      %mul3A_2443 = arith.muli %scan3A_14, %mul3A_2442 : i32
      %add3A_2444 = arith.constant 112 : i32
      %add3A_2445 = arith.addi %mul3A_2443, %add3A_2444 : i32
      %mul3A_2446 = arith.constant 26 : i32
      %mul3A_2447 = arith.muli %add3A_2445, %mul3A_2446 : i32
      %add3A_2448 = arith.constant 16 : i32
      %add3A_2449 = arith.addi %mul3A_2447, %add3A_2448 : i32
      %add3A_2450 = vector.broadcast %add3A_2449 : i32 to vector<16xi32>
      %add3A_2451 = arith.addi %mul3A_9, %add3A_2450 : vector<16xi32>
      %gather3A_2452 = tpu.vector_load_idx %arg8[%add3A_2451] : memref<13312xi32, #tpu.memory_space<vmem>>[vector<16xi32>], vector<16xi32>,
      %sub3A_2453 = arith.constant 1600000 : i32
      %sub3A_2454 = vector.broadcast %sub3A_2453 : i32 to vector<16xi32>
      %sub3A_2455 = arith.subi %gather3A_2452, %sub3A_2454 : vector<16xi32>
      %swap3A_2456 = arith.constant 16 : i32
      %swap3A_2457 = arith.index_cast %swap3A_2456 : i32 to index
      %swap3A_2458 = arith.constant 112 : index
      %swap3A_2459 = tpu.vector_load %arg9[%swap3A_2457, %swap3A_2458] {strides = array<i32>} : memref<26x128xi32, #tpu.memory_space<vmem>>, vector<16xi32>,
      tpu.vector_store %arg9[%swap3A_2457, %swap3A_2458], %sub3A_2455 {strides = array<i32>} : memref<26x128xi32, #tpu.memory_space<vmem>>, vector<16xi32>,
      %mul3A_2460 = arith.constant 128 : i32
      %mul3A_2461 = arith.muli %scan3A_14, %mul3A_2460 : i32
      %add3A_2462 = arith.constant 0 : i32
      %add3A_2463 = arith.addi %mul3A_2461, %add3A_2462 : i32
      %mul3A_2464 = arith.constant 26 : i32
      %mul3A_2465 = arith.muli %add3A_2463, %mul3A_2464 : i32
      %add3A_2466 = arith.constant 17 : i32
      %add3A_2467 = arith.addi %mul3A_2465, %add3A_2466 : i32
      %add3A_2468 = vector.broadcast %add3A_2467 : i32 to vector<16xi32>
      %add3A_2469 = arith.addi %mul3A_9, %add3A_2468 : vector<16xi32>
      %gather3A_2470 = tpu.vector_load_idx %arg8[%add3A_2469] : memref<13312xi32, #tpu.memory_space<vmem>>[vector<16xi32>], vector<16xi32>,
      %sub3A_2471 = arith.constant 1700000 : i32
      %sub3A_2472 = vector.broadcast %sub3A_2471 : i32 to vector<16xi32>
      %sub3A_2473 = arith.subi %gather3A_2470, %sub3A_2472 : vector<16xi32>
      %swap3A_2474 = arith.constant 17 : i32
      %swap3A_2475 = arith.index_cast %swap3A_2474 : i32 to index
      %swap3A_2476 = arith.constant 0 : index
      %swap3A_2477 = tpu.vector_load %arg9[%swap3A_2475, %swap3A_2476] {strides = array<i32>} : memref<26x128xi32, #tpu.memory_space<vmem>>, vector<16xi32>,
      tpu.vector_store %arg9[%swap3A_2475, %swap3A_2476], %sub3A_2473 {strides = array<i32>} : memref<26x128xi32, #tpu.memory_space<vmem>>, vector<16xi32>,
      %mul3A_2478 = arith.constant 128 : i32
      %mul3A_2479 = arith.muli %scan3A_14, %mul3A_2478 : i32
      %add3A_2480 = arith.constant 16 : i32
      %add3A_2481 = arith.addi %mul3A_2479, %add3A_2480 : i32
      %mul3A_2482 = arith.constant 26 : i32
      %mul3A_2483 = arith.muli %add3A_2481, %mul3A_2482 : i32
      %add3A_2484 = arith.constant 17 : i32
      %add3A_2485 = arith.addi %mul3A_2483, %add3A_2484 : i32
      %add3A_2486 = vector.broadcast %add3A_2485 : i32 to vector<16xi32>
      %add3A_2487 = arith.addi %mul3A_9, %add3A_2486 : vector<16xi32>
      %gather3A_2488 = tpu.vector_load_idx %arg8[%add3A_2487] : memref<13312xi32, #tpu.memory_space<vmem>>[vector<16xi32>], vector<16xi32>,
      %sub3A_2489 = arith.constant 1700000 : i32
      %sub3A_2490 = vector.broadcast %sub3A_2489 : i32 to vector<16xi32>
      %sub3A_2491 = arith.subi %gather3A_2488, %sub3A_2490 : vector<16xi32>
      %swap3A_2492 = arith.constant 17 : i32
      %swap3A_2493 = arith.index_cast %swap3A_2492 : i32 to index
      %swap3A_2494 = arith.constant 16 : index
      %swap3A_2495 = tpu.vector_load %arg9[%swap3A_2493, %swap3A_2494] {strides = array<i32>} : memref<26x128xi32, #tpu.memory_space<vmem>>, vector<16xi32>,
      tpu.vector_store %arg9[%swap3A_2493, %swap3A_2494], %sub3A_2491 {strides = array<i32>} : memref<26x128xi32, #tpu.memory_space<vmem>>, vector<16xi32>,
      %mul3A_2496 = arith.constant 128 : i32
      %mul3A_2497 = arith.muli %scan3A_14, %mul3A_2496 : i32
      %add3A_2498 = arith.constant 32 : i32
      %add3A_2499 = arith.addi %mul3A_2497, %add3A_2498 : i32
      %mul3A_2500 = arith.constant 26 : i32
      %mul3A_2501 = arith.muli %add3A_2499, %mul3A_2500 : i32
      %add3A_2502 = arith.constant 17 : i32
      %add3A_2503 = arith.addi %mul3A_2501, %add3A_2502 : i32
      %add3A_2504 = vector.broadcast %add3A_2503 : i32 to vector<16xi32>
      %add3A_2505 = arith.addi %mul3A_9, %add3A_2504 : vector<16xi32>
      %gather3A_2506 = tpu.vector_load_idx %arg8[%add3A_2505] : memref<13312xi32, #tpu.memory_space<vmem>>[vector<16xi32>], vector<16xi32>,
      %sub3A_2507 = arith.constant 1700000 : i32
      %sub3A_2508 = vector.broadcast %sub3A_2507 : i32 to vector<16xi32>
      %sub3A_2509 = arith.subi %gather3A_2506, %sub3A_2508 : vector<16xi32>
      %swap3A_2510 = arith.constant 17 : i32
      %swap3A_2511 = arith.index_cast %swap3A_2510 : i32 to index
      %swap3A_2512 = arith.constant 32 : index
      %swap3A_2513 = tpu.vector_load %arg9[%swap3A_2511, %swap3A_2512] {strides = array<i32>} : memref<26x128xi32, #tpu.memory_space<vmem>>, vector<16xi32>,
      tpu.vector_store %arg9[%swap3A_2511, %swap3A_2512], %sub3A_2509 {strides = array<i32>} : memref<26x128xi32, #tpu.memory_space<vmem>>, vector<16xi32>,
      %mul3A_2514 = arith.constant 128 : i32
      %mul3A_2515 = arith.muli %scan3A_14, %mul3A_2514 : i32
      %add3A_2516 = arith.constant 48 : i32
      %add3A_2517 = arith.addi %mul3A_2515, %add3A_2516 : i32
      %mul3A_2518 = arith.constant 26 : i32
      %mul3A_2519 = arith.muli %add3A_2517, %mul3A_2518 : i32
      %add3A_2520 = arith.constant 17 : i32
      %add3A_2521 = arith.addi %mul3A_2519, %add3A_2520 : i32
      %add3A_2522 = vector.broadcast %add3A_2521 : i32 to vector<16xi32>
      %add3A_2523 = arith.addi %mul3A_9, %add3A_2522 : vector<16xi32>
      %gather3A_2524 = tpu.vector_load_idx %arg8[%add3A_2523] : memref<13312xi32, #tpu.memory_space<vmem>>[vector<16xi32>], vector<16xi32>,
      %sub3A_2525 = arith.constant 1700000 : i32
      %sub3A_2526 = vector.broadcast %sub3A_2525 : i32 to vector<16xi32>
      %sub3A_2527 = arith.subi %gather3A_2524, %sub3A_2526 : vector<16xi32>
      %swap3A_2528 = arith.constant 17 : i32
      %swap3A_2529 = arith.index_cast %swap3A_2528 : i32 to index
      %swap3A_2530 = arith.constant 48 : index
      %swap3A_2531 = tpu.vector_load %arg9[%swap3A_2529, %swap3A_2530] {strides = array<i32>} : memref<26x128xi32, #tpu.memory_space<vmem>>, vector<16xi32>,
      tpu.vector_store %arg9[%swap3A_2529, %swap3A_2530], %sub3A_2527 {strides = array<i32>} : memref<26x128xi32, #tpu.memory_space<vmem>>, vector<16xi32>,
      %mul3A_2532 = arith.constant 128 : i32
      %mul3A_2533 = arith.muli %scan3A_14, %mul3A_2532 : i32
      %add3A_2534 = arith.constant 64 : i32
      %add3A_2535 = arith.addi %mul3A_2533, %add3A_2534 : i32
      %mul3A_2536 = arith.constant 26 : i32
      %mul3A_2537 = arith.muli %add3A_2535, %mul3A_2536 : i32
      %add3A_2538 = arith.constant 17 : i32
      %add3A_2539 = arith.addi %mul3A_2537, %add3A_2538 : i32
      %add3A_2540 = vector.broadcast %add3A_2539 : i32 to vector<16xi32>
      %add3A_2541 = arith.addi %mul3A_9, %add3A_2540 : vector<16xi32>
      %gather3A_2542 = tpu.vector_load_idx %arg8[%add3A_2541] : memref<13312xi32, #tpu.memory_space<vmem>>[vector<16xi32>], vector<16xi32>,
      %sub3A_2543 = arith.constant 1700000 : i32
      %sub3A_2544 = vector.broadcast %sub3A_2543 : i32 to vector<16xi32>
      %sub3A_2545 = arith.subi %gather3A_2542, %sub3A_2544 : vector<16xi32>
      %swap3A_2546 = arith.constant 17 : i32
      %swap3A_2547 = arith.index_cast %swap3A_2546 : i32 to index
      %swap3A_2548 = arith.constant 64 : index
      %swap3A_2549 = tpu.vector_load %arg9[%swap3A_2547, %swap3A_2548] {strides = array<i32>} : memref<26x128xi32, #tpu.memory_space<vmem>>, vector<16xi32>,
      tpu.vector_store %arg9[%swap3A_2547, %swap3A_2548], %sub3A_2545 {strides = array<i32>} : memref<26x128xi32, #tpu.memory_space<vmem>>, vector<16xi32>,
      %mul3A_2550 = arith.constant 128 : i32
      %mul3A_2551 = arith.muli %scan3A_14, %mul3A_2550 : i32
      %add3A_2552 = arith.constant 80 : i32
      %add3A_2553 = arith.addi %mul3A_2551, %add3A_2552 : i32
      %mul3A_2554 = arith.constant 26 : i32
      %mul3A_2555 = arith.muli %add3A_2553, %mul3A_2554 : i32
      %add3A_2556 = arith.constant 17 : i32
      %add3A_2557 = arith.addi %mul3A_2555, %add3A_2556 : i32
      %add3A_2558 = vector.broadcast %add3A_2557 : i32 to vector<16xi32>
      %add3A_2559 = arith.addi %mul3A_9, %add3A_2558 : vector<16xi32>
      %gather3A_2560 = tpu.vector_load_idx %arg8[%add3A_2559] : memref<13312xi32, #tpu.memory_space<vmem>>[vector<16xi32>], vector<16xi32>,
      %sub3A_2561 = arith.constant 1700000 : i32
      %sub3A_2562 = vector.broadcast %sub3A_2561 : i32 to vector<16xi32>
      %sub3A_2563 = arith.subi %gather3A_2560, %sub3A_2562 : vector<16xi32>
      %swap3A_2564 = arith.constant 17 : i32
      %swap3A_2565 = arith.index_cast %swap3A_2564 : i32 to index
      %swap3A_2566 = arith.constant 80 : index
      %swap3A_2567 = tpu.vector_load %arg9[%swap3A_2565, %swap3A_2566] {strides = array<i32>} : memref<26x128xi32, #tpu.memory_space<vmem>>, vector<16xi32>,
      tpu.vector_store %arg9[%swap3A_2565, %swap3A_2566], %sub3A_2563 {strides = array<i32>} : memref<26x128xi32, #tpu.memory_space<vmem>>, vector<16xi32>,
      %mul3A_2568 = arith.constant 128 : i32
      %mul3A_2569 = arith.muli %scan3A_14, %mul3A_2568 : i32
      %add3A_2570 = arith.constant 96 : i32
      %add3A_2571 = arith.addi %mul3A_2569, %add3A_2570 : i32
      %mul3A_2572 = arith.constant 26 : i32
      %mul3A_2573 = arith.muli %add3A_2571, %mul3A_2572 : i32
      %add3A_2574 = arith.constant 17 : i32
      %add3A_2575 = arith.addi %mul3A_2573, %add3A_2574 : i32
      %add3A_2576 = vector.broadcast %add3A_2575 : i32 to vector<16xi32>
      %add3A_2577 = arith.addi %mul3A_9, %add3A_2576 : vector<16xi32>
      %gather3A_2578 = tpu.vector_load_idx %arg8[%add3A_2577] : memref<13312xi32, #tpu.memory_space<vmem>>[vector<16xi32>], vector<16xi32>,
      %sub3A_2579 = arith.constant 1700000 : i32
      %sub3A_2580 = vector.broadcast %sub3A_2579 : i32 to vector<16xi32>
      %sub3A_2581 = arith.subi %gather3A_2578, %sub3A_2580 : vector<16xi32>
      %swap3A_2582 = arith.constant 17 : i32
      %swap3A_2583 = arith.index_cast %swap3A_2582 : i32 to index
      %swap3A_2584 = arith.constant 96 : index
      %swap3A_2585 = tpu.vector_load %arg9[%swap3A_2583, %swap3A_2584] {strides = array<i32>} : memref<26x128xi32, #tpu.memory_space<vmem>>, vector<16xi32>,
      tpu.vector_store %arg9[%swap3A_2583, %swap3A_2584], %sub3A_2581 {strides = array<i32>} : memref<26x128xi32, #tpu.memory_space<vmem>>, vector<16xi32>,
      %mul3A_2586 = arith.constant 128 : i32
      %mul3A_2587 = arith.muli %scan3A_14, %mul3A_2586 : i32
      %add3A_2588 = arith.constant 112 : i32
      %add3A_2589 = arith.addi %mul3A_2587, %add3A_2588 : i32
      %mul3A_2590 = arith.constant 26 : i32
      %mul3A_2591 = arith.muli %add3A_2589, %mul3A_2590 : i32
      %add3A_2592 = arith.constant 17 : i32
      %add3A_2593 = arith.addi %mul3A_2591, %add3A_2592 : i32
      %add3A_2594 = vector.broadcast %add3A_2593 : i32 to vector<16xi32>
      %add3A_2595 = arith.addi %mul3A_9, %add3A_2594 : vector<16xi32>
      %gather3A_2596 = tpu.vector_load_idx %arg8[%add3A_2595] : memref<13312xi32, #tpu.memory_space<vmem>>[vector<16xi32>], vector<16xi32>,
      %sub3A_2597 = arith.constant 1700000 : i32
      %sub3A_2598 = vector.broadcast %sub3A_2597 : i32 to vector<16xi32>
      %sub3A_2599 = arith.subi %gather3A_2596, %sub3A_2598 : vector<16xi32>
      %swap3A_2600 = arith.constant 17 : i32
      %swap3A_2601 = arith.index_cast %swap3A_2600 : i32 to index
      %swap3A_2602 = arith.constant 112 : index
      %swap3A_2603 = tpu.vector_load %arg9[%swap3A_2601, %swap3A_2602] {strides = array<i32>} : memref<26x128xi32, #tpu.memory_space<vmem>>, vector<16xi32>,
      tpu.vector_store %arg9[%swap3A_2601, %swap3A_2602], %sub3A_2599 {strides = array<i32>} : memref<26x128xi32, #tpu.memory_space<vmem>>, vector<16xi32>,
      %mul3A_2604 = arith.constant 128 : i32
      %mul3A_2605 = arith.muli %scan3A_14, %mul3A_2604 : i32
      %add3A_2606 = arith.constant 0 : i32
      %add3A_2607 = arith.addi %mul3A_2605, %add3A_2606 : i32
      %mul3A_2608 = arith.constant 26 : i32
      %mul3A_2609 = arith.muli %add3A_2607, %mul3A_2608 : i32
      %add3A_2610 = arith.constant 18 : i32
      %add3A_2611 = arith.addi %mul3A_2609, %add3A_2610 : i32
      %add3A_2612 = vector.broadcast %add3A_2611 : i32 to vector<16xi32>
      %add3A_2613 = arith.addi %mul3A_9, %add3A_2612 : vector<16xi32>
      %gather3A_2614 = tpu.vector_load_idx %arg8[%add3A_2613] : memref<13312xi32, #tpu.memory_space<vmem>>[vector<16xi32>], vector<16xi32>,
      %sub3A_2615 = arith.constant 1800000 : i32
      %sub3A_2616 = vector.broadcast %sub3A_2615 : i32 to vector<16xi32>
      %sub3A_2617 = arith.subi %gather3A_2614, %sub3A_2616 : vector<16xi32>
      %swap3A_2618 = arith.constant 18 : i32
      %swap3A_2619 = arith.index_cast %swap3A_2618 : i32 to index
      %swap3A_2620 = arith.constant 0 : index
      %swap3A_2621 = tpu.vector_load %arg9[%swap3A_2619, %swap3A_2620] {strides = array<i32>} : memref<26x128xi32, #tpu.memory_space<vmem>>, vector<16xi32>,
      tpu.vector_store %arg9[%swap3A_2619, %swap3A_2620], %sub3A_2617 {strides = array<i32>} : memref<26x128xi32, #tpu.memory_space<vmem>>, vector<16xi32>,
      %mul3A_2622 = arith.constant 128 : i32
      %mul3A_2623 = arith.muli %scan3A_14, %mul3A_2622 : i32
      %add3A_2624 = arith.constant 16 : i32
      %add3A_2625 = arith.addi %mul3A_2623, %add3A_2624 : i32
      %mul3A_2626 = arith.constant 26 : i32
      %mul3A_2627 = arith.muli %add3A_2625, %mul3A_2626 : i32
      %add3A_2628 = arith.constant 18 : i32
      %add3A_2629 = arith.addi %mul3A_2627, %add3A_2628 : i32
      %add3A_2630 = vector.broadcast %add3A_2629 : i32 to vector<16xi32>
      %add3A_2631 = arith.addi %mul3A_9, %add3A_2630 : vector<16xi32>
      %gather3A_2632 = tpu.vector_load_idx %arg8[%add3A_2631] : memref<13312xi32, #tpu.memory_space<vmem>>[vector<16xi32>], vector<16xi32>,
      %sub3A_2633 = arith.constant 1800000 : i32
      %sub3A_2634 = vector.broadcast %sub3A_2633 : i32 to vector<16xi32>
      %sub3A_2635 = arith.subi %gather3A_2632, %sub3A_2634 : vector<16xi32>
      %swap3A_2636 = arith.constant 18 : i32
      %swap3A_2637 = arith.index_cast %swap3A_2636 : i32 to index
      %swap3A_2638 = arith.constant 16 : index
      %swap3A_2639 = tpu.vector_load %arg9[%swap3A_2637, %swap3A_2638] {strides = array<i32>} : memref<26x128xi32, #tpu.memory_space<vmem>>, vector<16xi32>,
      tpu.vector_store %arg9[%swap3A_2637, %swap3A_2638], %sub3A_2635 {strides = array<i32>} : memref<26x128xi32, #tpu.memory_space<vmem>>, vector<16xi32>,
      %mul3A_2640 = arith.constant 128 : i32
      %mul3A_2641 = arith.muli %scan3A_14, %mul3A_2640 : i32
      %add3A_2642 = arith.constant 32 : i32
      %add3A_2643 = arith.addi %mul3A_2641, %add3A_2642 : i32
      %mul3A_2644 = arith.constant 26 : i32
      %mul3A_2645 = arith.muli %add3A_2643, %mul3A_2644 : i32
      %add3A_2646 = arith.constant 18 : i32
      %add3A_2647 = arith.addi %mul3A_2645, %add3A_2646 : i32
      %add3A_2648 = vector.broadcast %add3A_2647 : i32 to vector<16xi32>
      %add3A_2649 = arith.addi %mul3A_9, %add3A_2648 : vector<16xi32>
      %gather3A_2650 = tpu.vector_load_idx %arg8[%add3A_2649] : memref<13312xi32, #tpu.memory_space<vmem>>[vector<16xi32>], vector<16xi32>,
      %sub3A_2651 = arith.constant 1800000 : i32
      %sub3A_2652 = vector.broadcast %sub3A_2651 : i32 to vector<16xi32>
      %sub3A_2653 = arith.subi %gather3A_2650, %sub3A_2652 : vector<16xi32>
      %swap3A_2654 = arith.constant 18 : i32
      %swap3A_2655 = arith.index_cast %swap3A_2654 : i32 to index
      %swap3A_2656 = arith.constant 32 : index
      %swap3A_2657 = tpu.vector_load %arg9[%swap3A_2655, %swap3A_2656] {strides = array<i32>} : memref<26x128xi32, #tpu.memory_space<vmem>>, vector<16xi32>,
      tpu.vector_store %arg9[%swap3A_2655, %swap3A_2656], %sub3A_2653 {strides = array<i32>} : memref<26x128xi32, #tpu.memory_space<vmem>>, vector<16xi32>,
      %mul3A_2658 = arith.constant 128 : i32
      %mul3A_2659 = arith.muli %scan3A_14, %mul3A_2658 : i32
      %add3A_2660 = arith.constant 48 : i32
      %add3A_2661 = arith.addi %mul3A_2659, %add3A_2660 : i32
      %mul3A_2662 = arith.constant 26 : i32
      %mul3A_2663 = arith.muli %add3A_2661, %mul3A_2662 : i32
      %add3A_2664 = arith.constant 18 : i32
      %add3A_2665 = arith.addi %mul3A_2663, %add3A_2664 : i32
      %add3A_2666 = vector.broadcast %add3A_2665 : i32 to vector<16xi32>
      %add3A_2667 = arith.addi %mul3A_9, %add3A_2666 : vector<16xi32>
      %gather3A_2668 = tpu.vector_load_idx %arg8[%add3A_2667] : memref<13312xi32, #tpu.memory_space<vmem>>[vector<16xi32>], vector<16xi32>,
      %sub3A_2669 = arith.constant 1800000 : i32
      %sub3A_2670 = vector.broadcast %sub3A_2669 : i32 to vector<16xi32>
      %sub3A_2671 = arith.subi %gather3A_2668, %sub3A_2670 : vector<16xi32>
      %swap3A_2672 = arith.constant 18 : i32
      %swap3A_2673 = arith.index_cast %swap3A_2672 : i32 to index
      %swap3A_2674 = arith.constant 48 : index
      %swap3A_2675 = tpu.vector_load %arg9[%swap3A_2673, %swap3A_2674] {strides = array<i32>} : memref<26x128xi32, #tpu.memory_space<vmem>>, vector<16xi32>,
      tpu.vector_store %arg9[%swap3A_2673, %swap3A_2674], %sub3A_2671 {strides = array<i32>} : memref<26x128xi32, #tpu.memory_space<vmem>>, vector<16xi32>,
      %mul3A_2676 = arith.constant 128 : i32
      %mul3A_2677 = arith.muli %scan3A_14, %mul3A_2676 : i32
      %add3A_2678 = arith.constant 64 : i32
      %add3A_2679 = arith.addi %mul3A_2677, %add3A_2678 : i32
      %mul3A_2680 = arith.constant 26 : i32
      %mul3A_2681 = arith.muli %add3A_2679, %mul3A_2680 : i32
      %add3A_2682 = arith.constant 18 : i32
      %add3A_2683 = arith.addi %mul3A_2681, %add3A_2682 : i32
      %add3A_2684 = vector.broadcast %add3A_2683 : i32 to vector<16xi32>
      %add3A_2685 = arith.addi %mul3A_9, %add3A_2684 : vector<16xi32>
      %gather3A_2686 = tpu.vector_load_idx %arg8[%add3A_2685] : memref<13312xi32, #tpu.memory_space<vmem>>[vector<16xi32>], vector<16xi32>,
      %sub3A_2687 = arith.constant 1800000 : i32
      %sub3A_2688 = vector.broadcast %sub3A_2687 : i32 to vector<16xi32>
      %sub3A_2689 = arith.subi %gather3A_2686, %sub3A_2688 : vector<16xi32>
      %swap3A_2690 = arith.constant 18 : i32
      %swap3A_2691 = arith.index_cast %swap3A_2690 : i32 to index
      %swap3A_2692 = arith.constant 64 : index
      %swap3A_2693 = tpu.vector_load %arg9[%swap3A_2691, %swap3A_2692] {strides = array<i32>} : memref<26x128xi32, #tpu.memory_space<vmem>>, vector<16xi32>,
      tpu.vector_store %arg9[%swap3A_2691, %swap3A_2692], %sub3A_2689 {strides = array<i32>} : memref<26x128xi32, #tpu.memory_space<vmem>>, vector<16xi32>,
      %mul3A_2694 = arith.constant 128 : i32
      %mul3A_2695 = arith.muli %scan3A_14, %mul3A_2694 : i32
      %add3A_2696 = arith.constant 80 : i32
      %add3A_2697 = arith.addi %mul3A_2695, %add3A_2696 : i32
      %mul3A_2698 = arith.constant 26 : i32
      %mul3A_2699 = arith.muli %add3A_2697, %mul3A_2698 : i32
      %add3A_2700 = arith.constant 18 : i32
      %add3A_2701 = arith.addi %mul3A_2699, %add3A_2700 : i32
      %add3A_2702 = vector.broadcast %add3A_2701 : i32 to vector<16xi32>
      %add3A_2703 = arith.addi %mul3A_9, %add3A_2702 : vector<16xi32>
      %gather3A_2704 = tpu.vector_load_idx %arg8[%add3A_2703] : memref<13312xi32, #tpu.memory_space<vmem>>[vector<16xi32>], vector<16xi32>,
      %sub3A_2705 = arith.constant 1800000 : i32
      %sub3A_2706 = vector.broadcast %sub3A_2705 : i32 to vector<16xi32>
      %sub3A_2707 = arith.subi %gather3A_2704, %sub3A_2706 : vector<16xi32>
      %swap3A_2708 = arith.constant 18 : i32
      %swap3A_2709 = arith.index_cast %swap3A_2708 : i32 to index
      %swap3A_2710 = arith.constant 80 : index
      %swap3A_2711 = tpu.vector_load %arg9[%swap3A_2709, %swap3A_2710] {strides = array<i32>} : memref<26x128xi32, #tpu.memory_space<vmem>>, vector<16xi32>,
      tpu.vector_store %arg9[%swap3A_2709, %swap3A_2710], %sub3A_2707 {strides = array<i32>} : memref<26x128xi32, #tpu.memory_space<vmem>>, vector<16xi32>,
      %mul3A_2712 = arith.constant 128 : i32
      %mul3A_2713 = arith.muli %scan3A_14, %mul3A_2712 : i32
      %add3A_2714 = arith.constant 96 : i32
      %add3A_2715 = arith.addi %mul3A_2713, %add3A_2714 : i32
      %mul3A_2716 = arith.constant 26 : i32
      %mul3A_2717 = arith.muli %add3A_2715, %mul3A_2716 : i32
      %add3A_2718 = arith.constant 18 : i32
      %add3A_2719 = arith.addi %mul3A_2717, %add3A_2718 : i32
      %add3A_2720 = vector.broadcast %add3A_2719 : i32 to vector<16xi32>
      %add3A_2721 = arith.addi %mul3A_9, %add3A_2720 : vector<16xi32>
      %gather3A_2722 = tpu.vector_load_idx %arg8[%add3A_2721] : memref<13312xi32, #tpu.memory_space<vmem>>[vector<16xi32>], vector<16xi32>,
      %sub3A_2723 = arith.constant 1800000 : i32
      %sub3A_2724 = vector.broadcast %sub3A_2723 : i32 to vector<16xi32>
      %sub3A_2725 = arith.subi %gather3A_2722, %sub3A_2724 : vector<16xi32>
      %swap3A_2726 = arith.constant 18 : i32
      %swap3A_2727 = arith.index_cast %swap3A_2726 : i32 to index
      %swap3A_2728 = arith.constant 96 : index
      %swap3A_2729 = tpu.vector_load %arg9[%swap3A_2727, %swap3A_2728] {strides = array<i32>} : memref<26x128xi32, #tpu.memory_space<vmem>>, vector<16xi32>,
      tpu.vector_store %arg9[%swap3A_2727, %swap3A_2728], %sub3A_2725 {strides = array<i32>} : memref<26x128xi32, #tpu.memory_space<vmem>>, vector<16xi32>,
      %mul3A_2730 = arith.constant 128 : i32
      %mul3A_2731 = arith.muli %scan3A_14, %mul3A_2730 : i32
      %add3A_2732 = arith.constant 112 : i32
      %add3A_2733 = arith.addi %mul3A_2731, %add3A_2732 : i32
      %mul3A_2734 = arith.constant 26 : i32
      %mul3A_2735 = arith.muli %add3A_2733, %mul3A_2734 : i32
      %add3A_2736 = arith.constant 18 : i32
      %add3A_2737 = arith.addi %mul3A_2735, %add3A_2736 : i32
      %add3A_2738 = vector.broadcast %add3A_2737 : i32 to vector<16xi32>
      %add3A_2739 = arith.addi %mul3A_9, %add3A_2738 : vector<16xi32>
      %gather3A_2740 = tpu.vector_load_idx %arg8[%add3A_2739] : memref<13312xi32, #tpu.memory_space<vmem>>[vector<16xi32>], vector<16xi32>,
      %sub3A_2741 = arith.constant 1800000 : i32
      %sub3A_2742 = vector.broadcast %sub3A_2741 : i32 to vector<16xi32>
      %sub3A_2743 = arith.subi %gather3A_2740, %sub3A_2742 : vector<16xi32>
      %swap3A_2744 = arith.constant 18 : i32
      %swap3A_2745 = arith.index_cast %swap3A_2744 : i32 to index
      %swap3A_2746 = arith.constant 112 : index
      %swap3A_2747 = tpu.vector_load %arg9[%swap3A_2745, %swap3A_2746] {strides = array<i32>} : memref<26x128xi32, #tpu.memory_space<vmem>>, vector<16xi32>,
      tpu.vector_store %arg9[%swap3A_2745, %swap3A_2746], %sub3A_2743 {strides = array<i32>} : memref<26x128xi32, #tpu.memory_space<vmem>>, vector<16xi32>,
      %mul3A_2748 = arith.constant 128 : i32
      %mul3A_2749 = arith.muli %scan3A_14, %mul3A_2748 : i32
      %add3A_2750 = arith.constant 0 : i32
      %add3A_2751 = arith.addi %mul3A_2749, %add3A_2750 : i32
      %mul3A_2752 = arith.constant 26 : i32
      %mul3A_2753 = arith.muli %add3A_2751, %mul3A_2752 : i32
      %add3A_2754 = arith.constant 19 : i32
      %add3A_2755 = arith.addi %mul3A_2753, %add3A_2754 : i32
      %add3A_2756 = vector.broadcast %add3A_2755 : i32 to vector<16xi32>
      %add3A_2757 = arith.addi %mul3A_9, %add3A_2756 : vector<16xi32>
      %gather3A_2758 = tpu.vector_load_idx %arg8[%add3A_2757] : memref<13312xi32, #tpu.memory_space<vmem>>[vector<16xi32>], vector<16xi32>,
      %sub3A_2759 = arith.constant 1900000 : i32
      %sub3A_2760 = vector.broadcast %sub3A_2759 : i32 to vector<16xi32>
      %sub3A_2761 = arith.subi %gather3A_2758, %sub3A_2760 : vector<16xi32>
      %swap3A_2762 = arith.constant 19 : i32
      %swap3A_2763 = arith.index_cast %swap3A_2762 : i32 to index
      %swap3A_2764 = arith.constant 0 : index
      %swap3A_2765 = tpu.vector_load %arg9[%swap3A_2763, %swap3A_2764] {strides = array<i32>} : memref<26x128xi32, #tpu.memory_space<vmem>>, vector<16xi32>,
      tpu.vector_store %arg9[%swap3A_2763, %swap3A_2764], %sub3A_2761 {strides = array<i32>} : memref<26x128xi32, #tpu.memory_space<vmem>>, vector<16xi32>,
      %mul3A_2766 = arith.constant 128 : i32
      %mul3A_2767 = arith.muli %scan3A_14, %mul3A_2766 : i32
      %add3A_2768 = arith.constant 16 : i32
      %add3A_2769 = arith.addi %mul3A_2767, %add3A_2768 : i32
      %mul3A_2770 = arith.constant 26 : i32
      %mul3A_2771 = arith.muli %add3A_2769, %mul3A_2770 : i32
      %add3A_2772 = arith.constant 19 : i32
      %add3A_2773 = arith.addi %mul3A_2771, %add3A_2772 : i32
      %add3A_2774 = vector.broadcast %add3A_2773 : i32 to vector<16xi32>
      %add3A_2775 = arith.addi %mul3A_9, %add3A_2774 : vector<16xi32>
      %gather3A_2776 = tpu.vector_load_idx %arg8[%add3A_2775] : memref<13312xi32, #tpu.memory_space<vmem>>[vector<16xi32>], vector<16xi32>,
      %sub3A_2777 = arith.constant 1900000 : i32
      %sub3A_2778 = vector.broadcast %sub3A_2777 : i32 to vector<16xi32>
      %sub3A_2779 = arith.subi %gather3A_2776, %sub3A_2778 : vector<16xi32>
      %swap3A_2780 = arith.constant 19 : i32
      %swap3A_2781 = arith.index_cast %swap3A_2780 : i32 to index
      %swap3A_2782 = arith.constant 16 : index
      %swap3A_2783 = tpu.vector_load %arg9[%swap3A_2781, %swap3A_2782] {strides = array<i32>} : memref<26x128xi32, #tpu.memory_space<vmem>>, vector<16xi32>,
      tpu.vector_store %arg9[%swap3A_2781, %swap3A_2782], %sub3A_2779 {strides = array<i32>} : memref<26x128xi32, #tpu.memory_space<vmem>>, vector<16xi32>,
      %mul3A_2784 = arith.constant 128 : i32
      %mul3A_2785 = arith.muli %scan3A_14, %mul3A_2784 : i32
      %add3A_2786 = arith.constant 32 : i32
      %add3A_2787 = arith.addi %mul3A_2785, %add3A_2786 : i32
      %mul3A_2788 = arith.constant 26 : i32
      %mul3A_2789 = arith.muli %add3A_2787, %mul3A_2788 : i32
      %add3A_2790 = arith.constant 19 : i32
      %add3A_2791 = arith.addi %mul3A_2789, %add3A_2790 : i32
      %add3A_2792 = vector.broadcast %add3A_2791 : i32 to vector<16xi32>
      %add3A_2793 = arith.addi %mul3A_9, %add3A_2792 : vector<16xi32>
      %gather3A_2794 = tpu.vector_load_idx %arg8[%add3A_2793] : memref<13312xi32, #tpu.memory_space<vmem>>[vector<16xi32>], vector<16xi32>,
      %sub3A_2795 = arith.constant 1900000 : i32
      %sub3A_2796 = vector.broadcast %sub3A_2795 : i32 to vector<16xi32>
      %sub3A_2797 = arith.subi %gather3A_2794, %sub3A_2796 : vector<16xi32>
      %swap3A_2798 = arith.constant 19 : i32
      %swap3A_2799 = arith.index_cast %swap3A_2798 : i32 to index
      %swap3A_2800 = arith.constant 32 : index
      %swap3A_2801 = tpu.vector_load %arg9[%swap3A_2799, %swap3A_2800] {strides = array<i32>} : memref<26x128xi32, #tpu.memory_space<vmem>>, vector<16xi32>,
      tpu.vector_store %arg9[%swap3A_2799, %swap3A_2800], %sub3A_2797 {strides = array<i32>} : memref<26x128xi32, #tpu.memory_space<vmem>>, vector<16xi32>,
      %mul3A_2802 = arith.constant 128 : i32
      %mul3A_2803 = arith.muli %scan3A_14, %mul3A_2802 : i32
      %add3A_2804 = arith.constant 48 : i32
      %add3A_2805 = arith.addi %mul3A_2803, %add3A_2804 : i32
      %mul3A_2806 = arith.constant 26 : i32
      %mul3A_2807 = arith.muli %add3A_2805, %mul3A_2806 : i32
      %add3A_2808 = arith.constant 19 : i32
      %add3A_2809 = arith.addi %mul3A_2807, %add3A_2808 : i32
      %add3A_2810 = vector.broadcast %add3A_2809 : i32 to vector<16xi32>
      %add3A_2811 = arith.addi %mul3A_9, %add3A_2810 : vector<16xi32>
      %gather3A_2812 = tpu.vector_load_idx %arg8[%add3A_2811] : memref<13312xi32, #tpu.memory_space<vmem>>[vector<16xi32>], vector<16xi32>,
      %sub3A_2813 = arith.constant 1900000 : i32
      %sub3A_2814 = vector.broadcast %sub3A_2813 : i32 to vector<16xi32>
      %sub3A_2815 = arith.subi %gather3A_2812, %sub3A_2814 : vector<16xi32>
      %swap3A_2816 = arith.constant 19 : i32
      %swap3A_2817 = arith.index_cast %swap3A_2816 : i32 to index
      %swap3A_2818 = arith.constant 48 : index
      %swap3A_2819 = tpu.vector_load %arg9[%swap3A_2817, %swap3A_2818] {strides = array<i32>} : memref<26x128xi32, #tpu.memory_space<vmem>>, vector<16xi32>,
      tpu.vector_store %arg9[%swap3A_2817, %swap3A_2818], %sub3A_2815 {strides = array<i32>} : memref<26x128xi32, #tpu.memory_space<vmem>>, vector<16xi32>,
      %mul3A_2820 = arith.constant 128 : i32
      %mul3A_2821 = arith.muli %scan3A_14, %mul3A_2820 : i32
      %add3A_2822 = arith.constant 64 : i32
      %add3A_2823 = arith.addi %mul3A_2821, %add3A_2822 : i32
      %mul3A_2824 = arith.constant 26 : i32
      %mul3A_2825 = arith.muli %add3A_2823, %mul3A_2824 : i32
      %add3A_2826 = arith.constant 19 : i32
      %add3A_2827 = arith.addi %mul3A_2825, %add3A_2826 : i32
      %add3A_2828 = vector.broadcast %add3A_2827 : i32 to vector<16xi32>
      %add3A_2829 = arith.addi %mul3A_9, %add3A_2828 : vector<16xi32>
      %gather3A_2830 = tpu.vector_load_idx %arg8[%add3A_2829] : memref<13312xi32, #tpu.memory_space<vmem>>[vector<16xi32>], vector<16xi32>,
      %sub3A_2831 = arith.constant 1900000 : i32
      %sub3A_2832 = vector.broadcast %sub3A_2831 : i32 to vector<16xi32>
      %sub3A_2833 = arith.subi %gather3A_2830, %sub3A_2832 : vector<16xi32>
      %swap3A_2834 = arith.constant 19 : i32
      %swap3A_2835 = arith.index_cast %swap3A_2834 : i32 to index
      %swap3A_2836 = arith.constant 64 : index
      %swap3A_2837 = tpu.vector_load %arg9[%swap3A_2835, %swap3A_2836] {strides = array<i32>} : memref<26x128xi32, #tpu.memory_space<vmem>>, vector<16xi32>,
      tpu.vector_store %arg9[%swap3A_2835, %swap3A_2836], %sub3A_2833 {strides = array<i32>} : memref<26x128xi32, #tpu.memory_space<vmem>>, vector<16xi32>,
      %mul3A_2838 = arith.constant 128 : i32
      %mul3A_2839 = arith.muli %scan3A_14, %mul3A_2838 : i32
      %add3A_2840 = arith.constant 80 : i32
      %add3A_2841 = arith.addi %mul3A_2839, %add3A_2840 : i32
      %mul3A_2842 = arith.constant 26 : i32
      %mul3A_2843 = arith.muli %add3A_2841, %mul3A_2842 : i32
      %add3A_2844 = arith.constant 19 : i32
      %add3A_2845 = arith.addi %mul3A_2843, %add3A_2844 : i32
      %add3A_2846 = vector.broadcast %add3A_2845 : i32 to vector<16xi32>
      %add3A_2847 = arith.addi %mul3A_9, %add3A_2846 : vector<16xi32>
      %gather3A_2848 = tpu.vector_load_idx %arg8[%add3A_2847] : memref<13312xi32, #tpu.memory_space<vmem>>[vector<16xi32>], vector<16xi32>,
      %sub3A_2849 = arith.constant 1900000 : i32
      %sub3A_2850 = vector.broadcast %sub3A_2849 : i32 to vector<16xi32>
      %sub3A_2851 = arith.subi %gather3A_2848, %sub3A_2850 : vector<16xi32>
      %swap3A_2852 = arith.constant 19 : i32
      %swap3A_2853 = arith.index_cast %swap3A_2852 : i32 to index
      %swap3A_2854 = arith.constant 80 : index
      %swap3A_2855 = tpu.vector_load %arg9[%swap3A_2853, %swap3A_2854] {strides = array<i32>} : memref<26x128xi32, #tpu.memory_space<vmem>>, vector<16xi32>,
      tpu.vector_store %arg9[%swap3A_2853, %swap3A_2854], %sub3A_2851 {strides = array<i32>} : memref<26x128xi32, #tpu.memory_space<vmem>>, vector<16xi32>,
      %mul3A_2856 = arith.constant 128 : i32
      %mul3A_2857 = arith.muli %scan3A_14, %mul3A_2856 : i32
      %add3A_2858 = arith.constant 96 : i32
      %add3A_2859 = arith.addi %mul3A_2857, %add3A_2858 : i32
      %mul3A_2860 = arith.constant 26 : i32
      %mul3A_2861 = arith.muli %add3A_2859, %mul3A_2860 : i32
      %add3A_2862 = arith.constant 19 : i32
      %add3A_2863 = arith.addi %mul3A_2861, %add3A_2862 : i32
      %add3A_2864 = vector.broadcast %add3A_2863 : i32 to vector<16xi32>
      %add3A_2865 = arith.addi %mul3A_9, %add3A_2864 : vector<16xi32>
      %gather3A_2866 = tpu.vector_load_idx %arg8[%add3A_2865] : memref<13312xi32, #tpu.memory_space<vmem>>[vector<16xi32>], vector<16xi32>,
      %sub3A_2867 = arith.constant 1900000 : i32
      %sub3A_2868 = vector.broadcast %sub3A_2867 : i32 to vector<16xi32>
      %sub3A_2869 = arith.subi %gather3A_2866, %sub3A_2868 : vector<16xi32>
      %swap3A_2870 = arith.constant 19 : i32
      %swap3A_2871 = arith.index_cast %swap3A_2870 : i32 to index
      %swap3A_2872 = arith.constant 96 : index
      %swap3A_2873 = tpu.vector_load %arg9[%swap3A_2871, %swap3A_2872] {strides = array<i32>} : memref<26x128xi32, #tpu.memory_space<vmem>>, vector<16xi32>,
      tpu.vector_store %arg9[%swap3A_2871, %swap3A_2872], %sub3A_2869 {strides = array<i32>} : memref<26x128xi32, #tpu.memory_space<vmem>>, vector<16xi32>,
      %mul3A_2874 = arith.constant 128 : i32
      %mul3A_2875 = arith.muli %scan3A_14, %mul3A_2874 : i32
      %add3A_2876 = arith.constant 112 : i32
      %add3A_2877 = arith.addi %mul3A_2875, %add3A_2876 : i32
      %mul3A_2878 = arith.constant 26 : i32
      %mul3A_2879 = arith.muli %add3A_2877, %mul3A_2878 : i32
      %add3A_2880 = arith.constant 19 : i32
      %add3A_2881 = arith.addi %mul3A_2879, %add3A_2880 : i32
      %add3A_2882 = vector.broadcast %add3A_2881 : i32 to vector<16xi32>
      %add3A_2883 = arith.addi %mul3A_9, %add3A_2882 : vector<16xi32>
      %gather3A_2884 = tpu.vector_load_idx %arg8[%add3A_2883] : memref<13312xi32, #tpu.memory_space<vmem>>[vector<16xi32>], vector<16xi32>,
      %sub3A_2885 = arith.constant 1900000 : i32
      %sub3A_2886 = vector.broadcast %sub3A_2885 : i32 to vector<16xi32>
      %sub3A_2887 = arith.subi %gather3A_2884, %sub3A_2886 : vector<16xi32>
      %swap3A_2888 = arith.constant 19 : i32
      %swap3A_2889 = arith.index_cast %swap3A_2888 : i32 to index
      %swap3A_2890 = arith.constant 112 : index
      %swap3A_2891 = tpu.vector_load %arg9[%swap3A_2889, %swap3A_2890] {strides = array<i32>} : memref<26x128xi32, #tpu.memory_space<vmem>>, vector<16xi32>,
      tpu.vector_store %arg9[%swap3A_2889, %swap3A_2890], %sub3A_2887 {strides = array<i32>} : memref<26x128xi32, #tpu.memory_space<vmem>>, vector<16xi32>,
      %mul3A_2892 = arith.constant 128 : i32
      %mul3A_2893 = arith.muli %scan3A_14, %mul3A_2892 : i32
      %add3A_2894 = arith.constant 0 : i32
      %add3A_2895 = arith.addi %mul3A_2893, %add3A_2894 : i32
      %mul3A_2896 = arith.constant 26 : i32
      %mul3A_2897 = arith.muli %add3A_2895, %mul3A_2896 : i32
      %add3A_2898 = arith.constant 20 : i32
      %add3A_2899 = arith.addi %mul3A_2897, %add3A_2898 : i32
      %add3A_2900 = vector.broadcast %add3A_2899 : i32 to vector<16xi32>
      %add3A_2901 = arith.addi %mul3A_9, %add3A_2900 : vector<16xi32>
      %gather3A_2902 = tpu.vector_load_idx %arg8[%add3A_2901] : memref<13312xi32, #tpu.memory_space<vmem>>[vector<16xi32>], vector<16xi32>,
      %sub3A_2903 = arith.constant 2000000 : i32
      %sub3A_2904 = vector.broadcast %sub3A_2903 : i32 to vector<16xi32>
      %sub3A_2905 = arith.subi %gather3A_2902, %sub3A_2904 : vector<16xi32>
      %swap3A_2906 = arith.constant 20 : i32
      %swap3A_2907 = arith.index_cast %swap3A_2906 : i32 to index
      %swap3A_2908 = arith.constant 0 : index
      %swap3A_2909 = tpu.vector_load %arg9[%swap3A_2907, %swap3A_2908] {strides = array<i32>} : memref<26x128xi32, #tpu.memory_space<vmem>>, vector<16xi32>,
      tpu.vector_store %arg9[%swap3A_2907, %swap3A_2908], %sub3A_2905 {strides = array<i32>} : memref<26x128xi32, #tpu.memory_space<vmem>>, vector<16xi32>,
      %mul3A_2910 = arith.constant 128 : i32
      %mul3A_2911 = arith.muli %scan3A_14, %mul3A_2910 : i32
      %add3A_2912 = arith.constant 16 : i32
      %add3A_2913 = arith.addi %mul3A_2911, %add3A_2912 : i32
      %mul3A_2914 = arith.constant 26 : i32
      %mul3A_2915 = arith.muli %add3A_2913, %mul3A_2914 : i32
      %add3A_2916 = arith.constant 20 : i32
      %add3A_2917 = arith.addi %mul3A_2915, %add3A_2916 : i32
      %add3A_2918 = vector.broadcast %add3A_2917 : i32 to vector<16xi32>
      %add3A_2919 = arith.addi %mul3A_9, %add3A_2918 : vector<16xi32>
      %gather3A_2920 = tpu.vector_load_idx %arg8[%add3A_2919] : memref<13312xi32, #tpu.memory_space<vmem>>[vector<16xi32>], vector<16xi32>,
      %sub3A_2921 = arith.constant 2000000 : i32
      %sub3A_2922 = vector.broadcast %sub3A_2921 : i32 to vector<16xi32>
      %sub3A_2923 = arith.subi %gather3A_2920, %sub3A_2922 : vector<16xi32>
      %swap3A_2924 = arith.constant 20 : i32
      %swap3A_2925 = arith.index_cast %swap3A_2924 : i32 to index
      %swap3A_2926 = arith.constant 16 : index
      %swap3A_2927 = tpu.vector_load %arg9[%swap3A_2925, %swap3A_2926] {strides = array<i32>} : memref<26x128xi32, #tpu.memory_space<vmem>>, vector<16xi32>,
      tpu.vector_store %arg9[%swap3A_2925, %swap3A_2926], %sub3A_2923 {strides = array<i32>} : memref<26x128xi32, #tpu.memory_space<vmem>>, vector<16xi32>,
      %mul3A_2928 = arith.constant 128 : i32
      %mul3A_2929 = arith.muli %scan3A_14, %mul3A_2928 : i32
      %add3A_2930 = arith.constant 32 : i32
      %add3A_2931 = arith.addi %mul3A_2929, %add3A_2930 : i32
      %mul3A_2932 = arith.constant 26 : i32
      %mul3A_2933 = arith.muli %add3A_2931, %mul3A_2932 : i32
      %add3A_2934 = arith.constant 20 : i32
      %add3A_2935 = arith.addi %mul3A_2933, %add3A_2934 : i32
      %add3A_2936 = vector.broadcast %add3A_2935 : i32 to vector<16xi32>
      %add3A_2937 = arith.addi %mul3A_9, %add3A_2936 : vector<16xi32>
      %gather3A_2938 = tpu.vector_load_idx %arg8[%add3A_2937] : memref<13312xi32, #tpu.memory_space<vmem>>[vector<16xi32>], vector<16xi32>,
      %sub3A_2939 = arith.constant 2000000 : i32
      %sub3A_2940 = vector.broadcast %sub3A_2939 : i32 to vector<16xi32>
      %sub3A_2941 = arith.subi %gather3A_2938, %sub3A_2940 : vector<16xi32>
      %swap3A_2942 = arith.constant 20 : i32
      %swap3A_2943 = arith.index_cast %swap3A_2942 : i32 to index
      %swap3A_2944 = arith.constant 32 : index
      %swap3A_2945 = tpu.vector_load %arg9[%swap3A_2943, %swap3A_2944] {strides = array<i32>} : memref<26x128xi32, #tpu.memory_space<vmem>>, vector<16xi32>,
      tpu.vector_store %arg9[%swap3A_2943, %swap3A_2944], %sub3A_2941 {strides = array<i32>} : memref<26x128xi32, #tpu.memory_space<vmem>>, vector<16xi32>,
      %mul3A_2946 = arith.constant 128 : i32
      %mul3A_2947 = arith.muli %scan3A_14, %mul3A_2946 : i32
      %add3A_2948 = arith.constant 48 : i32
      %add3A_2949 = arith.addi %mul3A_2947, %add3A_2948 : i32
      %mul3A_2950 = arith.constant 26 : i32
      %mul3A_2951 = arith.muli %add3A_2949, %mul3A_2950 : i32
      %add3A_2952 = arith.constant 20 : i32
      %add3A_2953 = arith.addi %mul3A_2951, %add3A_2952 : i32
      %add3A_2954 = vector.broadcast %add3A_2953 : i32 to vector<16xi32>
      %add3A_2955 = arith.addi %mul3A_9, %add3A_2954 : vector<16xi32>
      %gather3A_2956 = tpu.vector_load_idx %arg8[%add3A_2955] : memref<13312xi32, #tpu.memory_space<vmem>>[vector<16xi32>], vector<16xi32>,
      %sub3A_2957 = arith.constant 2000000 : i32
      %sub3A_2958 = vector.broadcast %sub3A_2957 : i32 to vector<16xi32>
      %sub3A_2959 = arith.subi %gather3A_2956, %sub3A_2958 : vector<16xi32>
      %swap3A_2960 = arith.constant 20 : i32
      %swap3A_2961 = arith.index_cast %swap3A_2960 : i32 to index
      %swap3A_2962 = arith.constant 48 : index
      %swap3A_2963 = tpu.vector_load %arg9[%swap3A_2961, %swap3A_2962] {strides = array<i32>} : memref<26x128xi32, #tpu.memory_space<vmem>>, vector<16xi32>,
      tpu.vector_store %arg9[%swap3A_2961, %swap3A_2962], %sub3A_2959 {strides = array<i32>} : memref<26x128xi32, #tpu.memory_space<vmem>>, vector<16xi32>,
      %mul3A_2964 = arith.constant 128 : i32
      %mul3A_2965 = arith.muli %scan3A_14, %mul3A_2964 : i32
      %add3A_2966 = arith.constant 64 : i32
      %add3A_2967 = arith.addi %mul3A_2965, %add3A_2966 : i32
      %mul3A_2968 = arith.constant 26 : i32
      %mul3A_2969 = arith.muli %add3A_2967, %mul3A_2968 : i32
      %add3A_2970 = arith.constant 20 : i32
      %add3A_2971 = arith.addi %mul3A_2969, %add3A_2970 : i32
      %add3A_2972 = vector.broadcast %add3A_2971 : i32 to vector<16xi32>
      %add3A_2973 = arith.addi %mul3A_9, %add3A_2972 : vector<16xi32>
      %gather3A_2974 = tpu.vector_load_idx %arg8[%add3A_2973] : memref<13312xi32, #tpu.memory_space<vmem>>[vector<16xi32>], vector<16xi32>,
      %sub3A_2975 = arith.constant 2000000 : i32
      %sub3A_2976 = vector.broadcast %sub3A_2975 : i32 to vector<16xi32>
      %sub3A_2977 = arith.subi %gather3A_2974, %sub3A_2976 : vector<16xi32>
      %swap3A_2978 = arith.constant 20 : i32
      %swap3A_2979 = arith.index_cast %swap3A_2978 : i32 to index
      %swap3A_2980 = arith.constant 64 : index
      %swap3A_2981 = tpu.vector_load %arg9[%swap3A_2979, %swap3A_2980] {strides = array<i32>} : memref<26x128xi32, #tpu.memory_space<vmem>>, vector<16xi32>,
      tpu.vector_store %arg9[%swap3A_2979, %swap3A_2980], %sub3A_2977 {strides = array<i32>} : memref<26x128xi32, #tpu.memory_space<vmem>>, vector<16xi32>,
      %mul3A_2982 = arith.constant 128 : i32
      %mul3A_2983 = arith.muli %scan3A_14, %mul3A_2982 : i32
      %add3A_2984 = arith.constant 80 : i32
      %add3A_2985 = arith.addi %mul3A_2983, %add3A_2984 : i32
      %mul3A_2986 = arith.constant 26 : i32
      %mul3A_2987 = arith.muli %add3A_2985, %mul3A_2986 : i32
      %add3A_2988 = arith.constant 20 : i32
      %add3A_2989 = arith.addi %mul3A_2987, %add3A_2988 : i32
      %add3A_2990 = vector.broadcast %add3A_2989 : i32 to vector<16xi32>
      %add3A_2991 = arith.addi %mul3A_9, %add3A_2990 : vector<16xi32>
      %gather3A_2992 = tpu.vector_load_idx %arg8[%add3A_2991] : memref<13312xi32, #tpu.memory_space<vmem>>[vector<16xi32>], vector<16xi32>,
      %sub3A_2993 = arith.constant 2000000 : i32
      %sub3A_2994 = vector.broadcast %sub3A_2993 : i32 to vector<16xi32>
      %sub3A_2995 = arith.subi %gather3A_2992, %sub3A_2994 : vector<16xi32>
      %swap3A_2996 = arith.constant 20 : i32
      %swap3A_2997 = arith.index_cast %swap3A_2996 : i32 to index
      %swap3A_2998 = arith.constant 80 : index
      %swap3A_2999 = tpu.vector_load %arg9[%swap3A_2997, %swap3A_2998] {strides = array<i32>} : memref<26x128xi32, #tpu.memory_space<vmem>>, vector<16xi32>,
      tpu.vector_store %arg9[%swap3A_2997, %swap3A_2998], %sub3A_2995 {strides = array<i32>} : memref<26x128xi32, #tpu.memory_space<vmem>>, vector<16xi32>,
      %mul3A_3000 = arith.constant 128 : i32
      %mul3A_3001 = arith.muli %scan3A_14, %mul3A_3000 : i32
      %add3A_3002 = arith.constant 96 : i32
      %add3A_3003 = arith.addi %mul3A_3001, %add3A_3002 : i32
      %mul3A_3004 = arith.constant 26 : i32
      %mul3A_3005 = arith.muli %add3A_3003, %mul3A_3004 : i32
      %add3A_3006 = arith.constant 20 : i32
      %add3A_3007 = arith.addi %mul3A_3005, %add3A_3006 : i32
      %add3A_3008 = vector.broadcast %add3A_3007 : i32 to vector<16xi32>
      %add3A_3009 = arith.addi %mul3A_9, %add3A_3008 : vector<16xi32>
      %gather3A_3010 = tpu.vector_load_idx %arg8[%add3A_3009] : memref<13312xi32, #tpu.memory_space<vmem>>[vector<16xi32>], vector<16xi32>,
      %sub3A_3011 = arith.constant 2000000 : i32
      %sub3A_3012 = vector.broadcast %sub3A_3011 : i32 to vector<16xi32>
      %sub3A_3013 = arith.subi %gather3A_3010, %sub3A_3012 : vector<16xi32>
      %swap3A_3014 = arith.constant 20 : i32
      %swap3A_3015 = arith.index_cast %swap3A_3014 : i32 to index
      %swap3A_3016 = arith.constant 96 : index
      %swap3A_3017 = tpu.vector_load %arg9[%swap3A_3015, %swap3A_3016] {strides = array<i32>} : memref<26x128xi32, #tpu.memory_space<vmem>>, vector<16xi32>,
      tpu.vector_store %arg9[%swap3A_3015, %swap3A_3016], %sub3A_3013 {strides = array<i32>} : memref<26x128xi32, #tpu.memory_space<vmem>>, vector<16xi32>,
      %mul3A_3018 = arith.constant 128 : i32
      %mul3A_3019 = arith.muli %scan3A_14, %mul3A_3018 : i32
      %add3A_3020 = arith.constant 112 : i32
      %add3A_3021 = arith.addi %mul3A_3019, %add3A_3020 : i32
      %mul3A_3022 = arith.constant 26 : i32
      %mul3A_3023 = arith.muli %add3A_3021, %mul3A_3022 : i32
      %add3A_3024 = arith.constant 20 : i32
      %add3A_3025 = arith.addi %mul3A_3023, %add3A_3024 : i32
      %add3A_3026 = vector.broadcast %add3A_3025 : i32 to vector<16xi32>
      %add3A_3027 = arith.addi %mul3A_9, %add3A_3026 : vector<16xi32>
      %gather3A_3028 = tpu.vector_load_idx %arg8[%add3A_3027] : memref<13312xi32, #tpu.memory_space<vmem>>[vector<16xi32>], vector<16xi32>,
      %sub3A_3029 = arith.constant 2000000 : i32
      %sub3A_3030 = vector.broadcast %sub3A_3029 : i32 to vector<16xi32>
      %sub3A_3031 = arith.subi %gather3A_3028, %sub3A_3030 : vector<16xi32>
      %swap3A_3032 = arith.constant 20 : i32
      %swap3A_3033 = arith.index_cast %swap3A_3032 : i32 to index
      %swap3A_3034 = arith.constant 112 : index
      %swap3A_3035 = tpu.vector_load %arg9[%swap3A_3033, %swap3A_3034] {strides = array<i32>} : memref<26x128xi32, #tpu.memory_space<vmem>>, vector<16xi32>,
      tpu.vector_store %arg9[%swap3A_3033, %swap3A_3034], %sub3A_3031 {strides = array<i32>} : memref<26x128xi32, #tpu.memory_space<vmem>>, vector<16xi32>,
      %mul3A_3036 = arith.constant 128 : i32
      %mul3A_3037 = arith.muli %scan3A_14, %mul3A_3036 : i32
      %add3A_3038 = arith.constant 0 : i32
      %add3A_3039 = arith.addi %mul3A_3037, %add3A_3038 : i32
      %mul3A_3040 = arith.constant 26 : i32
      %mul3A_3041 = arith.muli %add3A_3039, %mul3A_3040 : i32
      %add3A_3042 = arith.constant 21 : i32
      %add3A_3043 = arith.addi %mul3A_3041, %add3A_3042 : i32
      %add3A_3044 = vector.broadcast %add3A_3043 : i32 to vector<16xi32>
      %add3A_3045 = arith.addi %mul3A_9, %add3A_3044 : vector<16xi32>
      %gather3A_3046 = tpu.vector_load_idx %arg8[%add3A_3045] : memref<13312xi32, #tpu.memory_space<vmem>>[vector<16xi32>], vector<16xi32>,
      %sub3A_3047 = arith.constant 2100000 : i32
      %sub3A_3048 = vector.broadcast %sub3A_3047 : i32 to vector<16xi32>
      %sub3A_3049 = arith.subi %gather3A_3046, %sub3A_3048 : vector<16xi32>
      %swap3A_3050 = arith.constant 21 : i32
      %swap3A_3051 = arith.index_cast %swap3A_3050 : i32 to index
      %swap3A_3052 = arith.constant 0 : index
      %swap3A_3053 = tpu.vector_load %arg9[%swap3A_3051, %swap3A_3052] {strides = array<i32>} : memref<26x128xi32, #tpu.memory_space<vmem>>, vector<16xi32>,
      tpu.vector_store %arg9[%swap3A_3051, %swap3A_3052], %sub3A_3049 {strides = array<i32>} : memref<26x128xi32, #tpu.memory_space<vmem>>, vector<16xi32>,
      %mul3A_3054 = arith.constant 128 : i32
      %mul3A_3055 = arith.muli %scan3A_14, %mul3A_3054 : i32
      %add3A_3056 = arith.constant 16 : i32
      %add3A_3057 = arith.addi %mul3A_3055, %add3A_3056 : i32
      %mul3A_3058 = arith.constant 26 : i32
      %mul3A_3059 = arith.muli %add3A_3057, %mul3A_3058 : i32
      %add3A_3060 = arith.constant 21 : i32
      %add3A_3061 = arith.addi %mul3A_3059, %add3A_3060 : i32
      %add3A_3062 = vector.broadcast %add3A_3061 : i32 to vector<16xi32>
      %add3A_3063 = arith.addi %mul3A_9, %add3A_3062 : vector<16xi32>
      %gather3A_3064 = tpu.vector_load_idx %arg8[%add3A_3063] : memref<13312xi32, #tpu.memory_space<vmem>>[vector<16xi32>], vector<16xi32>,
      %sub3A_3065 = arith.constant 2100000 : i32
      %sub3A_3066 = vector.broadcast %sub3A_3065 : i32 to vector<16xi32>
      %sub3A_3067 = arith.subi %gather3A_3064, %sub3A_3066 : vector<16xi32>
      %swap3A_3068 = arith.constant 21 : i32
      %swap3A_3069 = arith.index_cast %swap3A_3068 : i32 to index
      %swap3A_3070 = arith.constant 16 : index
      %swap3A_3071 = tpu.vector_load %arg9[%swap3A_3069, %swap3A_3070] {strides = array<i32>} : memref<26x128xi32, #tpu.memory_space<vmem>>, vector<16xi32>,
      tpu.vector_store %arg9[%swap3A_3069, %swap3A_3070], %sub3A_3067 {strides = array<i32>} : memref<26x128xi32, #tpu.memory_space<vmem>>, vector<16xi32>,
      %mul3A_3072 = arith.constant 128 : i32
      %mul3A_3073 = arith.muli %scan3A_14, %mul3A_3072 : i32
      %add3A_3074 = arith.constant 32 : i32
      %add3A_3075 = arith.addi %mul3A_3073, %add3A_3074 : i32
      %mul3A_3076 = arith.constant 26 : i32
      %mul3A_3077 = arith.muli %add3A_3075, %mul3A_3076 : i32
      %add3A_3078 = arith.constant 21 : i32
      %add3A_3079 = arith.addi %mul3A_3077, %add3A_3078 : i32
      %add3A_3080 = vector.broadcast %add3A_3079 : i32 to vector<16xi32>
      %add3A_3081 = arith.addi %mul3A_9, %add3A_3080 : vector<16xi32>
      %gather3A_3082 = tpu.vector_load_idx %arg8[%add3A_3081] : memref<13312xi32, #tpu.memory_space<vmem>>[vector<16xi32>], vector<16xi32>,
      %sub3A_3083 = arith.constant 2100000 : i32
      %sub3A_3084 = vector.broadcast %sub3A_3083 : i32 to vector<16xi32>
      %sub3A_3085 = arith.subi %gather3A_3082, %sub3A_3084 : vector<16xi32>
      %swap3A_3086 = arith.constant 21 : i32
      %swap3A_3087 = arith.index_cast %swap3A_3086 : i32 to index
      %swap3A_3088 = arith.constant 32 : index
      %swap3A_3089 = tpu.vector_load %arg9[%swap3A_3087, %swap3A_3088] {strides = array<i32>} : memref<26x128xi32, #tpu.memory_space<vmem>>, vector<16xi32>,
      tpu.vector_store %arg9[%swap3A_3087, %swap3A_3088], %sub3A_3085 {strides = array<i32>} : memref<26x128xi32, #tpu.memory_space<vmem>>, vector<16xi32>,
      %mul3A_3090 = arith.constant 128 : i32
      %mul3A_3091 = arith.muli %scan3A_14, %mul3A_3090 : i32
      %add3A_3092 = arith.constant 48 : i32
      %add3A_3093 = arith.addi %mul3A_3091, %add3A_3092 : i32
      %mul3A_3094 = arith.constant 26 : i32
      %mul3A_3095 = arith.muli %add3A_3093, %mul3A_3094 : i32
      %add3A_3096 = arith.constant 21 : i32
      %add3A_3097 = arith.addi %mul3A_3095, %add3A_3096 : i32
      %add3A_3098 = vector.broadcast %add3A_3097 : i32 to vector<16xi32>
      %add3A_3099 = arith.addi %mul3A_9, %add3A_3098 : vector<16xi32>
      %gather3A_3100 = tpu.vector_load_idx %arg8[%add3A_3099] : memref<13312xi32, #tpu.memory_space<vmem>>[vector<16xi32>], vector<16xi32>,
      %sub3A_3101 = arith.constant 2100000 : i32
      %sub3A_3102 = vector.broadcast %sub3A_3101 : i32 to vector<16xi32>
      %sub3A_3103 = arith.subi %gather3A_3100, %sub3A_3102 : vector<16xi32>
      %swap3A_3104 = arith.constant 21 : i32
      %swap3A_3105 = arith.index_cast %swap3A_3104 : i32 to index
      %swap3A_3106 = arith.constant 48 : index
      %swap3A_3107 = tpu.vector_load %arg9[%swap3A_3105, %swap3A_3106] {strides = array<i32>} : memref<26x128xi32, #tpu.memory_space<vmem>>, vector<16xi32>,
      tpu.vector_store %arg9[%swap3A_3105, %swap3A_3106], %sub3A_3103 {strides = array<i32>} : memref<26x128xi32, #tpu.memory_space<vmem>>, vector<16xi32>,
      %mul3A_3108 = arith.constant 128 : i32
      %mul3A_3109 = arith.muli %scan3A_14, %mul3A_3108 : i32
      %add3A_3110 = arith.constant 64 : i32
      %add3A_3111 = arith.addi %mul3A_3109, %add3A_3110 : i32
      %mul3A_3112 = arith.constant 26 : i32
      %mul3A_3113 = arith.muli %add3A_3111, %mul3A_3112 : i32
      %add3A_3114 = arith.constant 21 : i32
      %add3A_3115 = arith.addi %mul3A_3113, %add3A_3114 : i32
      %add3A_3116 = vector.broadcast %add3A_3115 : i32 to vector<16xi32>
      %add3A_3117 = arith.addi %mul3A_9, %add3A_3116 : vector<16xi32>
      %gather3A_3118 = tpu.vector_load_idx %arg8[%add3A_3117] : memref<13312xi32, #tpu.memory_space<vmem>>[vector<16xi32>], vector<16xi32>,
      %sub3A_3119 = arith.constant 2100000 : i32
      %sub3A_3120 = vector.broadcast %sub3A_3119 : i32 to vector<16xi32>
      %sub3A_3121 = arith.subi %gather3A_3118, %sub3A_3120 : vector<16xi32>
      %swap3A_3122 = arith.constant 21 : i32
      %swap3A_3123 = arith.index_cast %swap3A_3122 : i32 to index
      %swap3A_3124 = arith.constant 64 : index
      %swap3A_3125 = tpu.vector_load %arg9[%swap3A_3123, %swap3A_3124] {strides = array<i32>} : memref<26x128xi32, #tpu.memory_space<vmem>>, vector<16xi32>,
      tpu.vector_store %arg9[%swap3A_3123, %swap3A_3124], %sub3A_3121 {strides = array<i32>} : memref<26x128xi32, #tpu.memory_space<vmem>>, vector<16xi32>,
      %mul3A_3126 = arith.constant 128 : i32
      %mul3A_3127 = arith.muli %scan3A_14, %mul3A_3126 : i32
      %add3A_3128 = arith.constant 80 : i32
      %add3A_3129 = arith.addi %mul3A_3127, %add3A_3128 : i32
      %mul3A_3130 = arith.constant 26 : i32
      %mul3A_3131 = arith.muli %add3A_3129, %mul3A_3130 : i32
      %add3A_3132 = arith.constant 21 : i32
      %add3A_3133 = arith.addi %mul3A_3131, %add3A_3132 : i32
      %add3A_3134 = vector.broadcast %add3A_3133 : i32 to vector<16xi32>
      %add3A_3135 = arith.addi %mul3A_9, %add3A_3134 : vector<16xi32>
      %gather3A_3136 = tpu.vector_load_idx %arg8[%add3A_3135] : memref<13312xi32, #tpu.memory_space<vmem>>[vector<16xi32>], vector<16xi32>,
      %sub3A_3137 = arith.constant 2100000 : i32
      %sub3A_3138 = vector.broadcast %sub3A_3137 : i32 to vector<16xi32>
      %sub3A_3139 = arith.subi %gather3A_3136, %sub3A_3138 : vector<16xi32>
      %swap3A_3140 = arith.constant 21 : i32
      %swap3A_3141 = arith.index_cast %swap3A_3140 : i32 to index
      %swap3A_3142 = arith.constant 80 : index
      %swap3A_3143 = tpu.vector_load %arg9[%swap3A_3141, %swap3A_3142] {strides = array<i32>} : memref<26x128xi32, #tpu.memory_space<vmem>>, vector<16xi32>,
      tpu.vector_store %arg9[%swap3A_3141, %swap3A_3142], %sub3A_3139 {strides = array<i32>} : memref<26x128xi32, #tpu.memory_space<vmem>>, vector<16xi32>,
      %mul3A_3144 = arith.constant 128 : i32
      %mul3A_3145 = arith.muli %scan3A_14, %mul3A_3144 : i32
      %add3A_3146 = arith.constant 96 : i32
      %add3A_3147 = arith.addi %mul3A_3145, %add3A_3146 : i32
      %mul3A_3148 = arith.constant 26 : i32
      %mul3A_3149 = arith.muli %add3A_3147, %mul3A_3148 : i32
      %add3A_3150 = arith.constant 21 : i32
      %add3A_3151 = arith.addi %mul3A_3149, %add3A_3150 : i32
      %add3A_3152 = vector.broadcast %add3A_3151 : i32 to vector<16xi32>
      %add3A_3153 = arith.addi %mul3A_9, %add3A_3152 : vector<16xi32>
      %gather3A_3154 = tpu.vector_load_idx %arg8[%add3A_3153] : memref<13312xi32, #tpu.memory_space<vmem>>[vector<16xi32>], vector<16xi32>,
      %sub3A_3155 = arith.constant 2100000 : i32
      %sub3A_3156 = vector.broadcast %sub3A_3155 : i32 to vector<16xi32>
      %sub3A_3157 = arith.subi %gather3A_3154, %sub3A_3156 : vector<16xi32>
      %swap3A_3158 = arith.constant 21 : i32
      %swap3A_3159 = arith.index_cast %swap3A_3158 : i32 to index
      %swap3A_3160 = arith.constant 96 : index
      %swap3A_3161 = tpu.vector_load %arg9[%swap3A_3159, %swap3A_3160] {strides = array<i32>} : memref<26x128xi32, #tpu.memory_space<vmem>>, vector<16xi32>,
      tpu.vector_store %arg9[%swap3A_3159, %swap3A_3160], %sub3A_3157 {strides = array<i32>} : memref<26x128xi32, #tpu.memory_space<vmem>>, vector<16xi32>,
      %mul3A_3162 = arith.constant 128 : i32
      %mul3A_3163 = arith.muli %scan3A_14, %mul3A_3162 : i32
      %add3A_3164 = arith.constant 112 : i32
      %add3A_3165 = arith.addi %mul3A_3163, %add3A_3164 : i32
      %mul3A_3166 = arith.constant 26 : i32
      %mul3A_3167 = arith.muli %add3A_3165, %mul3A_3166 : i32
      %add3A_3168 = arith.constant 21 : i32
      %add3A_3169 = arith.addi %mul3A_3167, %add3A_3168 : i32
      %add3A_3170 = vector.broadcast %add3A_3169 : i32 to vector<16xi32>
      %add3A_3171 = arith.addi %mul3A_9, %add3A_3170 : vector<16xi32>
      %gather3A_3172 = tpu.vector_load_idx %arg8[%add3A_3171] : memref<13312xi32, #tpu.memory_space<vmem>>[vector<16xi32>], vector<16xi32>,
      %sub3A_3173 = arith.constant 2100000 : i32
      %sub3A_3174 = vector.broadcast %sub3A_3173 : i32 to vector<16xi32>
      %sub3A_3175 = arith.subi %gather3A_3172, %sub3A_3174 : vector<16xi32>
      %swap3A_3176 = arith.constant 21 : i32
      %swap3A_3177 = arith.index_cast %swap3A_3176 : i32 to index
      %swap3A_3178 = arith.constant 112 : index
      %swap3A_3179 = tpu.vector_load %arg9[%swap3A_3177, %swap3A_3178] {strides = array<i32>} : memref<26x128xi32, #tpu.memory_space<vmem>>, vector<16xi32>,
      tpu.vector_store %arg9[%swap3A_3177, %swap3A_3178], %sub3A_3175 {strides = array<i32>} : memref<26x128xi32, #tpu.memory_space<vmem>>, vector<16xi32>,
      %mul3A_3180 = arith.constant 128 : i32
      %mul3A_3181 = arith.muli %scan3A_14, %mul3A_3180 : i32
      %add3A_3182 = arith.constant 0 : i32
      %add3A_3183 = arith.addi %mul3A_3181, %add3A_3182 : i32
      %mul3A_3184 = arith.constant 26 : i32
      %mul3A_3185 = arith.muli %add3A_3183, %mul3A_3184 : i32
      %add3A_3186 = arith.constant 22 : i32
      %add3A_3187 = arith.addi %mul3A_3185, %add3A_3186 : i32
      %add3A_3188 = vector.broadcast %add3A_3187 : i32 to vector<16xi32>
      %add3A_3189 = arith.addi %mul3A_9, %add3A_3188 : vector<16xi32>
      %gather3A_3190 = tpu.vector_load_idx %arg8[%add3A_3189] : memref<13312xi32, #tpu.memory_space<vmem>>[vector<16xi32>], vector<16xi32>,
      %sub3A_3191 = arith.constant 2200000 : i32
      %sub3A_3192 = vector.broadcast %sub3A_3191 : i32 to vector<16xi32>
      %sub3A_3193 = arith.subi %gather3A_3190, %sub3A_3192 : vector<16xi32>
      %swap3A_3194 = arith.constant 22 : i32
      %swap3A_3195 = arith.index_cast %swap3A_3194 : i32 to index
      %swap3A_3196 = arith.constant 0 : index
      %swap3A_3197 = tpu.vector_load %arg9[%swap3A_3195, %swap3A_3196] {strides = array<i32>} : memref<26x128xi32, #tpu.memory_space<vmem>>, vector<16xi32>,
      tpu.vector_store %arg9[%swap3A_3195, %swap3A_3196], %sub3A_3193 {strides = array<i32>} : memref<26x128xi32, #tpu.memory_space<vmem>>, vector<16xi32>,
      %mul3A_3198 = arith.constant 128 : i32
      %mul3A_3199 = arith.muli %scan3A_14, %mul3A_3198 : i32
      %add3A_3200 = arith.constant 16 : i32
      %add3A_3201 = arith.addi %mul3A_3199, %add3A_3200 : i32
      %mul3A_3202 = arith.constant 26 : i32
      %mul3A_3203 = arith.muli %add3A_3201, %mul3A_3202 : i32
      %add3A_3204 = arith.constant 22 : i32
      %add3A_3205 = arith.addi %mul3A_3203, %add3A_3204 : i32
      %add3A_3206 = vector.broadcast %add3A_3205 : i32 to vector<16xi32>
      %add3A_3207 = arith.addi %mul3A_9, %add3A_3206 : vector<16xi32>
      %gather3A_3208 = tpu.vector_load_idx %arg8[%add3A_3207] : memref<13312xi32, #tpu.memory_space<vmem>>[vector<16xi32>], vector<16xi32>,
      %sub3A_3209 = arith.constant 2200000 : i32
      %sub3A_3210 = vector.broadcast %sub3A_3209 : i32 to vector<16xi32>
      %sub3A_3211 = arith.subi %gather3A_3208, %sub3A_3210 : vector<16xi32>
      %swap3A_3212 = arith.constant 22 : i32
      %swap3A_3213 = arith.index_cast %swap3A_3212 : i32 to index
      %swap3A_3214 = arith.constant 16 : index
      %swap3A_3215 = tpu.vector_load %arg9[%swap3A_3213, %swap3A_3214] {strides = array<i32>} : memref<26x128xi32, #tpu.memory_space<vmem>>, vector<16xi32>,
      tpu.vector_store %arg9[%swap3A_3213, %swap3A_3214], %sub3A_3211 {strides = array<i32>} : memref<26x128xi32, #tpu.memory_space<vmem>>, vector<16xi32>,
      %mul3A_3216 = arith.constant 128 : i32
      %mul3A_3217 = arith.muli %scan3A_14, %mul3A_3216 : i32
      %add3A_3218 = arith.constant 32 : i32
      %add3A_3219 = arith.addi %mul3A_3217, %add3A_3218 : i32
      %mul3A_3220 = arith.constant 26 : i32
      %mul3A_3221 = arith.muli %add3A_3219, %mul3A_3220 : i32
      %add3A_3222 = arith.constant 22 : i32
      %add3A_3223 = arith.addi %mul3A_3221, %add3A_3222 : i32
      %add3A_3224 = vector.broadcast %add3A_3223 : i32 to vector<16xi32>
      %add3A_3225 = arith.addi %mul3A_9, %add3A_3224 : vector<16xi32>
      %gather3A_3226 = tpu.vector_load_idx %arg8[%add3A_3225] : memref<13312xi32, #tpu.memory_space<vmem>>[vector<16xi32>], vector<16xi32>,
      %sub3A_3227 = arith.constant 2200000 : i32
      %sub3A_3228 = vector.broadcast %sub3A_3227 : i32 to vector<16xi32>
      %sub3A_3229 = arith.subi %gather3A_3226, %sub3A_3228 : vector<16xi32>
      %swap3A_3230 = arith.constant 22 : i32
      %swap3A_3231 = arith.index_cast %swap3A_3230 : i32 to index
      %swap3A_3232 = arith.constant 32 : index
      %swap3A_3233 = tpu.vector_load %arg9[%swap3A_3231, %swap3A_3232] {strides = array<i32>} : memref<26x128xi32, #tpu.memory_space<vmem>>, vector<16xi32>,
      tpu.vector_store %arg9[%swap3A_3231, %swap3A_3232], %sub3A_3229 {strides = array<i32>} : memref<26x128xi32, #tpu.memory_space<vmem>>, vector<16xi32>,
      %mul3A_3234 = arith.constant 128 : i32
      %mul3A_3235 = arith.muli %scan3A_14, %mul3A_3234 : i32
      %add3A_3236 = arith.constant 48 : i32
      %add3A_3237 = arith.addi %mul3A_3235, %add3A_3236 : i32
      %mul3A_3238 = arith.constant 26 : i32
      %mul3A_3239 = arith.muli %add3A_3237, %mul3A_3238 : i32
      %add3A_3240 = arith.constant 22 : i32
      %add3A_3241 = arith.addi %mul3A_3239, %add3A_3240 : i32
      %add3A_3242 = vector.broadcast %add3A_3241 : i32 to vector<16xi32>
      %add3A_3243 = arith.addi %mul3A_9, %add3A_3242 : vector<16xi32>
      %gather3A_3244 = tpu.vector_load_idx %arg8[%add3A_3243] : memref<13312xi32, #tpu.memory_space<vmem>>[vector<16xi32>], vector<16xi32>,
      %sub3A_3245 = arith.constant 2200000 : i32
      %sub3A_3246 = vector.broadcast %sub3A_3245 : i32 to vector<16xi32>
      %sub3A_3247 = arith.subi %gather3A_3244, %sub3A_3246 : vector<16xi32>
      %swap3A_3248 = arith.constant 22 : i32
      %swap3A_3249 = arith.index_cast %swap3A_3248 : i32 to index
      %swap3A_3250 = arith.constant 48 : index
      %swap3A_3251 = tpu.vector_load %arg9[%swap3A_3249, %swap3A_3250] {strides = array<i32>} : memref<26x128xi32, #tpu.memory_space<vmem>>, vector<16xi32>,
      tpu.vector_store %arg9[%swap3A_3249, %swap3A_3250], %sub3A_3247 {strides = array<i32>} : memref<26x128xi32, #tpu.memory_space<vmem>>, vector<16xi32>,
      %mul3A_3252 = arith.constant 128 : i32
      %mul3A_3253 = arith.muli %scan3A_14, %mul3A_3252 : i32
      %add3A_3254 = arith.constant 64 : i32
      %add3A_3255 = arith.addi %mul3A_3253, %add3A_3254 : i32
      %mul3A_3256 = arith.constant 26 : i32
      %mul3A_3257 = arith.muli %add3A_3255, %mul3A_3256 : i32
      %add3A_3258 = arith.constant 22 : i32
      %add3A_3259 = arith.addi %mul3A_3257, %add3A_3258 : i32
      %add3A_3260 = vector.broadcast %add3A_3259 : i32 to vector<16xi32>
      %add3A_3261 = arith.addi %mul3A_9, %add3A_3260 : vector<16xi32>
      %gather3A_3262 = tpu.vector_load_idx %arg8[%add3A_3261] : memref<13312xi32, #tpu.memory_space<vmem>>[vector<16xi32>], vector<16xi32>,
      %sub3A_3263 = arith.constant 2200000 : i32
      %sub3A_3264 = vector.broadcast %sub3A_3263 : i32 to vector<16xi32>
      %sub3A_3265 = arith.subi %gather3A_3262, %sub3A_3264 : vector<16xi32>
      %swap3A_3266 = arith.constant 22 : i32
      %swap3A_3267 = arith.index_cast %swap3A_3266 : i32 to index
      %swap3A_3268 = arith.constant 64 : index
      %swap3A_3269 = tpu.vector_load %arg9[%swap3A_3267, %swap3A_3268] {strides = array<i32>} : memref<26x128xi32, #tpu.memory_space<vmem>>, vector<16xi32>,
      tpu.vector_store %arg9[%swap3A_3267, %swap3A_3268], %sub3A_3265 {strides = array<i32>} : memref<26x128xi32, #tpu.memory_space<vmem>>, vector<16xi32>,
      %mul3A_3270 = arith.constant 128 : i32
      %mul3A_3271 = arith.muli %scan3A_14, %mul3A_3270 : i32
      %add3A_3272 = arith.constant 80 : i32
      %add3A_3273 = arith.addi %mul3A_3271, %add3A_3272 : i32
      %mul3A_3274 = arith.constant 26 : i32
      %mul3A_3275 = arith.muli %add3A_3273, %mul3A_3274 : i32
      %add3A_3276 = arith.constant 22 : i32
      %add3A_3277 = arith.addi %mul3A_3275, %add3A_3276 : i32
      %add3A_3278 = vector.broadcast %add3A_3277 : i32 to vector<16xi32>
      %add3A_3279 = arith.addi %mul3A_9, %add3A_3278 : vector<16xi32>
      %gather3A_3280 = tpu.vector_load_idx %arg8[%add3A_3279] : memref<13312xi32, #tpu.memory_space<vmem>>[vector<16xi32>], vector<16xi32>,
      %sub3A_3281 = arith.constant 2200000 : i32
      %sub3A_3282 = vector.broadcast %sub3A_3281 : i32 to vector<16xi32>
      %sub3A_3283 = arith.subi %gather3A_3280, %sub3A_3282 : vector<16xi32>
      %swap3A_3284 = arith.constant 22 : i32
      %swap3A_3285 = arith.index_cast %swap3A_3284 : i32 to index
      %swap3A_3286 = arith.constant 80 : index
      %swap3A_3287 = tpu.vector_load %arg9[%swap3A_3285, %swap3A_3286] {strides = array<i32>} : memref<26x128xi32, #tpu.memory_space<vmem>>, vector<16xi32>,
      tpu.vector_store %arg9[%swap3A_3285, %swap3A_3286], %sub3A_3283 {strides = array<i32>} : memref<26x128xi32, #tpu.memory_space<vmem>>, vector<16xi32>,
      %mul3A_3288 = arith.constant 128 : i32
      %mul3A_3289 = arith.muli %scan3A_14, %mul3A_3288 : i32
      %add3A_3290 = arith.constant 96 : i32
      %add3A_3291 = arith.addi %mul3A_3289, %add3A_3290 : i32
      %mul3A_3292 = arith.constant 26 : i32
      %mul3A_3293 = arith.muli %add3A_3291, %mul3A_3292 : i32
      %add3A_3294 = arith.constant 22 : i32
      %add3A_3295 = arith.addi %mul3A_3293, %add3A_3294 : i32
      %add3A_3296 = vector.broadcast %add3A_3295 : i32 to vector<16xi32>
      %add3A_3297 = arith.addi %mul3A_9, %add3A_3296 : vector<16xi32>
      %gather3A_3298 = tpu.vector_load_idx %arg8[%add3A_3297] : memref<13312xi32, #tpu.memory_space<vmem>>[vector<16xi32>], vector<16xi32>,
      %sub3A_3299 = arith.constant 2200000 : i32
      %sub3A_3300 = vector.broadcast %sub3A_3299 : i32 to vector<16xi32>
      %sub3A_3301 = arith.subi %gather3A_3298, %sub3A_3300 : vector<16xi32>
      %swap3A_3302 = arith.constant 22 : i32
      %swap3A_3303 = arith.index_cast %swap3A_3302 : i32 to index
      %swap3A_3304 = arith.constant 96 : index
      %swap3A_3305 = tpu.vector_load %arg9[%swap3A_3303, %swap3A_3304] {strides = array<i32>} : memref<26x128xi32, #tpu.memory_space<vmem>>, vector<16xi32>,
      tpu.vector_store %arg9[%swap3A_3303, %swap3A_3304], %sub3A_3301 {strides = array<i32>} : memref<26x128xi32, #tpu.memory_space<vmem>>, vector<16xi32>,
      %mul3A_3306 = arith.constant 128 : i32
      %mul3A_3307 = arith.muli %scan3A_14, %mul3A_3306 : i32
      %add3A_3308 = arith.constant 112 : i32
      %add3A_3309 = arith.addi %mul3A_3307, %add3A_3308 : i32
      %mul3A_3310 = arith.constant 26 : i32
      %mul3A_3311 = arith.muli %add3A_3309, %mul3A_3310 : i32
      %add3A_3312 = arith.constant 22 : i32
      %add3A_3313 = arith.addi %mul3A_3311, %add3A_3312 : i32
      %add3A_3314 = vector.broadcast %add3A_3313 : i32 to vector<16xi32>
      %add3A_3315 = arith.addi %mul3A_9, %add3A_3314 : vector<16xi32>
      %gather3A_3316 = tpu.vector_load_idx %arg8[%add3A_3315] : memref<13312xi32, #tpu.memory_space<vmem>>[vector<16xi32>], vector<16xi32>,
      %sub3A_3317 = arith.constant 2200000 : i32
      %sub3A_3318 = vector.broadcast %sub3A_3317 : i32 to vector<16xi32>
      %sub3A_3319 = arith.subi %gather3A_3316, %sub3A_3318 : vector<16xi32>
      %swap3A_3320 = arith.constant 22 : i32
      %swap3A_3321 = arith.index_cast %swap3A_3320 : i32 to index
      %swap3A_3322 = arith.constant 112 : index
      %swap3A_3323 = tpu.vector_load %arg9[%swap3A_3321, %swap3A_3322] {strides = array<i32>} : memref<26x128xi32, #tpu.memory_space<vmem>>, vector<16xi32>,
      tpu.vector_store %arg9[%swap3A_3321, %swap3A_3322], %sub3A_3319 {strides = array<i32>} : memref<26x128xi32, #tpu.memory_space<vmem>>, vector<16xi32>,
      %mul3A_3324 = arith.constant 128 : i32
      %mul3A_3325 = arith.muli %scan3A_14, %mul3A_3324 : i32
      %add3A_3326 = arith.constant 0 : i32
      %add3A_3327 = arith.addi %mul3A_3325, %add3A_3326 : i32
      %mul3A_3328 = arith.constant 26 : i32
      %mul3A_3329 = arith.muli %add3A_3327, %mul3A_3328 : i32
      %add3A_3330 = arith.constant 23 : i32
      %add3A_3331 = arith.addi %mul3A_3329, %add3A_3330 : i32
      %add3A_3332 = vector.broadcast %add3A_3331 : i32 to vector<16xi32>
      %add3A_3333 = arith.addi %mul3A_9, %add3A_3332 : vector<16xi32>
      %gather3A_3334 = tpu.vector_load_idx %arg8[%add3A_3333] : memref<13312xi32, #tpu.memory_space<vmem>>[vector<16xi32>], vector<16xi32>,
      %sub3A_3335 = arith.constant 2300000 : i32
      %sub3A_3336 = vector.broadcast %sub3A_3335 : i32 to vector<16xi32>
      %sub3A_3337 = arith.subi %gather3A_3334, %sub3A_3336 : vector<16xi32>
      %swap3A_3338 = arith.constant 23 : i32
      %swap3A_3339 = arith.index_cast %swap3A_3338 : i32 to index
      %swap3A_3340 = arith.constant 0 : index
      %swap3A_3341 = tpu.vector_load %arg9[%swap3A_3339, %swap3A_3340] {strides = array<i32>} : memref<26x128xi32, #tpu.memory_space<vmem>>, vector<16xi32>,
      tpu.vector_store %arg9[%swap3A_3339, %swap3A_3340], %sub3A_3337 {strides = array<i32>} : memref<26x128xi32, #tpu.memory_space<vmem>>, vector<16xi32>,
      %mul3A_3342 = arith.constant 128 : i32
      %mul3A_3343 = arith.muli %scan3A_14, %mul3A_3342 : i32
      %add3A_3344 = arith.constant 16 : i32
      %add3A_3345 = arith.addi %mul3A_3343, %add3A_3344 : i32
      %mul3A_3346 = arith.constant 26 : i32
      %mul3A_3347 = arith.muli %add3A_3345, %mul3A_3346 : i32
      %add3A_3348 = arith.constant 23 : i32
      %add3A_3349 = arith.addi %mul3A_3347, %add3A_3348 : i32
      %add3A_3350 = vector.broadcast %add3A_3349 : i32 to vector<16xi32>
      %add3A_3351 = arith.addi %mul3A_9, %add3A_3350 : vector<16xi32>
      %gather3A_3352 = tpu.vector_load_idx %arg8[%add3A_3351] : memref<13312xi32, #tpu.memory_space<vmem>>[vector<16xi32>], vector<16xi32>,
      %sub3A_3353 = arith.constant 2300000 : i32
      %sub3A_3354 = vector.broadcast %sub3A_3353 : i32 to vector<16xi32>
      %sub3A_3355 = arith.subi %gather3A_3352, %sub3A_3354 : vector<16xi32>
      %swap3A_3356 = arith.constant 23 : i32
      %swap3A_3357 = arith.index_cast %swap3A_3356 : i32 to index
      %swap3A_3358 = arith.constant 16 : index
      %swap3A_3359 = tpu.vector_load %arg9[%swap3A_3357, %swap3A_3358] {strides = array<i32>} : memref<26x128xi32, #tpu.memory_space<vmem>>, vector<16xi32>,
      tpu.vector_store %arg9[%swap3A_3357, %swap3A_3358], %sub3A_3355 {strides = array<i32>} : memref<26x128xi32, #tpu.memory_space<vmem>>, vector<16xi32>,
      %mul3A_3360 = arith.constant 128 : i32
      %mul3A_3361 = arith.muli %scan3A_14, %mul3A_3360 : i32
      %add3A_3362 = arith.constant 32 : i32
      %add3A_3363 = arith.addi %mul3A_3361, %add3A_3362 : i32
      %mul3A_3364 = arith.constant 26 : i32
      %mul3A_3365 = arith.muli %add3A_3363, %mul3A_3364 : i32
      %add3A_3366 = arith.constant 23 : i32
      %add3A_3367 = arith.addi %mul3A_3365, %add3A_3366 : i32
      %add3A_3368 = vector.broadcast %add3A_3367 : i32 to vector<16xi32>
      %add3A_3369 = arith.addi %mul3A_9, %add3A_3368 : vector<16xi32>
      %gather3A_3370 = tpu.vector_load_idx %arg8[%add3A_3369] : memref<13312xi32, #tpu.memory_space<vmem>>[vector<16xi32>], vector<16xi32>,
      %sub3A_3371 = arith.constant 2300000 : i32
      %sub3A_3372 = vector.broadcast %sub3A_3371 : i32 to vector<16xi32>
      %sub3A_3373 = arith.subi %gather3A_3370, %sub3A_3372 : vector<16xi32>
      %swap3A_3374 = arith.constant 23 : i32
      %swap3A_3375 = arith.index_cast %swap3A_3374 : i32 to index
      %swap3A_3376 = arith.constant 32 : index
      %swap3A_3377 = tpu.vector_load %arg9[%swap3A_3375, %swap3A_3376] {strides = array<i32>} : memref<26x128xi32, #tpu.memory_space<vmem>>, vector<16xi32>,
      tpu.vector_store %arg9[%swap3A_3375, %swap3A_3376], %sub3A_3373 {strides = array<i32>} : memref<26x128xi32, #tpu.memory_space<vmem>>, vector<16xi32>,
      %mul3A_3378 = arith.constant 128 : i32
      %mul3A_3379 = arith.muli %scan3A_14, %mul3A_3378 : i32
      %add3A_3380 = arith.constant 48 : i32
      %add3A_3381 = arith.addi %mul3A_3379, %add3A_3380 : i32
      %mul3A_3382 = arith.constant 26 : i32
      %mul3A_3383 = arith.muli %add3A_3381, %mul3A_3382 : i32
      %add3A_3384 = arith.constant 23 : i32
      %add3A_3385 = arith.addi %mul3A_3383, %add3A_3384 : i32
      %add3A_3386 = vector.broadcast %add3A_3385 : i32 to vector<16xi32>
      %add3A_3387 = arith.addi %mul3A_9, %add3A_3386 : vector<16xi32>
      %gather3A_3388 = tpu.vector_load_idx %arg8[%add3A_3387] : memref<13312xi32, #tpu.memory_space<vmem>>[vector<16xi32>], vector<16xi32>,
      %sub3A_3389 = arith.constant 2300000 : i32
      %sub3A_3390 = vector.broadcast %sub3A_3389 : i32 to vector<16xi32>
      %sub3A_3391 = arith.subi %gather3A_3388, %sub3A_3390 : vector<16xi32>
      %swap3A_3392 = arith.constant 23 : i32
      %swap3A_3393 = arith.index_cast %swap3A_3392 : i32 to index
      %swap3A_3394 = arith.constant 48 : index
      %swap3A_3395 = tpu.vector_load %arg9[%swap3A_3393, %swap3A_3394] {strides = array<i32>} : memref<26x128xi32, #tpu.memory_space<vmem>>, vector<16xi32>,
      tpu.vector_store %arg9[%swap3A_3393, %swap3A_3394], %sub3A_3391 {strides = array<i32>} : memref<26x128xi32, #tpu.memory_space<vmem>>, vector<16xi32>,
      %mul3A_3396 = arith.constant 128 : i32
      %mul3A_3397 = arith.muli %scan3A_14, %mul3A_3396 : i32
      %add3A_3398 = arith.constant 64 : i32
      %add3A_3399 = arith.addi %mul3A_3397, %add3A_3398 : i32
      %mul3A_3400 = arith.constant 26 : i32
      %mul3A_3401 = arith.muli %add3A_3399, %mul3A_3400 : i32
      %add3A_3402 = arith.constant 23 : i32
      %add3A_3403 = arith.addi %mul3A_3401, %add3A_3402 : i32
      %add3A_3404 = vector.broadcast %add3A_3403 : i32 to vector<16xi32>
      %add3A_3405 = arith.addi %mul3A_9, %add3A_3404 : vector<16xi32>
      %gather3A_3406 = tpu.vector_load_idx %arg8[%add3A_3405] : memref<13312xi32, #tpu.memory_space<vmem>>[vector<16xi32>], vector<16xi32>,
      %sub3A_3407 = arith.constant 2300000 : i32
      %sub3A_3408 = vector.broadcast %sub3A_3407 : i32 to vector<16xi32>
      %sub3A_3409 = arith.subi %gather3A_3406, %sub3A_3408 : vector<16xi32>
      %swap3A_3410 = arith.constant 23 : i32
      %swap3A_3411 = arith.index_cast %swap3A_3410 : i32 to index
      %swap3A_3412 = arith.constant 64 : index
      %swap3A_3413 = tpu.vector_load %arg9[%swap3A_3411, %swap3A_3412] {strides = array<i32>} : memref<26x128xi32, #tpu.memory_space<vmem>>, vector<16xi32>,
      tpu.vector_store %arg9[%swap3A_3411, %swap3A_3412], %sub3A_3409 {strides = array<i32>} : memref<26x128xi32, #tpu.memory_space<vmem>>, vector<16xi32>,
      %mul3A_3414 = arith.constant 128 : i32
      %mul3A_3415 = arith.muli %scan3A_14, %mul3A_3414 : i32
      %add3A_3416 = arith.constant 80 : i32
      %add3A_3417 = arith.addi %mul3A_3415, %add3A_3416 : i32
      %mul3A_3418 = arith.constant 26 : i32
      %mul3A_3419 = arith.muli %add3A_3417, %mul3A_3418 : i32
      %add3A_3420 = arith.constant 23 : i32
      %add3A_3421 = arith.addi %mul3A_3419, %add3A_3420 : i32
      %add3A_3422 = vector.broadcast %add3A_3421 : i32 to vector<16xi32>
      %add3A_3423 = arith.addi %mul3A_9, %add3A_3422 : vector<16xi32>
      %gather3A_3424 = tpu.vector_load_idx %arg8[%add3A_3423] : memref<13312xi32, #tpu.memory_space<vmem>>[vector<16xi32>], vector<16xi32>,
      %sub3A_3425 = arith.constant 2300000 : i32
      %sub3A_3426 = vector.broadcast %sub3A_3425 : i32 to vector<16xi32>
      %sub3A_3427 = arith.subi %gather3A_3424, %sub3A_3426 : vector<16xi32>
      %swap3A_3428 = arith.constant 23 : i32
      %swap3A_3429 = arith.index_cast %swap3A_3428 : i32 to index
      %swap3A_3430 = arith.constant 80 : index
      %swap3A_3431 = tpu.vector_load %arg9[%swap3A_3429, %swap3A_3430] {strides = array<i32>} : memref<26x128xi32, #tpu.memory_space<vmem>>, vector<16xi32>,
      tpu.vector_store %arg9[%swap3A_3429, %swap3A_3430], %sub3A_3427 {strides = array<i32>} : memref<26x128xi32, #tpu.memory_space<vmem>>, vector<16xi32>,
      %mul3A_3432 = arith.constant 128 : i32
      %mul3A_3433 = arith.muli %scan3A_14, %mul3A_3432 : i32
      %add3A_3434 = arith.constant 96 : i32
      %add3A_3435 = arith.addi %mul3A_3433, %add3A_3434 : i32
      %mul3A_3436 = arith.constant 26 : i32
      %mul3A_3437 = arith.muli %add3A_3435, %mul3A_3436 : i32
      %add3A_3438 = arith.constant 23 : i32
      %add3A_3439 = arith.addi %mul3A_3437, %add3A_3438 : i32
      %add3A_3440 = vector.broadcast %add3A_3439 : i32 to vector<16xi32>
      %add3A_3441 = arith.addi %mul3A_9, %add3A_3440 : vector<16xi32>
      %gather3A_3442 = tpu.vector_load_idx %arg8[%add3A_3441] : memref<13312xi32, #tpu.memory_space<vmem>>[vector<16xi32>], vector<16xi32>,
      %sub3A_3443 = arith.constant 2300000 : i32
      %sub3A_3444 = vector.broadcast %sub3A_3443 : i32 to vector<16xi32>
      %sub3A_3445 = arith.subi %gather3A_3442, %sub3A_3444 : vector<16xi32>
      %swap3A_3446 = arith.constant 23 : i32
      %swap3A_3447 = arith.index_cast %swap3A_3446 : i32 to index
      %swap3A_3448 = arith.constant 96 : index
      %swap3A_3449 = tpu.vector_load %arg9[%swap3A_3447, %swap3A_3448] {strides = array<i32>} : memref<26x128xi32, #tpu.memory_space<vmem>>, vector<16xi32>,
      tpu.vector_store %arg9[%swap3A_3447, %swap3A_3448], %sub3A_3445 {strides = array<i32>} : memref<26x128xi32, #tpu.memory_space<vmem>>, vector<16xi32>,
      %mul3A_3450 = arith.constant 128 : i32
      %mul3A_3451 = arith.muli %scan3A_14, %mul3A_3450 : i32
      %add3A_3452 = arith.constant 112 : i32
      %add3A_3453 = arith.addi %mul3A_3451, %add3A_3452 : i32
      %mul3A_3454 = arith.constant 26 : i32
      %mul3A_3455 = arith.muli %add3A_3453, %mul3A_3454 : i32
      %add3A_3456 = arith.constant 23 : i32
      %add3A_3457 = arith.addi %mul3A_3455, %add3A_3456 : i32
      %add3A_3458 = vector.broadcast %add3A_3457 : i32 to vector<16xi32>
      %add3A_3459 = arith.addi %mul3A_9, %add3A_3458 : vector<16xi32>
      %gather3A_3460 = tpu.vector_load_idx %arg8[%add3A_3459] : memref<13312xi32, #tpu.memory_space<vmem>>[vector<16xi32>], vector<16xi32>,
      %sub3A_3461 = arith.constant 2300000 : i32
      %sub3A_3462 = vector.broadcast %sub3A_3461 : i32 to vector<16xi32>
      %sub3A_3463 = arith.subi %gather3A_3460, %sub3A_3462 : vector<16xi32>
      %swap3A_3464 = arith.constant 23 : i32
      %swap3A_3465 = arith.index_cast %swap3A_3464 : i32 to index
      %swap3A_3466 = arith.constant 112 : index
      %swap3A_3467 = tpu.vector_load %arg9[%swap3A_3465, %swap3A_3466] {strides = array<i32>} : memref<26x128xi32, #tpu.memory_space<vmem>>, vector<16xi32>,
      tpu.vector_store %arg9[%swap3A_3465, %swap3A_3466], %sub3A_3463 {strides = array<i32>} : memref<26x128xi32, #tpu.memory_space<vmem>>, vector<16xi32>,
      %mul3A_3468 = arith.constant 128 : i32
      %mul3A_3469 = arith.muli %scan3A_14, %mul3A_3468 : i32
      %add3A_3470 = arith.constant 0 : i32
      %add3A_3471 = arith.addi %mul3A_3469, %add3A_3470 : i32
      %mul3A_3472 = arith.constant 26 : i32
      %mul3A_3473 = arith.muli %add3A_3471, %mul3A_3472 : i32
      %add3A_3474 = arith.constant 24 : i32
      %add3A_3475 = arith.addi %mul3A_3473, %add3A_3474 : i32
      %add3A_3476 = vector.broadcast %add3A_3475 : i32 to vector<16xi32>
      %add3A_3477 = arith.addi %mul3A_9, %add3A_3476 : vector<16xi32>
      %gather3A_3478 = tpu.vector_load_idx %arg8[%add3A_3477] : memref<13312xi32, #tpu.memory_space<vmem>>[vector<16xi32>], vector<16xi32>,
      %sub3A_3479 = arith.constant 2400000 : i32
      %sub3A_3480 = vector.broadcast %sub3A_3479 : i32 to vector<16xi32>
      %sub3A_3481 = arith.subi %gather3A_3478, %sub3A_3480 : vector<16xi32>
      %swap3A_3482 = arith.constant 24 : i32
      %swap3A_3483 = arith.index_cast %swap3A_3482 : i32 to index
      %swap3A_3484 = arith.constant 0 : index
      %swap3A_3485 = tpu.vector_load %arg9[%swap3A_3483, %swap3A_3484] {strides = array<i32>} : memref<26x128xi32, #tpu.memory_space<vmem>>, vector<16xi32>,
      tpu.vector_store %arg9[%swap3A_3483, %swap3A_3484], %sub3A_3481 {strides = array<i32>} : memref<26x128xi32, #tpu.memory_space<vmem>>, vector<16xi32>,
      %mul3A_3486 = arith.constant 128 : i32
      %mul3A_3487 = arith.muli %scan3A_14, %mul3A_3486 : i32
      %add3A_3488 = arith.constant 16 : i32
      %add3A_3489 = arith.addi %mul3A_3487, %add3A_3488 : i32
      %mul3A_3490 = arith.constant 26 : i32
      %mul3A_3491 = arith.muli %add3A_3489, %mul3A_3490 : i32
      %add3A_3492 = arith.constant 24 : i32
      %add3A_3493 = arith.addi %mul3A_3491, %add3A_3492 : i32
      %add3A_3494 = vector.broadcast %add3A_3493 : i32 to vector<16xi32>
      %add3A_3495 = arith.addi %mul3A_9, %add3A_3494 : vector<16xi32>
      %gather3A_3496 = tpu.vector_load_idx %arg8[%add3A_3495] : memref<13312xi32, #tpu.memory_space<vmem>>[vector<16xi32>], vector<16xi32>,
      %sub3A_3497 = arith.constant 2400000 : i32
      %sub3A_3498 = vector.broadcast %sub3A_3497 : i32 to vector<16xi32>
      %sub3A_3499 = arith.subi %gather3A_3496, %sub3A_3498 : vector<16xi32>
      %swap3A_3500 = arith.constant 24 : i32
      %swap3A_3501 = arith.index_cast %swap3A_3500 : i32 to index
      %swap3A_3502 = arith.constant 16 : index
      %swap3A_3503 = tpu.vector_load %arg9[%swap3A_3501, %swap3A_3502] {strides = array<i32>} : memref<26x128xi32, #tpu.memory_space<vmem>>, vector<16xi32>,
      tpu.vector_store %arg9[%swap3A_3501, %swap3A_3502], %sub3A_3499 {strides = array<i32>} : memref<26x128xi32, #tpu.memory_space<vmem>>, vector<16xi32>,
      %mul3A_3504 = arith.constant 128 : i32
      %mul3A_3505 = arith.muli %scan3A_14, %mul3A_3504 : i32
      %add3A_3506 = arith.constant 32 : i32
      %add3A_3507 = arith.addi %mul3A_3505, %add3A_3506 : i32
      %mul3A_3508 = arith.constant 26 : i32
      %mul3A_3509 = arith.muli %add3A_3507, %mul3A_3508 : i32
      %add3A_3510 = arith.constant 24 : i32
      %add3A_3511 = arith.addi %mul3A_3509, %add3A_3510 : i32
      %add3A_3512 = vector.broadcast %add3A_3511 : i32 to vector<16xi32>
      %add3A_3513 = arith.addi %mul3A_9, %add3A_3512 : vector<16xi32>
      %gather3A_3514 = tpu.vector_load_idx %arg8[%add3A_3513] : memref<13312xi32, #tpu.memory_space<vmem>>[vector<16xi32>], vector<16xi32>,
      %sub3A_3515 = arith.constant 2400000 : i32
      %sub3A_3516 = vector.broadcast %sub3A_3515 : i32 to vector<16xi32>
      %sub3A_3517 = arith.subi %gather3A_3514, %sub3A_3516 : vector<16xi32>
      %swap3A_3518 = arith.constant 24 : i32
      %swap3A_3519 = arith.index_cast %swap3A_3518 : i32 to index
      %swap3A_3520 = arith.constant 32 : index
      %swap3A_3521 = tpu.vector_load %arg9[%swap3A_3519, %swap3A_3520] {strides = array<i32>} : memref<26x128xi32, #tpu.memory_space<vmem>>, vector<16xi32>,
      tpu.vector_store %arg9[%swap3A_3519, %swap3A_3520], %sub3A_3517 {strides = array<i32>} : memref<26x128xi32, #tpu.memory_space<vmem>>, vector<16xi32>,
      %mul3A_3522 = arith.constant 128 : i32
      %mul3A_3523 = arith.muli %scan3A_14, %mul3A_3522 : i32
      %add3A_3524 = arith.constant 48 : i32
      %add3A_3525 = arith.addi %mul3A_3523, %add3A_3524 : i32
      %mul3A_3526 = arith.constant 26 : i32
      %mul3A_3527 = arith.muli %add3A_3525, %mul3A_3526 : i32
      %add3A_3528 = arith.constant 24 : i32
      %add3A_3529 = arith.addi %mul3A_3527, %add3A_3528 : i32
      %add3A_3530 = vector.broadcast %add3A_3529 : i32 to vector<16xi32>
      %add3A_3531 = arith.addi %mul3A_9, %add3A_3530 : vector<16xi32>
      %gather3A_3532 = tpu.vector_load_idx %arg8[%add3A_3531] : memref<13312xi32, #tpu.memory_space<vmem>>[vector<16xi32>], vector<16xi32>,
      %sub3A_3533 = arith.constant 2400000 : i32
      %sub3A_3534 = vector.broadcast %sub3A_3533 : i32 to vector<16xi32>
      %sub3A_3535 = arith.subi %gather3A_3532, %sub3A_3534 : vector<16xi32>
      %swap3A_3536 = arith.constant 24 : i32
      %swap3A_3537 = arith.index_cast %swap3A_3536 : i32 to index
      %swap3A_3538 = arith.constant 48 : index
      %swap3A_3539 = tpu.vector_load %arg9[%swap3A_3537, %swap3A_3538] {strides = array<i32>} : memref<26x128xi32, #tpu.memory_space<vmem>>, vector<16xi32>,
      tpu.vector_store %arg9[%swap3A_3537, %swap3A_3538], %sub3A_3535 {strides = array<i32>} : memref<26x128xi32, #tpu.memory_space<vmem>>, vector<16xi32>,
      %mul3A_3540 = arith.constant 128 : i32
      %mul3A_3541 = arith.muli %scan3A_14, %mul3A_3540 : i32
      %add3A_3542 = arith.constant 64 : i32
      %add3A_3543 = arith.addi %mul3A_3541, %add3A_3542 : i32
      %mul3A_3544 = arith.constant 26 : i32
      %mul3A_3545 = arith.muli %add3A_3543, %mul3A_3544 : i32
      %add3A_3546 = arith.constant 24 : i32
      %add3A_3547 = arith.addi %mul3A_3545, %add3A_3546 : i32
      %add3A_3548 = vector.broadcast %add3A_3547 : i32 to vector<16xi32>
      %add3A_3549 = arith.addi %mul3A_9, %add3A_3548 : vector<16xi32>
      %gather3A_3550 = tpu.vector_load_idx %arg8[%add3A_3549] : memref<13312xi32, #tpu.memory_space<vmem>>[vector<16xi32>], vector<16xi32>,
      %sub3A_3551 = arith.constant 2400000 : i32
      %sub3A_3552 = vector.broadcast %sub3A_3551 : i32 to vector<16xi32>
      %sub3A_3553 = arith.subi %gather3A_3550, %sub3A_3552 : vector<16xi32>
      %swap3A_3554 = arith.constant 24 : i32
      %swap3A_3555 = arith.index_cast %swap3A_3554 : i32 to index
      %swap3A_3556 = arith.constant 64 : index
      %swap3A_3557 = tpu.vector_load %arg9[%swap3A_3555, %swap3A_3556] {strides = array<i32>} : memref<26x128xi32, #tpu.memory_space<vmem>>, vector<16xi32>,
      tpu.vector_store %arg9[%swap3A_3555, %swap3A_3556], %sub3A_3553 {strides = array<i32>} : memref<26x128xi32, #tpu.memory_space<vmem>>, vector<16xi32>,
      %mul3A_3558 = arith.constant 128 : i32
      %mul3A_3559 = arith.muli %scan3A_14, %mul3A_3558 : i32
      %add3A_3560 = arith.constant 80 : i32
      %add3A_3561 = arith.addi %mul3A_3559, %add3A_3560 : i32
      %mul3A_3562 = arith.constant 26 : i32
      %mul3A_3563 = arith.muli %add3A_3561, %mul3A_3562 : i32
      %add3A_3564 = arith.constant 24 : i32
      %add3A_3565 = arith.addi %mul3A_3563, %add3A_3564 : i32
      %add3A_3566 = vector.broadcast %add3A_3565 : i32 to vector<16xi32>
      %add3A_3567 = arith.addi %mul3A_9, %add3A_3566 : vector<16xi32>
      %gather3A_3568 = tpu.vector_load_idx %arg8[%add3A_3567] : memref<13312xi32, #tpu.memory_space<vmem>>[vector<16xi32>], vector<16xi32>,
      %sub3A_3569 = arith.constant 2400000 : i32
      %sub3A_3570 = vector.broadcast %sub3A_3569 : i32 to vector<16xi32>
      %sub3A_3571 = arith.subi %gather3A_3568, %sub3A_3570 : vector<16xi32>
      %swap3A_3572 = arith.constant 24 : i32
      %swap3A_3573 = arith.index_cast %swap3A_3572 : i32 to index
      %swap3A_3574 = arith.constant 80 : index
      %swap3A_3575 = tpu.vector_load %arg9[%swap3A_3573, %swap3A_3574] {strides = array<i32>} : memref<26x128xi32, #tpu.memory_space<vmem>>, vector<16xi32>,
      tpu.vector_store %arg9[%swap3A_3573, %swap3A_3574], %sub3A_3571 {strides = array<i32>} : memref<26x128xi32, #tpu.memory_space<vmem>>, vector<16xi32>,
      %mul3A_3576 = arith.constant 128 : i32
      %mul3A_3577 = arith.muli %scan3A_14, %mul3A_3576 : i32
      %add3A_3578 = arith.constant 96 : i32
      %add3A_3579 = arith.addi %mul3A_3577, %add3A_3578 : i32
      %mul3A_3580 = arith.constant 26 : i32
      %mul3A_3581 = arith.muli %add3A_3579, %mul3A_3580 : i32
      %add3A_3582 = arith.constant 24 : i32
      %add3A_3583 = arith.addi %mul3A_3581, %add3A_3582 : i32
      %add3A_3584 = vector.broadcast %add3A_3583 : i32 to vector<16xi32>
      %add3A_3585 = arith.addi %mul3A_9, %add3A_3584 : vector<16xi32>
      %gather3A_3586 = tpu.vector_load_idx %arg8[%add3A_3585] : memref<13312xi32, #tpu.memory_space<vmem>>[vector<16xi32>], vector<16xi32>,
      %sub3A_3587 = arith.constant 2400000 : i32
      %sub3A_3588 = vector.broadcast %sub3A_3587 : i32 to vector<16xi32>
      %sub3A_3589 = arith.subi %gather3A_3586, %sub3A_3588 : vector<16xi32>
      %swap3A_3590 = arith.constant 24 : i32
      %swap3A_3591 = arith.index_cast %swap3A_3590 : i32 to index
      %swap3A_3592 = arith.constant 96 : index
      %swap3A_3593 = tpu.vector_load %arg9[%swap3A_3591, %swap3A_3592] {strides = array<i32>} : memref<26x128xi32, #tpu.memory_space<vmem>>, vector<16xi32>,
      tpu.vector_store %arg9[%swap3A_3591, %swap3A_3592], %sub3A_3589 {strides = array<i32>} : memref<26x128xi32, #tpu.memory_space<vmem>>, vector<16xi32>,
      %mul3A_3594 = arith.constant 128 : i32
      %mul3A_3595 = arith.muli %scan3A_14, %mul3A_3594 : i32
      %add3A_3596 = arith.constant 112 : i32
      %add3A_3597 = arith.addi %mul3A_3595, %add3A_3596 : i32
      %mul3A_3598 = arith.constant 26 : i32
      %mul3A_3599 = arith.muli %add3A_3597, %mul3A_3598 : i32
      %add3A_3600 = arith.constant 24 : i32
      %add3A_3601 = arith.addi %mul3A_3599, %add3A_3600 : i32
      %add3A_3602 = vector.broadcast %add3A_3601 : i32 to vector<16xi32>
      %add3A_3603 = arith.addi %mul3A_9, %add3A_3602 : vector<16xi32>
      %gather3A_3604 = tpu.vector_load_idx %arg8[%add3A_3603] : memref<13312xi32, #tpu.memory_space<vmem>>[vector<16xi32>], vector<16xi32>,
      %sub3A_3605 = arith.constant 2400000 : i32
      %sub3A_3606 = vector.broadcast %sub3A_3605 : i32 to vector<16xi32>
      %sub3A_3607 = arith.subi %gather3A_3604, %sub3A_3606 : vector<16xi32>
      %swap3A_3608 = arith.constant 24 : i32
      %swap3A_3609 = arith.index_cast %swap3A_3608 : i32 to index
      %swap3A_3610 = arith.constant 112 : index
      %swap3A_3611 = tpu.vector_load %arg9[%swap3A_3609, %swap3A_3610] {strides = array<i32>} : memref<26x128xi32, #tpu.memory_space<vmem>>, vector<16xi32>,
      tpu.vector_store %arg9[%swap3A_3609, %swap3A_3610], %sub3A_3607 {strides = array<i32>} : memref<26x128xi32, #tpu.memory_space<vmem>>, vector<16xi32>,
      %mul3A_3612 = arith.constant 128 : i32
      %mul3A_3613 = arith.muli %scan3A_14, %mul3A_3612 : i32
      %add3A_3614 = arith.constant 0 : i32
      %add3A_3615 = arith.addi %mul3A_3613, %add3A_3614 : i32
      %mul3A_3616 = arith.constant 26 : i32
      %mul3A_3617 = arith.muli %add3A_3615, %mul3A_3616 : i32
      %add3A_3618 = arith.constant 25 : i32
      %add3A_3619 = arith.addi %mul3A_3617, %add3A_3618 : i32
      %add3A_3620 = vector.broadcast %add3A_3619 : i32 to vector<16xi32>
      %add3A_3621 = arith.addi %mul3A_9, %add3A_3620 : vector<16xi32>
      %gather3A_3622 = tpu.vector_load_idx %arg8[%add3A_3621] : memref<13312xi32, #tpu.memory_space<vmem>>[vector<16xi32>], vector<16xi32>,
      %sub3A_3623 = arith.constant 2500000 : i32
      %sub3A_3624 = vector.broadcast %sub3A_3623 : i32 to vector<16xi32>
      %sub3A_3625 = arith.subi %gather3A_3622, %sub3A_3624 : vector<16xi32>
      %swap3A_3626 = arith.constant 25 : i32
      %swap3A_3627 = arith.index_cast %swap3A_3626 : i32 to index
      %swap3A_3628 = arith.constant 0 : index
      %swap3A_3629 = tpu.vector_load %arg9[%swap3A_3627, %swap3A_3628] {strides = array<i32>} : memref<26x128xi32, #tpu.memory_space<vmem>>, vector<16xi32>,
      tpu.vector_store %arg9[%swap3A_3627, %swap3A_3628], %sub3A_3625 {strides = array<i32>} : memref<26x128xi32, #tpu.memory_space<vmem>>, vector<16xi32>,
      %mul3A_3630 = arith.constant 128 : i32
      %mul3A_3631 = arith.muli %scan3A_14, %mul3A_3630 : i32
      %add3A_3632 = arith.constant 16 : i32
      %add3A_3633 = arith.addi %mul3A_3631, %add3A_3632 : i32
      %mul3A_3634 = arith.constant 26 : i32
      %mul3A_3635 = arith.muli %add3A_3633, %mul3A_3634 : i32
      %add3A_3636 = arith.constant 25 : i32
      %add3A_3637 = arith.addi %mul3A_3635, %add3A_3636 : i32
      %add3A_3638 = vector.broadcast %add3A_3637 : i32 to vector<16xi32>
      %add3A_3639 = arith.addi %mul3A_9, %add3A_3638 : vector<16xi32>
      %gather3A_3640 = tpu.vector_load_idx %arg8[%add3A_3639] : memref<13312xi32, #tpu.memory_space<vmem>>[vector<16xi32>], vector<16xi32>,
      %sub3A_3641 = arith.constant 2500000 : i32
      %sub3A_3642 = vector.broadcast %sub3A_3641 : i32 to vector<16xi32>
      %sub3A_3643 = arith.subi %gather3A_3640, %sub3A_3642 : vector<16xi32>
      %swap3A_3644 = arith.constant 25 : i32
      %swap3A_3645 = arith.index_cast %swap3A_3644 : i32 to index
      %swap3A_3646 = arith.constant 16 : index
      %swap3A_3647 = tpu.vector_load %arg9[%swap3A_3645, %swap3A_3646] {strides = array<i32>} : memref<26x128xi32, #tpu.memory_space<vmem>>, vector<16xi32>,
      tpu.vector_store %arg9[%swap3A_3645, %swap3A_3646], %sub3A_3643 {strides = array<i32>} : memref<26x128xi32, #tpu.memory_space<vmem>>, vector<16xi32>,
      %mul3A_3648 = arith.constant 128 : i32
      %mul3A_3649 = arith.muli %scan3A_14, %mul3A_3648 : i32
      %add3A_3650 = arith.constant 32 : i32
      %add3A_3651 = arith.addi %mul3A_3649, %add3A_3650 : i32
      %mul3A_3652 = arith.constant 26 : i32
      %mul3A_3653 = arith.muli %add3A_3651, %mul3A_3652 : i32
      %add3A_3654 = arith.constant 25 : i32
      %add3A_3655 = arith.addi %mul3A_3653, %add3A_3654 : i32
      %add3A_3656 = vector.broadcast %add3A_3655 : i32 to vector<16xi32>
      %add3A_3657 = arith.addi %mul3A_9, %add3A_3656 : vector<16xi32>
      %gather3A_3658 = tpu.vector_load_idx %arg8[%add3A_3657] : memref<13312xi32, #tpu.memory_space<vmem>>[vector<16xi32>], vector<16xi32>,
      %sub3A_3659 = arith.constant 2500000 : i32
      %sub3A_3660 = vector.broadcast %sub3A_3659 : i32 to vector<16xi32>
      %sub3A_3661 = arith.subi %gather3A_3658, %sub3A_3660 : vector<16xi32>
      %swap3A_3662 = arith.constant 25 : i32
      %swap3A_3663 = arith.index_cast %swap3A_3662 : i32 to index
      %swap3A_3664 = arith.constant 32 : index
      %swap3A_3665 = tpu.vector_load %arg9[%swap3A_3663, %swap3A_3664] {strides = array<i32>} : memref<26x128xi32, #tpu.memory_space<vmem>>, vector<16xi32>,
      tpu.vector_store %arg9[%swap3A_3663, %swap3A_3664], %sub3A_3661 {strides = array<i32>} : memref<26x128xi32, #tpu.memory_space<vmem>>, vector<16xi32>,
      %mul3A_3666 = arith.constant 128 : i32
      %mul3A_3667 = arith.muli %scan3A_14, %mul3A_3666 : i32
      %add3A_3668 = arith.constant 48 : i32
      %add3A_3669 = arith.addi %mul3A_3667, %add3A_3668 : i32
      %mul3A_3670 = arith.constant 26 : i32
      %mul3A_3671 = arith.muli %add3A_3669, %mul3A_3670 : i32
      %add3A_3672 = arith.constant 25 : i32
      %add3A_3673 = arith.addi %mul3A_3671, %add3A_3672 : i32
      %add3A_3674 = vector.broadcast %add3A_3673 : i32 to vector<16xi32>
      %add3A_3675 = arith.addi %mul3A_9, %add3A_3674 : vector<16xi32>
      %gather3A_3676 = tpu.vector_load_idx %arg8[%add3A_3675] : memref<13312xi32, #tpu.memory_space<vmem>>[vector<16xi32>], vector<16xi32>,
      %sub3A_3677 = arith.constant 2500000 : i32
      %sub3A_3678 = vector.broadcast %sub3A_3677 : i32 to vector<16xi32>
      %sub3A_3679 = arith.subi %gather3A_3676, %sub3A_3678 : vector<16xi32>
      %swap3A_3680 = arith.constant 25 : i32
      %swap3A_3681 = arith.index_cast %swap3A_3680 : i32 to index
      %swap3A_3682 = arith.constant 48 : index
      %swap3A_3683 = tpu.vector_load %arg9[%swap3A_3681, %swap3A_3682] {strides = array<i32>} : memref<26x128xi32, #tpu.memory_space<vmem>>, vector<16xi32>,
      tpu.vector_store %arg9[%swap3A_3681, %swap3A_3682], %sub3A_3679 {strides = array<i32>} : memref<26x128xi32, #tpu.memory_space<vmem>>, vector<16xi32>,
      %mul3A_3684 = arith.constant 128 : i32
      %mul3A_3685 = arith.muli %scan3A_14, %mul3A_3684 : i32
      %add3A_3686 = arith.constant 64 : i32
      %add3A_3687 = arith.addi %mul3A_3685, %add3A_3686 : i32
      %mul3A_3688 = arith.constant 26 : i32
      %mul3A_3689 = arith.muli %add3A_3687, %mul3A_3688 : i32
      %add3A_3690 = arith.constant 25 : i32
      %add3A_3691 = arith.addi %mul3A_3689, %add3A_3690 : i32
      %add3A_3692 = vector.broadcast %add3A_3691 : i32 to vector<16xi32>
      %add3A_3693 = arith.addi %mul3A_9, %add3A_3692 : vector<16xi32>
      %gather3A_3694 = tpu.vector_load_idx %arg8[%add3A_3693] : memref<13312xi32, #tpu.memory_space<vmem>>[vector<16xi32>], vector<16xi32>,
      %sub3A_3695 = arith.constant 2500000 : i32
      %sub3A_3696 = vector.broadcast %sub3A_3695 : i32 to vector<16xi32>
      %sub3A_3697 = arith.subi %gather3A_3694, %sub3A_3696 : vector<16xi32>
      %swap3A_3698 = arith.constant 25 : i32
      %swap3A_3699 = arith.index_cast %swap3A_3698 : i32 to index
      %swap3A_3700 = arith.constant 64 : index
      %swap3A_3701 = tpu.vector_load %arg9[%swap3A_3699, %swap3A_3700] {strides = array<i32>} : memref<26x128xi32, #tpu.memory_space<vmem>>, vector<16xi32>,
      tpu.vector_store %arg9[%swap3A_3699, %swap3A_3700], %sub3A_3697 {strides = array<i32>} : memref<26x128xi32, #tpu.memory_space<vmem>>, vector<16xi32>,
      %mul3A_3702 = arith.constant 128 : i32
      %mul3A_3703 = arith.muli %scan3A_14, %mul3A_3702 : i32
      %add3A_3704 = arith.constant 80 : i32
      %add3A_3705 = arith.addi %mul3A_3703, %add3A_3704 : i32
      %mul3A_3706 = arith.constant 26 : i32
      %mul3A_3707 = arith.muli %add3A_3705, %mul3A_3706 : i32
      %add3A_3708 = arith.constant 25 : i32
      %add3A_3709 = arith.addi %mul3A_3707, %add3A_3708 : i32
      %add3A_3710 = vector.broadcast %add3A_3709 : i32 to vector<16xi32>
      %add3A_3711 = arith.addi %mul3A_9, %add3A_3710 : vector<16xi32>
      %gather3A_3712 = tpu.vector_load_idx %arg8[%add3A_3711] : memref<13312xi32, #tpu.memory_space<vmem>>[vector<16xi32>], vector<16xi32>,
      %sub3A_3713 = arith.constant 2500000 : i32
      %sub3A_3714 = vector.broadcast %sub3A_3713 : i32 to vector<16xi32>
      %sub3A_3715 = arith.subi %gather3A_3712, %sub3A_3714 : vector<16xi32>
      %swap3A_3716 = arith.constant 25 : i32
      %swap3A_3717 = arith.index_cast %swap3A_3716 : i32 to index
      %swap3A_3718 = arith.constant 80 : index
      %swap3A_3719 = tpu.vector_load %arg9[%swap3A_3717, %swap3A_3718] {strides = array<i32>} : memref<26x128xi32, #tpu.memory_space<vmem>>, vector<16xi32>,
      tpu.vector_store %arg9[%swap3A_3717, %swap3A_3718], %sub3A_3715 {strides = array<i32>} : memref<26x128xi32, #tpu.memory_space<vmem>>, vector<16xi32>,
      %mul3A_3720 = arith.constant 128 : i32
      %mul3A_3721 = arith.muli %scan3A_14, %mul3A_3720 : i32
      %add3A_3722 = arith.constant 96 : i32
      %add3A_3723 = arith.addi %mul3A_3721, %add3A_3722 : i32
      %mul3A_3724 = arith.constant 26 : i32
      %mul3A_3725 = arith.muli %add3A_3723, %mul3A_3724 : i32
      %add3A_3726 = arith.constant 25 : i32
      %add3A_3727 = arith.addi %mul3A_3725, %add3A_3726 : i32
      %add3A_3728 = vector.broadcast %add3A_3727 : i32 to vector<16xi32>
      %add3A_3729 = arith.addi %mul3A_9, %add3A_3728 : vector<16xi32>
      %gather3A_3730 = tpu.vector_load_idx %arg8[%add3A_3729] : memref<13312xi32, #tpu.memory_space<vmem>>[vector<16xi32>], vector<16xi32>,
      %sub3A_3731 = arith.constant 2500000 : i32
      %sub3A_3732 = vector.broadcast %sub3A_3731 : i32 to vector<16xi32>
      %sub3A_3733 = arith.subi %gather3A_3730, %sub3A_3732 : vector<16xi32>
      %swap3A_3734 = arith.constant 25 : i32
      %swap3A_3735 = arith.index_cast %swap3A_3734 : i32 to index
      %swap3A_3736 = arith.constant 96 : index
      %swap3A_3737 = tpu.vector_load %arg9[%swap3A_3735, %swap3A_3736] {strides = array<i32>} : memref<26x128xi32, #tpu.memory_space<vmem>>, vector<16xi32>,
      tpu.vector_store %arg9[%swap3A_3735, %swap3A_3736], %sub3A_3733 {strides = array<i32>} : memref<26x128xi32, #tpu.memory_space<vmem>>, vector<16xi32>,
      %mul3A_3738 = arith.constant 128 : i32
      %mul3A_3739 = arith.muli %scan3A_14, %mul3A_3738 : i32
      %add3A_3740 = arith.constant 112 : i32
      %add3A_3741 = arith.addi %mul3A_3739, %add3A_3740 : i32
      %mul3A_3742 = arith.constant 26 : i32
      %mul3A_3743 = arith.muli %add3A_3741, %mul3A_3742 : i32
      %add3A_3744 = arith.constant 25 : i32
      %add3A_3745 = arith.addi %mul3A_3743, %add3A_3744 : i32
      %add3A_3746 = vector.broadcast %add3A_3745 : i32 to vector<16xi32>
      %add3A_3747 = arith.addi %mul3A_9, %add3A_3746 : vector<16xi32>
      %gather3A_3748 = tpu.vector_load_idx %arg8[%add3A_3747] : memref<13312xi32, #tpu.memory_space<vmem>>[vector<16xi32>], vector<16xi32>,
      %sub3A_3749 = arith.constant 2500000 : i32
      %sub3A_3750 = vector.broadcast %sub3A_3749 : i32 to vector<16xi32>
      %sub3A_3751 = arith.subi %gather3A_3748, %sub3A_3750 : vector<16xi32>
      %swap3A_3752 = arith.constant 25 : i32
      %swap3A_3753 = arith.index_cast %swap3A_3752 : i32 to index
      %swap3A_3754 = arith.constant 112 : index
      %swap3A_3755 = tpu.vector_load %arg9[%swap3A_3753, %swap3A_3754] {strides = array<i32>} : memref<26x128xi32, #tpu.memory_space<vmem>>, vector<16xi32>,
      tpu.vector_store %arg9[%swap3A_3753, %swap3A_3754], %sub3A_3751 {strides = array<i32>} : memref<26x128xi32, #tpu.memory_space<vmem>>, vector<16xi32>,
      %scan3A_3756 = arith.constant 0 : i32
      %scan3A_3757 = arith.constant 416 : i32
      %scan3A_3758 = arith.addi %scan3A_3756, %scan3A_3757 : i32
      %scan3A_3759 = arith.constant 1 : i32
      scf.for %scan3A_3783 = %scan3A_3756 to %scan3A_3758 step %scan3A_3759  : i32 {
        %jit3A = arith.constant 16 : i32
        %div3A = arith.divsi %scan3A_3783, %jit3A : i32
        %sign3A = arith.constant 0 : i32
        %sign3A_3784 = arith.cmpi sgt, %scan3A_3783, %sign3A : i32
        %sign3A_3785 = arith.extui %sign3A_3784 : i1 to i32
        %sign3A_3786 = arith.constant 0 : i32
        %sign3A_3787 = arith.cmpi slt, %scan3A_3783, %sign3A_3786 : i32
        %sign3A_3788 = arith.extui %sign3A_3787 : i1 to i32
        %sign3A_3789 = arith.subi %sign3A_3785, %sign3A_3788 : i32
        %sign3A_3790 = arith.constant 0 : i32
        %sign3A_3791 = arith.cmpi sgt, %jit3A, %sign3A_3790 : i32
        %sign3A_3792 = arith.extui %sign3A_3791 : i1 to i32
        %sign3A_3793 = arith.constant 0 : i32
        %sign3A_3794 = arith.cmpi slt, %jit3A, %sign3A_3793 : i32
        %sign3A_3795 = arith.extui %sign3A_3794 : i1 to i32
        %sign3A_3796 = arith.subi %sign3A_3792, %sign3A_3795 : i32
        %ne3A = arith.cmpi ne, %sign3A_3789, %sign3A_3796 : i32
        %rem3A = arith.remsi %scan3A_3783, %jit3A : i32
        %ne3A_3797 = arith.constant 0 : i32
        %ne3A_3798 = arith.cmpi ne, %rem3A, %ne3A_3797 : i32
        %and3A = arith.andi %ne3A, %ne3A_3798 : i1
        %sub3A_3799 = arith.constant 1 : i32
        %sub3A_3800 = arith.subi %div3A, %sub3A_3799 : i32
        %select_n3A = arith.select %and3A, %sub3A_3800, %div3A : i32
        %mul3A_3801 = arith.constant 128 : i32
        %mul3A_3802 = arith.muli %scan3A_3783, %mul3A_3801 : i32
        %dma_start3A = tpu.memref_slice %arg10[%mul3A_3802] : memref<53248xf32, #tpu.memory_space<vmem>> -> memref<128xf32, #tpu.memory_space<vmem>>
        %dma_start3A_3803 = arith.constant 0 : i32
        %dma_start3A_3804 = tpu.memref_slice %arg9[%select_n3A, %dma_start3A_3803] : memref<26x128xi32, #tpu.memory_space<vmem>> -> memref<1x128xi32, #tpu.memory_space<vmem>>
        %dma_start3A_3805 = tpu.memref_squeeze %dma_start3A_3804 : memref<1x128xi32, #tpu.memory_space<vmem>> -> memref<128xi32, #tpu.memory_space<vmem>>
        %dma_start3A_3806 = arith.constant 0 : i32
        %dma_start3A_3807 = tpu.memref_slice %arg2[%scan3A_3783, %dma_start3A_3806] : memref<416x100000xf32, #tpu.memory_space<hbm>> -> memref<1x100000xf32, #tpu.memory_space<hbm>>
        %dma_start3A_3808 = tpu.memref_squeeze %dma_start3A_3807 : memref<1x100000xf32, #tpu.memory_space<hbm>> -> memref<100000xf32, #tpu.memory_space<hbm>>
        %dma_start3A_3809 = arith.constant 0 : i32
        %dma_start3A_3810 = tpu.memref_slice %dma_start3A_3808[%dma_start3A_3809] : memref<100000xf32, #tpu.memory_space<hbm>> -> memref<100000xf32, #tpu.memory_space<hbm>>
        tpu.enqueue_indirect_dma source(%dma_start3A_3810 : memref<100000xf32, #tpu.memory_space<hbm>>) target(%dma_start3A : memref<128xf32, #tpu.memory_space<vmem>>) offsets(%dma_start3A_3805 : memref<128xi32, #tpu.memory_space<vmem>>) semaphore(%arg14 : memref<!tpu.dma_semaphore, #tpu.memory_space<semaphore_mem>>)
      }
      %scan3A_3760 = arith.constant 416 : i32
      %scan3A_3761 = arith.constant 0 : i32
      %scan3A_3762 = arith.constant 26 : i32
      %scan3A_3763 = arith.addi %scan3A_3761, %scan3A_3762 : i32
      %scan3A_3764 = arith.constant 1 : i32
      scf.for %scan3A_3783 = %scan3A_3761 to %scan3A_3763 step %scan3A_3764  : i32 {
        %mul3A_3784 = arith.constant 26 : i32
        %mul3A_3785 = arith.muli %scan3A_14, %mul3A_3784 : i32
        %add3A_3786 = arith.addi %mul3A_3785, %scan3A_3783 : i32
        %mul3A_3787 = arith.constant 128 : i32
        %mul3A_3788 = arith.muli %add3A_3786, %mul3A_3787 : i32
        %mul3A_3789 = arith.constant 128 : i32
        %mul3A_3790 = arith.muli %scan3A_3783, %mul3A_3789 : i32
        %dma_start3A = tpu.memref_slice %arg11[%mul3A_3790] : memref<3328xf32, #tpu.memory_space<vmem>> -> memref<128xf32, #tpu.memory_space<vmem>>
        %dma_start3A_3791 = tpu.memref_slice %arg8[%mul3A_3788] : memref<13312xi32, #tpu.memory_space<vmem>> -> memref<128xi32, #tpu.memory_space<vmem>>
        %dma_start3A_3792 = arith.constant 0 : i32
        %dma_start3A_3793 = tpu.memref_slice %arg3[%dma_start3A_3792] : memref<2600000xf32, #tpu.memory_space<hbm>> -> memref<2600000xf32, #tpu.memory_space<hbm>>
        tpu.enqueue_indirect_dma source(%dma_start3A_3793 : memref<2600000xf32, #tpu.memory_space<hbm>>) target(%dma_start3A : memref<128xf32, #tpu.memory_space<vmem>>) offsets(%dma_start3A_3791 : memref<128xi32, #tpu.memory_space<vmem>>) semaphore(%arg14 : memref<!tpu.dma_semaphore, #tpu.memory_space<semaphore_mem>>)
      }
      %scan3A_3765 = arith.constant 26 : i32
      %scan3A_3766 = arith.constant 0 : i32
      %scan3A_3767 = arith.constant 442 : i32
      %scan3A_3768 = arith.addi %scan3A_3766, %scan3A_3767 : i32
      %scan3A_3769 = arith.constant 1 : i32
      scf.for %scan3A_3783 = %scan3A_3766 to %scan3A_3768 step %scan3A_3769  : i32 {
        %dma_wait3A = arith.constant 0 : i32
        %dma_wait3A_3784 = tpu.memref_slice %arg11[%dma_wait3A] : memref<3328xf32, #tpu.memory_space<vmem>> -> memref<128xf32, #tpu.memory_space<vmem>>
        %dma_wait3A_3785 = arith.constant 0 : i32
        %dma_wait3A_3786 = tpu.memref_slice %arg3[%dma_wait3A_3785] : memref<2600000xf32, #tpu.memory_space<hbm>> -> memref<128xf32, #tpu.memory_space<hbm>>
        %dma_wait3A_3787 = arith.constant 0 : i32
        %dma_wait3A_3788 = tpu.memref_slice %arg11[%dma_wait3A_3787] : memref<3328xf32, #tpu.memory_space<vmem>> -> memref<128xf32, #tpu.memory_space<vmem>>
        %dma_wait3A_3789 = arith.constant 0 : i32
        %dma_wait3A_3790 = tpu.memref_slice %arg3[%dma_wait3A_3789] : memref<2600000xf32, #tpu.memory_space<hbm>> -> memref<128xf32, #tpu.memory_space<hbm>>
        tpu.wait_dma2 semaphore(%arg14 : memref<!tpu.dma_semaphore, #tpu.memory_space<semaphore_mem>>) src(%dma_wait3A_3790 : memref<128xf32, #tpu.memory_space<hbm>>) dst(%dma_wait3A_3788 : memref<128xf32, #tpu.memory_space<vmem>>)
      }
      %scan3A_3770 = arith.constant 442 : i32
      %mul3A_3771 = arith.constant 512 : i32
      %mul3A_3772 = arith.muli %add3A, %mul3A_3771 : i32
      %mul3A_3773 = arith.constant 26 : i32
      %mul3A_3774 = arith.muli %mul3A_3772, %mul3A_3773 : i32
      %mul3A_3775 = arith.constant 3328 : i32
      %mul3A_3776 = arith.muli %scan3A_14, %mul3A_3775 : i32
      %add3A_3777 = arith.addi %mul3A_3774, %mul3A_3776 : i32
      "tpu.region"() ({
        %run_scoped3A = tpu.sem_alloc : memref<!tpu.dma_semaphore, #tpu.memory_space<semaphore_mem>>
        %dma_start3A = tpu.memref_slice %arg7[%add3A_3777] : memref<425984xf32, #tpu.memory_space<hbm>> -> memref<3328xf32, #tpu.memory_space<hbm>>
        %dma_start3A_3783 = tpu.memref_slice %arg7[%add3A_3777] : memref<425984xf32, #tpu.memory_space<hbm>> -> memref<3328xf32, #tpu.memory_space<hbm>>
        tpu.enqueue_dma source(%arg11 : memref<3328xf32, #tpu.memory_space<vmem>>) target(%dma_start3A_3783 : memref<3328xf32, #tpu.memory_space<hbm>>) target_semaphore(%run_scoped3A : memref<!tpu.dma_semaphore, #tpu.memory_space<semaphore_mem>>)
        %dma_wait3A = tpu.memref_slice %arg7[%add3A_3777] : memref<425984xf32, #tpu.memory_space<hbm>> -> memref<3328xf32, #tpu.memory_space<hbm>>
        %dma_wait3A_3784 = tpu.memref_slice %arg7[%add3A_3777] : memref<425984xf32, #tpu.memory_space<hbm>> -> memref<3328xf32, #tpu.memory_space<hbm>>
        tpu.wait_dma2 semaphore(%run_scoped3A : memref<!tpu.dma_semaphore, #tpu.memory_space<semaphore_mem>>) src(%arg11 : memref<3328xf32, #tpu.memory_space<vmem>>) dst(%dma_wait3A_3784 : memref<3328xf32, #tpu.memory_space<hbm>>)
        tpu.yield
      }) : () -> ()
      %scan3A_3778 = arith.constant 0 : i32
      %scan3A_3779 = arith.constant 128 : i32
      %scan3A_3780 = arith.addi %scan3A_3778, %scan3A_3779 : i32
      %scan3A_3781 = arith.constant 1 : i32
      scf.for %scan3A_3783 = %scan3A_3778 to %scan3A_3780 step %scan3A_3781  : i32 {
        %add3A_3784 = vector.broadcast %scan3A_3783 : i32 to vector<16xi32>
        %add3A_3785 = arith.addi %mul3A_5, %add3A_3784 : vector<16xi32>
        %gather3A_3786 = tpu.vector_load_idx %arg10[%add3A_3785] : memref<53248xf32, #tpu.memory_space<vmem>>[vector<16xi32>], vector<16xf32>,
        %mul3A_3787 = arith.mulf %gather3A_3786, %gather3A_3786 : vector<16xf32>
        %add3A_3788 = arith.constant 2048 : i32
        %add3A_3789 = vector.broadcast %add3A_3788 : i32 to vector<16xi32>
        %add3A_3790 = arith.addi %add3A_3785, %add3A_3789 : vector<16xi32>
        %gather3A_3791 = tpu.vector_load_idx %arg10[%add3A_3790] : memref<53248xf32, #tpu.memory_space<vmem>>[vector<16xi32>], vector<16xf32>,
        %add3A_3792 = arith.addf %gather3A_3786, %gather3A_3791 : vector<16xf32>
        %mul3A_3793 = arith.mulf %gather3A_3791, %gather3A_3791 : vector<16xf32>
        %add3A_3794 = arith.addf %mul3A_3787, %mul3A_3793 : vector<16xf32>
        %add3A_3795 = arith.constant 4096 : i32
        %add3A_3796 = vector.broadcast %add3A_3795 : i32 to vector<16xi32>
        %add3A_3797 = arith.addi %add3A_3785, %add3A_3796 : vector<16xi32>
        %gather3A_3798 = tpu.vector_load_idx %arg10[%add3A_3797] : memref<53248xf32, #tpu.memory_space<vmem>>[vector<16xi32>], vector<16xf32>,
        %add3A_3799 = arith.addf %add3A_3792, %gather3A_3798 : vector<16xf32>
        %mul3A_3800 = arith.mulf %gather3A_3798, %gather3A_3798 : vector<16xf32>
        %add3A_3801 = arith.addf %add3A_3794, %mul3A_3800 : vector<16xf32>
        %add3A_3802 = arith.constant 6144 : i32
        %add3A_3803 = vector.broadcast %add3A_3802 : i32 to vector<16xi32>
        %add3A_3804 = arith.addi %add3A_3785, %add3A_3803 : vector<16xi32>
        %gather3A_3805 = tpu.vector_load_idx %arg10[%add3A_3804] : memref<53248xf32, #tpu.memory_space<vmem>>[vector<16xi32>], vector<16xf32>,
        %add3A_3806 = arith.addf %add3A_3799, %gather3A_3805 : vector<16xf32>
        %mul3A_3807 = arith.mulf %gather3A_3805, %gather3A_3805 : vector<16xf32>
        %add3A_3808 = arith.addf %add3A_3801, %mul3A_3807 : vector<16xf32>
        %add3A_3809 = arith.constant 8192 : i32
        %add3A_3810 = vector.broadcast %add3A_3809 : i32 to vector<16xi32>
        %add3A_3811 = arith.addi %add3A_3785, %add3A_3810 : vector<16xi32>
        %gather3A_3812 = tpu.vector_load_idx %arg10[%add3A_3811] : memref<53248xf32, #tpu.memory_space<vmem>>[vector<16xi32>], vector<16xf32>,
        %add3A_3813 = arith.addf %add3A_3806, %gather3A_3812 : vector<16xf32>
        %mul3A_3814 = arith.mulf %gather3A_3812, %gather3A_3812 : vector<16xf32>
        %add3A_3815 = arith.addf %add3A_3808, %mul3A_3814 : vector<16xf32>
        %add3A_3816 = arith.constant 10240 : i32
        %add3A_3817 = vector.broadcast %add3A_3816 : i32 to vector<16xi32>
        %add3A_3818 = arith.addi %add3A_3785, %add3A_3817 : vector<16xi32>
        %gather3A_3819 = tpu.vector_load_idx %arg10[%add3A_3818] : memref<53248xf32, #tpu.memory_space<vmem>>[vector<16xi32>], vector<16xf32>,
        %add3A_3820 = arith.addf %add3A_3813, %gather3A_3819 : vector<16xf32>
        %mul3A_3821 = arith.mulf %gather3A_3819, %gather3A_3819 : vector<16xf32>
        %add3A_3822 = arith.addf %add3A_3815, %mul3A_3821 : vector<16xf32>
        %add3A_3823 = arith.constant 12288 : i32
        %add3A_3824 = vector.broadcast %add3A_3823 : i32 to vector<16xi32>
        %add3A_3825 = arith.addi %add3A_3785, %add3A_3824 : vector<16xi32>
        %gather3A_3826 = tpu.vector_load_idx %arg10[%add3A_3825] : memref<53248xf32, #tpu.memory_space<vmem>>[vector<16xi32>], vector<16xf32>,
        %add3A_3827 = arith.addf %add3A_3820, %gather3A_3826 : vector<16xf32>
        %mul3A_3828 = arith.mulf %gather3A_3826, %gather3A_3826 : vector<16xf32>
        %add3A_3829 = arith.addf %add3A_3822, %mul3A_3828 : vector<16xf32>
        %add3A_3830 = arith.constant 14336 : i32
        %add3A_3831 = vector.broadcast %add3A_3830 : i32 to vector<16xi32>
        %add3A_3832 = arith.addi %add3A_3785, %add3A_3831 : vector<16xi32>
        %gather3A_3833 = tpu.vector_load_idx %arg10[%add3A_3832] : memref<53248xf32, #tpu.memory_space<vmem>>[vector<16xi32>], vector<16xf32>,
        %add3A_3834 = arith.addf %add3A_3827, %gather3A_3833 : vector<16xf32>
        %mul3A_3835 = arith.mulf %gather3A_3833, %gather3A_3833 : vector<16xf32>
        %add3A_3836 = arith.addf %add3A_3829, %mul3A_3835 : vector<16xf32>
        %add3A_3837 = arith.constant 16384 : i32
        %add3A_3838 = vector.broadcast %add3A_3837 : i32 to vector<16xi32>
        %add3A_3839 = arith.addi %add3A_3785, %add3A_3838 : vector<16xi32>
        %gather3A_3840 = tpu.vector_load_idx %arg10[%add3A_3839] : memref<53248xf32, #tpu.memory_space<vmem>>[vector<16xi32>], vector<16xf32>,
        %add3A_3841 = arith.addf %add3A_3834, %gather3A_3840 : vector<16xf32>
        %mul3A_3842 = arith.mulf %gather3A_3840, %gather3A_3840 : vector<16xf32>
        %add3A_3843 = arith.addf %add3A_3836, %mul3A_3842 : vector<16xf32>
        %add3A_3844 = arith.constant 18432 : i32
        %add3A_3845 = vector.broadcast %add3A_3844 : i32 to vector<16xi32>
        %add3A_3846 = arith.addi %add3A_3785, %add3A_3845 : vector<16xi32>
        %gather3A_3847 = tpu.vector_load_idx %arg10[%add3A_3846] : memref<53248xf32, #tpu.memory_space<vmem>>[vector<16xi32>], vector<16xf32>,
        %add3A_3848 = arith.addf %add3A_3841, %gather3A_3847 : vector<16xf32>
        %mul3A_3849 = arith.mulf %gather3A_3847, %gather3A_3847 : vector<16xf32>
        %add3A_3850 = arith.addf %add3A_3843, %mul3A_3849 : vector<16xf32>
        %add3A_3851 = arith.constant 20480 : i32
        %add3A_3852 = vector.broadcast %add3A_3851 : i32 to vector<16xi32>
        %add3A_3853 = arith.addi %add3A_3785, %add3A_3852 : vector<16xi32>
        %gather3A_3854 = tpu.vector_load_idx %arg10[%add3A_3853] : memref<53248xf32, #tpu.memory_space<vmem>>[vector<16xi32>], vector<16xf32>,
        %add3A_3855 = arith.addf %add3A_3848, %gather3A_3854 : vector<16xf32>
        %mul3A_3856 = arith.mulf %gather3A_3854, %gather3A_3854 : vector<16xf32>
        %add3A_3857 = arith.addf %add3A_3850, %mul3A_3856 : vector<16xf32>
        %add3A_3858 = arith.constant 22528 : i32
        %add3A_3859 = vector.broadcast %add3A_3858 : i32 to vector<16xi32>
        %add3A_3860 = arith.addi %add3A_3785, %add3A_3859 : vector<16xi32>
        %gather3A_3861 = tpu.vector_load_idx %arg10[%add3A_3860] : memref<53248xf32, #tpu.memory_space<vmem>>[vector<16xi32>], vector<16xf32>,
        %add3A_3862 = arith.addf %add3A_3855, %gather3A_3861 : vector<16xf32>
        %mul3A_3863 = arith.mulf %gather3A_3861, %gather3A_3861 : vector<16xf32>
        %add3A_3864 = arith.addf %add3A_3857, %mul3A_3863 : vector<16xf32>
        %add3A_3865 = arith.constant 24576 : i32
        %add3A_3866 = vector.broadcast %add3A_3865 : i32 to vector<16xi32>
        %add3A_3867 = arith.addi %add3A_3785, %add3A_3866 : vector<16xi32>
        %gather3A_3868 = tpu.vector_load_idx %arg10[%add3A_3867] : memref<53248xf32, #tpu.memory_space<vmem>>[vector<16xi32>], vector<16xf32>,
        %add3A_3869 = arith.addf %add3A_3862, %gather3A_3868 : vector<16xf32>
        %mul3A_3870 = arith.mulf %gather3A_3868, %gather3A_3868 : vector<16xf32>
        %add3A_3871 = arith.addf %add3A_3864, %mul3A_3870 : vector<16xf32>
        %add3A_3872 = arith.constant 26624 : i32
        %add3A_3873 = vector.broadcast %add3A_3872 : i32 to vector<16xi32>
        %add3A_3874 = arith.addi %add3A_3785, %add3A_3873 : vector<16xi32>
        %gather3A_3875 = tpu.vector_load_idx %arg10[%add3A_3874] : memref<53248xf32, #tpu.memory_space<vmem>>[vector<16xi32>], vector<16xf32>,
        %add3A_3876 = arith.addf %add3A_3869, %gather3A_3875 : vector<16xf32>
        %mul3A_3877 = arith.mulf %gather3A_3875, %gather3A_3875 : vector<16xf32>
        %add3A_3878 = arith.addf %add3A_3871, %mul3A_3877 : vector<16xf32>
        %add3A_3879 = arith.constant 28672 : i32
        %add3A_3880 = vector.broadcast %add3A_3879 : i32 to vector<16xi32>
        %add3A_3881 = arith.addi %add3A_3785, %add3A_3880 : vector<16xi32>
        %gather3A_3882 = tpu.vector_load_idx %arg10[%add3A_3881] : memref<53248xf32, #tpu.memory_space<vmem>>[vector<16xi32>], vector<16xf32>,
        %add3A_3883 = arith.addf %add3A_3876, %gather3A_3882 : vector<16xf32>
        %mul3A_3884 = arith.mulf %gather3A_3882, %gather3A_3882 : vector<16xf32>
        %add3A_3885 = arith.addf %add3A_3878, %mul3A_3884 : vector<16xf32>
        %add3A_3886 = arith.constant 30720 : i32
        %add3A_3887 = vector.broadcast %add3A_3886 : i32 to vector<16xi32>
        %add3A_3888 = arith.addi %add3A_3785, %add3A_3887 : vector<16xi32>
        %gather3A_3889 = tpu.vector_load_idx %arg10[%add3A_3888] : memref<53248xf32, #tpu.memory_space<vmem>>[vector<16xi32>], vector<16xf32>,
        %add3A_3890 = arith.addf %add3A_3883, %gather3A_3889 : vector<16xf32>
        %mul3A_3891 = arith.mulf %gather3A_3889, %gather3A_3889 : vector<16xf32>
        %add3A_3892 = arith.addf %add3A_3885, %mul3A_3891 : vector<16xf32>
        %add3A_3893 = arith.constant 32768 : i32
        %add3A_3894 = vector.broadcast %add3A_3893 : i32 to vector<16xi32>
        %add3A_3895 = arith.addi %add3A_3785, %add3A_3894 : vector<16xi32>
        %gather3A_3896 = tpu.vector_load_idx %arg10[%add3A_3895] : memref<53248xf32, #tpu.memory_space<vmem>>[vector<16xi32>], vector<16xf32>,
        %add3A_3897 = arith.addf %add3A_3890, %gather3A_3896 : vector<16xf32>
        %mul3A_3898 = arith.mulf %gather3A_3896, %gather3A_3896 : vector<16xf32>
        %add3A_3899 = arith.addf %add3A_3892, %mul3A_3898 : vector<16xf32>
        %add3A_3900 = arith.constant 34816 : i32
        %add3A_3901 = vector.broadcast %add3A_3900 : i32 to vector<16xi32>
        %add3A_3902 = arith.addi %add3A_3785, %add3A_3901 : vector<16xi32>
        %gather3A_3903 = tpu.vector_load_idx %arg10[%add3A_3902] : memref<53248xf32, #tpu.memory_space<vmem>>[vector<16xi32>], vector<16xf32>,
        %add3A_3904 = arith.addf %add3A_3897, %gather3A_3903 : vector<16xf32>
        %mul3A_3905 = arith.mulf %gather3A_3903, %gather3A_3903 : vector<16xf32>
        %add3A_3906 = arith.addf %add3A_3899, %mul3A_3905 : vector<16xf32>
        %add3A_3907 = arith.constant 36864 : i32
        %add3A_3908 = vector.broadcast %add3A_3907 : i32 to vector<16xi32>
        %add3A_3909 = arith.addi %add3A_3785, %add3A_3908 : vector<16xi32>
        %gather3A_3910 = tpu.vector_load_idx %arg10[%add3A_3909] : memref<53248xf32, #tpu.memory_space<vmem>>[vector<16xi32>], vector<16xf32>,
        %add3A_3911 = arith.addf %add3A_3904, %gather3A_3910 : vector<16xf32>
        %mul3A_3912 = arith.mulf %gather3A_3910, %gather3A_3910 : vector<16xf32>
        %add3A_3913 = arith.addf %add3A_3906, %mul3A_3912 : vector<16xf32>
        %add3A_3914 = arith.constant 38912 : i32
        %add3A_3915 = vector.broadcast %add3A_3914 : i32 to vector<16xi32>
        %add3A_3916 = arith.addi %add3A_3785, %add3A_3915 : vector<16xi32>
        %gather3A_3917 = tpu.vector_load_idx %arg10[%add3A_3916] : memref<53248xf32, #tpu.memory_space<vmem>>[vector<16xi32>], vector<16xf32>,
        %add3A_3918 = arith.addf %add3A_3911, %gather3A_3917 : vector<16xf32>
        %mul3A_3919 = arith.mulf %gather3A_3917, %gather3A_3917 : vector<16xf32>
        %add3A_3920 = arith.addf %add3A_3913, %mul3A_3919 : vector<16xf32>
        %add3A_3921 = arith.constant 40960 : i32
        %add3A_3922 = vector.broadcast %add3A_3921 : i32 to vector<16xi32>
        %add3A_3923 = arith.addi %add3A_3785, %add3A_3922 : vector<16xi32>
        %gather3A_3924 = tpu.vector_load_idx %arg10[%add3A_3923] : memref<53248xf32, #tpu.memory_space<vmem>>[vector<16xi32>], vector<16xf32>,
        %add3A_3925 = arith.addf %add3A_3918, %gather3A_3924 : vector<16xf32>
        %mul3A_3926 = arith.mulf %gather3A_3924, %gather3A_3924 : vector<16xf32>
        %add3A_3927 = arith.addf %add3A_3920, %mul3A_3926 : vector<16xf32>
        %add3A_3928 = arith.constant 43008 : i32
        %add3A_3929 = vector.broadcast %add3A_3928 : i32 to vector<16xi32>
        %add3A_3930 = arith.addi %add3A_3785, %add3A_3929 : vector<16xi32>
        %gather3A_3931 = tpu.vector_load_idx %arg10[%add3A_3930] : memref<53248xf32, #tpu.memory_space<vmem>>[vector<16xi32>], vector<16xf32>,
        %add3A_3932 = arith.addf %add3A_3925, %gather3A_3931 : vector<16xf32>
        %mul3A_3933 = arith.mulf %gather3A_3931, %gather3A_3931 : vector<16xf32>
        %add3A_3934 = arith.addf %add3A_3927, %mul3A_3933 : vector<16xf32>
        %add3A_3935 = arith.constant 45056 : i32
        %add3A_3936 = vector.broadcast %add3A_3935 : i32 to vector<16xi32>
        %add3A_3937 = arith.addi %add3A_3785, %add3A_3936 : vector<16xi32>
        %gather3A_3938 = tpu.vector_load_idx %arg10[%add3A_3937] : memref<53248xf32, #tpu.memory_space<vmem>>[vector<16xi32>], vector<16xf32>,
        %add3A_3939 = arith.addf %add3A_3932, %gather3A_3938 : vector<16xf32>
        %mul3A_3940 = arith.mulf %gather3A_3938, %gather3A_3938 : vector<16xf32>
        %add3A_3941 = arith.addf %add3A_3934, %mul3A_3940 : vector<16xf32>
        %add3A_3942 = arith.constant 47104 : i32
        %add3A_3943 = vector.broadcast %add3A_3942 : i32 to vector<16xi32>
        %add3A_3944 = arith.addi %add3A_3785, %add3A_3943 : vector<16xi32>
        %gather3A_3945 = tpu.vector_load_idx %arg10[%add3A_3944] : memref<53248xf32, #tpu.memory_space<vmem>>[vector<16xi32>], vector<16xf32>,
        %add3A_3946 = arith.addf %add3A_3939, %gather3A_3945 : vector<16xf32>
        %mul3A_3947 = arith.mulf %gather3A_3945, %gather3A_3945 : vector<16xf32>
        %add3A_3948 = arith.addf %add3A_3941, %mul3A_3947 : vector<16xf32>
        %add3A_3949 = arith.constant 49152 : i32
        %add3A_3950 = vector.broadcast %add3A_3949 : i32 to vector<16xi32>
        %add3A_3951 = arith.addi %add3A_3785, %add3A_3950 : vector<16xi32>
        %gather3A_3952 = tpu.vector_load_idx %arg10[%add3A_3951] : memref<53248xf32, #tpu.memory_space<vmem>>[vector<16xi32>], vector<16xf32>,
        %add3A_3953 = arith.addf %add3A_3946, %gather3A_3952 : vector<16xf32>
        %mul3A_3954 = arith.mulf %gather3A_3952, %gather3A_3952 : vector<16xf32>
        %add3A_3955 = arith.addf %add3A_3948, %mul3A_3954 : vector<16xf32>
        %add3A_3956 = arith.constant 51200 : i32
        %add3A_3957 = vector.broadcast %add3A_3956 : i32 to vector<16xi32>
        %add3A_3958 = arith.addi %add3A_3785, %add3A_3957 : vector<16xi32>
        %gather3A_3959 = tpu.vector_load_idx %arg10[%add3A_3958] : memref<53248xf32, #tpu.memory_space<vmem>>[vector<16xi32>], vector<16xf32>,
        %add3A_3960 = arith.addf %add3A_3953, %gather3A_3959 : vector<16xf32>
        %mul3A_3961 = arith.mulf %gather3A_3959, %gather3A_3959 : vector<16xf32>
        %add3A_3962 = arith.addf %add3A_3955, %mul3A_3961 : vector<16xf32>
        %mul3A_3963 = arith.constant 128 : i32
        %mul3A_3964 = arith.muli %scan3A_14, %mul3A_3963 : i32
        %add3A_3965 = arith.addi %mul3A_3964, %scan3A_3783 : i32
        %swap3A_3966 = arith.index_cast %add3A_3965 : i32 to index
        %swap3A_3967 = arith.constant 0 : index
        %swap3A_3968 = tpu.vector_load %arg12[%swap3A_3966, %swap3A_3967] {strides = array<i32>} : memref<512x16xf32, #tpu.memory_space<vmem>>, vector<16xf32>,
        tpu.vector_store %arg12[%swap3A_3966, %swap3A_3967], %add3A_3960 {strides = array<i32>} : memref<512x16xf32, #tpu.memory_space<vmem>>, vector<16xf32>,
        %mul3A_3969 = arith.constant 128 : i32
        %mul3A_3970 = arith.muli %scan3A_14, %mul3A_3969 : i32
        %add3A_3971 = arith.addi %mul3A_3970, %scan3A_3783 : i32
        %swap3A_3972 = arith.index_cast %add3A_3971 : i32 to index
        %swap3A_3973 = arith.constant 0 : index
        %swap3A_3974 = tpu.vector_load %arg13[%swap3A_3972, %swap3A_3973] {strides = array<i32>} : memref<512x16xf32, #tpu.memory_space<vmem>>, vector<16xf32>,
        tpu.vector_store %arg13[%swap3A_3972, %swap3A_3973], %add3A_3962 {strides = array<i32>} : memref<512x16xf32, #tpu.memory_space<vmem>>, vector<16xf32>,
      }
      %scan3A_3782 = arith.constant 128 : i32
    }
    %scan3A_13 = arith.constant 4 : i32
    "tpu.region"() ({
      %run_scoped3A = tpu.sem_alloc : memref<!tpu.dma_semaphore, #tpu.memory_space<semaphore_mem>>
      %dma_start3A = arith.constant 0 : i32
      %dma_start3A_14 = tpu.memref_slice %arg5[%mul3A_2, %dma_start3A] : memref<16384x16xf32, #tpu.memory_space<hbm>> -> memref<512x16xf32, #tpu.memory_space<hbm>>
      %dma_start3A_15 = arith.constant 0 : i32
      %dma_start3A_16 = tpu.memref_slice %arg5[%mul3A_2, %dma_start3A_15] : memref<16384x16xf32, #tpu.memory_space<hbm>> -> memref<512x16xf32, #tpu.memory_space<hbm>>
      tpu.enqueue_dma source(%arg12 : memref<512x16xf32, #tpu.memory_space<vmem>>) target(%dma_start3A_16 : memref<512x16xf32, #tpu.memory_space<hbm>>) target_semaphore(%run_scoped3A : memref<!tpu.dma_semaphore, #tpu.memory_space<semaphore_mem>>)
      %dma_wait3A = arith.constant 0 : i32
      %dma_wait3A_17 = tpu.memref_slice %arg5[%mul3A_2, %dma_wait3A] : memref<16384x16xf32, #tpu.memory_space<hbm>> -> memref<512x16xf32, #tpu.memory_space<hbm>>
      %dma_wait3A_18 = arith.constant 0 : i32
      %dma_wait3A_19 = tpu.memref_slice %arg5[%mul3A_2, %dma_wait3A_18] : memref<16384x16xf32, #tpu.memory_space<hbm>> -> memref<512x16xf32, #tpu.memory_space<hbm>>
      tpu.wait_dma2 semaphore(%run_scoped3A : memref<!tpu.dma_semaphore, #tpu.memory_space<semaphore_mem>>) src(%arg12 : memref<512x16xf32, #tpu.memory_space<vmem>>) dst(%dma_wait3A_19 : memref<512x16xf32, #tpu.memory_space<hbm>>)
      tpu.yield
    }) : () -> ()
    "tpu.region"() ({
      %run_scoped3A = tpu.sem_alloc : memref<!tpu.dma_semaphore, #tpu.memory_space<semaphore_mem>>
      %dma_start3A = arith.constant 0 : i32
      %dma_start3A_14 = tpu.memref_slice %arg6[%mul3A_2, %dma_start3A] : memref<16384x16xf32, #tpu.memory_space<hbm>> -> memref<512x16xf32, #tpu.memory_space<hbm>>
      %dma_start3A_15 = arith.constant 0 : i32
      %dma_start3A_16 = tpu.memref_slice %arg6[%mul3A_2, %dma_start3A_15] : memref<16384x16xf32, #tpu.memory_space<hbm>> -> memref<512x16xf32, #tpu.memory_space<hbm>>
      tpu.enqueue_dma source(%arg13 : memref<512x16xf32, #tpu.memory_space<vmem>>) target(%dma_start3A_16 : memref<512x16xf32, #tpu.memory_space<hbm>>) target_semaphore(%run_scoped3A : memref<!tpu.dma_semaphore, #tpu.memory_space<semaphore_mem>>)
      %dma_wait3A = arith.constant 0 : i32
      %dma_wait3A_17 = tpu.memref_slice %arg6[%mul3A_2, %dma_wait3A] : memref<16384x16xf32, #tpu.memory_space<hbm>> -> memref<512x16xf32, #tpu.memory_space<hbm>>
      %dma_wait3A_18 = arith.constant 0 : i32
      %dma_wait3A_19 = tpu.memref_slice %arg6[%mul3A_2, %dma_wait3A_18] : memref<16384x16xf32, #tpu.memory_space<hbm>> -> memref<512x16xf32, #tpu.memory_space<hbm>>
      tpu.wait_dma2 semaphore(%run_scoped3A : memref<!tpu.dma_semaphore, #tpu.memory_space<semaphore_mem>>) src(%arg13 : memref<512x16xf32, #tpu.memory_space<vmem>>) dst(%dma_wait3A_19 : memref<512x16xf32, #tpu.memory_space<hbm>>)
      tpu.yield
    }) : () -> ()
    return
  }
}

module attributes {stable_mosaic.version = 14 : i64} {
  func.func @_tc_body(%arg0: i32, %arg1: memref<2048x13xf32, #tpu.memory_space<vmem>>, %arg2: memref<2048x26xf32, #tpu.memory_space<vmem>>, %arg3: memref<2048x16xf32, #tpu.memory_space<vmem>>, %arg4: memref<2048x16xf32, #tpu.memory_space<vmem>>, %arg5: memref<13x16xf32, #tpu.memory_space<vmem>>, %arg6: memref<1x13xf32, #tpu.memory_space<vmem>>, %arg7: memref<1x1xf32, #tpu.memory_space<smem>>, %arg8: memref<2048x1xf32, #tpu.memory_space<vmem>>) attributes {dimension_semantics = [#tpu.dimension_semantics<arbitrary>], iteration_bounds = array<i64: 8>, scalar_prefetch = 0 : i64, scratch_operands = 0 : i64, tpu.core_type = #tpu.core_type<tc>, window_params = [{transform_indices = @transform_0, window_bounds = array<i64: 2048, 13>}, {transform_indices = @transform_1, window_bounds = array<i64: 2048, 26>}, {transform_indices = @transform_2, window_bounds = array<i64: 2048, 16>}, {transform_indices = @transform_3, window_bounds = array<i64: 2048, 16>}, {pipeline_mode = #tpu.pipeline_mode<synchronous>, transform_indices = @transform_4, window_bounds = array<i64: 13, 16>}, {pipeline_mode = #tpu.pipeline_mode<synchronous>, transform_indices = @transform_5, window_bounds = array<i64: 1, 13>}, {transform_indices = @transform_6, window_bounds = array<i64: 1, 1>}, {transform_indices = @transform_7, window_bounds = array<i64: 2048, 1>}]} {
    %get3A = arith.constant 0 : index
    %get3A_0 = arith.constant 0 : index
    %get3A_1 = vector.load %arg1[%get3A, %get3A_0] : memref<2048x13xf32, #tpu.memory_space<vmem>>, vector<2048x13xf32>
    %get3A_2 = arith.constant 0 : index
    %get3A_3 = arith.constant 0 : index
    %get3A_4 = vector.load %arg5[%get3A_2, %get3A_3] : memref<13x16xf32, #tpu.memory_space<vmem>>, vector<13x16xf32>
    %dot_general3A = arith.constant dense<0.000000e+00> : vector<2048x16xf32>
    %dot_general3A_5 = tpu.matmul %get3A_1, %get3A_4, %dot_general3A {dimension_numbers = #tpu.dot_dimension_numbers<[1], [0], [0], [1], [0, 0, 1, 1], [], []>, precision = #tpu.contract_precision<fp32>, transpose_lhs_hint = false} : vector<2048x13xf32>, vector<13x16xf32>, vector<2048x16xf32> -> vector<2048x16xf32>
    %mul3A = arith.mulf %get3A_1, %get3A_1 : vector<2048x13xf32>
    %mul3A_6 = arith.mulf %get3A_4, %get3A_4 : vector<13x16xf32>
    %dot_general3A_7 = arith.constant dense<0.000000e+00> : vector<2048x16xf32>
    %dot_general3A_8 = tpu.matmul %mul3A, %mul3A_6, %dot_general3A_7 {dimension_numbers = #tpu.dot_dimension_numbers<[1], [0], [0], [1], [0, 0, 1, 1], [], []>, precision = #tpu.contract_precision<fp32>, transpose_lhs_hint = false} : vector<2048x13xf32>, vector<13x16xf32>, vector<2048x16xf32> -> vector<2048x16xf32>
    %get3A_9 = arith.constant 0 : index
    %get3A_10 = arith.constant 0 : index
    %get3A_11 = vector.load %arg6[%get3A_9, %get3A_10] : memref<1x13xf32, #tpu.memory_space<vmem>>, vector<1x13xf32>
    %dot_general3A_12 = arith.constant dense<0.000000e+00> : vector<2048x1xf32>
    %dot_general3A_13 = tpu.matmul %get3A_1, %get3A_11, %dot_general3A_12 {dimension_numbers = #tpu.dot_dimension_numbers<[1], [1], [0], [0], [0, 0, 1, 0], [], []>, precision = #tpu.contract_precision<fp32>, transpose_lhs_hint = false} : vector<2048x13xf32>, vector<1x13xf32>, vector<2048x1xf32> -> vector<2048x1xf32>
    %get3A_14 = arith.constant 0 : index
    %get3A_15 = arith.constant 0 : index
    %get3A_16 = vector.load %arg3[%get3A_14, %get3A_15] : memref<2048x16xf32, #tpu.memory_space<vmem>>, vector<2048x16xf32>
    %add3A = arith.addf %get3A_16, %dot_general3A_5 : vector<2048x16xf32>
    %mul3A_17 = arith.mulf %add3A, %add3A : vector<2048x16xf32>
    %get3A_18 = arith.constant 0 : index
    %get3A_19 = arith.constant 0 : index
    %get3A_20 = vector.load %arg4[%get3A_18, %get3A_19] : memref<2048x16xf32, #tpu.memory_space<vmem>>, vector<2048x16xf32>
    %sub3A = arith.subf %mul3A_17, %get3A_20 : vector<2048x16xf32>
    %sub3A_21 = arith.subf %sub3A, %dot_general3A_8 : vector<2048x16xf32>
    %reduce_sum3A = arith.constant dense<0.000000e+00> : vector<2048xf32>
    %reduce_sum3A_22 = vector.multi_reduction <add>, %sub3A_21, %reduce_sum3A [1] : vector<2048x16xf32> to vector<2048xf32>
    %broadcast_in_dim3A = vector.shape_cast %reduce_sum3A_22 : vector<2048xf32> to vector<2048x1xf32>
    %mul3A_23 = arith.constant 5.000000e-01 : f32
    %mul3A_24 = vector.broadcast %mul3A_23 : f32 to vector<2048x1xf32>
    %mul3A_25 = arith.mulf %mul3A_24, %broadcast_in_dim3A : vector<2048x1xf32>
    %get3A_26 = arith.constant 0 : index
    %get3A_27 = arith.constant 0 : index
    %get3A_28 = vector.load %arg2[%get3A_26, %get3A_27] : memref<2048x26xf32, #tpu.memory_space<vmem>>, vector<2048x26xf32>
    %reduce_sum3A_29 = arith.constant dense<0.000000e+00> : vector<2048xf32>
    %reduce_sum3A_30 = vector.multi_reduction <add>, %get3A_28, %reduce_sum3A_29 [1] : vector<2048x26xf32> to vector<2048xf32>
    %broadcast_in_dim3A_31 = vector.shape_cast %reduce_sum3A_30 : vector<2048xf32> to vector<2048x1xf32>
    %add3A_32 = arith.addf %broadcast_in_dim3A_31, %dot_general3A_13 : vector<2048x1xf32>
    %get3A_33 = arith.constant 0 : index
    %get3A_34 = arith.constant 0 : index
    %get3A_35 = memref.load %arg7[%get3A_33, %get3A_34] : memref<1x1xf32, #tpu.memory_space<smem>>
    %add3A_36 = vector.broadcast %get3A_35 : f32 to vector<2048x1xf32>
    %add3A_37 = arith.addf %add3A_32, %add3A_36 : vector<2048x1xf32>
    %add3A_38 = arith.addf %add3A_37, %mul3A_25 : vector<2048x1xf32>
    %swap3A = arith.constant 0 : index
    %swap3A_39 = arith.constant 0 : index
    %swap3A_40 = vector.load %arg8[%swap3A, %swap3A_39] : memref<2048x1xf32, #tpu.memory_space<vmem>>, vector<2048x1xf32>
    tpu.vector_store %arg8[%swap3A, %swap3A_39], %add3A_38 {strides = array<i32>} : memref<2048x1xf32, #tpu.memory_space<vmem>>, vector<2048x1xf32>,
    return
  }
  func.func @transform_0(%arg0: i32) -> (i32, i32) {
    %c0_i32 = arith.constant 0 : i32
    %c0_i32_0 = arith.constant 0 : i32
    return %arg0, %c0_i32 : i32, i32
  }
  func.func @transform_1(%arg0: i32) -> (i32, i32) {
    %c0_i32 = arith.constant 0 : i32
    %c0_i32_0 = arith.constant 0 : i32
    return %arg0, %c0_i32 : i32, i32
  }
  func.func @transform_2(%arg0: i32) -> (i32, i32) {
    %c0_i32 = arith.constant 0 : i32
    %c0_i32_0 = arith.constant 0 : i32
    return %arg0, %c0_i32 : i32, i32
  }
  func.func @transform_3(%arg0: i32) -> (i32, i32) {
    %c0_i32 = arith.constant 0 : i32
    %c0_i32_0 = arith.constant 0 : i32
    return %arg0, %c0_i32 : i32, i32
  }
  func.func @transform_4(%arg0: i32) -> (i32, i32) {
    %c0_i32 = arith.constant 0 : i32
    %c0_i32_0 = arith.constant 0 : i32
    %c0_i32_1 = arith.constant 0 : i32
    return %c0_i32, %c0_i32_0 : i32, i32
  }
  func.func @transform_5(%arg0: i32) -> (i32, i32) {
    %c0_i32 = arith.constant 0 : i32
    %c0_i32_0 = arith.constant 0 : i32
    %c0_i32_1 = arith.constant 0 : i32
    return %c0_i32, %c0_i32_0 : i32, i32
  }
  func.func @transform_6(%arg0: i32) -> (i32, i32) {
    %c0_i32 = arith.constant 0 : i32
    %c0_i32_0 = arith.constant 0 : i32
    %c0_i32_1 = arith.constant 0 : i32
    return %c0_i32, %c0_i32_0 : i32, i32
  }
  func.func @transform_7(%arg0: i32) -> (i32, i32) {
    %c0_i32 = arith.constant 0 : i32
    %c0_i32_0 = arith.constant 0 : i32
    return %arg0, %c0_i32 : i32, i32
  }
}

</mosaic_0001>

<sc_bundles>
// kernel: kernel.4.cloned.1.call-start
scs
__scs_entry_jumppad:
0x0: {  	(pc) =	sbr.rel $0x88, $3  }
0x1: {  	(tag) =	ssettag $0x0;
	lr =	simm.s32 $0x1  }
0x2: {  	[smem:$0x3F99] =	sst lr;
	_ =	strace $0xD0000000  }
0x3: {  	_ = 	snop  }
0x4: {  	_ = 	snop  }
0x5: {  	_ = 	snop  }
0x6: {  	_ = 	snop  }
0x7: {  	_ = 	snop  }
__scs_overlays_trampoline_lowered:
0x8: {  	[smem:$0x3FA8] =	sst s0  }
0x9: {  	[smem:$0x3FA9] =	sst s1  }
0xa: {  	[smem:$0x3FAA] =	sst s2  }
0xb: {  	[smem:$0x3FAB] =	sst s3  }
0xc: {  	[smem:$0x3FAC] =	sst s4  }
0xd: {  	[smem:$0x3FAD] =	sst s5  }
0xe: {  	[smem:$0x3FAE] =	sst s6  }
0xf: {  	[smem:$0x3FAF] =	sst s7  }
0x10: {  	[smem:$0x3FB0] =	sst s8  }
0x11: {  	[smem:$0x3FB1] =	sst s9;
	s0 =	simm.s32 @!p0 $0x0  }
0x12: {  	s1 =	sld [smem:$0x3F97];
	s0 =	simm.s32 @p0 $0x1  }
0x13: {  	[smem:$0x3FB2] =	sst s0;
	s0 =	simm.s32 @!p1 $0x0  }
0x14: {  	s2 =	sld [smem:$0x3F96];
	s0 =	simm.s32 @p1 $0x1  }
0x15: {  	[smem:$0x3FB3] =	sst s0;
	s0 =	simm.s32 @!p2 $0x0  }
0x16: {  	s3 =	sld [smem:$0x3FDB];
	s0 =	simm.s32 @p2 $0x1  }
0x17: {  	s4 =	simm.s32 $0x1BF5;
	[smem:$0x3FB5] =	sst s0  }
0x18: {  	s0 =	sld [smem:$0x3F98];
	_ =	swait.ge [sflag:s4], $0x0  }
0x19: {  	s7 =	sld [smem:$0x3F99]  }
0x1a: {  	s8 =	sadd.s32 $0xFFFFE003, lr  }
0x1b: {  	s9 =	sadd.s32 $0xFFFFFEF7, lr;
	s5 =	simm.s32 $0xFFFFFFFF;
	p2 =	slt.u32 s8, $0xFFFFF086  }
0x1c: {  	p1 =	slt.u32 s9, $0xF7A;
	s5 =	simm.s32 @!p2 $0x0  }
0x1d: {  	s5 =	simm.s32 @p1 $0x1;
	p0 =	seq.s32 s7, s2  }
0x1e: {  	s7 =	smul.u32 @!p0 $0xF7A, s2;
	p2 =	seq.s32 @!p0 s5, $0x0  }
0x1f: {  	s9 =	smul.u32 $0xF7A, s1;
	s8 =	simm.s32 @!p0 $0x1BF5;
	p2 =	por !p2, p0  }
0x20: {  	[sflag:s8] =	ssyncset.s32 @!p0 $0xFFFFF086;
	s6 =	sadd.s32 @!p0 s3, s7;
	s7 =	simm.s32 @!p0 $0x108  }
0x21: {  	s3 =	sadd.s32 s3, s9;
	s6 =	sadd.s32 @!p0 $0x88, s6;
	s7 =	simm.s32 @p2 $0x1082  }
0x22: {  	[simem:s7], [sflag:s8] =	dma.local @!p0 [hbm:s6], $0xF7A  }
0x23: {  	s9 =	sor.u32 $0xD0000000, s2;
	s6 =	simm.s32 $0x108;
	_ =	swait.ge @!p0 [sflag:s8], $0x0  }
0x24: {  	s3 =	sadd.s32 $0x88, s3;
	s6 =	simm.s32 @!p1 $0x1082;
	[sflag:s4] =	ssyncset.s32 $0xFFFFF086  }
0x25: {  	[simem:s6], [sflag:s4] =	dma.local [hbm:s3], $0xF7A  }
0x26: {  	[smem:$0x3F99] =	sst s1;
	(tag) =	ssettag s2;
	_ =	strace s9  }
0x27: {  	s1 =	sld [smem:$0x3FA9]  }
0x28: {  	s2 =	sld [smem:$0x3FAA]  }
0x29: {  	s4 =	sld [smem:$0x3FAC]  }
0x2a: {  	p0 =	seq.s32 s5, $0x0;
	s5 =	sld [smem:$0x3FAD]  }
0x2b: {  	s6 =	sld [smem:$0x3FAE]  }
0x2c: {  	s7 =	sld [smem:$0x3FAF]  }
0x2d: {  	s3 =	simm.s32 $0x108;
	s8 =	sld [smem:$0x3FB0]  }
0x2e: {  	s3 =	simm.s32 @!p0 $0x1082;
	s9 =	sld [smem:$0x3FB1]  }
0x2f: {  	lr =	sadd.s32 s0, s3;
	s0 =	sld [smem:$0x3FA8]  }
0x30: {  	s3 =	sld [smem:$0x3FAB]  }
0x31: {  	[smem:$0x3FB4] =	sst s10  }
0x32: {  	s10 =	sld [smem:$0x3FB2];
	_ =	sdelay $0x3  }
0x33: {  	p0 =	seq.s32 s10, $0x1;
	s10 =	sld [smem:$0x3FB4];
	_ =	sdelay $0x3  }
0x34: {  	[smem:$0x3FB4] =	sst s10  }
0x35: {  	s10 =	sld [smem:$0x3FB3];
	_ =	sdelay $0x3  }
0x36: {  	p1 =	seq.s32 s10, $0x1;
	s10 =	sld [smem:$0x3FB4];
	_ =	sdelay $0x3  }
0x37: {  	[smem:$0x3FB4] =	sst s10  }
0x38: {  	s10 =	sld [smem:$0x3FB5]  }
0x39: {  	_ = 	snop;
	(pc) =	sbr.ind lr, $3  }
0x3a: {  	_ = 	snop  }
0x3b: {  	_ = 	snop  }
0x3c: {  	p2 =	seq.s32 s10, $0x1;
	s10 =	sld [smem:$0x3FB4]  }
0x3d: {  	_ =	shalt  }
0x3e: {  	_ =	shalt  }
0x3f: {  	_ =	shalt  }
0x40: {  	_ =	shalt  }
0x41: {  	_ =	shalt  }
0x42: {  	_ =	shalt  }
0x43: {  	_ =	shalt  }
0x44: {  	_ =	shalt  }
0x45: {  	_ =	shalt  }
0x46: {  	_ =	shalt  }
0x47: {  	_ =	shalt  }
0x48: {  	_ =	shalt  }
0x49: {  	_ =	shalt  }
0x4a: {  	_ =	shalt  }
0x4b: {  	_ =	shalt  }
0x4c: {  	_ =	shalt  }
0x4d: {  	_ =	shalt  }
0x4e: {  	_ =	shalt  }
0x4f: {  	_ =	shalt  }
0x50: {  	_ =	shalt  }
0x51: {  	_ =	shalt  }
0x52: {  	_ =	shalt  }
0x53: {  	_ =	shalt  }
0x54: {  	_ =	shalt  }
0x55: {  	_ =	shalt  }
0x56: {  	_ =	shalt  }
0x57: {  	_ =	shalt  }
0x58: {  	_ =	shalt  }
0x59: {  	_ =	shalt  }
0x5a: {  	_ =	shalt  }
0x5b: {  	_ =	shalt  }
0x5c: {  	_ =	shalt  }
0x5d: {  	_ =	shalt  }
0x5e: {  	_ =	shalt  }
0x5f: {  	_ =	shalt  }
0x60: {  	_ =	shalt  }
0x61: {  	_ =	shalt  }
0x62: {  	_ =	shalt  }
0x63: {  	_ =	shalt  }
0x64: {  	_ =	shalt  }
0x65: {  	_ =	shalt  }
0x66: {  	_ =	shalt  }
0x67: {  	_ =	shalt  }
0x68: {  	_ =	shalt  }
0x69: {  	_ =	shalt  }
0x6a: {  	_ =	shalt  }
0x6b: {  	_ =	shalt  }
0x6c: {  	_ =	shalt  }
0x6d: {  	_ =	shalt  }
0x6e: {  	_ =	shalt  }
0x6f: {  	_ =	shalt  }
0x70: {  	_ =	shalt  }
0x71: {  	_ =	shalt  }
0x72: {  	_ =	shalt  }
0x73: {  	_ =	shalt  }
0x74: {  	_ =	shalt  }
0x75: {  	_ =	shalt  }
0x76: {  	_ =	shalt  }
0x77: {  	_ =	shalt  }
0x78: {  	_ =	shalt  }
0x79: {  	_ =	shalt  }
0x7a: {  	_ =	shalt  }
0x7b: {  	_ =	shalt  }
0x7c: {  	_ =	shalt  }
0x7d: {  	_ =	shalt  }
0x7e: {  	_ =	shalt  }
0x7f: {  	_ =	shalt  }
0x80: {  	_ =	shalt  }
0x81: {  	_ =	shalt  }
0x82: {  	_ =	shalt  }
0x83: {  	_ =	shalt  }
0x84: {  	_ =	shalt  }
0x85: {  	_ =	shalt  }
0x86: {  	_ =	shalt  }
0x87: {  	_ =	shalt  }
.Lfunc_end0:
.L_simem_size_0:
called_computation_lowered:
.L_overlay_start_0:
0x88: {  	s2 =	sld [smem:$0x3FD9]  }
0x89: {  	s3 =	sld [smem:$0x3FFE];
	_ =	sdelay $0x1  }
0x8a: {  	s1 =	srdreg.scid  }
0x8b: {  	s0 =	sand.u32 $0x1, s1  }
0x8c: {  	s16 =	sshll.u32 s0, $0xA;
	s2 =	sadd.s32 s3, s2  }
0x8d: {  	s2 =	sadd.s32 s2, s16  }
0x8e: {  	[smem:$0x3FC0] =	sst s2  }
0x8f: {  	_ = 	snop  }
0x90: {  	(tm) =	ssettm $0x1  }
0x91: {  	s17 =	sld [smem:$0x3FFB];
	_ =	sdelay $0x3  }
0x92: {  	_ =	strace s17  }
0x93: {  	s2 =	sld [smem:$0x3FFC];
	_ =	sdelay $0x3  }
0x94: {  	_ =	strace s2  }
0x95: {  	s2 =	sld [smem:$0x3FFD];
	_ =	sdelay $0x3  }
0x96: {  	_ =	strace s2  }
0x97: {  	_ =	strace $0x8FFFFFFF  }
0x98: {  	s18 =	sld [smem:$0x3FDB];
	_ =	sdelay $0x1  }
0x99: {  	s19 =	simm.s32 $_scs_section_size  }
0x9a: {  	s4 =	simm.s32 $_size__tile_overlayer_lowered;
	s5 =	simm.s32 $_tile_overlayer_lowered  }
0x9b: {  	s22 =	simm.s32 $0x1BFF;
	s21 =	sshll.u32 s5, $0x1;
	s2 =	sadd.s32 s19, s18  }
0x9c: {  	s6 =	simm.s32 $0x0;
	s20 =	sshll.u32 s4, $0x1;
	s4 =	sadd.s32 s21, s2  }
0x9d: {  	[timem:s6], [sflag:s22] =	dma.local [hbm:s4], s20  }
0x9e: {  	_ =	swait.ge [sflag:s22], s20  }
0x9f: {  	s3 =	ssub.s32 $0x0, s20;
	[sflag:s22] =	ssyncset.done $0x0  }
0xa0: {  	[sflag:s22] =	ssyncadd.s32 s3;
	_ =	sdelay $0x1  }
0xa1: {  	s23 =	simm.s32 $0x1B8B  }
0xa2: {  	_ =	swait.ge [sflag:s23], $0x1  }
0xa3: {  	[sflag:s23] =	ssyncset.done $0x0  }
0xa4: {  	s25 =	simm.s32 $0x1B8E;
	s24 =	sld [smem:$0x3FFE];
	[sflag:s23] =	ssyncadd.s32 $0xFFFFFFFF  }
0xa5: {  	s26 =	simm.s32 $execute0_lowered;
	[smem:$0x3FD2] =	sst s25  }
0xa6: {  	s4 =	sshll.u32 s26, $0x1;
	_ =	strace $0x80000046;
	[dreg:$0x1] =	wrdreg $0xFFFFFFFF  }
0xa7: {  	s28 =	simm.s32 $_size_execute0_lowered;
	s2 =	sadd.s32 s2, s4;
	[dreg:$0x0] =	wrdreg $0x0  }
0xa8: {  	s4 =	sshll.u32 s28, $0x1;
	[dreg:$0x2] =	wrdreg s2  }
0xa9: {  	[dreg:$0x3] =	wrdreg s4  }
0xaa: {  	[dreg:$0x4] =	wrdreg $0xC0  }
0xab: {  	_ =	task [dreg:s6], $0x5FFFF  }
0xac: {  	[dreg:$0x1] =	wrdreg $0xFFFFFFFF  }
0xad: {  	[dreg:$0x0] =	wrdreg $0x60  }
0xae: {  	[dreg:$0x2] =	wrdreg s24  }
0xaf: {  	[dreg:$0x3] =	wrdreg $0x9  }
0xb0: {  	_ =	task.clear_ibuf [dreg:s6], $0x4FFFF;
	_ =	strace $0x90000046  }
0xb1: {  	s29 =	simm.s32 $0x9;
	_ =	strace $0x80000048  }
0xb2: {  	_ =	swait.ge [sflag:s29], $0x1  }
0xb3: {  	[sflag:s29] =	ssyncadd.s32 $0xFFFFFFFF  }
0xb4: {  	_ =	strace $0x90000048  }
0xb5: {  	_ =	sfence  }
0xb6: {  	s30 =	sld [smem:$0x0];
	_ =	sdelay $0x2  }
0xb7: {  	s31 =	sshll.u32 s1, $0xD;
	s1 =	sshrl.u32 s1, $0x2  }
0xb8: {  	s3 =	sand.u32 $0x4000, s31;
	s1 =	sadd.s32 s1, s30  }
0xb9: {  	s0 =	sor.u32 s3, s0;
	s1 =	sshll.u32 s1, $0x11  }
0xba: {  	s0 =	sor.u32 s1, s0  }
0xbb: {  	s0 =	sadd.s32 $0x8F2B, s0  }
0xbc: {  	[sflag:s0] =	ssyncadd.remote.s32 $0x1  }
0xbd: {  	_ =	sfence.sel $0xFFFF  }
0xbe: {  	[dreg:$0x0] =	wrdreg $0xFFFFFFFF;
	(pc) =	sbr.abs _section_cstart, $3  }
0xbf: {  	[dreg:$0x1] =	wrdreg $0xFFFFFFFF  }
0xc0: {  	_ =	task.clear_ibuf [dreg:s6], $0x2FFFF;
	_ =	strace $0x9FFFFFFF  }
0xc1: {  	(tm) =	ssettm $0x7FFFFFFF  }
tec
execute0_lowered:
.L_overlay_start_1:
0x0: {  	(tag) =	ssettag $0x1  }
0x1: {  	s0 =	rddreg [dreg:$0x0]  }
0x2: {  	s1 =	srdreg.scid;
	s2 =	stileid.u32  }
0x3: {  	s17 =	simm.s32 $0x0;
	s11 =	simm.s32 $0x2;
	s12 =	simm.s32 $0x80  }
0x4: {  	s13 =	simm.s32 $0x11100;
	s29 =	simm.s32 $0x11880;
	s30 =	simm.s32 $0x11900  }
0x5: {  	v1 =	vlaneseq.u32;
	s31 =	simm.s32 $0x11980;
	s9 =	simm.s32 $0x11C00;
	s10 =	simm.s32 $0x11C80  }
0x6: {  	s14 =	simm.s32 $0x11D80;
	s15 =	simm.s32 $0x1;
	s16 =	simm.s32 $0x4100;
	v0 =	vmul.u32 $0x80, v1  }
0x7: {  	s19 =	simm.s32 $0x0;
	s1 =	sand.u32 $0x1, s1;
	s2 =	sshll.u32 s2, $0x1;
	v2 =	vand.u32 $0x3, v1  }
0x8: {  	[smem:$0x7FF] =	sst s17;
	s4 =	sadd.s32 $0xC00, s0;
	s5 =	sadd.s32 $0x4F6600, s0;
	v1 =	vmul.u32 $0x1A, v1;
	v2 =	vmul.u32 $0x2, v2;
	v3 =	vor.u32 $0x800, v0  }
0x9: {  	s2 =	sor.u32 s1, s2;
	_ =	strace $0x80000047;
	s1 =	ssub.s32 $0x2, s1;
	v4 =	vor.u32 $0x1000, v0;
	v5 =	vor.u32 $0x1800, v0;
	v6 =	vor.u32 $0x2000, v0  }
0xa: {  	s3 =	smul.u32 $0x3400, s2;
	s2 =	sshll.u32 s2, $0xA;
	s8 =	sshrl.u32 s1, $0x1;
	v7 =	vor.u32 $0x2800, v0;
	v8 =	vor.u32 $0x3000, v0;
	v9 =	vor.u32 $0x3800, v0  }
0xb: {  	v10 =	vor.u32 $0x4000, v0;
	v11 =	vor.u32 $0x4800, v0;
	v12 =	vor.u32 $0x5000, v0;
	s2 =	sadd.s32 s2, s0;
	s24 =	ssub.s32 s1, s8;
	s1 =	simm.s32 $0x11A80  }
0xc: {  	v13 =	vor.u32 $0x5800, v0;
	v14 =	vor.u32 $0x6000, v0;
	v15 =	vor.u32 $0x6800, v0;
	s8 =	simm.s32 $0x11B80;
	s6 =	sshrl.u32 s3, $0x3;
	s26 =	sadd.s32 $0x552C00, s2  }
0xd: {  	v16 =	vor.u32 $0x7000, v0;
	v17 =	vor.u32 $0x7800, v0;
	v18 =	vor.u32 $0x8000, v0;
	s28 =	sadd.s32 $0x55AC00, s2;
	s7 =	sadd.s32 s6, s0;
	[dreg:$0x3] =	wrdreg s26  }
0xe: {  	v19 =	vor.u32 $0x8800, v0;
	v20 =	vor.u32 $0x9000, v0;
	v21 =	vor.u32 $0x9800, v0;
	s6 =	sadd.s32 $0x562C00, s0;
	[dreg:$0x4] =	wrdreg s28;
	s0 =	smax.u32 s24, $0x1  }
0xf: {  	v22 =	vor.u32 $0xA000, v0;
	v23 =	vor.u32 $0xA800, v0;
	v24 =	vor.u32 $0xB000, v0;
	s2 =	simm.s32 $0x11D00;
	s25 =	sadd.s32 $0x545C00, s7;
	[dreg:$0x5] =	wrdreg s0  }
0x10: {  	v25 =	vor.u32 $0xB800, v0;
	v26 =	vor.u32 $0xC000, v0;
	v27 =	vor.u32 $0xC800, v0;
	s0 =	simm.s32 $0x11A00;
	s7 =	simm.s32 $0x11B00;
	[dreg:$0x2] =	wrdreg s25  }
.LBB2_1:
0x11: {  	[dreg:$0x6] =	wrdreg s19  }
0x12: {  	s18 =	rddreg [dreg:$0x2]  }
0x13: {  	[tilespmem:s17], [sflag:$0x2] =	stream.linear.gather [hbm4b:s18+s17], $0x3400, $0x38;
	[tilespmem:$0x15E00] =	vst v63  }
0x14: {  	_ =	swait.ge [sflag:s11], $0x3400  }
0x15: {  	s23 =	simm.s32 $0x11E00;
	[sflag:s11] =	ssyncset.done $0x0  }
0x16: {  	s24 =	simm.s32 $0x13E00;
	s19 =	simm.s32 $0x0;
	[sflag:s11] =	ssyncadd.s32 $0xFFFFCC00  }
.LBB2_2:
0x17: {  	s20 =	smul.u32 $0xD00, s19;
	_ =	sdelay $0x1  }
0x18: {  	v28 =	vadd.s32 s20, v1  }
0x19: {  	v28 =	vand.u32 $0x7FF8, v28  }
0x1a: {  	v28 =	vor.u32 v2, v28;
	_ =	sdelay $0x2  }
0x1b: {  	s17 =	sadd.s32 $0x1A0, s20  }
0x1c: {  	s21 =	simm.s32 $0x0;
	v29 =	vadd.s32 s17, v1  }
0x1d: {  	v29 =	vand.u32 $0xFFF8, v29;
	v28 =	vld.idx.msk [tilespmem:v28+s21+$0x0], $0xffff  }
0x1e: {  	v29 =	vor.u32 v2, v29;
	_ =	sdelay $0x2  }
0x1f: {  	s28 =	sadd.s32 $0x340, s20  }
0x20: {  	[tilespmem:$0x3400] =	vst v28;
	v28 =	vadd.s32 s28, v1  }
0x21: {  	v29 =	vld.idx.msk [tilespmem:v29+s21+$0x0], $0xffff;
	v28 =	vand.u32 $0xFFF8, v28  }
0x22: {  	v28 =	vor.u32 v2, v28;
	_ =	sdelay $0x2  }
0x23: {  	s18 =	sadd.s32 $0x4E0, s20  }
0x24: {  	[tilespmem:$0x3410] =	vst v29;
	v29 =	vadd.s32 s18, v1  }
0x25: {  	v28 =	vld.idx.msk [tilespmem:v28+s21+$0x0], $0xffff;
	v29 =	vand.u32 $0xFFF8, v29  }
0x26: {  	v29 =	vor.u32 v2, v29;
	_ =	sdelay $0x2  }
0x27: {  	s22 =	sadd.s32 $0x680, s20  }
0x28: {  	[tilespmem:$0x3420] =	vst v28;
	v28 =	vadd.s32 s22, v1  }
0x29: {  	v29 =	vld.idx.msk [tilespmem:v29+s21+$0x0], $0xffff;
	v28 =	vand.u32 $0xFFF8, v28  }
0x2a: {  	v28 =	vor.u32 v2, v28;
	_ =	sdelay $0x2  }
0x2b: {  	s25 =	sadd.s32 $0x820, s20  }
0x2c: {  	[tilespmem:$0x3430] =	vst v29;
	v29 =	vadd.s32 s25, v1  }
0x2d: {  	v28 =	vld.idx.msk [tilespmem:v28+s21+$0x0], $0xffff;
	v29 =	vand.u32 $0xFFF8, v29  }
0x2e: {  	v29 =	vor.u32 v2, v29;
	_ =	sdelay $0x2  }
0x2f: {  	s26 =	sadd.s32 $0x9C0, s20  }
0x30: {  	[tilespmem:$0x3440] =	vst v28;
	v28 =	vadd.s32 s26, v1  }
0x31: {  	v29 =	vld.idx.msk [tilespmem:v29+s21+$0x0], $0xffff;
	v28 =	vand.u32 $0xFFF8, v28  }
0x32: {  	v28 =	vor.u32 v2, v28;
	_ =	sdelay $0x2  }
0x33: {  	s28 =	sadd.s32 $0xB60, s20  }
0x34: {  	[tilespmem:$0x3450] =	vst v29;
	v29 =	vadd.s32 s28, v1  }
0x35: {  	v28 =	vld.idx.msk [tilespmem:v28+s21+$0x0], $0xffff;
	v29 =	vand.u32 $0xFFF8, v29  }
0x36: {  	v29 =	vor.u32 v2, v29;
	_ =	sdelay $0x3  }
0x37: {  	[tilespmem:$0x3460] =	vst v28  }
0x38: {  	s18 =	sor.u32 $0x1, s20;
	v28 =	vld.idx.msk [tilespmem:v29+s21+$0x0], $0xffff  }
0x39: {  	v29 =	vadd.s32 s18, v1;
	_ =	sdelay $0x3  }
0x3a: {  	[tilespmem:$0x3470] =	vst v28  }
0x3b: {  	v28 =	vld.idx.msk [tilespmem:v29+s21+$0x0], $0xffff  }
0x3c: {  	s22 =	sadd.s32 $0x1A1, s20  }
0x3d: {  	v29 =	vadd.s32 s22, v1;
	_ =	sdelay $0x2  }
0x3e: {  	v28 =	vadd.s32 $0xFFFE7960, v28  }
0x3f: {  	[tilespmem:$0x3480] =	vst v28  }
0x40: {  	v28 =	vld.idx.msk [tilespmem:v29+s21+$0x0], $0xffff  }
0x41: {  	s25 =	sadd.s32 $0x341, s20  }
0x42: {  	v29 =	vadd.s32 s25, v1;
	_ =	sdelay $0x2  }
0x43: {  	v28 =	vadd.s32 $0xFFFE7960, v28  }
0x44: {  	[tilespmem:$0x3490] =	vst v28  }
0x45: {  	v28 =	vld.idx.msk [tilespmem:v29+s21+$0x0], $0xffff  }
0x46: {  	s26 =	sadd.s32 $0x4E1, s20  }
0x47: {  	v29 =	vadd.s32 s26, v1;
	_ =	sdelay $0x2  }
0x48: {  	v28 =	vadd.s32 $0xFFFE7960, v28  }
0x49: {  	[tilespmem:$0x34A0] =	vst v28  }
0x4a: {  	v28 =	vld.idx.msk [tilespmem:v29+s21+$0x0], $0xffff  }
0x4b: {  	s28 =	sadd.s32 $0x681, s20  }
0x4c: {  	v29 =	vadd.s32 s28, v1;
	_ =	sdelay $0x2  }
0x4d: {  	v28 =	vadd.s32 $0xFFFE7960, v28  }
0x4e: {  	[tilespmem:$0x34B0] =	vst v28  }
0x4f: {  	v28 =	vld.idx.msk [tilespmem:v29+s21+$0x0], $0xffff  }
0x50: {  	s18 =	sadd.s32 $0x821, s20  }
0x51: {  	v29 =	vadd.s32 s18, v1;
	_ =	sdelay $0x2  }
0x52: {  	v28 =	vadd.s32 $0xFFFE7960, v28  }
0x53: {  	[tilespmem:$0x34C0] =	vst v28  }
0x54: {  	v28 =	vld.idx.msk [tilespmem:v29+s21+$0x0], $0xffff  }
0x55: {  	s22 =	sadd.s32 $0x9C1, s20  }
0x56: {  	v29 =	vadd.s32 s22, v1;
	_ =	sdelay $0x2  }
0x57: {  	v28 =	vadd.s32 $0xFFFE7960, v28  }
0x58: {  	[tilespmem:$0x34D0] =	vst v28  }
0x59: {  	v28 =	vld.idx.msk [tilespmem:v29+s21+$0x0], $0xffff  }
0x5a: {  	s25 =	sadd.s32 $0xB61, s20  }
0x5b: {  	v29 =	vadd.s32 s25, v1;
	_ =	sdelay $0x2  }
0x5c: {  	v28 =	vadd.s32 $0xFFFE7960, v28  }
0x5d: {  	[tilespmem:$0x34E0] =	vst v28  }
0x5e: {  	v28 =	vld.idx.msk [tilespmem:v29+s21+$0x0], $0xffff  }
0x5f: {  	s26 =	sor.u32 $0x2, s20  }
0x60: {  	v29 =	vadd.s32 s26, v1;
	_ =	sdelay $0x2  }
0x61: {  	v28 =	vadd.s32 $0xFFFE7960, v28  }
0x62: {  	[tilespmem:$0x34F0] =	vst v28  }
0x63: {  	v28 =	vld.idx.msk [tilespmem:v29+s21+$0x0], $0xffff  }
0x64: {  	s28 =	sadd.s32 $0x1A2, s20  }
0x65: {  	v29 =	vadd.s32 s28, v1;
	_ =	sdelay $0x2  }
0x66: {  	v28 =	vadd.s32 $0xFFFCF2C0, v28  }
0x67: {  	[tilespmem:$0x3500] =	vst v28  }
0x68: {  	v28 =	vld.idx.msk [tilespmem:v29+s21+$0x0], $0xffff  }
0x69: {  	s18 =	sadd.s32 $0x342, s20  }
0x6a: {  	v29 =	vadd.s32 s18, v1;
	_ =	sdelay $0x2  }
0x6b: {  	v28 =	vadd.s32 $0xFFFCF2C0, v28  }
0x6c: {  	[tilespmem:$0x3510] =	vst v28  }
0x6d: {  	v28 =	vld.idx.msk [tilespmem:v29+s21+$0x0], $0xffff  }
0x6e: {  	s22 =	sadd.s32 $0x4E2, s20  }
0x6f: {  	v29 =	vadd.s32 s22, v1;
	_ =	sdelay $0x2  }
0x70: {  	v28 =	vadd.s32 $0xFFFCF2C0, v28  }
0x71: {  	[tilespmem:$0x3520] =	vst v28  }
0x72: {  	v28 =	vld.idx.msk [tilespmem:v29+s21+$0x0], $0xffff  }
0x73: {  	s25 =	sadd.s32 $0x682, s20  }
0x74: {  	v29 =	vadd.s32 s25, v1;
	_ =	sdelay $0x2  }
0x75: {  	v28 =	vadd.s32 $0xFFFCF2C0, v28  }
0x76: {  	[tilespmem:$0x3530] =	vst v28  }
0x77: {  	v28 =	vld.idx.msk [tilespmem:v29+s21+$0x0], $0xffff  }
0x78: {  	s26 =	sadd.s32 $0x822, s20  }
0x79: {  	v29 =	vadd.s32 s26, v1;
	_ =	sdelay $0x2  }
0x7a: {  	v28 =	vadd.s32 $0xFFFCF2C0, v28  }
0x7b: {  	[tilespmem:$0x3540] =	vst v28  }
0x7c: {  	v28 =	vld.idx.msk [tilespmem:v29+s21+$0x0], $0xffff  }
0x7d: {  	s28 =	sadd.s32 $0x9C2, s20  }
0x7e: {  	v29 =	vadd.s32 s28, v1;
	_ =	sdelay $0x2  }
0x7f: {  	v28 =	vadd.s32 $0xFFFCF2C0, v28  }
0x80: {  	[tilespmem:$0x3550] =	vst v28  }
0x81: {  	v28 =	vld.idx.msk [tilespmem:v29+s21+$0x0], $0xffff  }
0x82: {  	s18 =	sadd.s32 $0xB62, s20  }
0x83: {  	v29 =	vadd.s32 s18, v1;
	_ =	sdelay $0x2  }
0x84: {  	v28 =	vadd.s32 $0xFFFCF2C0, v28  }
0x85: {  	[tilespmem:$0x3560] =	vst v28  }
0x86: {  	v28 =	vld.idx.msk [tilespmem:v29+s21+$0x0], $0xffff  }
0x87: {  	s22 =	sor.u32 $0x3, s20  }
0x88: {  	v29 =	vadd.s32 s22, v1;
	_ =	sdelay $0x2  }
0x89: {  	v28 =	vadd.s32 $0xFFFCF2C0, v28  }
0x8a: {  	[tilespmem:$0x3570] =	vst v28  }
0x8b: {  	v28 =	vld.idx.msk [tilespmem:v29+s21+$0x0], $0xffff  }
0x8c: {  	s25 =	sadd.s32 $0x1A3, s20  }
0x8d: {  	v29 =	vadd.s32 s25, v1;
	_ =	sdelay $0x2  }
0x8e: {  	v28 =	vadd.s32 $0xFFFB6C20, v28  }
0x8f: {  	[tilespmem:$0x3580] =	vst v28  }
0x90: {  	v28 =	vld.idx.msk [tilespmem:v29+s21+$0x0], $0xffff  }
0x91: {  	s26 =	sadd.s32 $0x343, s20  }
0x92: {  	v29 =	vadd.s32 s26, v1;
	_ =	sdelay $0x2  }
0x93: {  	v28 =	vadd.s32 $0xFFFB6C20, v28  }
0x94: {  	[tilespmem:$0x3590] =	vst v28  }
0x95: {  	v28 =	vld.idx.msk [tilespmem:v29+s21+$0x0], $0xffff  }
0x96: {  	s28 =	sadd.s32 $0x4E3, s20  }
0x97: {  	v29 =	vadd.s32 s28, v1;
	_ =	sdelay $0x2  }
0x98: {  	v28 =	vadd.s32 $0xFFFB6C20, v28  }
0x99: {  	[tilespmem:$0x35A0] =	vst v28  }
0x9a: {  	v28 =	vld.idx.msk [tilespmem:v29+s21+$0x0], $0xffff  }
0x9b: {  	s18 =	sadd.s32 $0x683, s20  }
0x9c: {  	v29 =	vadd.s32 s18, v1;
	_ =	sdelay $0x2  }
0x9d: {  	v28 =	vadd.s32 $0xFFFB6C20, v28  }
0x9e: {  	[tilespmem:$0x35B0] =	vst v28  }
0x9f: {  	v28 =	vld.idx.msk [tilespmem:v29+s21+$0x0], $0xffff  }
0xa0: {  	s22 =	sadd.s32 $0x823, s20  }
0xa1: {  	v29 =	vadd.s32 s22, v1;
	_ =	sdelay $0x2  }
0xa2: {  	v28 =	vadd.s32 $0xFFFB6C20, v28  }
0xa3: {  	[tilespmem:$0x35C0] =	vst v28  }
0xa4: {  	v28 =	vld.idx.msk [tilespmem:v29+s21+$0x0], $0xffff  }
0xa5: {  	s25 =	sadd.s32 $0x9C3, s20  }
0xa6: {  	v29 =	vadd.s32 s25, v1;
	_ =	sdelay $0x2  }
0xa7: {  	v28 =	vadd.s32 $0xFFFB6C20, v28  }
0xa8: {  	[tilespmem:$0x35D0] =	vst v28  }
0xa9: {  	v28 =	vld.idx.msk [tilespmem:v29+s21+$0x0], $0xffff  }
0xaa: {  	s26 =	sadd.s32 $0xB63, s20  }
0xab: {  	v29 =	vadd.s32 s26, v1;
	_ =	sdelay $0x2  }
0xac: {  	v28 =	vadd.s32 $0xFFFB6C20, v28  }
0xad: {  	[tilespmem:$0x35E0] =	vst v28  }
0xae: {  	v28 =	vld.idx.msk [tilespmem:v29+s21+$0x0], $0xffff  }
0xaf: {  	s28 =	sor.u32 $0x4, s20  }
0xb0: {  	v29 =	vadd.s32 s28, v1;
	_ =	sdelay $0x2  }
0xb1: {  	v28 =	vadd.s32 $0xFFFB6C20, v28  }
0xb2: {  	[tilespmem:$0x35F0] =	vst v28  }
0xb3: {  	v28 =	vld.idx.msk [tilespmem:v29+s21+$0x0], $0xffff  }
0xb4: {  	s18 =	sadd.s32 $0x1A4, s20  }
0xb5: {  	v29 =	vadd.s32 s18, v1;
	_ =	sdelay $0x2  }
0xb6: {  	v28 =	vadd.s32 $0xFFF9E580, v28  }
0xb7: {  	[tilespmem:$0x3600] =	vst v28  }
0xb8: {  	v28 =	vld.idx.msk [tilespmem:v29+s21+$0x0], $0xffff  }
0xb9: {  	s22 =	sadd.s32 $0x344, s20  }
0xba: {  	v29 =	vadd.s32 s22, v1;
	_ =	sdelay $0x2  }
0xbb: {  	v28 =	vadd.s32 $0xFFF9E580, v28  }
0xbc: {  	[tilespmem:$0x3610] =	vst v28  }
0xbd: {  	v28 =	vld.idx.msk [tilespmem:v29+s21+$0x0], $0xffff  }
0xbe: {  	s25 =	sadd.s32 $0x4E4, s20  }
0xbf: {  	v29 =	vadd.s32 s25, v1;
	_ =	sdelay $0x2  }
0xc0: {  	v28 =	vadd.s32 $0xFFF9E580, v28  }
0xc1: {  	[tilespmem:$0x3620] =	vst v28  }
0xc2: {  	v28 =	vld.idx.msk [tilespmem:v29+s21+$0x0], $0xffff  }
0xc3: {  	s26 =	sadd.s32 $0x684, s20  }
0xc4: {  	v29 =	vadd.s32 s26, v1;
	_ =	sdelay $0x2  }
0xc5: {  	v28 =	vadd.s32 $0xFFF9E580, v28  }
0xc6: {  	[tilespmem:$0x3630] =	vst v28  }
0xc7: {  	v28 =	vld.idx.msk [tilespmem:v29+s21+$0x0], $0xffff  }
0xc8: {  	s28 =	sadd.s32 $0x824, s20  }
0xc9: {  	v29 =	vadd.s32 s28, v1;
	_ =	sdelay $0x2  }
0xca: {  	v28 =	vadd.s32 $0xFFF9E580, v28  }
0xcb: {  	[tilespmem:$0x3640] =	vst v28  }
0xcc: {  	v28 =	vld.idx.msk [tilespmem:v29+s21+$0x0], $0xffff  }
0xcd: {  	s18 =	sadd.s32 $0x9C4, s20  }
0xce: {  	v29 =	vadd.s32 s18, v1;
	_ =	sdelay $0x2  }
0xcf: {  	v28 =	vadd.s32 $0xFFF9E580, v28  }
0xd0: {  	[tilespmem:$0x3650] =	vst v28  }
0xd1: {  	v28 =	vld.idx.msk [tilespmem:v29+s21+$0x0], $0xffff  }
0xd2: {  	s22 =	sadd.s32 $0xB64, s20  }
0xd3: {  	v29 =	vadd.s32 s22, v1;
	_ =	sdelay $0x2  }
0xd4: {  	v28 =	vadd.s32 $0xFFF9E580, v28  }
0xd5: {  	[tilespmem:$0x3660] =	vst v28  }
0xd6: {  	v28 =	vld.idx.msk [tilespmem:v29+s21+$0x0], $0xffff  }
0xd7: {  	s25 =	sor.u32 $0x5, s20  }
0xd8: {  	v29 =	vadd.s32 s25, v1;
	_ =	sdelay $0x2  }
0xd9: {  	v28 =	vadd.s32 $0xFFF9E580, v28  }
0xda: {  	[tilespmem:$0x3670] =	vst v28  }
0xdb: {  	v28 =	vld.idx.msk [tilespmem:v29+s21+$0x0], $0xffff  }
0xdc: {  	s26 =	sadd.s32 $0x1A5, s20  }
0xdd: {  	v29 =	vadd.s32 s26, v1;
	_ =	sdelay $0x2  }
0xde: {  	v28 =	vadd.s32 $0xFFF85EE0, v28  }
0xdf: {  	[tilespmem:$0x3680] =	vst v28  }
0xe0: {  	v28 =	vld.idx.msk [tilespmem:v29+s21+$0x0], $0xffff  }
0xe1: {  	s28 =	sadd.s32 $0x345, s20  }
0xe2: {  	v29 =	vadd.s32 s28, v1;
	_ =	sdelay $0x2  }
0xe3: {  	v28 =	vadd.s32 $0xFFF85EE0, v28  }
0xe4: {  	[tilespmem:$0x3690] =	vst v28  }
0xe5: {  	v28 =	vld.idx.msk [tilespmem:v29+s21+$0x0], $0xffff  }
0xe6: {  	s18 =	sadd.s32 $0x4E5, s20  }
0xe7: {  	v29 =	vadd.s32 s18, v1;
	_ =	sdelay $0x2  }
0xe8: {  	v28 =	vadd.s32 $0xFFF85EE0, v28  }
0xe9: {  	[tilespmem:$0x36A0] =	vst v28  }
0xea: {  	v28 =	vld.idx.msk [tilespmem:v29+s21+$0x0], $0xffff  }
0xeb: {  	s22 =	sadd.s32 $0x685, s20  }
0xec: {  	v29 =	vadd.s32 s22, v1;
	_ =	sdelay $0x2  }
0xed: {  	v28 =	vadd.s32 $0xFFF85EE0, v28  }
0xee: {  	[tilespmem:$0x36B0] =	vst v28  }
0xef: {  	v28 =	vld.idx.msk [tilespmem:v29+s21+$0x0], $0xffff  }
0xf0: {  	s25 =	sadd.s32 $0x825, s20  }
0xf1: {  	v29 =	vadd.s32 s25, v1;
	_ =	sdelay $0x2  }
0xf2: {  	v28 =	vadd.s32 $0xFFF85EE0, v28  }
0xf3: {  	[tilespmem:$0x36C0] =	vst v28  }
0xf4: {  	v28 =	vld.idx.msk [tilespmem:v29+s21+$0x0], $0xffff  }
0xf5: {  	s26 =	sadd.s32 $0x9C5, s20  }
0xf6: {  	v29 =	vadd.s32 s26, v1;
	_ =	sdelay $0x2  }
0xf7: {  	v28 =	vadd.s32 $0xFFF85EE0, v28  }
0xf8: {  	[tilespmem:$0x36D0] =	vst v28  }
0xf9: {  	v28 =	vld.idx.msk [tilespmem:v29+s21+$0x0], $0xffff  }
0xfa: {  	s28 =	sadd.s32 $0xB65, s20  }
0xfb: {  	v29 =	vadd.s32 s28, v1;
	_ =	sdelay $0x2  }
0xfc: {  	v28 =	vadd.s32 $0xFFF85EE0, v28  }
0xfd: {  	[tilespmem:$0x36E0] =	vst v28  }
0xfe: {  	v28 =	vld.idx.msk [tilespmem:v29+s21+$0x0], $0xffff  }
0xff: {  	s18 =	sor.u32 $0x6, s20  }
0x100: {  	v29 =	vadd.s32 s18, v1;
	_ =	sdelay $0x2  }
0x101: {  	v28 =	vadd.s32 $0xFFF85EE0, v28  }
0x102: {  	[tilespmem:$0x36F0] =	vst v28  }
0x103: {  	v28 =	vld.idx.msk [tilespmem:v29+s21+$0x0], $0xffff  }
0x104: {  	s22 =	sadd.s32 $0x1A6, s20  }
0x105: {  	v29 =	vadd.s32 s22, v1;
	_ =	sdelay $0x2  }
0x106: {  	v28 =	vadd.s32 $0xFFF6D840, v28  }
0x107: {  	[tilespmem:$0x3700] =	vst v28  }
0x108: {  	v28 =	vld.idx.msk [tilespmem:v29+s21+$0x0], $0xffff  }
0x109: {  	s25 =	sadd.s32 $0x346, s20  }
0x10a: {  	v29 =	vadd.s32 s25, v1;
	_ =	sdelay $0x2  }
0x10b: {  	v28 =	vadd.s32 $0xFFF6D840, v28  }
0x10c: {  	[tilespmem:$0x3710] =	vst v28  }
0x10d: {  	v28 =	vld.idx.msk [tilespmem:v29+s21+$0x0], $0xffff  }
0x10e: {  	s26 =	sadd.s32 $0x4E6, s20  }
0x10f: {  	v29 =	vadd.s32 s26, v1;
	_ =	sdelay $0x2  }
0x110: {  	v28 =	vadd.s32 $0xFFF6D840, v28  }
0x111: {  	[tilespmem:$0x3720] =	vst v28  }
0x112: {  	v28 =	vld.idx.msk [tilespmem:v29+s21+$0x0], $0xffff  }
0x113: {  	s28 =	sadd.s32 $0x686, s20  }
0x114: {  	v29 =	vadd.s32 s28, v1;
	_ =	sdelay $0x2  }
0x115: {  	v28 =	vadd.s32 $0xFFF6D840, v28  }
0x116: {  	[tilespmem:$0x3730] =	vst v28  }
0x117: {  	v28 =	vld.idx.msk [tilespmem:v29+s21+$0x0], $0xffff  }
0x118: {  	s18 =	sadd.s32 $0x826, s20  }
0x119: {  	v29 =	vadd.s32 s18, v1;
	_ =	sdelay $0x2  }
0x11a: {  	v28 =	vadd.s32 $0xFFF6D840, v28  }
0x11b: {  	[tilespmem:$0x3740] =	vst v28  }
0x11c: {  	v28 =	vld.idx.msk [tilespmem:v29+s21+$0x0], $0xffff  }
0x11d: {  	s22 =	sadd.s32 $0x9C6, s20  }
0x11e: {  	v29 =	vadd.s32 s22, v1;
	_ =	sdelay $0x2  }
0x11f: {  	v28 =	vadd.s32 $0xFFF6D840, v28  }
0x120: {  	[tilespmem:$0x3750] =	vst v28  }
0x121: {  	v28 =	vld.idx.msk [tilespmem:v29+s21+$0x0], $0xffff  }
0x122: {  	s25 =	sadd.s32 $0xB66, s20  }
0x123: {  	v29 =	vadd.s32 s25, v1;
	_ =	sdelay $0x2  }
0x124: {  	v28 =	vadd.s32 $0xFFF6D840, v28  }
0x125: {  	[tilespmem:$0x3760] =	vst v28  }
0x126: {  	v28 =	vld.idx.msk [tilespmem:v29+s21+$0x0], $0xffff  }
0x127: {  	s26 =	sor.u32 $0x7, s20  }
0x128: {  	v29 =	vadd.s32 s26, v1;
	_ =	sdelay $0x2  }
0x129: {  	v28 =	vadd.s32 $0xFFF6D840, v28  }
0x12a: {  	[tilespmem:$0x3770] =	vst v28  }
0x12b: {  	v28 =	vld.idx.msk [tilespmem:v29+s21+$0x0], $0xffff  }
0x12c: {  	s28 =	sadd.s32 $0x1A7, s20  }
0x12d: {  	v29 =	vadd.s32 s28, v1;
	_ =	sdelay $0x2  }
0x12e: {  	v28 =	vadd.s32 $0xFFF551A0, v28  }
0x12f: {  	[tilespmem:$0x3780] =	vst v28  }
0x130: {  	v28 =	vld.idx.msk [tilespmem:v29+s21+$0x0], $0xffff  }
0x131: {  	s18 =	sadd.s32 $0x347, s20  }
0x132: {  	v29 =	vadd.s32 s18, v1;
	_ =	sdelay $0x2  }
0x133: {  	v28 =	vadd.s32 $0xFFF551A0, v28  }
0x134: {  	[tilespmem:$0x3790] =	vst v28  }
0x135: {  	v28 =	vld.idx.msk [tilespmem:v29+s21+$0x0], $0xffff  }
0x136: {  	s22 =	sadd.s32 $0x4E7, s20  }
0x137: {  	v29 =	vadd.s32 s22, v1;
	_ =	sdelay $0x2  }
0x138: {  	v28 =	vadd.s32 $0xFFF551A0, v28  }
0x139: {  	[tilespmem:$0x37A0] =	vst v28  }
0x13a: {  	v28 =	vld.idx.msk [tilespmem:v29+s21+$0x0], $0xffff  }
0x13b: {  	s25 =	sadd.s32 $0x687, s20  }
0x13c: {  	v29 =	vadd.s32 s25, v1;
	_ =	sdelay $0x2  }
0x13d: {  	v28 =	vadd.s32 $0xFFF551A0, v28  }
0x13e: {  	[tilespmem:$0x37B0] =	vst v28  }
0x13f: {  	v28 =	vld.idx.msk [tilespmem:v29+s21+$0x0], $0xffff  }
0x140: {  	s26 =	sadd.s32 $0x827, s20  }
0x141: {  	v29 =	vadd.s32 s26, v1;
	_ =	sdelay $0x2  }
0x142: {  	v28 =	vadd.s32 $0xFFF551A0, v28  }
0x143: {  	[tilespmem:$0x37C0] =	vst v28  }
0x144: {  	v28 =	vld.idx.msk [tilespmem:v29+s21+$0x0], $0xffff  }
0x145: {  	s28 =	sadd.s32 $0x9C7, s20  }
0x146: {  	v29 =	vadd.s32 s28, v1;
	_ =	sdelay $0x2  }
0x147: {  	v28 =	vadd.s32 $0xFFF551A0, v28  }
0x148: {  	[tilespmem:$0x37D0] =	vst v28  }
0x149: {  	v28 =	vld.idx.msk [tilespmem:v29+s21+$0x0], $0xffff  }
0x14a: {  	s18 =	sadd.s32 $0xB67, s20  }
0x14b: {  	v29 =	vadd.s32 s18, v1;
	_ =	sdelay $0x2  }
0x14c: {  	v28 =	vadd.s32 $0xFFF551A0, v28  }
0x14d: {  	s22 =	sor.u32 $0x8, s20;
	[tilespmem:$0x37E0] =	vst v28  }
0x14e: {  	v28 =	vld.idx.msk [tilespmem:v29+s21+$0x0], $0xffff;
	v29 =	vadd.s32 s22, v1  }
0x14f: {  	v29 =	vand.u32 $0x7FF8, v29  }
0x150: {  	v29 =	vor.u32 v2, v29;
	_ =	sdelay $0x2  }
0x151: {  	v28 =	vadd.s32 $0xFFF551A0, v28  }
0x152: {  	s25 =	sadd.s32 $0x1A8, s20;
	[tilespmem:$0x37F0] =	vst v28  }
0x153: {  	v28 =	vld.idx.msk [tilespmem:v29+s21+$0x0], $0xffff;
	v29 =	vadd.s32 s25, v1  }
0x154: {  	v29 =	vand.u32 $0xFFF8, v29  }
0x155: {  	v29 =	vor.u32 v2, v29;
	_ =	sdelay $0x2  }
0x156: {  	v28 =	vadd.s32 $0xFFF3CB00, v28  }
0x157: {  	s26 =	sadd.s32 $0x348, s20;
	[tilespmem:$0x3800] =	vst v28  }
0x158: {  	v28 =	vld.idx.msk [tilespmem:v29+s21+$0x0], $0xffff;
	v29 =	vadd.s32 s26, v1  }
0x159: {  	v29 =	vand.u32 $0xFFF8, v29  }
0x15a: {  	v29 =	vor.u32 v2, v29;
	_ =	sdelay $0x2  }
0x15b: {  	v28 =	vadd.s32 $0xFFF3CB00, v28  }
0x15c: {  	s28 =	sadd.s32 $0x4E8, s20;
	[tilespmem:$0x3810] =	vst v28  }
0x15d: {  	v28 =	vld.idx.msk [tilespmem:v29+s21+$0x0], $0xffff;
	v29 =	vadd.s32 s28, v1  }
0x15e: {  	v29 =	vand.u32 $0xFFF8, v29  }
0x15f: {  	v29 =	vor.u32 v2, v29;
	_ =	sdelay $0x2  }
0x160: {  	v28 =	vadd.s32 $0xFFF3CB00, v28  }
0x161: {  	s18 =	sadd.s32 $0x688, s20;
	[tilespmem:$0x3820] =	vst v28  }
0x162: {  	v28 =	vld.idx.msk [tilespmem:v29+s21+$0x0], $0xffff;
	v29 =	vadd.s32 s18, v1  }
0x163: {  	v29 =	vand.u32 $0xFFF8, v29  }
0x164: {  	v29 =	vor.u32 v2, v29;
	_ =	sdelay $0x2  }
0x165: {  	v28 =	vadd.s32 $0xFFF3CB00, v28  }
0x166: {  	s22 =	sadd.s32 $0x828, s20;
	[tilespmem:$0x3830] =	vst v28  }
0x167: {  	v28 =	vld.idx.msk [tilespmem:v29+s21+$0x0], $0xffff;
	v29 =	vadd.s32 s22, v1  }
0x168: {  	v29 =	vand.u32 $0xFFF8, v29  }
0x169: {  	v29 =	vor.u32 v2, v29;
	_ =	sdelay $0x2  }
0x16a: {  	v28 =	vadd.s32 $0xFFF3CB00, v28  }
0x16b: {  	s25 =	sadd.s32 $0x9C8, s20;
	[tilespmem:$0x3840] =	vst v28  }
0x16c: {  	v28 =	vld.idx.msk [tilespmem:v29+s21+$0x0], $0xffff;
	v29 =	vadd.s32 s25, v1  }
0x16d: {  	v29 =	vand.u32 $0xFFF8, v29  }
0x16e: {  	v29 =	vor.u32 v2, v29;
	_ =	sdelay $0x2  }
0x16f: {  	v28 =	vadd.s32 $0xFFF3CB00, v28  }
0x170: {  	s26 =	sadd.s32 $0xB68, s20;
	[tilespmem:$0x3850] =	vst v28  }
0x171: {  	v28 =	vld.idx.msk [tilespmem:v29+s21+$0x0], $0xffff;
	v29 =	vadd.s32 s26, v1  }
0x172: {  	v29 =	vand.u32 $0xFFF8, v29  }
0x173: {  	v29 =	vor.u32 v2, v29;
	_ =	sdelay $0x2  }
0x174: {  	v28 =	vadd.s32 $0xFFF3CB00, v28  }
0x175: {  	[tilespmem:$0x3860] =	vst v28  }
0x176: {  	v28 =	vld.idx.msk [tilespmem:v29+s21+$0x0], $0xffff  }
0x177: {  	s28 =	sor.u32 $0x9, s20  }
0x178: {  	v29 =	vadd.s32 s28, v1;
	_ =	sdelay $0x2  }
0x179: {  	v28 =	vadd.s32 $0xFFF3CB00, v28  }
0x17a: {  	[tilespmem:$0x3870] =	vst v28  }
0x17b: {  	v28 =	vld.idx.msk [tilespmem:v29+s21+$0x0], $0xffff  }
0x17c: {  	s18 =	sadd.s32 $0x1A9, s20  }
0x17d: {  	v29 =	vadd.s32 s18, v1;
	_ =	sdelay $0x2  }
0x17e: {  	v28 =	vadd.s32 $0xFFF24460, v28  }
0x17f: {  	[tilespmem:$0x3880] =	vst v28  }
0x180: {  	v28 =	vld.idx.msk [tilespmem:v29+s21+$0x0], $0xffff  }
0x181: {  	s22 =	sadd.s32 $0x349, s20  }
0x182: {  	v29 =	vadd.s32 s22, v1;
	_ =	sdelay $0x2  }
0x183: {  	v28 =	vadd.s32 $0xFFF24460, v28  }
0x184: {  	[tilespmem:$0x3890] =	vst v28  }
0x185: {  	v28 =	vld.idx.msk [tilespmem:v29+s21+$0x0], $0xffff  }
0x186: {  	s25 =	sadd.s32 $0x4E9, s20  }
0x187: {  	v29 =	vadd.s32 s25, v1;
	_ =	sdelay $0x2  }
0x188: {  	v28 =	vadd.s32 $0xFFF24460, v28  }
0x189: {  	[tilespmem:$0x38A0] =	vst v28  }
0x18a: {  	v28 =	vld.idx.msk [tilespmem:v29+s21+$0x0], $0xffff  }
0x18b: {  	s26 =	sadd.s32 $0x689, s20  }
0x18c: {  	v29 =	vadd.s32 s26, v1;
	_ =	sdelay $0x2  }
0x18d: {  	v28 =	vadd.s32 $0xFFF24460, v28  }
0x18e: {  	[tilespmem:$0x38B0] =	vst v28  }
0x18f: {  	v28 =	vld.idx.msk [tilespmem:v29+s21+$0x0], $0xffff  }
0x190: {  	s28 =	sadd.s32 $0x829, s20  }
0x191: {  	v29 =	vadd.s32 s28, v1;
	_ =	sdelay $0x2  }
0x192: {  	v28 =	vadd.s32 $0xFFF24460, v28  }
0x193: {  	[tilespmem:$0x38C0] =	vst v28  }
0x194: {  	v28 =	vld.idx.msk [tilespmem:v29+s21+$0x0], $0xffff  }
0x195: {  	s18 =	sadd.s32 $0x9C9, s20  }
0x196: {  	v29 =	vadd.s32 s18, v1;
	_ =	sdelay $0x2  }
0x197: {  	v28 =	vadd.s32 $0xFFF24460, v28  }
0x198: {  	[tilespmem:$0x38D0] =	vst v28  }
0x199: {  	v28 =	vld.idx.msk [tilespmem:v29+s21+$0x0], $0xffff  }
0x19a: {  	s22 =	sadd.s32 $0xB69, s20  }
0x19b: {  	v29 =	vadd.s32 s22, v1;
	_ =	sdelay $0x2  }
0x19c: {  	v28 =	vadd.s32 $0xFFF24460, v28  }
0x19d: {  	[tilespmem:$0x38E0] =	vst v28  }
0x19e: {  	v28 =	vld.idx.msk [tilespmem:v29+s21+$0x0], $0xffff  }
0x19f: {  	s25 =	sor.u32 $0xA, s20  }
0x1a0: {  	v29 =	vadd.s32 s25, v1;
	_ =	sdelay $0x2  }
0x1a1: {  	v28 =	vadd.s32 $0xFFF24460, v28  }
0x1a2: {  	[tilespmem:$0x38F0] =	vst v28  }
0x1a3: {  	v28 =	vld.idx.msk [tilespmem:v29+s21+$0x0], $0xffff  }
0x1a4: {  	s26 =	sadd.s32 $0x1AA, s20  }
0x1a5: {  	v29 =	vadd.s32 s26, v1;
	_ =	sdelay $0x2  }
0x1a6: {  	v28 =	vadd.s32 $0xFFF0BDC0, v28  }
0x1a7: {  	[tilespmem:$0x3900] =	vst v28  }
0x1a8: {  	v28 =	vld.idx.msk [tilespmem:v29+s21+$0x0], $0xffff  }
0x1a9: {  	s28 =	sadd.s32 $0x34A, s20  }
0x1aa: {  	v29 =	vadd.s32 s28, v1;
	_ =	sdelay $0x2  }
0x1ab: {  	v28 =	vadd.s32 $0xFFF0BDC0, v28  }
0x1ac: {  	[tilespmem:$0x3910] =	vst v28  }
0x1ad: {  	v28 =	vld.idx.msk [tilespmem:v29+s21+$0x0], $0xffff  }
0x1ae: {  	s18 =	sadd.s32 $0x4EA, s20  }
0x1af: {  	v29 =	vadd.s32 s18, v1;
	_ =	sdelay $0x2  }
0x1b0: {  	v28 =	vadd.s32 $0xFFF0BDC0, v28  }
0x1b1: {  	[tilespmem:$0x3920] =	vst v28  }
0x1b2: {  	v28 =	vld.idx.msk [tilespmem:v29+s21+$0x0], $0xffff  }
0x1b3: {  	s22 =	sadd.s32 $0x68A, s20  }
0x1b4: {  	v29 =	vadd.s32 s22, v1;
	_ =	sdelay $0x2  }
0x1b5: {  	v28 =	vadd.s32 $0xFFF0BDC0, v28  }
0x1b6: {  	[tilespmem:$0x3930] =	vst v28  }
0x1b7: {  	v28 =	vld.idx.msk [tilespmem:v29+s21+$0x0], $0xffff  }
0x1b8: {  	s25 =	sadd.s32 $0x82A, s20  }
0x1b9: {  	v29 =	vadd.s32 s25, v1;
	_ =	sdelay $0x2  }
0x1ba: {  	v28 =	vadd.s32 $0xFFF0BDC0, v28  }
0x1bb: {  	[tilespmem:$0x3940] =	vst v28  }
0x1bc: {  	v28 =	vld.idx.msk [tilespmem:v29+s21+$0x0], $0xffff  }
0x1bd: {  	s26 =	sadd.s32 $0x9CA, s20  }
0x1be: {  	v29 =	vadd.s32 s26, v1;
	_ =	sdelay $0x2  }
0x1bf: {  	v28 =	vadd.s32 $0xFFF0BDC0, v28  }
0x1c0: {  	[tilespmem:$0x3950] =	vst v28  }
0x1c1: {  	v28 =	vld.idx.msk [tilespmem:v29+s21+$0x0], $0xffff  }
0x1c2: {  	s28 =	sadd.s32 $0xB6A, s20  }
0x1c3: {  	v29 =	vadd.s32 s28, v1;
	_ =	sdelay $0x2  }
0x1c4: {  	v28 =	vadd.s32 $0xFFF0BDC0, v28  }
0x1c5: {  	[tilespmem:$0x3960] =	vst v28  }
0x1c6: {  	v28 =	vld.idx.msk [tilespmem:v29+s21+$0x0], $0xffff  }
0x1c7: {  	s18 =	sor.u32 $0xB, s20  }
0x1c8: {  	v29 =	vadd.s32 s18, v1;
	_ =	sdelay $0x2  }
0x1c9: {  	v28 =	vadd.s32 $0xFFF0BDC0, v28  }
0x1ca: {  	[tilespmem:$0x3970] =	vst v28  }
0x1cb: {  	v28 =	vld.idx.msk [tilespmem:v29+s21+$0x0], $0xffff  }
0x1cc: {  	s22 =	sadd.s32 $0x1AB, s20  }
0x1cd: {  	v29 =	vadd.s32 s22, v1;
	_ =	sdelay $0x2  }
0x1ce: {  	v28 =	vadd.s32 $0xFFEF3720, v28  }
0x1cf: {  	[tilespmem:$0x3980] =	vst v28  }
0x1d0: {  	v28 =	vld.idx.msk [tilespmem:v29+s21+$0x0], $0xffff  }
0x1d1: {  	s25 =	sadd.s32 $0x34B, s20  }
0x1d2: {  	v29 =	vadd.s32 s25, v1;
	_ =	sdelay $0x2  }
0x1d3: {  	v28 =	vadd.s32 $0xFFEF3720, v28  }
0x1d4: {  	[tilespmem:$0x3990] =	vst v28  }
0x1d5: {  	v28 =	vld.idx.msk [tilespmem:v29+s21+$0x0], $0xffff  }
0x1d6: {  	s26 =	sadd.s32 $0x4EB, s20  }
0x1d7: {  	v29 =	vadd.s32 s26, v1;
	_ =	sdelay $0x2  }
0x1d8: {  	v28 =	vadd.s32 $0xFFEF3720, v28  }
0x1d9: {  	[tilespmem:$0x39A0] =	vst v28  }
0x1da: {  	v28 =	vld.idx.msk [tilespmem:v29+s21+$0x0], $0xffff  }
0x1db: {  	s28 =	sadd.s32 $0x68B, s20  }
0x1dc: {  	v29 =	vadd.s32 s28, v1;
	_ =	sdelay $0x2  }
0x1dd: {  	v28 =	vadd.s32 $0xFFEF3720, v28  }
0x1de: {  	[tilespmem:$0x39B0] =	vst v28  }
0x1df: {  	v28 =	vld.idx.msk [tilespmem:v29+s21+$0x0], $0xffff  }
0x1e0: {  	s18 =	sadd.s32 $0x82B, s20  }
0x1e1: {  	v29 =	vadd.s32 s18, v1;
	_ =	sdelay $0x2  }
0x1e2: {  	v28 =	vadd.s32 $0xFFEF3720, v28  }
0x1e3: {  	[tilespmem:$0x39C0] =	vst v28  }
0x1e4: {  	v28 =	vld.idx.msk [tilespmem:v29+s21+$0x0], $0xffff  }
0x1e5: {  	s22 =	sadd.s32 $0x9CB, s20  }
0x1e6: {  	v29 =	vadd.s32 s22, v1;
	_ =	sdelay $0x2  }
0x1e7: {  	v28 =	vadd.s32 $0xFFEF3720, v28  }
0x1e8: {  	[tilespmem:$0x39D0] =	vst v28  }
0x1e9: {  	v28 =	vld.idx.msk [tilespmem:v29+s21+$0x0], $0xffff  }
0x1ea: {  	s25 =	sadd.s32 $0xB6B, s20  }
0x1eb: {  	v29 =	vadd.s32 s25, v1;
	_ =	sdelay $0x2  }
0x1ec: {  	v28 =	vadd.s32 $0xFFEF3720, v28  }
0x1ed: {  	[tilespmem:$0x39E0] =	vst v28  }
0x1ee: {  	v28 =	vld.idx.msk [tilespmem:v29+s21+$0x0], $0xffff  }
0x1ef: {  	s26 =	sor.u32 $0xC, s20  }
0x1f0: {  	v29 =	vadd.s32 s26, v1;
	_ =	sdelay $0x2  }
0x1f1: {  	v28 =	vadd.s32 $0xFFEF3720, v28  }
0x1f2: {  	[tilespmem:$0x39F0] =	vst v28  }
0x1f3: {  	v28 =	vld.idx.msk [tilespmem:v29+s21+$0x0], $0xffff  }
0x1f4: {  	s28 =	sadd.s32 $0x1AC, s20  }
0x1f5: {  	v29 =	vadd.s32 s28, v1;
	_ =	sdelay $0x2  }
0x1f6: {  	v28 =	vadd.s32 $0xFFEDB080, v28  }
0x1f7: {  	[tilespmem:$0x3A00] =	vst v28  }
0x1f8: {  	v28 =	vld.idx.msk [tilespmem:v29+s21+$0x0], $0xffff  }
0x1f9: {  	s18 =	sadd.s32 $0x34C, s20  }
0x1fa: {  	v29 =	vadd.s32 s18, v1;
	_ =	sdelay $0x2  }
0x1fb: {  	v28 =	vadd.s32 $0xFFEDB080, v28  }
0x1fc: {  	[tilespmem:$0x3A10] =	vst v28  }
0x1fd: {  	v28 =	vld.idx.msk [tilespmem:v29+s21+$0x0], $0xffff  }
0x1fe: {  	s22 =	sadd.s32 $0x4EC, s20  }
0x1ff: {  	v29 =	vadd.s32 s22, v1;
	_ =	sdelay $0x2  }
0x200: {  	v28 =	vadd.s32 $0xFFEDB080, v28  }
0x201: {  	[tilespmem:$0x3A20] =	vst v28  }
0x202: {  	v28 =	vld.idx.msk [tilespmem:v29+s21+$0x0], $0xffff  }
0x203: {  	s25 =	sadd.s32 $0x68C, s20  }
0x204: {  	v29 =	vadd.s32 s25, v1;
	_ =	sdelay $0x2  }
0x205: {  	v28 =	vadd.s32 $0xFFEDB080, v28  }
0x206: {  	[tilespmem:$0x3A30] =	vst v28  }
0x207: {  	v28 =	vld.idx.msk [tilespmem:v29+s21+$0x0], $0xffff  }
0x208: {  	s26 =	sadd.s32 $0x82C, s20  }
0x209: {  	v29 =	vadd.s32 s26, v1;
	_ =	sdelay $0x2  }
0x20a: {  	v28 =	vadd.s32 $0xFFEDB080, v28  }
0x20b: {  	[tilespmem:$0x3A40] =	vst v28  }
0x20c: {  	v28 =	vld.idx.msk [tilespmem:v29+s21+$0x0], $0xffff  }
0x20d: {  	s28 =	sadd.s32 $0x9CC, s20  }
0x20e: {  	v29 =	vadd.s32 s28, v1;
	_ =	sdelay $0x2  }
0x20f: {  	v28 =	vadd.s32 $0xFFEDB080, v28  }
0x210: {  	[tilespmem:$0x3A50] =	vst v28  }
0x211: {  	v28 =	vld.idx.msk [tilespmem:v29+s21+$0x0], $0xffff  }
0x212: {  	s18 =	sadd.s32 $0xB6C, s20  }
0x213: {  	v29 =	vadd.s32 s18, v1;
	_ =	sdelay $0x2  }
0x214: {  	v28 =	vadd.s32 $0xFFEDB080, v28  }
0x215: {  	[tilespmem:$0x3A60] =	vst v28  }
0x216: {  	v28 =	vld.idx.msk [tilespmem:v29+s21+$0x0], $0xffff  }
0x217: {  	s22 =	sor.u32 $0xD, s20  }
0x218: {  	v29 =	vadd.s32 s22, v1;
	_ =	sdelay $0x2  }
0x219: {  	v28 =	vadd.s32 $0xFFEDB080, v28  }
0x21a: {  	[tilespmem:$0x3A70] =	vst v28  }
0x21b: {  	v28 =	vld.idx.msk [tilespmem:v29+s21+$0x0], $0xffff  }
0x21c: {  	s25 =	sadd.s32 $0x1AD, s20  }
0x21d: {  	v29 =	vadd.s32 s25, v1;
	_ =	sdelay $0x2  }
0x21e: {  	v28 =	vadd.s32 $0xFFEC29E0, v28  }
0x21f: {  	[tilespmem:$0x3A80] =	vst v28  }
0x220: {  	v28 =	vld.idx.msk [tilespmem:v29+s21+$0x0], $0xffff  }
0x221: {  	s26 =	sadd.s32 $0x34D, s20  }
0x222: {  	v29 =	vadd.s32 s26, v1;
	_ =	sdelay $0x2  }
0x223: {  	v28 =	vadd.s32 $0xFFEC29E0, v28  }
0x224: {  	[tilespmem:$0x3A90] =	vst v28  }
0x225: {  	v28 =	vld.idx.msk [tilespmem:v29+s21+$0x0], $0xffff  }
0x226: {  	s28 =	sadd.s32 $0x4ED, s20  }
0x227: {  	v29 =	vadd.s32 s28, v1;
	_ =	sdelay $0x2  }
0x228: {  	v28 =	vadd.s32 $0xFFEC29E0, v28  }
0x229: {  	[tilespmem:$0x3AA0] =	vst v28  }
0x22a: {  	v28 =	vld.idx.msk [tilespmem:v29+s21+$0x0], $0xffff  }
0x22b: {  	s18 =	sadd.s32 $0x68D, s20  }
0x22c: {  	v29 =	vadd.s32 s18, v1;
	_ =	sdelay $0x2  }
0x22d: {  	v28 =	vadd.s32 $0xFFEC29E0, v28  }
0x22e: {  	[tilespmem:$0x3AB0] =	vst v28  }
0x22f: {  	v28 =	vld.idx.msk [tilespmem:v29+s21+$0x0], $0xffff  }
0x230: {  	s22 =	sadd.s32 $0x82D, s20  }
0x231: {  	v29 =	vadd.s32 s22, v1;
	_ =	sdelay $0x2  }
0x232: {  	v28 =	vadd.s32 $0xFFEC29E0, v28  }
0x233: {  	[tilespmem:$0x3AC0] =	vst v28  }
0x234: {  	v28 =	vld.idx.msk [tilespmem:v29+s21+$0x0], $0xffff  }
0x235: {  	s25 =	sadd.s32 $0x9CD, s20  }
0x236: {  	v29 =	vadd.s32 s25, v1;
	_ =	sdelay $0x2  }
0x237: {  	v28 =	vadd.s32 $0xFFEC29E0, v28  }
0x238: {  	[tilespmem:$0x3AD0] =	vst v28  }
0x239: {  	v28 =	vld.idx.msk [tilespmem:v29+s21+$0x0], $0xffff  }
0x23a: {  	s26 =	sadd.s32 $0xB6D, s20  }
0x23b: {  	v29 =	vadd.s32 s26, v1;
	_ =	sdelay $0x2  }
0x23c: {  	v28 =	vadd.s32 $0xFFEC29E0, v28  }
0x23d: {  	[tilespmem:$0x3AE0] =	vst v28  }
0x23e: {  	v28 =	vld.idx.msk [tilespmem:v29+s21+$0x0], $0xffff  }
0x23f: {  	s28 =	sor.u32 $0xE, s20  }
0x240: {  	v29 =	vadd.s32 s28, v1;
	_ =	sdelay $0x2  }
0x241: {  	v28 =	vadd.s32 $0xFFEC29E0, v28  }
0x242: {  	[tilespmem:$0x3AF0] =	vst v28  }
0x243: {  	v28 =	vld.idx.msk [tilespmem:v29+s21+$0x0], $0xffff  }
0x244: {  	s18 =	sadd.s32 $0x1AE, s20  }
0x245: {  	v29 =	vadd.s32 s18, v1;
	_ =	sdelay $0x2  }
0x246: {  	v28 =	vadd.s32 $0xFFEAA340, v28  }
0x247: {  	[tilespmem:$0x3B00] =	vst v28  }
0x248: {  	v28 =	vld.idx.msk [tilespmem:v29+s21+$0x0], $0xffff  }
0x249: {  	s22 =	sadd.s32 $0x34E, s20  }
0x24a: {  	v29 =	vadd.s32 s22, v1;
	_ =	sdelay $0x2  }
0x24b: {  	v28 =	vadd.s32 $0xFFEAA340, v28  }
0x24c: {  	[tilespmem:$0x3B10] =	vst v28  }
0x24d: {  	v28 =	vld.idx.msk [tilespmem:v29+s21+$0x0], $0xffff  }
0x24e: {  	s25 =	sadd.s32 $0x4EE, s20  }
0x24f: {  	v29 =	vadd.s32 s25, v1;
	_ =	sdelay $0x2  }
0x250: {  	v28 =	vadd.s32 $0xFFEAA340, v28  }
0x251: {  	[tilespmem:$0x3B20] =	vst v28  }
0x252: {  	v28 =	vld.idx.msk [tilespmem:v29+s21+$0x0], $0xffff  }
0x253: {  	s26 =	sadd.s32 $0x68E, s20  }
0x254: {  	v29 =	vadd.s32 s26, v1;
	_ =	sdelay $0x2  }
0x255: {  	v28 =	vadd.s32 $0xFFEAA340, v28  }
0x256: {  	[tilespmem:$0x3B30] =	vst v28  }
0x257: {  	v28 =	vld.idx.msk [tilespmem:v29+s21+$0x0], $0xffff  }
0x258: {  	s28 =	sadd.s32 $0x82E, s20  }
0x259: {  	v29 =	vadd.s32 s28, v1;
	_ =	sdelay $0x2  }
0x25a: {  	v28 =	vadd.s32 $0xFFEAA340, v28  }
0x25b: {  	[tilespmem:$0x3B40] =	vst v28  }
0x25c: {  	v28 =	vld.idx.msk [tilespmem:v29+s21+$0x0], $0xffff  }
0x25d: {  	s18 =	sadd.s32 $0x9CE, s20  }
0x25e: {  	v29 =	vadd.s32 s18, v1;
	_ =	sdelay $0x2  }
0x25f: {  	v28 =	vadd.s32 $0xFFEAA340, v28  }
0x260: {  	[tilespmem:$0x3B50] =	vst v28  }
0x261: {  	v28 =	vld.idx.msk [tilespmem:v29+s21+$0x0], $0xffff  }
0x262: {  	s22 =	sadd.s32 $0xB6E, s20  }
0x263: {  	v29 =	vadd.s32 s22, v1;
	_ =	sdelay $0x2  }
0x264: {  	v28 =	vadd.s32 $0xFFEAA340, v28  }
0x265: {  	[tilespmem:$0x3B60] =	vst v28  }
0x266: {  	v28 =	vld.idx.msk [tilespmem:v29+s21+$0x0], $0xffff  }
0x267: {  	s25 =	sor.u32 $0xF, s20  }
0x268: {  	v29 =	vadd.s32 s25, v1;
	_ =	sdelay $0x2  }
0x269: {  	v28 =	vadd.s32 $0xFFEAA340, v28  }
0x26a: {  	[tilespmem:$0x3B70] =	vst v28  }
0x26b: {  	v28 =	vld.idx.msk [tilespmem:v29+s21+$0x0], $0xffff  }
0x26c: {  	s26 =	sadd.s32 $0x1AF, s20  }
0x26d: {  	v29 =	vadd.s32 s26, v1;
	_ =	sdelay $0x2  }
0x26e: {  	v28 =	vadd.s32 $0xFFE91CA0, v28  }
0x26f: {  	[tilespmem:$0x3B80] =	vst v28  }
0x270: {  	v28 =	vld.idx.msk [tilespmem:v29+s21+$0x0], $0xffff  }
0x271: {  	s28 =	sadd.s32 $0x34F, s20  }
0x272: {  	v29 =	vadd.s32 s28, v1;
	_ =	sdelay $0x2  }
0x273: {  	v28 =	vadd.s32 $0xFFE91CA0, v28  }
0x274: {  	[tilespmem:$0x3B90] =	vst v28  }
0x275: {  	v28 =	vld.idx.msk [tilespmem:v29+s21+$0x0], $0xffff  }
0x276: {  	s18 =	sadd.s32 $0x4EF, s20  }
0x277: {  	v29 =	vadd.s32 s18, v1;
	_ =	sdelay $0x2  }
0x278: {  	v28 =	vadd.s32 $0xFFE91CA0, v28  }
0x279: {  	[tilespmem:$0x3BA0] =	vst v28  }
0x27a: {  	v28 =	vld.idx.msk [tilespmem:v29+s21+$0x0], $0xffff  }
0x27b: {  	s22 =	sadd.s32 $0x68F, s20  }
0x27c: {  	v29 =	vadd.s32 s22, v1;
	_ =	sdelay $0x2  }
0x27d: {  	v28 =	vadd.s32 $0xFFE91CA0, v28  }
0x27e: {  	[tilespmem:$0x3BB0] =	vst v28  }
0x27f: {  	v28 =	vld.idx.msk [tilespmem:v29+s21+$0x0], $0xffff  }
0x280: {  	s25 =	sadd.s32 $0x82F, s20  }
0x281: {  	v29 =	vadd.s32 s25, v1;
	_ =	sdelay $0x2  }
0x282: {  	v28 =	vadd.s32 $0xFFE91CA0, v28  }
0x283: {  	[tilespmem:$0x3BC0] =	vst v28  }
0x284: {  	v28 =	vld.idx.msk [tilespmem:v29+s21+$0x0], $0xffff  }
0x285: {  	s26 =	sadd.s32 $0x9CF, s20  }
0x286: {  	v29 =	vadd.s32 s26, v1;
	_ =	sdelay $0x2  }
0x287: {  	v28 =	vadd.s32 $0xFFE91CA0, v28  }
0x288: {  	[tilespmem:$0x3BD0] =	vst v28  }
0x289: {  	v28 =	vld.idx.msk [tilespmem:v29+s21+$0x0], $0xffff  }
0x28a: {  	s28 =	sadd.s32 $0xB6F, s20  }
0x28b: {  	v29 =	vadd.s32 s28, v1;
	_ =	sdelay $0x2  }
0x28c: {  	v28 =	vadd.s32 $0xFFE91CA0, v28  }
0x28d: {  	s18 =	sor.u32 $0x10, s20;
	[tilespmem:$0x3BE0] =	vst v28  }
0x28e: {  	v28 =	vld.idx.msk [tilespmem:v29+s21+$0x0], $0xffff;
	v29 =	vadd.s32 s18, v1  }
0x28f: {  	v29 =	vand.u32 $0x7FF8, v29  }
0x290: {  	v29 =	vor.u32 v2, v29;
	_ =	sdelay $0x2  }
0x291: {  	v28 =	vadd.s32 $0xFFE91CA0, v28  }
0x292: {  	s22 =	sadd.s32 $0x1B0, s20;
	[tilespmem:$0x3BF0] =	vst v28  }
0x293: {  	v28 =	vld.idx.msk [tilespmem:v29+s21+$0x0], $0xffff;
	v29 =	vadd.s32 s22, v1  }
0x294: {  	v29 =	vand.u32 $0xFFF8, v29  }
0x295: {  	v29 =	vor.u32 v2, v29;
	_ =	sdelay $0x2  }
0x296: {  	v28 =	vadd.s32 $0xFFE79600, v28  }
0x297: {  	s25 =	sadd.s32 $0x350, s20;
	[tilespmem:$0x3C00] =	vst v28  }
0x298: {  	v28 =	vld.idx.msk [tilespmem:v29+s21+$0x0], $0xffff;
	v29 =	vadd.s32 s25, v1  }
0x299: {  	v29 =	vand.u32 $0xFFF8, v29  }
0x29a: {  	v29 =	vor.u32 v2, v29;
	_ =	sdelay $0x2  }
0x29b: {  	v28 =	vadd.s32 $0xFFE79600, v28  }
0x29c: {  	s26 =	sadd.s32 $0x4F0, s20;
	[tilespmem:$0x3C10] =	vst v28  }
0x29d: {  	v28 =	vld.idx.msk [tilespmem:v29+s21+$0x0], $0xffff;
	v29 =	vadd.s32 s26, v1  }
0x29e: {  	v29 =	vand.u32 $0xFFF8, v29  }
0x29f: {  	v29 =	vor.u32 v2, v29;
	_ =	sdelay $0x2  }
0x2a0: {  	v28 =	vadd.s32 $0xFFE79600, v28  }
0x2a1: {  	s28 =	sadd.s32 $0x690, s20;
	[tilespmem:$0x3C20] =	vst v28  }
0x2a2: {  	v28 =	vld.idx.msk [tilespmem:v29+s21+$0x0], $0xffff;
	v29 =	vadd.s32 s28, v1  }
0x2a3: {  	v29 =	vand.u32 $0xFFF8, v29  }
0x2a4: {  	v29 =	vor.u32 v2, v29;
	_ =	sdelay $0x2  }
0x2a5: {  	v28 =	vadd.s32 $0xFFE79600, v28  }
0x2a6: {  	s18 =	sadd.s32 $0x830, s20;
	[tilespmem:$0x3C30] =	vst v28  }
0x2a7: {  	v28 =	vld.idx.msk [tilespmem:v29+s21+$0x0], $0xffff;
	v29 =	vadd.s32 s18, v1  }
0x2a8: {  	v29 =	vand.u32 $0xFFF8, v29  }
0x2a9: {  	v29 =	vor.u32 v2, v29;
	_ =	sdelay $0x2  }
0x2aa: {  	v28 =	vadd.s32 $0xFFE79600, v28  }
0x2ab: {  	s22 =	sadd.s32 $0x9D0, s20;
	[tilespmem:$0x3C40] =	vst v28  }
0x2ac: {  	v28 =	vld.idx.msk [tilespmem:v29+s21+$0x0], $0xffff;
	v29 =	vadd.s32 s22, v1  }
0x2ad: {  	v29 =	vand.u32 $0xFFF8, v29  }
0x2ae: {  	v29 =	vor.u32 v2, v29;
	_ =	sdelay $0x2  }
0x2af: {  	v28 =	vadd.s32 $0xFFE79600, v28  }
0x2b0: {  	s25 =	sadd.s32 $0xB70, s20;
	[tilespmem:$0x3C50] =	vst v28  }
0x2b1: {  	v28 =	vld.idx.msk [tilespmem:v29+s21+$0x0], $0xffff;
	v29 =	vadd.s32 s25, v1  }
0x2b2: {  	v29 =	vand.u32 $0xFFF8, v29  }
0x2b3: {  	v29 =	vor.u32 v2, v29;
	_ =	sdelay $0x2  }
0x2b4: {  	v28 =	vadd.s32 $0xFFE79600, v28  }
0x2b5: {  	[tilespmem:$0x3C60] =	vst v28  }
0x2b6: {  	v28 =	vld.idx.msk [tilespmem:v29+s21+$0x0], $0xffff  }
0x2b7: {  	s26 =	sor.u32 $0x11, s20  }
0x2b8: {  	v29 =	vadd.s32 s26, v1;
	_ =	sdelay $0x2  }
0x2b9: {  	v28 =	vadd.s32 $0xFFE79600, v28  }
0x2ba: {  	[tilespmem:$0x3C70] =	vst v28  }
0x2bb: {  	v28 =	vld.idx.msk [tilespmem:v29+s21+$0x0], $0xffff  }
0x2bc: {  	s28 =	sadd.s32 $0x1B1, s20  }
0x2bd: {  	v29 =	vadd.s32 s28, v1;
	_ =	sdelay $0x2  }
0x2be: {  	v28 =	vadd.s32 $0xFFE60F60, v28  }
0x2bf: {  	[tilespmem:$0x3C80] =	vst v28  }
0x2c0: {  	v28 =	vld.idx.msk [tilespmem:v29+s21+$0x0], $0xffff  }
0x2c1: {  	s18 =	sadd.s32 $0x351, s20  }
0x2c2: {  	v29 =	vadd.s32 s18, v1;
	_ =	sdelay $0x2  }
0x2c3: {  	v28 =	vadd.s32 $0xFFE60F60, v28  }
0x2c4: {  	[tilespmem:$0x3C90] =	vst v28  }
0x2c5: {  	v28 =	vld.idx.msk [tilespmem:v29+s21+$0x0], $0xffff  }
0x2c6: {  	s22 =	sadd.s32 $0x4F1, s20  }
0x2c7: {  	v29 =	vadd.s32 s22, v1;
	_ =	sdelay $0x2  }
0x2c8: {  	v28 =	vadd.s32 $0xFFE60F60, v28  }
0x2c9: {  	[tilespmem:$0x3CA0] =	vst v28  }
0x2ca: {  	v28 =	vld.idx.msk [tilespmem:v29+s21+$0x0], $0xffff  }
0x2cb: {  	s25 =	sadd.s32 $0x691, s20  }
0x2cc: {  	v29 =	vadd.s32 s25, v1;
	_ =	sdelay $0x2  }
0x2cd: {  	v28 =	vadd.s32 $0xFFE60F60, v28  }
0x2ce: {  	[tilespmem:$0x3CB0] =	vst v28  }
0x2cf: {  	v28 =	vld.idx.msk [tilespmem:v29+s21+$0x0], $0xffff  }
0x2d0: {  	s26 =	sadd.s32 $0x831, s20  }
0x2d1: {  	v29 =	vadd.s32 s26, v1;
	_ =	sdelay $0x2  }
0x2d2: {  	v28 =	vadd.s32 $0xFFE60F60, v28  }
0x2d3: {  	[tilespmem:$0x3CC0] =	vst v28  }
0x2d4: {  	v28 =	vld.idx.msk [tilespmem:v29+s21+$0x0], $0xffff  }
0x2d5: {  	s28 =	sadd.s32 $0x9D1, s20  }
0x2d6: {  	v29 =	vadd.s32 s28, v1;
	_ =	sdelay $0x2  }
0x2d7: {  	v28 =	vadd.s32 $0xFFE60F60, v28  }
0x2d8: {  	[tilespmem:$0x3CD0] =	vst v28  }
0x2d9: {  	v28 =	vld.idx.msk [tilespmem:v29+s21+$0x0], $0xffff  }
0x2da: {  	s18 =	sadd.s32 $0xB71, s20  }
0x2db: {  	v29 =	vadd.s32 s18, v1;
	_ =	sdelay $0x2  }
0x2dc: {  	v28 =	vadd.s32 $0xFFE60F60, v28  }
0x2dd: {  	[tilespmem:$0x3CE0] =	vst v28  }
0x2de: {  	v28 =	vld.idx.msk [tilespmem:v29+s21+$0x0], $0xffff  }
0x2df: {  	s22 =	sor.u32 $0x12, s20  }
0x2e0: {  	v29 =	vadd.s32 s22, v1;
	_ =	sdelay $0x2  }
0x2e1: {  	v28 =	vadd.s32 $0xFFE60F60, v28  }
0x2e2: {  	[tilespmem:$0x3CF0] =	vst v28  }
0x2e3: {  	v28 =	vld.idx.msk [tilespmem:v29+s21+$0x0], $0xffff  }
0x2e4: {  	s25 =	sadd.s32 $0x1B2, s20  }
0x2e5: {  	v29 =	vadd.s32 s25, v1;
	_ =	sdelay $0x2  }
0x2e6: {  	v28 =	vadd.s32 $0xFFE488C0, v28  }
0x2e7: {  	[tilespmem:$0x3D00] =	vst v28  }
0x2e8: {  	v28 =	vld.idx.msk [tilespmem:v29+s21+$0x0], $0xffff  }
0x2e9: {  	s26 =	sadd.s32 $0x352, s20  }
0x2ea: {  	v29 =	vadd.s32 s26, v1;
	_ =	sdelay $0x2  }
0x2eb: {  	v28 =	vadd.s32 $0xFFE488C0, v28  }
0x2ec: {  	[tilespmem:$0x3D10] =	vst v28  }
0x2ed: {  	v28 =	vld.idx.msk [tilespmem:v29+s21+$0x0], $0xffff  }
0x2ee: {  	s28 =	sadd.s32 $0x4F2, s20  }
0x2ef: {  	v29 =	vadd.s32 s28, v1;
	_ =	sdelay $0x2  }
0x2f0: {  	v28 =	vadd.s32 $0xFFE488C0, v28  }
0x2f1: {  	[tilespmem:$0x3D20] =	vst v28  }
0x2f2: {  	v28 =	vld.idx.msk [tilespmem:v29+s21+$0x0], $0xffff  }
0x2f3: {  	s18 =	sadd.s32 $0x692, s20  }
0x2f4: {  	v29 =	vadd.s32 s18, v1;
	_ =	sdelay $0x2  }
0x2f5: {  	v28 =	vadd.s32 $0xFFE488C0, v28  }
0x2f6: {  	[tilespmem:$0x3D30] =	vst v28  }
0x2f7: {  	v28 =	vld.idx.msk [tilespmem:v29+s21+$0x0], $0xffff  }
0x2f8: {  	s22 =	sadd.s32 $0x832, s20  }
0x2f9: {  	v29 =	vadd.s32 s22, v1;
	_ =	sdelay $0x2  }
0x2fa: {  	v28 =	vadd.s32 $0xFFE488C0, v28  }
0x2fb: {  	[tilespmem:$0x3D40] =	vst v28  }
0x2fc: {  	v28 =	vld.idx.msk [tilespmem:v29+s21+$0x0], $0xffff  }
0x2fd: {  	s25 =	sadd.s32 $0x9D2, s20  }
0x2fe: {  	v29 =	vadd.s32 s25, v1;
	_ =	sdelay $0x2  }
0x2ff: {  	v28 =	vadd.s32 $0xFFE488C0, v28  }
0x300: {  	[tilespmem:$0x3D50] =	vst v28  }
0x301: {  	v28 =	vld.idx.msk [tilespmem:v29+s21+$0x0], $0xffff  }
0x302: {  	s26 =	sadd.s32 $0xB72, s20  }
0x303: {  	v29 =	vadd.s32 s26, v1;
	_ =	sdelay $0x2  }
0x304: {  	v28 =	vadd.s32 $0xFFE488C0, v28  }
0x305: {  	[tilespmem:$0x3D60] =	vst v28  }
0x306: {  	v28 =	vld.idx.msk [tilespmem:v29+s21+$0x0], $0xffff  }
0x307: {  	s28 =	sor.u32 $0x13, s20  }
0x308: {  	v29 =	vadd.s32 s28, v1;
	_ =	sdelay $0x2  }
0x309: {  	v28 =	vadd.s32 $0xFFE488C0, v28  }
0x30a: {  	[tilespmem:$0x3D70] =	vst v28  }
0x30b: {  	v28 =	vld.idx.msk [tilespmem:v29+s21+$0x0], $0xffff  }
0x30c: {  	s18 =	sadd.s32 $0x1B3, s20  }
0x30d: {  	v29 =	vadd.s32 s18, v1;
	_ =	sdelay $0x2  }
0x30e: {  	v28 =	vadd.s32 $0xFFE30220, v28  }
0x30f: {  	[tilespmem:$0x3D80] =	vst v28  }
0x310: {  	v28 =	vld.idx.msk [tilespmem:v29+s21+$0x0], $0xffff  }
0x311: {  	s22 =	sadd.s32 $0x353, s20  }
0x312: {  	v29 =	vadd.s32 s22, v1;
	_ =	sdelay $0x2  }
0x313: {  	v28 =	vadd.s32 $0xFFE30220, v28  }
0x314: {  	[tilespmem:$0x3D90] =	vst v28  }
0x315: {  	v28 =	vld.idx.msk [tilespmem:v29+s21+$0x0], $0xffff  }
0x316: {  	s25 =	sadd.s32 $0x4F3, s20  }
0x317: {  	v29 =	vadd.s32 s25, v1;
	_ =	sdelay $0x2  }
0x318: {  	v28 =	vadd.s32 $0xFFE30220, v28  }
0x319: {  	[tilespmem:$0x3DA0] =	vst v28  }
0x31a: {  	v28 =	vld.idx.msk [tilespmem:v29+s21+$0x0], $0xffff  }
0x31b: {  	s26 =	sadd.s32 $0x693, s20  }
0x31c: {  	v29 =	vadd.s32 s26, v1;
	_ =	sdelay $0x2  }
0x31d: {  	v28 =	vadd.s32 $0xFFE30220, v28  }
0x31e: {  	[tilespmem:$0x3DB0] =	vst v28  }
0x31f: {  	v28 =	vld.idx.msk [tilespmem:v29+s21+$0x0], $0xffff  }
0x320: {  	s28 =	sadd.s32 $0x833, s20  }
0x321: {  	v29 =	vadd.s32 s28, v1;
	_ =	sdelay $0x2  }
0x322: {  	v28 =	vadd.s32 $0xFFE30220, v28  }
0x323: {  	[tilespmem:$0x3DC0] =	vst v28  }
0x324: {  	v28 =	vld.idx.msk [tilespmem:v29+s21+$0x0], $0xffff  }
0x325: {  	s18 =	sadd.s32 $0x9D3, s20  }
0x326: {  	v29 =	vadd.s32 s18, v1;
	_ =	sdelay $0x2  }
0x327: {  	v28 =	vadd.s32 $0xFFE30220, v28  }
0x328: {  	[tilespmem:$0x3DD0] =	vst v28  }
0x329: {  	v28 =	vld.idx.msk [tilespmem:v29+s21+$0x0], $0xffff  }
0x32a: {  	s22 =	sadd.s32 $0xB73, s20  }
0x32b: {  	v29 =	vadd.s32 s22, v1;
	_ =	sdelay $0x2  }
0x32c: {  	v28 =	vadd.s32 $0xFFE30220, v28  }
0x32d: {  	[tilespmem:$0x3DE0] =	vst v28  }
0x32e: {  	v28 =	vld.idx.msk [tilespmem:v29+s21+$0x0], $0xffff  }
0x32f: {  	s25 =	sor.u32 $0x14, s20  }
0x330: {  	v29 =	vadd.s32 s25, v1;
	_ =	sdelay $0x2  }
0x331: {  	v28 =	vadd.s32 $0xFFE30220, v28  }
0x332: {  	[tilespmem:$0x3DF0] =	vst v28  }
0x333: {  	v28 =	vld.idx.msk [tilespmem:v29+s21+$0x0], $0xffff  }
0x334: {  	s26 =	sadd.s32 $0x1B4, s20  }
0x335: {  	v29 =	vadd.s32 s26, v1;
	_ =	sdelay $0x2  }
0x336: {  	v28 =	vadd.s32 $0xFFE17B80, v28  }
0x337: {  	[tilespmem:$0x3E00] =	vst v28  }
0x338: {  	v28 =	vld.idx.msk [tilespmem:v29+s21+$0x0], $0xffff  }
0x339: {  	s28 =	sadd.s32 $0x354, s20  }
0x33a: {  	v29 =	vadd.s32 s28, v1;
	_ =	sdelay $0x2  }
0x33b: {  	v28 =	vadd.s32 $0xFFE17B80, v28  }
0x33c: {  	[tilespmem:$0x3E10] =	vst v28  }
0x33d: {  	v28 =	vld.idx.msk [tilespmem:v29+s21+$0x0], $0xffff  }
0x33e: {  	s18 =	sadd.s32 $0x4F4, s20  }
0x33f: {  	v29 =	vadd.s32 s18, v1;
	_ =	sdelay $0x2  }
0x340: {  	v28 =	vadd.s32 $0xFFE17B80, v28  }
0x341: {  	[tilespmem:$0x3E20] =	vst v28  }
0x342: {  	v28 =	vld.idx.msk [tilespmem:v29+s21+$0x0], $0xffff  }
0x343: {  	s22 =	sadd.s32 $0x694, s20  }
0x344: {  	v29 =	vadd.s32 s22, v1;
	_ =	sdelay $0x2  }
0x345: {  	v28 =	vadd.s32 $0xFFE17B80, v28  }
0x346: {  	[tilespmem:$0x3E30] =	vst v28  }
0x347: {  	v28 =	vld.idx.msk [tilespmem:v29+s21+$0x0], $0xffff  }
0x348: {  	s25 =	sadd.s32 $0x834, s20  }
0x349: {  	v29 =	vadd.s32 s25, v1;
	_ =	sdelay $0x2  }
0x34a: {  	v28 =	vadd.s32 $0xFFE17B80, v28  }
0x34b: {  	[tilespmem:$0x3E40] =	vst v28  }
0x34c: {  	v28 =	vld.idx.msk [tilespmem:v29+s21+$0x0], $0xffff  }
0x34d: {  	s26 =	sadd.s32 $0x9D4, s20  }
0x34e: {  	v29 =	vadd.s32 s26, v1;
	_ =	sdelay $0x2  }
0x34f: {  	v28 =	vadd.s32 $0xFFE17B80, v28  }
0x350: {  	[tilespmem:$0x3E50] =	vst v28  }
0x351: {  	v28 =	vld.idx.msk [tilespmem:v29+s21+$0x0], $0xffff  }
0x352: {  	s28 =	sadd.s32 $0xB74, s20  }
0x353: {  	v29 =	vadd.s32 s28, v1;
	_ =	sdelay $0x2  }
0x354: {  	v28 =	vadd.s32 $0xFFE17B80, v28  }
0x355: {  	[tilespmem:$0x3E60] =	vst v28  }
0x356: {  	v28 =	vld.idx.msk [tilespmem:v29+s21+$0x0], $0xffff  }
0x357: {  	s18 =	sor.u32 $0x15, s20  }
0x358: {  	v29 =	vadd.s32 s18, v1;
	_ =	sdelay $0x2  }
0x359: {  	v28 =	vadd.s32 $0xFFE17B80, v28  }
0x35a: {  	[tilespmem:$0x3E70] =	vst v28  }
0x35b: {  	v28 =	vld.idx.msk [tilespmem:v29+s21+$0x0], $0xffff  }
0x35c: {  	s22 =	sadd.s32 $0x1B5, s20  }
0x35d: {  	v29 =	vadd.s32 s22, v1;
	_ =	sdelay $0x2  }
0x35e: {  	v28 =	vadd.s32 $0xFFDFF4E0, v28  }
0x35f: {  	[tilespmem:$0x3E80] =	vst v28  }
0x360: {  	v28 =	vld.idx.msk [tilespmem:v29+s21+$0x0], $0xffff  }
0x361: {  	s25 =	sadd.s32 $0x355, s20  }
0x362: {  	v29 =	vadd.s32 s25, v1;
	_ =	sdelay $0x2  }
0x363: {  	v28 =	vadd.s32 $0xFFDFF4E0, v28  }
0x364: {  	[tilespmem:$0x3E90] =	vst v28  }
0x365: {  	v28 =	vld.idx.msk [tilespmem:v29+s21+$0x0], $0xffff  }
0x366: {  	s26 =	sadd.s32 $0x4F5, s20  }
0x367: {  	v29 =	vadd.s32 s26, v1;
	_ =	sdelay $0x2  }
0x368: {  	v28 =	vadd.s32 $0xFFDFF4E0, v28  }
0x369: {  	[tilespmem:$0x3EA0] =	vst v28  }
0x36a: {  	v28 =	vld.idx.msk [tilespmem:v29+s21+$0x0], $0xffff  }
0x36b: {  	s28 =	sadd.s32 $0x695, s20  }
0x36c: {  	v29 =	vadd.s32 s28, v1;
	_ =	sdelay $0x2  }
0x36d: {  	v28 =	vadd.s32 $0xFFDFF4E0, v28  }
0x36e: {  	[tilespmem:$0x3EB0] =	vst v28  }
0x36f: {  	v28 =	vld.idx.msk [tilespmem:v29+s21+$0x0], $0xffff  }
0x370: {  	s18 =	sadd.s32 $0x835, s20  }
0x371: {  	v29 =	vadd.s32 s18, v1;
	_ =	sdelay $0x2  }
0x372: {  	v28 =	vadd.s32 $0xFFDFF4E0, v28  }
0x373: {  	[tilespmem:$0x3EC0] =	vst v28  }
0x374: {  	v28 =	vld.idx.msk [tilespmem:v29+s21+$0x0], $0xffff  }
0x375: {  	s22 =	sadd.s32 $0x9D5, s20  }
0x376: {  	v29 =	vadd.s32 s22, v1;
	_ =	sdelay $0x2  }
0x377: {  	v28 =	vadd.s32 $0xFFDFF4E0, v28  }
0x378: {  	[tilespmem:$0x3ED0] =	vst v28  }
0x379: {  	v28 =	vld.idx.msk [tilespmem:v29+s21+$0x0], $0xffff  }
0x37a: {  	s25 =	sadd.s32 $0xB75, s20  }
0x37b: {  	v29 =	vadd.s32 s25, v1;
	_ =	sdelay $0x2  }
0x37c: {  	v28 =	vadd.s32 $0xFFDFF4E0, v28  }
0x37d: {  	[tilespmem:$0x3EE0] =	vst v28  }
0x37e: {  	v28 =	vld.idx.msk [tilespmem:v29+s21+$0x0], $0xffff  }
0x37f: {  	s26 =	sor.u32 $0x16, s20  }
0x380: {  	v29 =	vadd.s32 s26, v1;
	_ =	sdelay $0x2  }
0x381: {  	v28 =	vadd.s32 $0xFFDFF4E0, v28  }
0x382: {  	[tilespmem:$0x3EF0] =	vst v28  }
0x383: {  	v28 =	vld.idx.msk [tilespmem:v29+s21+$0x0], $0xffff  }
0x384: {  	s28 =	sadd.s32 $0x1B6, s20  }
0x385: {  	v29 =	vadd.s32 s28, v1;
	_ =	sdelay $0x2  }
0x386: {  	v28 =	vadd.s32 $0xFFDE6E40, v28  }
0x387: {  	[tilespmem:$0x3F00] =	vst v28  }
0x388: {  	v28 =	vld.idx.msk [tilespmem:v29+s21+$0x0], $0xffff  }
0x389: {  	s18 =	sadd.s32 $0x356, s20  }
0x38a: {  	v29 =	vadd.s32 s18, v1;
	_ =	sdelay $0x2  }
0x38b: {  	v28 =	vadd.s32 $0xFFDE6E40, v28  }
0x38c: {  	[tilespmem:$0x3F10] =	vst v28  }
0x38d: {  	v28 =	vld.idx.msk [tilespmem:v29+s21+$0x0], $0xffff  }
0x38e: {  	s22 =	sadd.s32 $0x4F6, s20  }
0x38f: {  	v29 =	vadd.s32 s22, v1;
	_ =	sdelay $0x2  }
0x390: {  	v28 =	vadd.s32 $0xFFDE6E40, v28  }
0x391: {  	[tilespmem:$0x3F20] =	vst v28  }
0x392: {  	v28 =	vld.idx.msk [tilespmem:v29+s21+$0x0], $0xffff  }
0x393: {  	s25 =	sadd.s32 $0x696, s20  }
0x394: {  	v29 =	vadd.s32 s25, v1;
	_ =	sdelay $0x2  }
0x395: {  	v28 =	vadd.s32 $0xFFDE6E40, v28  }
0x396: {  	[tilespmem:$0x3F30] =	vst v28  }
0x397: {  	v28 =	vld.idx.msk [tilespmem:v29+s21+$0x0], $0xffff  }
0x398: {  	s26 =	sadd.s32 $0x836, s20  }
0x399: {  	v29 =	vadd.s32 s26, v1;
	_ =	sdelay $0x2  }
0x39a: {  	v28 =	vadd.s32 $0xFFDE6E40, v28  }
0x39b: {  	[tilespmem:$0x3F40] =	vst v28  }
0x39c: {  	v28 =	vld.idx.msk [tilespmem:v29+s21+$0x0], $0xffff  }
0x39d: {  	s28 =	sadd.s32 $0x9D6, s20  }
0x39e: {  	v29 =	vadd.s32 s28, v1;
	_ =	sdelay $0x2  }
0x39f: {  	v28 =	vadd.s32 $0xFFDE6E40, v28  }
0x3a0: {  	[tilespmem:$0x3F50] =	vst v28  }
0x3a1: {  	v28 =	vld.idx.msk [tilespmem:v29+s21+$0x0], $0xffff  }
0x3a2: {  	s18 =	sadd.s32 $0xB76, s20  }
0x3a3: {  	v29 =	vadd.s32 s18, v1;
	_ =	sdelay $0x2  }
0x3a4: {  	v28 =	vadd.s32 $0xFFDE6E40, v28  }
0x3a5: {  	[tilespmem:$0x3F60] =	vst v28  }
0x3a6: {  	v28 =	vld.idx.msk [tilespmem:v29+s21+$0x0], $0xffff  }
0x3a7: {  	s22 =	sor.u32 $0x17, s20  }
0x3a8: {  	v29 =	vadd.s32 s22, v1;
	_ =	sdelay $0x2  }
0x3a9: {  	v28 =	vadd.s32 $0xFFDE6E40, v28  }
0x3aa: {  	[tilespmem:$0x3F70] =	vst v28  }
0x3ab: {  	v28 =	vld.idx.msk [tilespmem:v29+s21+$0x0], $0xffff  }
0x3ac: {  	s25 =	sadd.s32 $0x1B7, s20  }
0x3ad: {  	v29 =	vadd.s32 s25, v1;
	_ =	sdelay $0x2  }
0x3ae: {  	v28 =	vadd.s32 $0xFFDCE7A0, v28  }
0x3af: {  	[tilespmem:$0x3F80] =	vst v28  }
0x3b0: {  	v28 =	vld.idx.msk [tilespmem:v29+s21+$0x0], $0xffff  }
0x3b1: {  	s26 =	sadd.s32 $0x357, s20  }
0x3b2: {  	v29 =	vadd.s32 s26, v1;
	_ =	sdelay $0x2  }
0x3b3: {  	v28 =	vadd.s32 $0xFFDCE7A0, v28  }
0x3b4: {  	[tilespmem:$0x3F90] =	vst v28  }
0x3b5: {  	v28 =	vld.idx.msk [tilespmem:v29+s21+$0x0], $0xffff  }
0x3b6: {  	s28 =	sadd.s32 $0x4F7, s20  }
0x3b7: {  	v29 =	vadd.s32 s28, v1;
	_ =	sdelay $0x2  }
0x3b8: {  	v28 =	vadd.s32 $0xFFDCE7A0, v28  }
0x3b9: {  	[tilespmem:$0x3FA0] =	vst v28  }
0x3ba: {  	v28 =	vld.idx.msk [tilespmem:v29+s21+$0x0], $0xffff  }
0x3bb: {  	s18 =	sadd.s32 $0x697, s20  }
0x3bc: {  	v29 =	vadd.s32 s18, v1;
	_ =	sdelay $0x2  }
0x3bd: {  	v28 =	vadd.s32 $0xFFDCE7A0, v28  }
0x3be: {  	[tilespmem:$0x3FB0] =	vst v28  }
0x3bf: {  	v28 =	vld.idx.msk [tilespmem:v29+s21+$0x0], $0xffff  }
0x3c0: {  	s22 =	sadd.s32 $0x837, s20  }
0x3c1: {  	v29 =	vadd.s32 s22, v1;
	_ =	sdelay $0x2  }
0x3c2: {  	v28 =	vadd.s32 $0xFFDCE7A0, v28  }
0x3c3: {  	[tilespmem:$0x3FC0] =	vst v28  }
0x3c4: {  	v28 =	vld.idx.msk [tilespmem:v29+s21+$0x0], $0xffff  }
0x3c5: {  	s25 =	sadd.s32 $0x9D7, s20  }
0x3c6: {  	v29 =	vadd.s32 s25, v1;
	_ =	sdelay $0x2  }
0x3c7: {  	v28 =	vadd.s32 $0xFFDCE7A0, v28  }
0x3c8: {  	[tilespmem:$0x3FD0] =	vst v28  }
0x3c9: {  	v28 =	vld.idx.msk [tilespmem:v29+s21+$0x0], $0xffff  }
0x3ca: {  	s26 =	sadd.s32 $0xB77, s20  }
0x3cb: {  	v29 =	vadd.s32 s26, v1;
	_ =	sdelay $0x2  }
0x3cc: {  	v28 =	vadd.s32 $0xFFDCE7A0, v28  }
0x3cd: {  	s28 =	sor.u32 $0x18, s20;
	[tilespmem:$0x3FE0] =	vst v28  }
0x3ce: {  	v28 =	vld.idx.msk [tilespmem:v29+s21+$0x0], $0xffff;
	v29 =	vadd.s32 s28, v1  }
0x3cf: {  	v29 =	vand.u32 $0x7FF8, v29  }
0x3d0: {  	v29 =	vor.u32 v2, v29;
	_ =	sdelay $0x2  }
0x3d1: {  	v28 =	vadd.s32 $0xFFDCE7A0, v28  }
0x3d2: {  	s18 =	sadd.s32 $0x1B8, s20;
	[tilespmem:$0x3FF0] =	vst v28  }
0x3d3: {  	v28 =	vld.idx.msk [tilespmem:v29+s21+$0x0], $0xffff;
	v29 =	vadd.s32 s18, v1  }
0x3d4: {  	v29 =	vand.u32 $0xFFF8, v29  }
0x3d5: {  	v29 =	vor.u32 v2, v29;
	_ =	sdelay $0x2  }
0x3d6: {  	v28 =	vadd.s32 $0xFFDB6100, v28  }
0x3d7: {  	s22 =	sadd.s32 $0x358, s20;
	[tilespmem:$0x4000] =	vst v28  }
0x3d8: {  	v28 =	vld.idx.msk [tilespmem:v29+s21+$0x0], $0xffff;
	v29 =	vadd.s32 s22, v1  }
0x3d9: {  	v29 =	vand.u32 $0xFFF8, v29  }
0x3da: {  	v29 =	vor.u32 v2, v29;
	_ =	sdelay $0x2  }
0x3db: {  	v28 =	vadd.s32 $0xFFDB6100, v28  }
0x3dc: {  	s25 =	sadd.s32 $0x4F8, s20;
	[tilespmem:$0x4010] =	vst v28  }
0x3dd: {  	v28 =	vld.idx.msk [tilespmem:v29+s21+$0x0], $0xffff;
	v29 =	vadd.s32 s25, v1  }
0x3de: {  	v29 =	vand.u32 $0xFFF8, v29  }
0x3df: {  	v29 =	vor.u32 v2, v29;
	_ =	sdelay $0x2  }
0x3e0: {  	v28 =	vadd.s32 $0xFFDB6100, v28  }
0x3e1: {  	s26 =	sadd.s32 $0x698, s20;
	[tilespmem:$0x4020] =	vst v28  }
0x3e2: {  	v28 =	vld.idx.msk [tilespmem:v29+s21+$0x0], $0xffff;
	v29 =	vadd.s32 s26, v1  }
0x3e3: {  	v29 =	vand.u32 $0xFFF8, v29  }
0x3e4: {  	v29 =	vor.u32 v2, v29;
	_ =	sdelay $0x2  }
0x3e5: {  	v28 =	vadd.s32 $0xFFDB6100, v28  }
0x3e6: {  	s28 =	sadd.s32 $0x838, s20;
	[tilespmem:$0x4030] =	vst v28  }
0x3e7: {  	v28 =	vld.idx.msk [tilespmem:v29+s21+$0x0], $0xffff;
	v29 =	vadd.s32 s28, v1  }
0x3e8: {  	v29 =	vand.u32 $0xFFF8, v29  }
0x3e9: {  	v29 =	vor.u32 v2, v29;
	_ =	sdelay $0x2  }
0x3ea: {  	v28 =	vadd.s32 $0xFFDB6100, v28  }
0x3eb: {  	s18 =	sadd.s32 $0x9D8, s20;
	[tilespmem:$0x4040] =	vst v28  }
0x3ec: {  	v28 =	vld.idx.msk [tilespmem:v29+s21+$0x0], $0xffff;
	v29 =	vadd.s32 s18, v1  }
0x3ed: {  	v29 =	vand.u32 $0xFFF8, v29  }
0x3ee: {  	v29 =	vor.u32 v2, v29;
	_ =	sdelay $0x2  }
0x3ef: {  	v28 =	vadd.s32 $0xFFDB6100, v28  }
0x3f0: {  	s22 =	sadd.s32 $0xB78, s20;
	[tilespmem:$0x4050] =	vst v28  }
0x3f1: {  	v28 =	vld.idx.msk [tilespmem:v29+s21+$0x0], $0xffff;
	v29 =	vadd.s32 s22, v1  }
0x3f2: {  	v29 =	vand.u32 $0xFFF8, v29  }
0x3f3: {  	v29 =	vor.u32 v2, v29;
	_ =	sdelay $0x2  }
0x3f4: {  	v28 =	vadd.s32 $0xFFDB6100, v28  }
0x3f5: {  	[tilespmem:$0x4060] =	vst v28  }
0x3f6: {  	v28 =	vld.idx.msk [tilespmem:v29+s21+$0x0], $0xffff  }
0x3f7: {  	s25 =	sor.u32 $0x19, s20  }
0x3f8: {  	v29 =	vadd.s32 s25, v1;
	_ =	sdelay $0x2  }
0x3f9: {  	v28 =	vadd.s32 $0xFFDB6100, v28  }
0x3fa: {  	[tilespmem:$0x4070] =	vst v28  }
0x3fb: {  	v28 =	vld.idx.msk [tilespmem:v29+s21+$0x0], $0xffff  }
0x3fc: {  	s26 =	sadd.s32 $0x1B9, s20  }
0x3fd: {  	v29 =	vadd.s32 s26, v1;
	_ =	sdelay $0x2  }
0x3fe: {  	v28 =	vadd.s32 $0xFFD9DA60, v28  }
0x3ff: {  	[tilespmem:$0x4080] =	vst v28  }
0x400: {  	v28 =	vld.idx.msk [tilespmem:v29+s21+$0x0], $0xffff  }
0x401: {  	s28 =	sadd.s32 $0x359, s20  }
0x402: {  	v29 =	vadd.s32 s28, v1;
	_ =	sdelay $0x2  }
0x403: {  	v28 =	vadd.s32 $0xFFD9DA60, v28  }
0x404: {  	[tilespmem:$0x4090] =	vst v28  }
0x405: {  	v28 =	vld.idx.msk [tilespmem:v29+s21+$0x0], $0xffff  }
0x406: {  	s18 =	sadd.s32 $0x4F9, s20  }
0x407: {  	v29 =	vadd.s32 s18, v1;
	_ =	sdelay $0x2  }
0x408: {  	v28 =	vadd.s32 $0xFFD9DA60, v28  }
0x409: {  	[tilespmem:$0x40A0] =	vst v28  }
0x40a: {  	v28 =	vld.idx.msk [tilespmem:v29+s21+$0x0], $0xffff  }
0x40b: {  	s22 =	sadd.s32 $0x699, s20  }
0x40c: {  	v29 =	vadd.s32 s22, v1;
	_ =	sdelay $0x2  }
0x40d: {  	v28 =	vadd.s32 $0xFFD9DA60, v28  }
0x40e: {  	[tilespmem:$0x40B0] =	vst v28  }
0x40f: {  	v28 =	vld.idx.msk [tilespmem:v29+s21+$0x0], $0xffff  }
0x410: {  	s25 =	sadd.s32 $0x839, s20  }
0x411: {  	v29 =	vadd.s32 s25, v1;
	_ =	sdelay $0x2  }
0x412: {  	v28 =	vadd.s32 $0xFFD9DA60, v28  }
0x413: {  	[tilespmem:$0x40C0] =	vst v28  }
0x414: {  	v28 =	vld.idx.msk [tilespmem:v29+s21+$0x0], $0xffff  }
0x415: {  	s26 =	sadd.s32 $0x9D9, s20  }
0x416: {  	v29 =	vadd.s32 s26, v1;
	_ =	sdelay $0x2  }
0x417: {  	v28 =	vadd.s32 $0xFFD9DA60, v28  }
0x418: {  	[tilespmem:$0x40D0] =	vst v28  }
0x419: {  	v28 =	vld.idx.msk [tilespmem:v29+s21+$0x0], $0xffff  }
0x41a: {  	s28 =	sadd.s32 $0xB79, s20  }
0x41b: {  	v29 =	vadd.s32 s28, v1;
	_ =	sdelay $0x2  }
0x41c: {  	v28 =	vadd.s32 $0xFFD9DA60, v28  }
0x41d: {  	[tilespmem:$0x40E0] =	vst v28  }
0x41e: {  	v28 =	vld.idx.msk [tilespmem:v29+s21+$0x0], $0xffff;
	_ =	sdelay $0x3  }
0x41f: {  	s18 =	sand.u32 $0x3E00, s21  }
0x420: {  	s18 =	sshrl.u32 s18, $0x2;
	v28 =	vadd.s32 $0xFFD9DA60, v28  }
0x421: {  	s17 =	simm.s32 $0x4100;
	s18 =	sadd.s32 $0x3400, s18;
	[tilespmem:$0x40F0] =	vst v28  }
0x422: {  	[tilespmem:s17], [sflag:$0x1] =	stream.indirect.gather [hbm4b:s4+s12], $0x1, s18, s12, $0xb8;
	[tilespmem:$0x15E00] =	vst v63  }
0x423: {  	s21 =	smov.u32 s4;
	s18 =	simm.s32 $0x20  }
.LBB2_3:
0x424: {  	p0 =	seq.s32 s18, $0x33E0  }
.Ltmp0:
0x425: {  	_ = 	snop;
	(pc) =	sbr.rel @!p0 .LBB2_3-.Ltmp0, $4  }
0x426: {  	s22 =	sand.u32 $0x3E00, s18  }
0x427: {  	s18 =	sadd.s32 $0x20, s18;
	s22 =	sshrl.u32 s22, $0x2  }
0x428: {  	s17 =	sadd.s32 $0x80, s17;
	s21 =	sadd.s32 $0x30D4, s21;
	s22 =	sadd.s32 $0x3400, s22  }
0x429: {  	[tilespmem:s17], [sflag:$0x1] =	stream.indirect.gather [hbm4b:s21+s12], $0x1, s22, s12, $0xb8;
	[tilespmem:$0x15E00] =	vst v63  }
0x42a: {  	s17 =	smul.u32 $0x3400, s19;
	_ =	sdelay $0x1  }
0x42b: {  	s17 =	sshra.s32 s17, $0x2  }
0x42c: {  	[tilespmem:s13], [sflag:$0x1] =	stream.indirect.gather [hbm4b:s5+s12], $0x1, s17, s12, $0xb8;
	[tilespmem:$0x15E00] =	vst v63  }
0x42d: {  	s21 =	simm.s32 $0x11180;
	s18 =	sor.u32 $0x80, s17  }
0x42e: {  	[tilespmem:s21], [sflag:$0x1] =	stream.indirect.gather [hbm4b:s5+s12], $0x1, s18, s12, $0xb8;
	[tilespmem:$0x15E00] =	vst v63  }
0x42f: {  	s28 =	simm.s32 $0x11200;
	s26 =	sadd.s32 $0x100, s17  }
0x430: {  	[tilespmem:s28], [sflag:$0x1] =	stream.indirect.gather [hbm4b:s5+s12], $0x1, s26, s12, $0xb8;
	[tilespmem:$0x15E00] =	vst v63  }
0x431: {  	s25 =	simm.s32 $0x11280;
	s22 =	sadd.s32 $0x180, s17  }
0x432: {  	[tilespmem:s25], [sflag:$0x1] =	stream.indirect.gather [hbm4b:s5+s12], $0x1, s22, s12, $0xb8;
	[tilespmem:$0x15E00] =	vst v63  }
0x433: {  	s26 =	sadd.s32 $0x200, s17;
	s28 =	simm.s32 $0x11300  }
0x434: {  	[tilespmem:s28], [sflag:$0x1] =	stream.indirect.gather [hbm4b:s5+s12], $0x1, s26, s12, $0xb8;
	[tilespmem:$0x15E00] =	vst v63  }
0x435: {  	s22 =	sadd.s32 $0x280, s17;
	s25 =	simm.s32 $0x11380  }
0x436: {  	[tilespmem:s25], [sflag:$0x1] =	stream.indirect.gather [hbm4b:s5+s12], $0x1, s22, s12, $0xb8;
	[tilespmem:$0x15E00] =	vst v63  }
0x437: {  	s26 =	sadd.s32 $0x300, s17;
	s28 =	simm.s32 $0x11400  }
0x438: {  	[tilespmem:s28], [sflag:$0x1] =	stream.indirect.gather [hbm4b:s5+s12], $0x1, s26, s12, $0xb8;
	[tilespmem:$0x15E00] =	vst v63  }
0x439: {  	s22 =	sadd.s32 $0x380, s17;
	s25 =	simm.s32 $0x11480  }
0x43a: {  	[tilespmem:s25], [sflag:$0x1] =	stream.indirect.gather [hbm4b:s5+s12], $0x1, s22, s12, $0xb8;
	[tilespmem:$0x15E00] =	vst v63  }
0x43b: {  	s26 =	sadd.s32 $0x400, s17;
	s28 =	simm.s32 $0x11500  }
0x43c: {  	[tilespmem:s28], [sflag:$0x1] =	stream.indirect.gather [hbm4b:s5+s12], $0x1, s26, s12, $0xb8;
	[tilespmem:$0x15E00] =	vst v63  }
0x43d: {  	s22 =	sadd.s32 $0x480, s17;
	s25 =	simm.s32 $0x11580  }
0x43e: {  	[tilespmem:s25], [sflag:$0x1] =	stream.indirect.gather [hbm4b:s5+s12], $0x1, s22, s12, $0xb8;
	[tilespmem:$0x15E00] =	vst v63  }
0x43f: {  	s26 =	sadd.s32 $0x500, s17;
	s28 =	simm.s32 $0x11600  }
0x440: {  	[tilespmem:s28], [sflag:$0x1] =	stream.indirect.gather [hbm4b:s5+s12], $0x1, s26, s12, $0xb8;
	[tilespmem:$0x15E00] =	vst v63  }
0x441: {  	s22 =	sadd.s32 $0x580, s17;
	s25 =	simm.s32 $0x11680  }
0x442: {  	[tilespmem:s25], [sflag:$0x1] =	stream.indirect.gather [hbm4b:s5+s12], $0x1, s22, s12, $0xb8;
	[tilespmem:$0x15E00] =	vst v63  }
0x443: {  	s26 =	sadd.s32 $0x600, s17;
	s28 =	simm.s32 $0x11700  }
0x444: {  	[tilespmem:s28], [sflag:$0x1] =	stream.indirect.gather [hbm4b:s5+s12], $0x1, s26, s12, $0xb8;
	[tilespmem:$0x15E00] =	vst v63  }
0x445: {  	s22 =	sadd.s32 $0x680, s17;
	s25 =	simm.s32 $0x11780  }
0x446: {  	[tilespmem:s25], [sflag:$0x1] =	stream.indirect.gather [hbm4b:s5+s12], $0x1, s22, s12, $0xb8;
	[tilespmem:$0x15E00] =	vst v63  }
0x447: {  	s26 =	sadd.s32 $0x700, s17;
	s28 =	simm.s32 $0x11800  }
0x448: {  	[tilespmem:s28], [sflag:$0x1] =	stream.indirect.gather [hbm4b:s5+s12], $0x1, s26, s12, $0xb8;
	[tilespmem:$0x15E00] =	vst v63  }
0x449: {  	s21 =	sadd.s32 $0x780, s17  }
0x44a: {  	[tilespmem:s29], [sflag:$0x1] =	stream.indirect.gather [hbm4b:s5+s12], $0x1, s21, s12, $0xb8;
	[tilespmem:$0x15E00] =	vst v63  }
0x44b: {  	s22 =	sadd.s32 $0x800, s17  }
0x44c: {  	[tilespmem:s30], [sflag:$0x1] =	stream.indirect.gather [hbm4b:s5+s12], $0x1, s22, s12, $0xb8;
	[tilespmem:$0x15E00] =	vst v63  }
0x44d: {  	s25 =	sadd.s32 $0x880, s17  }
0x44e: {  	[tilespmem:s31], [sflag:$0x1] =	stream.indirect.gather [hbm4b:s5+s12], $0x1, s25, s12, $0xb8;
	[tilespmem:$0x15E00] =	vst v63  }
0x44f: {  	s26 =	sadd.s32 $0x900, s17  }
0x450: {  	[tilespmem:s0], [sflag:$0x1] =	stream.indirect.gather [hbm4b:s5+s12], $0x1, s26, s12, $0xb8;
	[tilespmem:$0x15E00] =	vst v63  }
0x451: {  	s28 =	sadd.s32 $0x980, s17  }
0x452: {  	[tilespmem:s1], [sflag:$0x1] =	stream.indirect.gather [hbm4b:s5+s12], $0x1, s28, s12, $0xb8;
	[tilespmem:$0x15E00] =	vst v63  }
0x453: {  	s21 =	sadd.s32 $0xA00, s17  }
0x454: {  	[tilespmem:s7], [sflag:$0x1] =	stream.indirect.gather [hbm4b:s5+s12], $0x1, s21, s12, $0xb8;
	[tilespmem:$0x15E00] =	vst v63  }
0x455: {  	s22 =	sadd.s32 $0xA80, s17  }
0x456: {  	[tilespmem:s8], [sflag:$0x1] =	stream.indirect.gather [hbm4b:s5+s12], $0x1, s22, s12, $0xb8;
	[tilespmem:$0x15E00] =	vst v63  }
0x457: {  	s25 =	sadd.s32 $0xB00, s17  }
0x458: {  	[tilespmem:s9], [sflag:$0x1] =	stream.indirect.gather [hbm4b:s5+s12], $0x1, s25, s12, $0xb8;
	[tilespmem:$0x15E00] =	vst v63  }
0x459: {  	s26 =	sadd.s32 $0xB80, s17  }
0x45a: {  	[tilespmem:s10], [sflag:$0x1] =	stream.indirect.gather [hbm4b:s5+s12], $0x1, s26, s12, $0xb8;
	[tilespmem:$0x15E00] =	vst v63  }
0x45b: {  	s28 =	sadd.s32 $0xC00, s17  }
0x45c: {  	[tilespmem:s2], [sflag:$0x1] =	stream.indirect.gather [hbm4b:s5+s12], $0x1, s28, s12, $0xb8;
	[tilespmem:$0x15E00] =	vst v63  }
0x45d: {  	s17 =	sadd.s32 $0xC80, s17  }
0x45e: {  	[tilespmem:s14], [sflag:$0x1] =	stream.indirect.gather [hbm4b:s5+s12], $0x1, s17, s12, $0xb8;
	[tilespmem:$0x15E00] =	vst v63  }
0x45f: {  	_ =	swait.ge [sflag:s15], $0x80  }
0x460: {  	s17 =	simm.s32 $0x1B9;
	[sflag:s15] =	ssyncset.done $0x0  }
.LBB2_5:
0x461: {  	p0 =	sne.s32 s17, $0x1;
	s17 =	sadd.s32 $0xFFFFFFFF, s17;
	[sflag:s15] =	ssyncadd.s32 $0xFFFFFF80  }
.Ltmp1:
0x462: {  	(pc) =	sbr.rel @p0 .LBB2_5-.Ltmp1, $3  }
0x463: {  	_ =	sdelay $0x1  }
0x464: {  	_ =	swait.ge [sflag:s15], $0x80  }
0x465: {  	[sflag:s15] =	ssyncset.done $0x0  }
0x466: {  	s17 =	sadd.s32 s3, s20  }
0x467: {  	s28 =	simm.s32 $0x0;
	s18 =	sshrl.u32 s17, $0x3  }
0x468: {  	[sflag:s15] =	ssyncadd.s32 $0xFFFFFF80;
	v28 =	vor.u32 s28, v0;
	s18 =	sadd.s32 s6, s18  }
0x469: {  	v29 =	vor.u32 s28, v3;
	[hbm4b:s18+s28] =	stream.linear.scatter [tilespmem:s13], [sflag:$0x2], $0xD00, $0x38;
	[tilespmem:$0x15E00] =	vst v63  }
0x46a: {  	_ =	swait.ge [sflag:s11], $0xD00  }
0x46b: {  	v30 =	vor.u32 s28, v4;
	[sflag:s11] =	ssyncset.done $0x0  }
0x46c: {  	[sflag:s11] =	ssyncadd.s32 $0xFFFFF300  }
0x46d: {  	v31 =	vor.u32 s28, v5;
	v28 =	vld.idx.msk [tilespmem:v28+s16+$0x0], $0xffff  }
0x46e: {  	v29 =	vld.idx.msk [tilespmem:v29+s16+$0x0], $0xffff  }
0x46f: {  	v32 =	vor.u32 s28, v6  }
0x470: {  	v30 =	vld.idx.msk [tilespmem:v30+s16+$0x0], $0xffff  }
0x471: {  	v33 =	vor.u32 s28, v7  }
0x472: {  	v31 =	vld.idx.msk [tilespmem:v31+s16+$0x0], $0xffff  }
0x473: {  	v34 =	vor.u32 s28, v8;
	v35 =	vmul.f32 v28, v28;
	v28 =	vadd.f32 v29, v28  }
0x474: {  	v32 =	vld.idx.msk [tilespmem:v32+s16+$0x0], $0xffff;
	v29 =	vmul.f32 v29, v29  }
0x475: {  	v36 =	vor.u32 s28, v9;
	v28 =	vadd.f32 v30, v28  }
0x476: {  	v37 =	vmul.f32 v30, v30;
	v29 =	vadd.f32 v29, v35;
	v30 =	vld.idx.msk [tilespmem:v33+s16+$0x0], $0xffff  }
0x477: {  	v48 =	vor.u32 s28, v10;
	v28 =	vadd.f32 v31, v28  }
0x478: {  	v49 =	vmul.f32 v31, v31;
	v29 =	vadd.f32 v37, v29;
	v31 =	vld.idx.msk [tilespmem:v34+s16+$0x0], $0xffff  }
0x479: {  	v50 =	vor.u32 s28, v11;
	v28 =	vadd.f32 v32, v28  }
0x47a: {  	v53 =	vld.idx.msk [tilespmem:v36+s16+$0x0], $0xffff;
	v51 =	vmul.f32 v32, v32;
	v29 =	vadd.f32 v49, v29  }
0x47b: {  	v52 =	vor.u32 s28, v12;
	v28 =	vadd.f32 v30, v28  }
0x47c: {  	v33 =	vld.idx.msk [tilespmem:v48+s16+$0x0], $0xffff;
	v54 =	vmul.f32 v30, v30;
	v29 =	vadd.f32 v51, v29  }
0x47d: {  	v30 =	vor.u32 s28, v13;
	v28 =	vadd.f32 v31, v28  }
0x47e: {  	v55 =	vmul.f32 v31, v31;
	v29 =	vadd.f32 v54, v29;
	v31 =	vld.idx.msk [tilespmem:v50+s16+$0x0], $0xffff  }
0x47f: {  	v56 =	vor.u32 s28, v14;
	v28 =	vadd.f32 v53, v28  }
0x480: {  	v57 =	vmul.f32 v53, v53;
	v32 =	vld.idx.msk [tilespmem:v52+s16+$0x0], $0xffff;
	v29 =	vadd.f32 v55, v29  }
0x481: {  	v58 =	vor.u32 s28, v15;
	v28 =	vadd.f32 v33, v28  }
0x482: {  	v59 =	vmul.f32 v33, v33;
	v30 =	vld.idx.msk [tilespmem:v30+s16+$0x0], $0xffff;
	v29 =	vadd.f32 v57, v29  }
0x483: {  	v60 =	vor.u32 s28, v16;
	v28 =	vadd.f32 v31, v28  }
0x484: {  	v61 =	vmul.f32 v31, v31;
	v29 =	vadd.f32 v59, v29;
	v31 =	vld.idx.msk [tilespmem:v56+s16+$0x0], $0xffff  }
0x485: {  	v62 =	vor.u32 s28, v17;
	v28 =	vadd.f32 v32, v28  }
0x486: {  	v40 =	vld.idx.msk [tilespmem:v58+s16+$0x0], $0xffff;
	v63 =	vmul.f32 v32, v32;
	v29 =	vadd.f32 v61, v29  }
0x487: {  	v41 =	vor.u32 s28, v18;
	v28 =	vadd.f32 v30, v28  }
0x488: {  	v42 =	vmul.f32 v30, v30;
	v29 =	vadd.f32 v63, v29;
	v30 =	vld.idx.msk [tilespmem:v60+s16+$0x0], $0xffff  }
0x489: {  	v43 =	vor.u32 s28, v19;
	v28 =	vadd.f32 v31, v28  }
0x48a: {  	v44 =	vmul.f32 v31, v31;
	v29 =	vadd.f32 v42, v29;
	v31 =	vld.idx.msk [tilespmem:v62+s16+$0x0], $0xffff  }
0x48b: {  	v45 =	vor.u32 s28, v20;
	v28 =	vadd.f32 v40, v28  }
0x48c: {  	v46 =	vmul.f32 v40, v40;
	v35 =	vld.idx.msk [tilespmem:v41+s16+$0x0], $0xffff;
	v29 =	vadd.f32 v44, v29  }
0x48d: {  	v47 =	vor.u32 s28, v21;
	v28 =	vadd.f32 v30, v28  }
0x48e: {  	v33 =	vld.idx.msk [tilespmem:v43+s16+$0x0], $0xffff;
	v48 =	vmul.f32 v30, v30;
	v29 =	vadd.f32 v46, v29  }
0x48f: {  	v30 =	vor.u32 s28, v22;
	v28 =	vadd.f32 v31, v28  }
0x490: {  	v49 =	vmul.f32 v31, v31;
	v29 =	vadd.f32 v48, v29;
	v31 =	vld.idx.msk [tilespmem:v45+s16+$0x0], $0xffff  }
0x491: {  	v50 =	vor.u32 s28, v23;
	v28 =	vadd.f32 v35, v28  }
0x492: {  	v51 =	vmul.f32 v35, v35;
	v32 =	vld.idx.msk [tilespmem:v47+s16+$0x0], $0xffff;
	v29 =	vadd.f32 v49, v29  }
0x493: {  	v28 =	vadd.f32 v33, v28  }
0x494: {  	v52 =	vor.u32 s28, v24;
	v53 =	vmul.f32 v33, v33;
	v30 =	vld.idx.msk [tilespmem:v30+s16+$0x0], $0xffff;
	v29 =	vadd.f32 v51, v29  }
0x495: {  	v28 =	vadd.f32 v31, v28  }
0x496: {  	v55 =	vmul.f32 v31, v31;
	v29 =	vadd.f32 v53, v29;
	v31 =	vld.idx.msk [tilespmem:v50+s16+$0x0], $0xffff  }
0x497: {  	v54 =	vor.u32 s28, v25;
	v28 =	vadd.f32 v32, v28  }
0x498: {  	v57 =	vmul.f32 v32, v32;
	v29 =	vadd.f32 v55, v29  }
0x499: {  	v58 =	vld.idx.msk [tilespmem:v52+s16+$0x0], $0xffff;
	v56 =	vor.u32 s28, v26;
	v28 =	vadd.f32 v30, v28  }
0x49a: {  	v59 =	vmul.f32 v30, v30;
	v29 =	vadd.f32 v57, v29  }
0x49b: {  	v60 =	vmul.f32 v31, v31;
	v28 =	vadd.f32 v31, v28;
	v31 =	vor.u32 s28, v27  }
0x49c: {  	v30 =	vld.idx.msk [tilespmem:v54+s16+$0x0], $0xffff;
	v29 =	vadd.f32 v59, v29;
	_ =	sdelay $0x1  }
0x49d: {  	v61 =	vmul.f32 v58, v58;
	v34 =	vld.idx.msk [tilespmem:v56+s16+$0x0], $0xffff;
	v29 =	vadd.f32 v60, v29  }
0x49e: {  	v28 =	vadd.f32 v58, v28  }
0x49f: {  	v33 =	vadd.f32 v61, v29;
	v29 =	vld.idx.msk [tilespmem:v31+s16+$0x0], $0xffff  }
0x4a0: {  	s22 =	simm.s32 $0x1;
	v62 =	vmul.f32 v30, v30;
	v63 =	vadd.f32 v30, v28  }
0x4a1: {  	s25 =	simm.s32 $0x2;
	s20 =	smov.u32 s24;
	v28 =	vor.u32 s22, v3  }
0x4a2: {  	s21 =	smov.u32 s23;
	s17 =	smov.u32 s23;
	s18 =	smov.u32 s24;
	v30 =	vmul.f32 v34, v34;
	v31 =	vadd.f32 v62, v33;
	v32 =	vadd.f32 v34, v63  }
.LBB2_7:
0x4a3: {  	s20 =	sadd.s32 $0x10, s20  }
0x4a4: {  	v33 =	vmul.f32 v29, v29;
	s21 =	sadd.s32 $0x10, s21;
	s26 =	smov.u32 s25;
	s28 =	sadd.s32 $0x1, s25  }
0x4a5: {  	p0 =	sne.s32 s25, $0x7F;
	v34 =	vor.u32 s22, v0;
	v30 =	vadd.f32 v30, v31;
	v29 =	vadd.f32 v29, v32;
	_ =	sdelay $0x1  }
0x4a6: {  	v31 =	vor.u32 s22, v4;
	v30 =	vadd.f32 v33, v30;
	[tilespmem:s17+$0x0] =	vst v29;
	s17 =	smov.u32 s21  }
0x4a7: {  	v29 =	vor.u32 s22, v5  }
0x4a8: {  	v32 =	vor.u32 s22, v7;
	[tilespmem:s18+$0x0] =	vst v30;
	s18 =	smov.u32 s20  }
0x4a9: {  	v33 =	vor.u32 s22, v6;
	v30 =	vld.idx.msk [tilespmem:v34+s16+$0x0], $0xffff  }
0x4aa: {  	v34 =	vor.u32 s22, v8;
	v28 =	vld.idx.msk [tilespmem:v28+s16+$0x0], $0xffff  }
0x4ab: {  	v31 =	vld.idx.msk [tilespmem:v31+s16+$0x0], $0xffff  }
0x4ac: {  	v29 =	vld.idx.msk [tilespmem:v29+s16+$0x0], $0xffff  }
0x4ad: {  	v32 =	vld.idx.msk [tilespmem:v32+s16+$0x0], $0xffff  }
0x4ae: {  	v33 =	vld.idx.msk [tilespmem:v33+s16+$0x0], $0xffff  }
0x4af: {  	v36 =	vor.u32 s22, v9;
	v35 =	vmul.f32 v30, v30;
	v34 =	vld.idx.msk [tilespmem:v34+s16+$0x0], $0xffff  }
0x4b0: {  	v37 =	vor.u32 s22, v11;
	v30 =	vadd.f32 v28, v30;
	v28 =	vmul.f32 v28, v28  }
0x4b1: {  	v39 =	vor.u32 s22, v10;
	v38 =	vmul.f32 v31, v31  }
0x4b2: {  	v28 =	vadd.f32 v28, v35;
	v30 =	vadd.f32 v31, v30;
	v31 =	vor.u32 s22, v12  }
0x4b3: {  	v35 =	vmul.f32 v29, v29  }
0x4b4: {  	v28 =	vadd.f32 v38, v28;
	v29 =	vadd.f32 v29, v30;
	v30 =	vld.idx.msk [tilespmem:v36+s16+$0x0], $0xffff;
	v36 =	vor.u32 s22, v13  }
0x4b5: {  	v38 =	vmul.f32 v33, v33;
	v37 =	vld.idx.msk [tilespmem:v37+s16+$0x0], $0xffff  }
0x4b6: {  	v28 =	vadd.f32 v35, v28;
	v29 =	vadd.f32 v33, v29;
	v35 =	vor.u32 s22, v14;
	v33 =	vld.idx.msk [tilespmem:v39+s16+$0x0], $0xffff  }
0x4b7: {  	v39 =	vmul.f32 v32, v32;
	v31 =	vld.idx.msk [tilespmem:v31+s16+$0x0], $0xffff  }
0x4b8: {  	v28 =	vadd.f32 v38, v28;
	v29 =	vadd.f32 v32, v29  }
0x4b9: {  	v32 =	vmul.f32 v34, v34;
	v36 =	vld.idx.msk [tilespmem:v36+s16+$0x0], $0xffff  }
0x4ba: {  	v28 =	vadd.f32 v39, v28;
	v29 =	vadd.f32 v34, v29  }
0x4bb: {  	v34 =	vmul.f32 v30, v30;
	v35 =	vld.idx.msk [tilespmem:v35+s16+$0x0], $0xffff  }
0x4bc: {  	v28 =	vadd.f32 v32, v28;
	v29 =	vadd.f32 v30, v29;
	v30 =	vor.u32 s22, v15  }
0x4bd: {  	v32 =	vmul.f32 v33, v33  }
0x4be: {  	v28 =	vadd.f32 v34, v28;
	v29 =	vadd.f32 v33, v29;
	v33 =	vor.u32 s22, v16  }
0x4bf: {  	v34 =	vmul.f32 v37, v37  }
0x4c0: {  	v28 =	vadd.f32 v32, v28;
	v29 =	vadd.f32 v37, v29;
	v32 =	vor.u32 s22, v17  }
0x4c1: {  	v37 =	vmul.f32 v31, v31;
	v30 =	vld.idx.msk [tilespmem:v30+s16+$0x0], $0xffff  }
0x4c2: {  	v28 =	vadd.f32 v34, v28;
	v29 =	vadd.f32 v31, v29;
	v31 =	vor.u32 s22, v18  }
0x4c3: {  	v38 =	vor.u32 s22, v19;
	v34 =	vmul.f32 v36, v36;
	v33 =	vld.idx.msk [tilespmem:v33+s16+$0x0], $0xffff  }
0x4c4: {  	v28 =	vadd.f32 v37, v28;
	v29 =	vadd.f32 v36, v29;
	v36 =	vor.u32 s22, v21  }
0x4c5: {  	v39 =	vor.u32 s22, v20;
	v37 =	vmul.f32 v35, v35;
	v32 =	vld.idx.msk [tilespmem:v32+s16+$0x0], $0xffff  }
0x4c6: {  	v28 =	vadd.f32 v34, v28;
	v29 =	vadd.f32 v35, v29;
	v34 =	vor.u32 s22, v22  }
0x4c7: {  	v35 =	vmul.f32 v30, v30;
	v31 =	vld.idx.msk [tilespmem:v31+s16+$0x0], $0xffff  }
0x4c8: {  	v28 =	vadd.f32 v37, v28;
	v29 =	vadd.f32 v30, v29;
	v30 =	vld.idx.msk [tilespmem:v38+s16+$0x0], $0xffff  }
0x4c9: {  	v37 =	vmul.f32 v33, v33;
	v36 =	vld.idx.msk [tilespmem:v36+s16+$0x0], $0xffff  }
0x4ca: {  	v28 =	vadd.f32 v35, v28;
	v29 =	vadd.f32 v33, v29;
	v33 =	vld.idx.msk [tilespmem:v39+s16+$0x0], $0xffff  }
0x4cb: {  	v35 =	vmul.f32 v32, v32;
	v34 =	vld.idx.msk [tilespmem:v34+s16+$0x0], $0xffff  }
0x4cc: {  	v28 =	vadd.f32 v37, v28;
	v29 =	vadd.f32 v32, v29;
	v32 =	vor.u32 s22, v23  }
0x4cd: {  	v37 =	vmul.f32 v31, v31  }
0x4ce: {  	v28 =	vadd.f32 v35, v28;
	v29 =	vadd.f32 v31, v29;
	v31 =	vor.u32 s22, v24  }
0x4cf: {  	v35 =	vmul.f32 v30, v30  }
0x4d0: {  	v28 =	vadd.f32 v37, v28;
	v29 =	vadd.f32 v30, v29;
	v30 =	vor.u32 s22, v25  }
0x4d1: {  	v37 =	vmul.f32 v33, v33;
	v32 =	vld.idx.msk [tilespmem:v32+s16+$0x0], $0xffff  }
0x4d2: {  	v28 =	vadd.f32 v35, v28;
	v29 =	vadd.f32 v33, v29;
	v33 =	vor.u32 s22, v26  }
0x4d3: {  	v35 =	vmul.f32 v36, v36;
	v31 =	vld.idx.msk [tilespmem:v31+s16+$0x0], $0xffff  }
0x4d4: {  	v28 =	vadd.f32 v37, v28;
	v29 =	vadd.f32 v36, v29;
	v36 =	vor.u32 s22, v27;
	s22 =	smov.u32 s26  }
0x4d5: {  	v37 =	vmul.f32 v34, v34;
	v30 =	vld.idx.msk [tilespmem:v30+s16+$0x0], $0xffff  }
0x4d6: {  	v28 =	vadd.f32 v35, v28;
	v29 =	vadd.f32 v34, v29  }
0x4d7: {  	v34 =	vmul.f32 v32, v32;
	v33 =	vld.idx.msk [tilespmem:v33+s16+$0x0], $0xffff  }
0x4d8: {  	v28 =	vadd.f32 v37, v28;
	v32 =	vadd.f32 v32, v29  }
0x4d9: {  	v35 =	vmul.f32 v31, v31;
	v29 =	vld.idx.msk [tilespmem:v36+s16+$0x0], $0xffff  }
.Ltmp2:
0x4da: {  	v34 =	vadd.f32 v34, v28;
	v31 =	vadd.f32 v31, v32;
	(pc) =	sbr.rel @p0 .LBB2_7-.Ltmp2, $4  }
0x4db: {  	v32 =	vmul.f32 v30, v30  }
0x4dc: {  	v28 =	vor.u32 s22, v3;
	v34 =	vadd.f32 v35, v34;
	v35 =	vadd.f32 v30, v31  }
0x4dd: {  	v30 =	vmul.f32 v33, v33  }
0x4de: {  	s25 =	smov.u32 s28;
	v31 =	vadd.f32 v32, v34;
	v32 =	vadd.f32 v33, v35  }
0x4df: {  	_ = 	snop  }
0x4e0: {  	v33 =	vmul.f32 v29, v29;
	v34 =	vor.u32 s22, v0;
	v30 =	vadd.f32 v30, v31  }
0x4e1: {  	v29 =	vadd.f32 v29, v32  }
0x4e2: {  	v30 =	vadd.f32 v33, v30  }
0x4e3: {  	v46 =	vor.u32 s22, v4;
	[tilespmem:s17+$0x0] =	vst v29  }
0x4e4: {  	[tilespmem:s18+$0x0] =	vst v30  }
0x4e5: {  	v29 =	vor.u32 s22, v5;
	v30 =	vld.idx.msk [tilespmem:v34+s16+$0x0], $0xffff  }
0x4e6: {  	v28 =	vld.idx.msk [tilespmem:v28+s16+$0x0], $0xffff  }
0x4e7: {  	v47 =	vor.u32 s22, v6  }
0x4e8: {  	v31 =	vld.idx.msk [tilespmem:v46+s16+$0x0], $0xffff  }
0x4e9: {  	v48 =	vor.u32 s22, v7  }
0x4ea: {  	v29 =	vld.idx.msk [tilespmem:v29+s16+$0x0], $0xffff  }
0x4eb: {  	v49 =	vor.u32 s22, v8;
	v35 =	vmul.f32 v30, v30;
	v36 =	vmul.f32 v28, v28  }
0x4ec: {  	v32 =	vld.idx.msk [tilespmem:v47+s16+$0x0], $0xffff;
	v28 =	vadd.f32 v28, v30  }
0x4ed: {  	v50 =	vor.u32 s22, v9;
	v37 =	vmul.f32 v31, v31;
	v35 =	vadd.f32 v36, v35  }
0x4ee: {  	v33 =	vld.idx.msk [tilespmem:v48+s16+$0x0], $0xffff;
	v28 =	vadd.f32 v31, v28  }
0x4ef: {  	v51 =	vor.u32 s22, v10;
	v52 =	vmul.f32 v29, v29;
	v35 =	vadd.f32 v37, v35  }
0x4f0: {  	v34 =	vld.idx.msk [tilespmem:v49+s16+$0x0], $0xffff;
	v28 =	vadd.f32 v29, v28  }
0x4f1: {  	v53 =	vmul.f32 v32, v32;
	v29 =	vor.u32 s22, v11;
	v35 =	vadd.f32 v52, v35  }
0x4f2: {  	v30 =	vld.idx.msk [tilespmem:v50+s16+$0x0], $0xffff;
	v28 =	vadd.f32 v32, v28  }
0x4f3: {  	v54 =	vor.u32 s22, v12;
	v55 =	vmul.f32 v33, v33;
	v35 =	vadd.f32 v53, v35  }
0x4f4: {  	v31 =	vld.idx.msk [tilespmem:v51+s16+$0x0], $0xffff;
	v28 =	vadd.f32 v33, v28  }
0x4f5: {  	v56 =	vor.u32 s22, v13;
	v57 =	vmul.f32 v34, v34;
	v35 =	vadd.f32 v55, v35  }
0x4f6: {  	v29 =	vld.idx.msk [tilespmem:v29+s16+$0x0], $0xffff;
	v28 =	vadd.f32 v34, v28  }
0x4f7: {  	v58 =	vor.u32 s22, v14;
	v59 =	vmul.f32 v30, v30;
	v35 =	vadd.f32 v57, v35  }
0x4f8: {  	v32 =	vld.idx.msk [tilespmem:v54+s16+$0x0], $0xffff;
	v28 =	vadd.f32 v30, v28  }
0x4f9: {  	v60 =	vor.u32 s22, v15;
	v61 =	vmul.f32 v31, v31;
	v35 =	vadd.f32 v59, v35  }
0x4fa: {  	v33 =	vld.idx.msk [tilespmem:v56+s16+$0x0], $0xffff;
	v28 =	vadd.f32 v31, v28  }
0x4fb: {  	v62 =	vor.u32 s22, v16;
	v63 =	vmul.f32 v29, v29;
	v35 =	vadd.f32 v61, v35  }
0x4fc: {  	v34 =	vld.idx.msk [tilespmem:v58+s16+$0x0], $0xffff;
	v28 =	vadd.f32 v29, v28  }
0x4fd: {  	v40 =	vmul.f32 v32, v32;
	v29 =	vor.u32 s22, v17;
	v35 =	vadd.f32 v63, v35  }
0x4fe: {  	v30 =	vld.idx.msk [tilespmem:v60+s16+$0x0], $0xffff;
	v28 =	vadd.f32 v32, v28  }
0x4ff: {  	v41 =	vor.u32 s22, v18;
	v42 =	vmul.f32 v33, v33;
	v35 =	vadd.f32 v40, v35  }
0x500: {  	v31 =	vld.idx.msk [tilespmem:v62+s16+$0x0], $0xffff;
	v28 =	vadd.f32 v33, v28  }
0x501: {  	v43 =	vor.u32 s22, v19;
	v44 =	vmul.f32 v34, v34;
	v35 =	vadd.f32 v42, v35  }
0x502: {  	v29 =	vld.idx.msk [tilespmem:v29+s16+$0x0], $0xffff;
	v28 =	vadd.f32 v34, v28  }
0x503: {  	v45 =	vor.u32 s22, v20;
	v46 =	vmul.f32 v30, v30;
	v35 =	vadd.f32 v44, v35  }
0x504: {  	v32 =	vld.idx.msk [tilespmem:v41+s16+$0x0], $0xffff;
	v28 =	vadd.f32 v30, v28  }
0x505: {  	v47 =	vor.u32 s22, v21;
	v48 =	vmul.f32 v31, v31;
	v35 =	vadd.f32 v46, v35  }
0x506: {  	v33 =	vld.idx.msk [tilespmem:v43+s16+$0x0], $0xffff;
	v28 =	vadd.f32 v31, v28  }
0x507: {  	v49 =	vor.u32 s22, v22;
	v50 =	vmul.f32 v29, v29;
	v35 =	vadd.f32 v48, v35  }
0x508: {  	v34 =	vld.idx.msk [tilespmem:v45+s16+$0x0], $0xffff;
	v28 =	vadd.f32 v29, v28  }
0x509: {  	v51 =	vmul.f32 v32, v32;
	v29 =	vor.u32 s22, v23;
	v35 =	vadd.f32 v50, v35  }
0x50a: {  	v30 =	vld.idx.msk [tilespmem:v47+s16+$0x0], $0xffff;
	v28 =	vadd.f32 v32, v28  }
0x50b: {  	v52 =	vor.u32 s22, v24;
	v53 =	vmul.f32 v33, v33;
	v35 =	vadd.f32 v51, v35  }
0x50c: {  	v31 =	vld.idx.msk [tilespmem:v49+s16+$0x0], $0xffff;
	v28 =	vadd.f32 v33, v28  }
0x50d: {  	v54 =	vor.u32 s22, v25;
	v55 =	vmul.f32 v34, v34;
	v35 =	vadd.f32 v53, v35  }
0x50e: {  	v29 =	vld.idx.msk [tilespmem:v29+s16+$0x0], $0xffff;
	v28 =	vadd.f32 v34, v28  }
0x50f: {  	v56 =	vor.u32 s22, v26;
	v57 =	vmul.f32 v30, v30;
	v35 =	vadd.f32 v55, v35  }
0x510: {  	v32 =	vld.idx.msk [tilespmem:v52+s16+$0x0], $0xffff;
	v28 =	vadd.f32 v30, v28  }
0x511: {  	v58 =	vor.u32 s22, v27;
	v59 =	vmul.f32 v31, v31;
	v35 =	vadd.f32 v57, v35  }
0x512: {  	v33 =	vld.idx.msk [tilespmem:v54+s16+$0x0], $0xffff;
	v28 =	vadd.f32 v31, v28  }
0x513: {  	v60 =	vmul.f32 v29, v29;
	v35 =	vadd.f32 v59, v35  }
0x514: {  	v34 =	vld.idx.msk [tilespmem:v56+s16+$0x0], $0xffff;
	v28 =	vadd.f32 v29, v28  }
0x515: {  	v29 =	vmul.f32 v32, v32;
	v31 =	vadd.f32 v60, v35  }
0x516: {  	v30 =	vld.idx.msk [tilespmem:v58+s16+$0x0], $0xffff;
	v28 =	vadd.f32 v32, v28  }
0x517: {  	v61 =	vmul.f32 v33, v33;
	v29 =	vadd.f32 v29, v31  }
0x518: {  	v28 =	vadd.f32 v33, v28  }
0x519: {  	s19 =	sadd.s32 $0x1, s19;
	v62 =	vmul.f32 v34, v34;
	v29 =	vadd.f32 v61, v29  }
0x51a: {  	p0 =	sne.s32 s19, $0x4;
	v28 =	vadd.f32 v34, v28  }
.Ltmp3:
0x51b: {  	v63 =	vmul.f32 v30, v30;
	v29 =	vadd.f32 v62, v29;
	(pc) =	sbr.rel @p0 .LBB2_2-.Ltmp3, $4  }
0x51c: {  	v28 =	vadd.f32 v30, v28  }
0x51d: {  	s26 =	sadd.s32 $0x10, s21;
	v29 =	vadd.f32 v63, v29  }
0x51e: {  	s28 =	sadd.s32 $0x10, s20;
	[tilespmem:s26+$0x0] =	vst v28  }
0x51f: {  	s24 =	sadd.s32 $0x800, s24;
	s23 =	sadd.s32 $0x800, s23;
	[tilespmem:s28+$0x0] =	vst v29  }
0x520: {  	s17 =	simm.s32 $0x0;
	s18 =	rddreg [dreg:$0x3];
	s19 =	simm.s32 $0x11E00  }
0x521: {  	[hbm4b:s18+s17] =	stream.linear.scatter [tilespmem:s19], [sflag:$0x2], $0x2000, $0x38;
	[tilespmem:$0x15E00] =	vst v63  }
0x522: {  	_ =	swait.ge [sflag:s11], $0x2000  }
0x523: {  	[sflag:s11] =	ssyncset.done $0x0  }
0x524: {  	s25 =	simm.s32 $0x13E00;
	s24 =	rddreg [dreg:$0x4];
	[sflag:s11] =	ssyncadd.s32 $0xFFFFE000  }
0x525: {  	[hbm4b:s24+s17] =	stream.linear.scatter [tilespmem:s25], [sflag:$0x2], $0x2000, $0x38;
	[tilespmem:$0x15E00] =	vst v63  }
0x526: {  	_ =	swait.ge [sflag:s11], $0x2000  }
0x527: {  	s26 =	rddreg [dreg:$0x6]  }
0x528: {  	s28 =	rddreg [dreg:$0x5];
	s19 =	sadd.s32 $0x1, s26  }
0x529: {  	p0 =	sne.s32 s19, s28  }
.Ltmp4:
0x52a: {  	_ = 	snop;
	(pc) =	sbr.rel @p0 .LBB2_1-.Ltmp4, $3  }
0x52b: {  	_ =	sdelay $0x1  }
0x52c: {  	[sflag:s11] =	ssyncset.done $0x0  }
0x52d: {  	[sflag:s11] =	ssyncadd.s32 $0xFFFFE000  }
0x52e: {  	_ =	sfence.sel $0x180000  }
0x52f: {  	[bflag:$0x0] =	sbarrier.arrive $0xFFFF  }
0x530: {  	_ =	strace $0x90000047  }
0x531: {  	s0 =	stileid.u32;
	[bflag:$0x2] =	sbarrier.arrive $0xFFFF  }
0x532: {  	p0 =	sne.s32 s0, $0x0;
	s0 =	rddreg [dreg:$0x1]  }
0x533: {  	s0 =	sadd.s32 @!p0 $0x100000, s0  }
0x534: {  	[sflag:s0] =	ssyncadd.tile.s32 @!p0 $0x1;
	_ =	shalt  }
.Lfunc_end2:
_tile_overlayer_lowered:
.L_overlay_start_2:
0x535: {  	(tag) =	ssettag $0x2  }
0x536: {  	s0 =	rddreg [dreg:$0x0];
	s2 =	stileid.u32  }
0x537: {  	s1 =	rddreg [dreg:$0x1];
	p0 =	sne.s32 s2, $0x0  }
0x538: {  	s3 =	rddreg [dreg:$0x2];
	[bflag:$0x3] =	sbarrier.arrive $0xFFFF;
	s2 =	simm.s32 @!p0 $0x1C02  }
0x539: {  	[timem:s3], [sflag:s2] =	dma.local @!p0 [hbm:s0], s1  }
0x53a: {  	s0 =	simm.s32 @!p0 $0x2  }
0x53b: {  	_ =	swait.ge @!p0 [sflag:s0], s1  }
0x53c: {  	s1 =	ssub.s32 @!p0 $0x0, s1;
	[sflag:s0] =	ssyncset.done @!p0 $0x0  }
0x53d: {  	[sflag:s0] =	ssyncadd.s32 @!p0 s1  }
0x53e: {  	[bflag:$0x3] =	sbarrier.arrive $0xFFFF  }
0x53f: {  	_ =	shalt  }

</sc_bundles>
